<compile_context>
chip_gen: v7x
topology: tpu7x:2x2x1
jax: 0.10.2.dev20260603
libtpu: 0.0.44.dev20260713+nightly
codegen_flags: <defaults>
</compile_context>

<pallas_src>
import functools

import jax
import jax.numpy as jnp
from jax import lax
from jax.experimental import pallas as pl
from jax.experimental.pallas import tpu as pltpu
from jax.experimental.pallas import tpu_sc as plsc

_BN = 1024
_NC = 2
_NS = 16
_L = 16


def _tc_body(x1_ref, x2_ref, x3_ref, x4_ref, wp_ref, wh_ref,
             accp_ref, acch_ref, *, nc):
    dh = x1_ref.shape[1]
    xs = (x1_ref, x2_ref, x3_ref, x4_ref)
    accp = None
    acch = None
    for k, x_ref in enumerate(xs):
        x = x_ref[...]
        pp = jnp.dot(x, wp_ref[pl.ds(k * dh, dh), :],
                     preferred_element_type=jnp.float32)
        hh = jnp.dot(x, wh_ref[pl.ds(k * dh, dh), :],
                     preferred_element_type=jnp.float32)
        accp = pp if accp is None else accp + pp
        acch = hh if acch is None else acch + hh
    accp_ref[...] = accp
    acch_ref[0:nc] = acch.T


def _log_pos(x):
    bits = lax.bitcast_convert_type(x, jnp.int32)
    ex = (bits >> 23) - 127
    m = lax.bitcast_convert_type(
        (bits & 0x7FFFFF) | 0x3F800000, jnp.float32)
    z = (m - 1.0) / (m + 1.0)
    z2 = z * z
    ln_m = 2.0 * z * (1.0 + z2 * (1.0 / 3.0 + z2 * (0.2 + z2 * (1.0 / 7.0))))
    return ex.astype(jnp.float32) * 0.6931471805599453 + ln_m


def _sc_body(accp_hbm, acch_hbm, eo_hbm, ft_hbm,
             act_o, val_o, lp_o, no_o, mv_o, mlp_o, tp_o,
             accp_v, acch_v, eo_v, ft_v,
             act_v, val_v, lp_v, no_v, mv_v, mlp_v, tp_v, sem,
             *, e, a, nt):
    wid = lax.axis_index("s") * _NC + lax.axis_index("c")
    base = wid * nt
    sl_tok = pl.ds(base, nt)
    cps = [
        pltpu.make_async_copy(accp_hbm.at[sl_tok, :], accp_v, sem),
        pltpu.make_async_copy(acch_hbm.at[:, sl_tok], acch_v, sem),
        pltpu.make_async_copy(eo_hbm.at[sl_tok], eo_v, sem),
        pltpu.make_async_copy(ft_hbm.at[sl_tok], ft_v, sem),
    ]
    for cp in cps:
        cp.start()
    for cp in cps:
        cp.wait()

    iota = lax.iota(jnp.int32, _L)
    for g in range(nt // _L):
        sl = pl.ds(g * _L, _L)
        cols = iota + (g * _L)

        m0 = acch_v[0, sl]
        mmax = m0
        marg = jnp.zeros((_L,), jnp.int32)
        ms = [m0]
        for f in range(1, e):
            mf = acch_v[f, sl]
            ms.append(mf)
            gt = mf > mmax
            marg = jnp.where(gt, f, marg)
            mmax = jnp.where(gt, mf, mmax)
        msum = jnp.zeros((_L,), jnp.float32)
        for mf in ms:
            msum = msum + jnp.exp(mf - mmax)
        mlp = -_log_pos(msum)
        mval = acch_v[e, sl]

        eo_g = eo_v[sl]
        ft_g = ft_v[sl]
        tlog = plsc.load_gather(acch_v, [eo_g + (e + 1), cols])
        tprob = 1.0 / (1.0 + jnp.exp(-tlog))
        req = (tprob > 0.5) | (ft_g > 0)
        newopt = jnp.where(req, marg, eo_g)
        tout = jnp.where(ft_g > 0, jnp.float32(0.0), tprob)
        val = plsc.load_gather(acch_v, [newopt + (2 * e + 1), cols])

        cbase = newopt * a
        s0 = plsc.load_gather(accp_v, [cols, cbase])
        smax = s0
        sarg = jnp.zeros((_L,), jnp.int32)
        ss = [s0]
        for j in range(1, a):
            sj = plsc.load_gather(accp_v, [cols, cbase + j])
            ss.append(sj)
            gt = sj > smax
            sarg = jnp.where(gt, j, sarg)
            smax = jnp.where(gt, sj, smax)
        ssum = jnp.zeros((_L,), jnp.float32)
        for sj in ss:
            ssum = ssum + jnp.exp(sj - smax)
        lp = -_log_pos(ssum)

        act_v[sl] = sarg
        val_v[sl] = val
        lp_v[sl] = lp
        no_v[sl] = newopt
        mv_v[sl] = mval
        mlp_v[sl] = mlp
        tp_v[sl] = tout

    ocps = [
        pltpu.make_async_copy(act_v, act_o.at[sl_tok], sem),
        pltpu.make_async_copy(val_v, val_o.at[sl_tok], sem),
        pltpu.make_async_copy(lp_v, lp_o.at[sl_tok], sem),
        pltpu.make_async_copy(no_v, no_o.at[sl_tok], sem),
        pltpu.make_async_copy(mv_v, mv_o.at[sl_tok], sem),
        pltpu.make_async_copy(mlp_v, mlp_o.at[sl_tok], sem),
        pltpu.make_async_copy(tp_v, tp_o.at[sl_tok], sem),
    ]
    for cp in ocps:
        cp.start()
    for cp in ocps:
        cp.wait()


def kernel(observation, first_transition, executing_option, Wm, Wmv, Wt, Wp, Wv):
    n, d = observation.shape
    e = Wm.shape[1]
    a = Wp.shape[2]
    ea = e * a
    nc = 3 * e + 1
    nh = 32
    nblk = n // _BN
    nt = n // (_NC * _NS)

    wp_flat = jnp.transpose(Wp, (1, 0, 2)).reshape(d, ea)
    whead = jnp.concatenate([Wm, Wmv, Wt, Wv[..., 0].T], axis=1)
    eo1 = executing_option.astype(jnp.int32)
    ft1 = first_transition.astype(jnp.int32)

    accp, acch = pl.pallas_call(
        functools.partial(_tc_body, nc=nc),
        grid=(nblk,),
        in_specs=[
            pl.BlockSpec((_BN, d // 4), lambda i: (i, 0)),
            pl.BlockSpec((_BN, d // 4), lambda i: (i, 1)),
            pl.BlockSpec((_BN, d // 4), lambda i: (i, 2)),
            pl.BlockSpec((_BN, d // 4), lambda i: (i, 3)),
            pl.BlockSpec((d, ea), lambda i: (0, 0)),
            pl.BlockSpec((d, nc), lambda i: (0, 0)),
        ],
        out_specs=[
            pl.BlockSpec((_BN, ea), lambda i: (i, 0)),
            pl.BlockSpec((nh, _BN), lambda i: (0, i)),
        ],
        out_shape=[
            jax.ShapeDtypeStruct((n, ea), jnp.float32),
            jax.ShapeDtypeStruct((nh, n), jnp.float32),
        ],
        compiler_params=pltpu.CompilerParams(
            dimension_semantics=("arbitrary",)),
    )(observation, observation, observation, observation, wp_flat, whead)

    f32, i32 = jnp.float32, jnp.int32
    sc = pl.kernel(
        functools.partial(_sc_body, e=e, a=a, nt=nt),
        mesh=plsc.VectorSubcoreMesh(core_axis_name="c", subcore_axis_name="s"),
        compiler_params=pltpu.CompilerParams(needs_layout_passes=False),
        out_type=[
            jax.ShapeDtypeStruct((n,), i32),
            jax.ShapeDtypeStruct((n,), f32),
            jax.ShapeDtypeStruct((n,), f32),
            jax.ShapeDtypeStruct((n,), i32),
            jax.ShapeDtypeStruct((n,), f32),
            jax.ShapeDtypeStruct((n,), f32),
            jax.ShapeDtypeStruct((n,), f32),
        ],
        scratch_types=[
            pltpu.VMEM((nt, ea), f32),
            pltpu.VMEM((nh, nt), f32),
            pltpu.VMEM((nt,), i32),
            pltpu.VMEM((nt,), i32),
            pltpu.VMEM((nt,), i32),
            pltpu.VMEM((nt,), f32),
            pltpu.VMEM((nt,), f32),
            pltpu.VMEM((nt,), i32),
            pltpu.VMEM((nt,), f32),
            pltpu.VMEM((nt,), f32),
            pltpu.VMEM((nt,), f32),
            pltpu.SemaphoreType.DMA,
        ],
    )
    return tuple(sc(accp, acch, eo1, ft1))

# --- scband reference (transcript-rebuilt; emitter-appended) ---
"""Pipeline reference for scband-option-net-12000138625451 (READ-ONLY COPY).

The authoritative reference and input builder live on the scoring server;
editing this copy changes nothing except your own understanding.
"""

import jax, jax.numpy as jnp
import numpy as np

N = 4096   # num_agents (tokens)
D = 1024   # d_model (observation dim)
E = 8      # num_options (experts)
A = 16     # action_dim (discrete actions per option policy)


def setup_inputs(seed: int = 0) -> dict:
    key = jax.random.key(seed)
    ks = jax.random.split(key, 8)
    observation = jax.random.normal(ks[0], (N, D), dtype=jnp.float32)
    first_transition = jax.random.randint(ks[1], (N,), 0, 2) == 1
    executing_option = jax.random.randint(ks[2], (N,), 0, E).astype(jnp.int64)
    # learned parameters
    Wm = jax.random.normal(ks[3], (D, E), dtype=jnp.float32) * 0.02   # meta-policy logits head
    Wmv = jax.random.normal(ks[4], (D, 1), dtype=jnp.float32) * 0.02  # meta-policy value head
    Wt = jax.random.normal(ks[5], (D, E), dtype=jnp.float32) * 0.02   # termination head (per option)
    Wp = jax.random.normal(ks[6], (E, D, A), dtype=jnp.float32) * 0.02  # per-option policy logits
    Wv = jax.random.normal(ks[7], (E, D, 1), dtype=jnp.float32) * 0.02  # per-option value heads
    return {"observation": observation, "first_transition": first_transition,
            "executing_option": executing_option, "Wm": Wm, "Wmv": Wmv,
            "Wt": Wt, "Wp": Wp, "Wv": Wv}


def reference(observation, first_transition, executing_option, Wm, Wmv, Wt, Wp, Wv):
    n = observation.shape[0]
    idx = jnp.arange(n)
    # meta_policy(observation) -> meta_actions, meta_values, meta_log_probs
    meta_logits = observation @ Wm
    meta_actions = jnp.argmax(meta_logits, axis=-1)
    meta_values = (observation @ Wmv)[:, 0]  # .squeeze(1)
    meta_logp_all = jax.nn.log_softmax(meta_logits, axis=-1)
    meta_log_probs = meta_logp_all[idx, meta_actions]
    # terminations(observation, executing_option) -> option_terminates, termination_probs
    term_probs_all = jax.nn.sigmoid(observation @ Wt)
    termination_probs = term_probs_all[idx, executing_option]
    option_terminates = termination_probs > 0.5
    # update_executing_option: requires_new = option_terminates | first_transition
    requires_new = jnp.logical_or(option_terminates, first_transition)
    new_option = jnp.where(requires_new, meta_actions, executing_option)
    # termination_probs[first_transition] = 0.0
    termination_probs = jnp.where(first_transition, jnp.float32(0.0), termination_probs)
    # per-option policies: compute all experts densely, then select per token
    # (mathematically identical to the masked dispatch loop in the torch code)
    act_logits_all = jnp.einsum('nd,eda->nea', observation, Wp)     # [N, E, A]
    values_all = jnp.einsum('nd,ed->ne', observation, Wv[..., 0])   # [N, E]
    sel_logits = jnp.take_along_axis(act_logits_all, new_option[:, None, None].astype(jnp.int32), axis=1)[:, 0, :]
    actions = jnp.argmax(sel_logits, axis=-1)
    logp_all = jax.nn.log_softmax(sel_logits, axis=-1)
    log_probs = logp_all[idx, actions]
    values = jnp.take_along_axis(values_all, new_option[:, None].astype(jnp.int32), axis=1)[:, 0]
    return (actions, values, log_probs, new_option, meta_values, meta_log_probs, termination_probs)

if __name__ == "__main__":
    import jax
    _d = setup_inputs()
    print(jax.jit(kernel)(*tuple(_d.values())))

</pallas_src>

<mosaic_0001>
#map = affine_map<(d0, d1) -> (0, 0)>
#map1 = affine_map<(d0, d1) -> (0)>
module attributes {stable_mosaic.version = 14 : i64} {
  func.func @_sc_body(%arg0: i32, %arg1: i32, %arg2: memref<4096x128xf32, #tpu.memory_space<hbm>>, %arg3: memref<32x4096xf32, #tpu.memory_space<hbm>>, %arg4: memref<4096xi32, #tpu.memory_space<hbm>>, %arg5: memref<4096xi32, #tpu.memory_space<hbm>>, %arg6: memref<4096xi32, #tpu.memory_space<hbm>>, %arg7: memref<4096xf32, #tpu.memory_space<hbm>>, %arg8: memref<4096xf32, #tpu.memory_space<hbm>>, %arg9: memref<4096xi32, #tpu.memory_space<hbm>>, %arg10: memref<4096xf32, #tpu.memory_space<hbm>>, %arg11: memref<4096xf32, #tpu.memory_space<hbm>>, %arg12: memref<4096xf32, #tpu.memory_space<hbm>>, %arg13: memref<128x128xf32, #tpu.memory_space<vmem>>, %arg14: memref<32x128xf32, #tpu.memory_space<vmem>>, %arg15: memref<128xi32, #tpu.memory_space<vmem>>, %arg16: memref<128xi32, #tpu.memory_space<vmem>>, %arg17: memref<128xi32, #tpu.memory_space<vmem>>, %arg18: memref<128xf32, #tpu.memory_space<vmem>>, %arg19: memref<128xf32, #tpu.memory_space<vmem>>, %arg20: memref<128xi32, #tpu.memory_space<vmem>>, %arg21: memref<128xf32, #tpu.memory_space<vmem>>, %arg22: memref<128xf32, #tpu.memory_space<vmem>>, %arg23: memref<128xf32, #tpu.memory_space<vmem>>, %arg24: memref<!tpu.dma_semaphore, #tpu.memory_space<semaphore_mem>>) attributes {dimension_semantics = [#tpu.dimension_semantics<core_parallel>, #tpu.dimension_semantics<subcore_parallel>], iteration_bounds = array<i64: 2, 16>, scalar_prefetch = 0 : i64, scratch_operands = 12 : i64, tpu.core_type = #tpu.core_type<sc_vector_subcore>, window_params = [{transform_indices = #map}, {transform_indices = #map}, {transform_indices = #map1}, {transform_indices = #map1}, {transform_indices = #map1}, {transform_indices = #map1}, {transform_indices = #map1}, {transform_indices = #map1}, {transform_indices = #map1}, {transform_indices = #map1}, {transform_indices = #map1}]} {
    %mul3A = arith.constant 2 : i32
    %mul3A_0 = arith.muli %arg1, %mul3A : i32
    %add3A = arith.addi %mul3A_0, %arg0 : i32
    %mul3A_1 = arith.constant 128 : i32
    %mul3A_2 = arith.muli %add3A, %mul3A_1 : i32
    %dma_start3A = arith.constant 0 : i32
    %dma_start3A_3 = tpu.memref_slice %arg2[%mul3A_2, %dma_start3A] : memref<4096x128xf32, #tpu.memory_space<hbm>> -> memref<128x128xf32, #tpu.memory_space<hbm>>
    %dma_start3A_4 = arith.constant 0 : i32
    %dma_start3A_5 = tpu.memref_slice %arg2[%mul3A_2, %dma_start3A_4] : memref<4096x128xf32, #tpu.memory_space<hbm>> -> memref<128x128xf32, #tpu.memory_space<hbm>>
    tpu.enqueue_dma source(%dma_start3A_5 : memref<128x128xf32, #tpu.memory_space<hbm>>) target(%arg13 : memref<128x128xf32, #tpu.memory_space<vmem>>) target_semaphore(%arg24 : memref<!tpu.dma_semaphore, #tpu.memory_space<semaphore_mem>>)
    %dma_start3A_6 = arith.constant 0 : i32
    %dma_start3A_7 = tpu.memref_slice %arg3[%dma_start3A_6, %mul3A_2] : memref<32x4096xf32, #tpu.memory_space<hbm>> -> memref<32x128xf32, #tpu.memory_space<hbm>>
    %dma_start3A_8 = arith.constant 0 : i32
    %dma_start3A_9 = tpu.memref_slice %arg3[%dma_start3A_8, %mul3A_2] : memref<32x4096xf32, #tpu.memory_space<hbm>> -> memref<32x128xf32, #tpu.memory_space<hbm>>
    tpu.enqueue_dma source(%dma_start3A_9 : memref<32x128xf32, #tpu.memory_space<hbm>>) target(%arg14 : memref<32x128xf32, #tpu.memory_space<vmem>>) target_semaphore(%arg24 : memref<!tpu.dma_semaphore, #tpu.memory_space<semaphore_mem>>)
    %dma_start3A_10 = tpu.memref_slice %arg4[%mul3A_2] : memref<4096xi32, #tpu.memory_space<hbm>> -> memref<128xi32, #tpu.memory_space<hbm>>
    %dma_start3A_11 = tpu.memref_slice %arg4[%mul3A_2] : memref<4096xi32, #tpu.memory_space<hbm>> -> memref<128xi32, #tpu.memory_space<hbm>>
    tpu.enqueue_dma source(%dma_start3A_11 : memref<128xi32, #tpu.memory_space<hbm>>) target(%arg15 : memref<128xi32, #tpu.memory_space<vmem>>) target_semaphore(%arg24 : memref<!tpu.dma_semaphore, #tpu.memory_space<semaphore_mem>>)
    %dma_start3A_12 = tpu.memref_slice %arg5[%mul3A_2] : memref<4096xi32, #tpu.memory_space<hbm>> -> memref<128xi32, #tpu.memory_space<hbm>>
    %dma_start3A_13 = tpu.memref_slice %arg5[%mul3A_2] : memref<4096xi32, #tpu.memory_space<hbm>> -> memref<128xi32, #tpu.memory_space<hbm>>
    tpu.enqueue_dma source(%dma_start3A_13 : memref<128xi32, #tpu.memory_space<hbm>>) target(%arg16 : memref<128xi32, #tpu.memory_space<vmem>>) target_semaphore(%arg24 : memref<!tpu.dma_semaphore, #tpu.memory_space<semaphore_mem>>)
    %dma_wait3A = arith.constant 0 : i32
    %dma_wait3A_14 = tpu.memref_slice %arg2[%mul3A_2, %dma_wait3A] : memref<4096x128xf32, #tpu.memory_space<hbm>> -> memref<128x128xf32, #tpu.memory_space<hbm>>
    %dma_wait3A_15 = arith.constant 0 : i32
    %dma_wait3A_16 = tpu.memref_slice %arg2[%mul3A_2, %dma_wait3A_15] : memref<4096x128xf32, #tpu.memory_space<hbm>> -> memref<128x128xf32, #tpu.memory_space<hbm>>
    tpu.wait_dma2 semaphore(%arg24 : memref<!tpu.dma_semaphore, #tpu.memory_space<semaphore_mem>>) src(%dma_wait3A_16 : memref<128x128xf32, #tpu.memory_space<hbm>>) dst(%arg13 : memref<128x128xf32, #tpu.memory_space<vmem>>)
    %dma_wait3A_17 = arith.constant 0 : i32
    %dma_wait3A_18 = tpu.memref_slice %arg3[%dma_wait3A_17, %mul3A_2] : memref<32x4096xf32, #tpu.memory_space<hbm>> -> memref<32x128xf32, #tpu.memory_space<hbm>>
    %dma_wait3A_19 = arith.constant 0 : i32
    %dma_wait3A_20 = tpu.memref_slice %arg3[%dma_wait3A_19, %mul3A_2] : memref<32x4096xf32, #tpu.memory_space<hbm>> -> memref<32x128xf32, #tpu.memory_space<hbm>>
    tpu.wait_dma2 semaphore(%arg24 : memref<!tpu.dma_semaphore, #tpu.memory_space<semaphore_mem>>) src(%dma_wait3A_20 : memref<32x128xf32, #tpu.memory_space<hbm>>) dst(%arg14 : memref<32x128xf32, #tpu.memory_space<vmem>>)
    %dma_wait3A_21 = tpu.memref_slice %arg4[%mul3A_2] : memref<4096xi32, #tpu.memory_space<hbm>> -> memref<128xi32, #tpu.memory_space<hbm>>
    %dma_wait3A_22 = tpu.memref_slice %arg4[%mul3A_2] : memref<4096xi32, #tpu.memory_space<hbm>> -> memref<128xi32, #tpu.memory_space<hbm>>
    tpu.wait_dma2 semaphore(%arg24 : memref<!tpu.dma_semaphore, #tpu.memory_space<semaphore_mem>>) src(%dma_wait3A_22 : memref<128xi32, #tpu.memory_space<hbm>>) dst(%arg15 : memref<128xi32, #tpu.memory_space<vmem>>)
    %dma_wait3A_23 = tpu.memref_slice %arg5[%mul3A_2] : memref<4096xi32, #tpu.memory_space<hbm>> -> memref<128xi32, #tpu.memory_space<hbm>>
    %dma_wait3A_24 = tpu.memref_slice %arg5[%mul3A_2] : memref<4096xi32, #tpu.memory_space<hbm>> -> memref<128xi32, #tpu.memory_space<hbm>>
    tpu.wait_dma2 semaphore(%arg24 : memref<!tpu.dma_semaphore, #tpu.memory_space<semaphore_mem>>) src(%dma_wait3A_24 : memref<128xi32, #tpu.memory_space<hbm>>) dst(%arg16 : memref<128xi32, #tpu.memory_space<vmem>>)
    %iota3A = tpu.iota {dimensions = array<i32: 0>} : vector<16xi32>
    %add3A_25 = arith.constant 0 : i32
    %add3A_26 = vector.broadcast %add3A_25 : i32 to vector<16xi32>
    %add3A_27 = arith.addi %iota3A, %add3A_26 : vector<16xi32>
    %get3A = arith.constant 0 : i32
    %get3A_28 = arith.index_cast %get3A : i32 to index
    %get3A_29 = arith.constant 0 : index
    %get3A_30 = tpu.vector_load %arg14[%get3A_28, %get3A_29] {strides = array<i32>} : memref<32x128xf32, #tpu.memory_space<vmem>>, vector<16xf32>,
    %broadcast_in_dim3A = arith.constant 0 : i32
    %broadcast_in_dim3A_31 = vector.broadcast %broadcast_in_dim3A : i32 to vector<16xi32>
    %get3A_32 = arith.constant 1 : i32
    %get3A_33 = arith.index_cast %get3A_32 : i32 to index
    %get3A_34 = arith.constant 0 : index
    %get3A_35 = tpu.vector_load %arg14[%get3A_33, %get3A_34] {strides = array<i32>} : memref<32x128xf32, #tpu.memory_space<vmem>>, vector<16xf32>,
    %gt3A = arith.cmpf ogt, %get3A_35, %get3A_30 : vector<16xf32>
    %jit3A = arith.constant 1 : i32
    %broadcast_in_dim3A_36 = vector.broadcast %jit3A : i32 to vector<16xi32>
    %select_n3A = arith.select %gt3A, %broadcast_in_dim3A_36, %broadcast_in_dim3A_31 : vector<16xi1>, vector<16xi32>
    %select_n3A_37 = arith.select %gt3A, %get3A_35, %get3A_30 : vector<16xi1>, vector<16xf32>
    %get3A_38 = arith.constant 2 : i32
    %get3A_39 = arith.index_cast %get3A_38 : i32 to index
    %get3A_40 = arith.constant 0 : index
    %get3A_41 = tpu.vector_load %arg14[%get3A_39, %get3A_40] {strides = array<i32>} : memref<32x128xf32, #tpu.memory_space<vmem>>, vector<16xf32>,
    %gt3A_42 = arith.cmpf ogt, %get3A_41, %select_n3A_37 : vector<16xf32>
    %jit3A_43 = arith.constant 2 : i32
    %broadcast_in_dim3A_44 = vector.broadcast %jit3A_43 : i32 to vector<16xi32>
    %select_n3A_45 = arith.select %gt3A_42, %broadcast_in_dim3A_44, %select_n3A : vector<16xi1>, vector<16xi32>
    %select_n3A_46 = arith.select %gt3A_42, %get3A_41, %select_n3A_37 : vector<16xi1>, vector<16xf32>
    %get3A_47 = arith.constant 3 : i32
    %get3A_48 = arith.index_cast %get3A_47 : i32 to index
    %get3A_49 = arith.constant 0 : index
    %get3A_50 = tpu.vector_load %arg14[%get3A_48, %get3A_49] {strides = array<i32>} : memref<32x128xf32, #tpu.memory_space<vmem>>, vector<16xf32>,
    %gt3A_51 = arith.cmpf ogt, %get3A_50, %select_n3A_46 : vector<16xf32>
    %jit3A_52 = arith.constant 3 : i32
    %broadcast_in_dim3A_53 = vector.broadcast %jit3A_52 : i32 to vector<16xi32>
    %select_n3A_54 = arith.select %gt3A_51, %broadcast_in_dim3A_53, %select_n3A_45 : vector<16xi1>, vector<16xi32>
    %select_n3A_55 = arith.select %gt3A_51, %get3A_50, %select_n3A_46 : vector<16xi1>, vector<16xf32>
    %get3A_56 = arith.constant 4 : i32
    %get3A_57 = arith.index_cast %get3A_56 : i32 to index
    %get3A_58 = arith.constant 0 : index
    %get3A_59 = tpu.vector_load %arg14[%get3A_57, %get3A_58] {strides = array<i32>} : memref<32x128xf32, #tpu.memory_space<vmem>>, vector<16xf32>,
    %gt3A_60 = arith.cmpf ogt, %get3A_59, %select_n3A_55 : vector<16xf32>
    %jit3A_61 = arith.constant 4 : i32
    %broadcast_in_dim3A_62 = vector.broadcast %jit3A_61 : i32 to vector<16xi32>
    %select_n3A_63 = arith.select %gt3A_60, %broadcast_in_dim3A_62, %select_n3A_54 : vector<16xi1>, vector<16xi32>
    %select_n3A_64 = arith.select %gt3A_60, %get3A_59, %select_n3A_55 : vector<16xi1>, vector<16xf32>
    %get3A_65 = arith.constant 5 : i32
    %get3A_66 = arith.index_cast %get3A_65 : i32 to index
    %get3A_67 = arith.constant 0 : index
    %get3A_68 = tpu.vector_load %arg14[%get3A_66, %get3A_67] {strides = array<i32>} : memref<32x128xf32, #tpu.memory_space<vmem>>, vector<16xf32>,
    %gt3A_69 = arith.cmpf ogt, %get3A_68, %select_n3A_64 : vector<16xf32>
    %jit3A_70 = arith.constant 5 : i32
    %broadcast_in_dim3A_71 = vector.broadcast %jit3A_70 : i32 to vector<16xi32>
    %select_n3A_72 = arith.select %gt3A_69, %broadcast_in_dim3A_71, %select_n3A_63 : vector<16xi1>, vector<16xi32>
    %select_n3A_73 = arith.select %gt3A_69, %get3A_68, %select_n3A_64 : vector<16xi1>, vector<16xf32>
    %get3A_74 = arith.constant 6 : i32
    %get3A_75 = arith.index_cast %get3A_74 : i32 to index
    %get3A_76 = arith.constant 0 : index
    %get3A_77 = tpu.vector_load %arg14[%get3A_75, %get3A_76] {strides = array<i32>} : memref<32x128xf32, #tpu.memory_space<vmem>>, vector<16xf32>,
    %gt3A_78 = arith.cmpf ogt, %get3A_77, %select_n3A_73 : vector<16xf32>
    %jit3A_79 = arith.constant 6 : i32
    %broadcast_in_dim3A_80 = vector.broadcast %jit3A_79 : i32 to vector<16xi32>
    %select_n3A_81 = arith.select %gt3A_78, %broadcast_in_dim3A_80, %select_n3A_72 : vector<16xi1>, vector<16xi32>
    %select_n3A_82 = arith.select %gt3A_78, %get3A_77, %select_n3A_73 : vector<16xi1>, vector<16xf32>
    %get3A_83 = arith.constant 7 : i32
    %get3A_84 = arith.index_cast %get3A_83 : i32 to index
    %get3A_85 = arith.constant 0 : index
    %get3A_86 = tpu.vector_load %arg14[%get3A_84, %get3A_85] {strides = array<i32>} : memref<32x128xf32, #tpu.memory_space<vmem>>, vector<16xf32>,
    %gt3A_87 = arith.cmpf ogt, %get3A_86, %select_n3A_82 : vector<16xf32>
    %jit3A_88 = arith.constant 7 : i32
    %broadcast_in_dim3A_89 = vector.broadcast %jit3A_88 : i32 to vector<16xi32>
    %select_n3A_90 = arith.select %gt3A_87, %broadcast_in_dim3A_89, %select_n3A_81 : vector<16xi1>, vector<16xi32>
    %select_n3A_91 = arith.select %gt3A_87, %get3A_86, %select_n3A_82 : vector<16xi1>, vector<16xf32>
    %broadcast_in_dim3A_92 = arith.constant 0.000000e+00 : f32
    %broadcast_in_dim3A_93 = vector.broadcast %broadcast_in_dim3A_92 : f32 to vector<16xf32>
    %sub3A = arith.subf %get3A_30, %select_n3A_91 : vector<16xf32>
    %exp3A = math.exp %sub3A : vector<16xf32>
    %add3A_94 = arith.addf %broadcast_in_dim3A_93, %exp3A : vector<16xf32>
    %sub3A_95 = arith.subf %get3A_35, %select_n3A_91 : vector<16xf32>
    %exp3A_96 = math.exp %sub3A_95 : vector<16xf32>
    %add3A_97 = arith.addf %add3A_94, %exp3A_96 : vector<16xf32>
    %sub3A_98 = arith.subf %get3A_41, %select_n3A_91 : vector<16xf32>
    %exp3A_99 = math.exp %sub3A_98 : vector<16xf32>
    %add3A_100 = arith.addf %add3A_97, %exp3A_99 : vector<16xf32>
    %sub3A_101 = arith.subf %get3A_50, %select_n3A_91 : vector<16xf32>
    %exp3A_102 = math.exp %sub3A_101 : vector<16xf32>
    %add3A_103 = arith.addf %add3A_100, %exp3A_102 : vector<16xf32>
    %sub3A_104 = arith.subf %get3A_59, %select_n3A_91 : vector<16xf32>
    %exp3A_105 = math.exp %sub3A_104 : vector<16xf32>
    %add3A_106 = arith.addf %add3A_103, %exp3A_105 : vector<16xf32>
    %sub3A_107 = arith.subf %get3A_68, %select_n3A_91 : vector<16xf32>
    %exp3A_108 = math.exp %sub3A_107 : vector<16xf32>
    %add3A_109 = arith.addf %add3A_106, %exp3A_108 : vector<16xf32>
    %sub3A_110 = arith.subf %get3A_77, %select_n3A_91 : vector<16xf32>
    %exp3A_111 = math.exp %sub3A_110 : vector<16xf32>
    %add3A_112 = arith.addf %add3A_109, %exp3A_111 : vector<16xf32>
    %sub3A_113 = arith.subf %get3A_86, %select_n3A_91 : vector<16xf32>
    %exp3A_114 = math.exp %sub3A_113 : vector<16xf32>
    %add3A_115 = arith.addf %add3A_112, %exp3A_114 : vector<16xf32>
    %bitcast_convert_type3A = tpu.bitcast %add3A_115 : vector<16xf32> -> vector<16xi32>
    %shift_right_arithmetic3A = arith.constant 23 : i32
    %shift_right_arithmetic3A_116 = vector.broadcast %shift_right_arithmetic3A : i32 to vector<16xi32>
    %shift_right_arithmetic3A_117 = arith.shrsi %bitcast_convert_type3A, %shift_right_arithmetic3A_116 : vector<16xi32>
    %sub3A_118 = arith.constant 127 : i32
    %sub3A_119 = vector.broadcast %sub3A_118 : i32 to vector<16xi32>
    %sub3A_120 = arith.subi %shift_right_arithmetic3A_117, %sub3A_119 : vector<16xi32>
    %and3A = arith.constant 8388607 : i32
    %and3A_121 = vector.broadcast %and3A : i32 to vector<16xi32>
    %and3A_122 = arith.andi %bitcast_convert_type3A, %and3A_121 : vector<16xi32>
    %or3A = arith.constant 1065353216 : i32
    %or3A_123 = vector.broadcast %or3A : i32 to vector<16xi32>
    %or3A_124 = arith.ori %and3A_122, %or3A_123 : vector<16xi32>
    %bitcast_convert_type3A_125 = tpu.bitcast %or3A_124 : vector<16xi32> -> vector<16xf32>
    %sub3A_126 = arith.constant 1.000000e+00 : f32
    %sub3A_127 = vector.broadcast %sub3A_126 : f32 to vector<16xf32>
    %sub3A_128 = arith.subf %bitcast_convert_type3A_125, %sub3A_127 : vector<16xf32>
    %add3A_129 = arith.constant 1.000000e+00 : f32
    %add3A_130 = vector.broadcast %add3A_129 : f32 to vector<16xf32>
    %add3A_131 = arith.addf %bitcast_convert_type3A_125, %add3A_130 : vector<16xf32>
    %div3A = arith.divf %sub3A_128, %add3A_131 : vector<16xf32>
    %mul3A_132 = arith.mulf %div3A, %div3A : vector<16xf32>
    %mul3A_133 = arith.constant 2.000000e+00 : f32
    %mul3A_134 = vector.broadcast %mul3A_133 : f32 to vector<16xf32>
    %mul3A_135 = arith.mulf %mul3A_134, %div3A : vector<16xf32>
    %mul3A_136 = arith.constant 0.142857149 : f32
    %mul3A_137 = vector.broadcast %mul3A_136 : f32 to vector<16xf32>
    %mul3A_138 = arith.mulf %mul3A_132, %mul3A_137 : vector<16xf32>
    %add3A_139 = arith.constant 2.000000e-01 : f32
    %add3A_140 = vector.broadcast %add3A_139 : f32 to vector<16xf32>
    %add3A_141 = arith.addf %add3A_140, %mul3A_138 : vector<16xf32>
    %mul3A_142 = arith.mulf %mul3A_132, %add3A_141 : vector<16xf32>
    %add3A_143 = arith.constant 0.333333343 : f32
    %add3A_144 = vector.broadcast %add3A_143 : f32 to vector<16xf32>
    %add3A_145 = arith.addf %add3A_144, %mul3A_142 : vector<16xf32>
    %mul3A_146 = arith.mulf %mul3A_132, %add3A_145 : vector<16xf32>
    %add3A_147 = arith.constant 1.000000e+00 : f32
    %add3A_148 = vector.broadcast %add3A_147 : f32 to vector<16xf32>
    %add3A_149 = arith.addf %add3A_148, %mul3A_146 : vector<16xf32>
    %mul3A_150 = arith.mulf %mul3A_135, %add3A_149 : vector<16xf32>
    %convert_element_type3A = arith.sitofp %sub3A_120 : vector<16xi32> to vector<16xf32>
    %mul3A_151 = arith.constant 0.693147182 : f32
    %mul3A_152 = vector.broadcast %mul3A_151 : f32 to vector<16xf32>
    %mul3A_153 = arith.mulf %convert_element_type3A, %mul3A_152 : vector<16xf32>
    %add3A_154 = arith.addf %mul3A_153, %mul3A_150 : vector<16xf32>
    %neg3A = arith.constant 0.000000e+00 : f32
    %neg3A_155 = vector.broadcast %neg3A : f32 to vector<16xf32>
    %neg3A_156 = arith.subf %neg3A_155, %add3A_154 : vector<16xf32>
    %get3A_157 = arith.constant 8 : i32
    %get3A_158 = arith.index_cast %get3A_157 : i32 to index
    %get3A_159 = arith.constant 0 : index
    %get3A_160 = tpu.vector_load %arg14[%get3A_158, %get3A_159] {strides = array<i32>} : memref<32x128xf32, #tpu.memory_space<vmem>>, vector<16xf32>,
    %get3A_161 = arith.constant 0 : index
    %get3A_162 = tpu.vector_load %arg15[%get3A_161] {strides = array<i32>} : memref<128xi32, #tpu.memory_space<vmem>>, vector<16xi32>,
    %get3A_163 = arith.constant 0 : index
    %get3A_164 = tpu.vector_load %arg16[%get3A_163] {strides = array<i32>} : memref<128xi32, #tpu.memory_space<vmem>>, vector<16xi32>,
    %add3A_165 = arith.constant 9 : i32
    %add3A_166 = vector.broadcast %add3A_165 : i32 to vector<16xi32>
    %add3A_167 = arith.addi %get3A_162, %add3A_166 : vector<16xi32>
    %gather3A = tpu.vector_load_idx %arg14[%add3A_167, %add3A_27] : memref<32x128xf32, #tpu.memory_space<vmem>>[vector<16xi32>, vector<16xi32>], vector<16xf32>,
    %neg3A_168 = arith.constant 0.000000e+00 : f32
    %neg3A_169 = vector.broadcast %neg3A_168 : f32 to vector<16xf32>
    %neg3A_170 = arith.subf %neg3A_169, %gather3A : vector<16xf32>
    %exp3A_171 = math.exp %neg3A_170 : vector<16xf32>
    %add3A_172 = arith.constant 1.000000e+00 : f32
    %add3A_173 = vector.broadcast %add3A_172 : f32 to vector<16xf32>
    %add3A_174 = arith.addf %add3A_173, %exp3A_171 : vector<16xf32>
    %div3A_175 = arith.constant 1.000000e+00 : f32
    %div3A_176 = vector.broadcast %div3A_175 : f32 to vector<16xf32>
    %div3A_177 = arith.divf %div3A_176, %add3A_174 : vector<16xf32>
    %gt3A_178 = arith.constant 5.000000e-01 : f32
    %gt3A_179 = vector.broadcast %gt3A_178 : f32 to vector<16xf32>
    %gt3A_180 = arith.cmpf ogt, %div3A_177, %gt3A_179 : vector<16xf32>
    %gt3A_181 = arith.constant 0 : i32
    %gt3A_182 = vector.broadcast %gt3A_181 : i32 to vector<16xi32>
    %gt3A_183 = arith.cmpi sgt, %get3A_164, %gt3A_182 : vector<16xi32>
    %or3A_184 = arith.ori %gt3A_180, %gt3A_183 : vector<16xi1>
    %select_n3A_185 = arith.select %or3A_184, %select_n3A_90, %get3A_162 : vector<16xi1>, vector<16xi32>
    %gt3A_186 = arith.constant 0 : i32
    %gt3A_187 = vector.broadcast %gt3A_186 : i32 to vector<16xi32>
    %gt3A_188 = arith.cmpi sgt, %get3A_164, %gt3A_187 : vector<16xi32>
    %jit3A_189 = arith.constant 0.000000e+00 : f32
    %broadcast_in_dim3A_190 = vector.broadcast %jit3A_189 : f32 to vector<16xf32>
    %select_n3A_191 = arith.select %gt3A_188, %broadcast_in_dim3A_190, %div3A_177 : vector<16xi1>, vector<16xf32>
    %add3A_192 = arith.constant 17 : i32
    %add3A_193 = vector.broadcast %add3A_192 : i32 to vector<16xi32>
    %add3A_194 = arith.addi %select_n3A_185, %add3A_193 : vector<16xi32>
    %gather3A_195 = tpu.vector_load_idx %arg14[%add3A_194, %add3A_27] : memref<32x128xf32, #tpu.memory_space<vmem>>[vector<16xi32>, vector<16xi32>], vector<16xf32>,
    %mul3A_196 = arith.constant 16 : i32
    %mul3A_197 = vector.broadcast %mul3A_196 : i32 to vector<16xi32>
    %mul3A_198 = arith.muli %select_n3A_185, %mul3A_197 : vector<16xi32>
    %gather3A_199 = tpu.vector_load_idx %arg13[%add3A_27, %mul3A_198] : memref<128x128xf32, #tpu.memory_space<vmem>>[vector<16xi32>, vector<16xi32>], vector<16xf32>,
    %broadcast_in_dim3A_200 = arith.constant 0 : i32
    %broadcast_in_dim3A_201 = vector.broadcast %broadcast_in_dim3A_200 : i32 to vector<16xi32>
    %add3A_202 = arith.constant 1 : i32
    %add3A_203 = vector.broadcast %add3A_202 : i32 to vector<16xi32>
    %add3A_204 = arith.addi %mul3A_198, %add3A_203 : vector<16xi32>
    %gather3A_205 = tpu.vector_load_idx %arg13[%add3A_27, %add3A_204] : memref<128x128xf32, #tpu.memory_space<vmem>>[vector<16xi32>, vector<16xi32>], vector<16xf32>,
    %gt3A_206 = arith.cmpf ogt, %gather3A_205, %gather3A_199 : vector<16xf32>
    %jit3A_207 = arith.constant 1 : i32
    %broadcast_in_dim3A_208 = vector.broadcast %jit3A_207 : i32 to vector<16xi32>
    %select_n3A_209 = arith.select %gt3A_206, %broadcast_in_dim3A_208, %broadcast_in_dim3A_201 : vector<16xi1>, vector<16xi32>
    %select_n3A_210 = arith.select %gt3A_206, %gather3A_205, %gather3A_199 : vector<16xi1>, vector<16xf32>
    %add3A_211 = arith.constant 2 : i32
    %add3A_212 = vector.broadcast %add3A_211 : i32 to vector<16xi32>
    %add3A_213 = arith.addi %mul3A_198, %add3A_212 : vector<16xi32>
    %gather3A_214 = tpu.vector_load_idx %arg13[%add3A_27, %add3A_213] : memref<128x128xf32, #tpu.memory_space<vmem>>[vector<16xi32>, vector<16xi32>], vector<16xf32>,
    %gt3A_215 = arith.cmpf ogt, %gather3A_214, %select_n3A_210 : vector<16xf32>
    %jit3A_216 = arith.constant 2 : i32
    %broadcast_in_dim3A_217 = vector.broadcast %jit3A_216 : i32 to vector<16xi32>
    %select_n3A_218 = arith.select %gt3A_215, %broadcast_in_dim3A_217, %select_n3A_209 : vector<16xi1>, vector<16xi32>
    %select_n3A_219 = arith.select %gt3A_215, %gather3A_214, %select_n3A_210 : vector<16xi1>, vector<16xf32>
    %add3A_220 = arith.constant 3 : i32
    %add3A_221 = vector.broadcast %add3A_220 : i32 to vector<16xi32>
    %add3A_222 = arith.addi %mul3A_198, %add3A_221 : vector<16xi32>
    %gather3A_223 = tpu.vector_load_idx %arg13[%add3A_27, %add3A_222] : memref<128x128xf32, #tpu.memory_space<vmem>>[vector<16xi32>, vector<16xi32>], vector<16xf32>,
    %gt3A_224 = arith.cmpf ogt, %gather3A_223, %select_n3A_219 : vector<16xf32>
    %jit3A_225 = arith.constant 3 : i32
    %broadcast_in_dim3A_226 = vector.broadcast %jit3A_225 : i32 to vector<16xi32>
    %select_n3A_227 = arith.select %gt3A_224, %broadcast_in_dim3A_226, %select_n3A_218 : vector<16xi1>, vector<16xi32>
    %select_n3A_228 = arith.select %gt3A_224, %gather3A_223, %select_n3A_219 : vector<16xi1>, vector<16xf32>
    %add3A_229 = arith.constant 4 : i32
    %add3A_230 = vector.broadcast %add3A_229 : i32 to vector<16xi32>
    %add3A_231 = arith.addi %mul3A_198, %add3A_230 : vector<16xi32>
    %gather3A_232 = tpu.vector_load_idx %arg13[%add3A_27, %add3A_231] : memref<128x128xf32, #tpu.memory_space<vmem>>[vector<16xi32>, vector<16xi32>], vector<16xf32>,
    %gt3A_233 = arith.cmpf ogt, %gather3A_232, %select_n3A_228 : vector<16xf32>
    %jit3A_234 = arith.constant 4 : i32
    %broadcast_in_dim3A_235 = vector.broadcast %jit3A_234 : i32 to vector<16xi32>
    %select_n3A_236 = arith.select %gt3A_233, %broadcast_in_dim3A_235, %select_n3A_227 : vector<16xi1>, vector<16xi32>
    %select_n3A_237 = arith.select %gt3A_233, %gather3A_232, %select_n3A_228 : vector<16xi1>, vector<16xf32>
    %add3A_238 = arith.constant 5 : i32
    %add3A_239 = vector.broadcast %add3A_238 : i32 to vector<16xi32>
    %add3A_240 = arith.addi %mul3A_198, %add3A_239 : vector<16xi32>
    %gather3A_241 = tpu.vector_load_idx %arg13[%add3A_27, %add3A_240] : memref<128x128xf32, #tpu.memory_space<vmem>>[vector<16xi32>, vector<16xi32>], vector<16xf32>,
    %gt3A_242 = arith.cmpf ogt, %gather3A_241, %select_n3A_237 : vector<16xf32>
    %jit3A_243 = arith.constant 5 : i32
    %broadcast_in_dim3A_244 = vector.broadcast %jit3A_243 : i32 to vector<16xi32>
    %select_n3A_245 = arith.select %gt3A_242, %broadcast_in_dim3A_244, %select_n3A_236 : vector<16xi1>, vector<16xi32>
    %select_n3A_246 = arith.select %gt3A_242, %gather3A_241, %select_n3A_237 : vector<16xi1>, vector<16xf32>
    %add3A_247 = arith.constant 6 : i32
    %add3A_248 = vector.broadcast %add3A_247 : i32 to vector<16xi32>
    %add3A_249 = arith.addi %mul3A_198, %add3A_248 : vector<16xi32>
    %gather3A_250 = tpu.vector_load_idx %arg13[%add3A_27, %add3A_249] : memref<128x128xf32, #tpu.memory_space<vmem>>[vector<16xi32>, vector<16xi32>], vector<16xf32>,
    %gt3A_251 = arith.cmpf ogt, %gather3A_250, %select_n3A_246 : vector<16xf32>
    %jit3A_252 = arith.constant 6 : i32
    %broadcast_in_dim3A_253 = vector.broadcast %jit3A_252 : i32 to vector<16xi32>
    %select_n3A_254 = arith.select %gt3A_251, %broadcast_in_dim3A_253, %select_n3A_245 : vector<16xi1>, vector<16xi32>
    %select_n3A_255 = arith.select %gt3A_251, %gather3A_250, %select_n3A_246 : vector<16xi1>, vector<16xf32>
    %add3A_256 = arith.constant 7 : i32
    %add3A_257 = vector.broadcast %add3A_256 : i32 to vector<16xi32>
    %add3A_258 = arith.addi %mul3A_198, %add3A_257 : vector<16xi32>
    %gather3A_259 = tpu.vector_load_idx %arg13[%add3A_27, %add3A_258] : memref<128x128xf32, #tpu.memory_space<vmem>>[vector<16xi32>, vector<16xi32>], vector<16xf32>,
    %gt3A_260 = arith.cmpf ogt, %gather3A_259, %select_n3A_255 : vector<16xf32>
    %jit3A_261 = arith.constant 7 : i32
    %broadcast_in_dim3A_262 = vector.broadcast %jit3A_261 : i32 to vector<16xi32>
    %select_n3A_263 = arith.select %gt3A_260, %broadcast_in_dim3A_262, %select_n3A_254 : vector<16xi1>, vector<16xi32>
    %select_n3A_264 = arith.select %gt3A_260, %gather3A_259, %select_n3A_255 : vector<16xi1>, vector<16xf32>
    %add3A_265 = arith.constant 8 : i32
    %add3A_266 = vector.broadcast %add3A_265 : i32 to vector<16xi32>
    %add3A_267 = arith.addi %mul3A_198, %add3A_266 : vector<16xi32>
    %gather3A_268 = tpu.vector_load_idx %arg13[%add3A_27, %add3A_267] : memref<128x128xf32, #tpu.memory_space<vmem>>[vector<16xi32>, vector<16xi32>], vector<16xf32>,
    %gt3A_269 = arith.cmpf ogt, %gather3A_268, %select_n3A_264 : vector<16xf32>
    %jit3A_270 = arith.constant 8 : i32
    %broadcast_in_dim3A_271 = vector.broadcast %jit3A_270 : i32 to vector<16xi32>
    %select_n3A_272 = arith.select %gt3A_269, %broadcast_in_dim3A_271, %select_n3A_263 : vector<16xi1>, vector<16xi32>
    %select_n3A_273 = arith.select %gt3A_269, %gather3A_268, %select_n3A_264 : vector<16xi1>, vector<16xf32>
    %add3A_274 = arith.constant 9 : i32
    %add3A_275 = vector.broadcast %add3A_274 : i32 to vector<16xi32>
    %add3A_276 = arith.addi %mul3A_198, %add3A_275 : vector<16xi32>
    %gather3A_277 = tpu.vector_load_idx %arg13[%add3A_27, %add3A_276] : memref<128x128xf32, #tpu.memory_space<vmem>>[vector<16xi32>, vector<16xi32>], vector<16xf32>,
    %gt3A_278 = arith.cmpf ogt, %gather3A_277, %select_n3A_273 : vector<16xf32>
    %jit3A_279 = arith.constant 9 : i32
    %broadcast_in_dim3A_280 = vector.broadcast %jit3A_279 : i32 to vector<16xi32>
    %select_n3A_281 = arith.select %gt3A_278, %broadcast_in_dim3A_280, %select_n3A_272 : vector<16xi1>, vector<16xi32>
    %select_n3A_282 = arith.select %gt3A_278, %gather3A_277, %select_n3A_273 : vector<16xi1>, vector<16xf32>
    %add3A_283 = arith.constant 10 : i32
    %add3A_284 = vector.broadcast %add3A_283 : i32 to vector<16xi32>
    %add3A_285 = arith.addi %mul3A_198, %add3A_284 : vector<16xi32>
    %gather3A_286 = tpu.vector_load_idx %arg13[%add3A_27, %add3A_285] : memref<128x128xf32, #tpu.memory_space<vmem>>[vector<16xi32>, vector<16xi32>], vector<16xf32>,
    %gt3A_287 = arith.cmpf ogt, %gather3A_286, %select_n3A_282 : vector<16xf32>
    %jit3A_288 = arith.constant 10 : i32
    %broadcast_in_dim3A_289 = vector.broadcast %jit3A_288 : i32 to vector<16xi32>
    %select_n3A_290 = arith.select %gt3A_287, %broadcast_in_dim3A_289, %select_n3A_281 : vector<16xi1>, vector<16xi32>
    %select_n3A_291 = arith.select %gt3A_287, %gather3A_286, %select_n3A_282 : vector<16xi1>, vector<16xf32>
    %add3A_292 = arith.constant 11 : i32
    %add3A_293 = vector.broadcast %add3A_292 : i32 to vector<16xi32>
    %add3A_294 = arith.addi %mul3A_198, %add3A_293 : vector<16xi32>
    %gather3A_295 = tpu.vector_load_idx %arg13[%add3A_27, %add3A_294] : memref<128x128xf32, #tpu.memory_space<vmem>>[vector<16xi32>, vector<16xi32>], vector<16xf32>,
    %gt3A_296 = arith.cmpf ogt, %gather3A_295, %select_n3A_291 : vector<16xf32>
    %jit3A_297 = arith.constant 11 : i32
    %broadcast_in_dim3A_298 = vector.broadcast %jit3A_297 : i32 to vector<16xi32>
    %select_n3A_299 = arith.select %gt3A_296, %broadcast_in_dim3A_298, %select_n3A_290 : vector<16xi1>, vector<16xi32>
    %select_n3A_300 = arith.select %gt3A_296, %gather3A_295, %select_n3A_291 : vector<16xi1>, vector<16xf32>
    %add3A_301 = arith.constant 12 : i32
    %add3A_302 = vector.broadcast %add3A_301 : i32 to vector<16xi32>
    %add3A_303 = arith.addi %mul3A_198, %add3A_302 : vector<16xi32>
    %gather3A_304 = tpu.vector_load_idx %arg13[%add3A_27, %add3A_303] : memref<128x128xf32, #tpu.memory_space<vmem>>[vector<16xi32>, vector<16xi32>], vector<16xf32>,
    %gt3A_305 = arith.cmpf ogt, %gather3A_304, %select_n3A_300 : vector<16xf32>
    %jit3A_306 = arith.constant 12 : i32
    %broadcast_in_dim3A_307 = vector.broadcast %jit3A_306 : i32 to vector<16xi32>
    %select_n3A_308 = arith.select %gt3A_305, %broadcast_in_dim3A_307, %select_n3A_299 : vector<16xi1>, vector<16xi32>
    %select_n3A_309 = arith.select %gt3A_305, %gather3A_304, %select_n3A_300 : vector<16xi1>, vector<16xf32>
    %add3A_310 = arith.constant 13 : i32
    %add3A_311 = vector.broadcast %add3A_310 : i32 to vector<16xi32>
    %add3A_312 = arith.addi %mul3A_198, %add3A_311 : vector<16xi32>
    %gather3A_313 = tpu.vector_load_idx %arg13[%add3A_27, %add3A_312] : memref<128x128xf32, #tpu.memory_space<vmem>>[vector<16xi32>, vector<16xi32>], vector<16xf32>,
    %gt3A_314 = arith.cmpf ogt, %gather3A_313, %select_n3A_309 : vector<16xf32>
    %jit3A_315 = arith.constant 13 : i32
    %broadcast_in_dim3A_316 = vector.broadcast %jit3A_315 : i32 to vector<16xi32>
    %select_n3A_317 = arith.select %gt3A_314, %broadcast_in_dim3A_316, %select_n3A_308 : vector<16xi1>, vector<16xi32>
    %select_n3A_318 = arith.select %gt3A_314, %gather3A_313, %select_n3A_309 : vector<16xi1>, vector<16xf32>
    %add3A_319 = arith.constant 14 : i32
    %add3A_320 = vector.broadcast %add3A_319 : i32 to vector<16xi32>
    %add3A_321 = arith.addi %mul3A_198, %add3A_320 : vector<16xi32>
    %gather3A_322 = tpu.vector_load_idx %arg13[%add3A_27, %add3A_321] : memref<128x128xf32, #tpu.memory_space<vmem>>[vector<16xi32>, vector<16xi32>], vector<16xf32>,
    %gt3A_323 = arith.cmpf ogt, %gather3A_322, %select_n3A_318 : vector<16xf32>
    %jit3A_324 = arith.constant 14 : i32
    %broadcast_in_dim3A_325 = vector.broadcast %jit3A_324 : i32 to vector<16xi32>
    %select_n3A_326 = arith.select %gt3A_323, %broadcast_in_dim3A_325, %select_n3A_317 : vector<16xi1>, vector<16xi32>
    %select_n3A_327 = arith.select %gt3A_323, %gather3A_322, %select_n3A_318 : vector<16xi1>, vector<16xf32>
    %add3A_328 = arith.constant 15 : i32
    %add3A_329 = vector.broadcast %add3A_328 : i32 to vector<16xi32>
    %add3A_330 = arith.addi %mul3A_198, %add3A_329 : vector<16xi32>
    %gather3A_331 = tpu.vector_load_idx %arg13[%add3A_27, %add3A_330] : memref<128x128xf32, #tpu.memory_space<vmem>>[vector<16xi32>, vector<16xi32>], vector<16xf32>,
    %gt3A_332 = arith.cmpf ogt, %gather3A_331, %select_n3A_327 : vector<16xf32>
    %jit3A_333 = arith.constant 15 : i32
    %broadcast_in_dim3A_334 = vector.broadcast %jit3A_333 : i32 to vector<16xi32>
    %select_n3A_335 = arith.select %gt3A_332, %broadcast_in_dim3A_334, %select_n3A_326 : vector<16xi1>, vector<16xi32>
    %select_n3A_336 = arith.select %gt3A_332, %gather3A_331, %select_n3A_327 : vector<16xi1>, vector<16xf32>
    %broadcast_in_dim3A_337 = arith.constant 0.000000e+00 : f32
    %broadcast_in_dim3A_338 = vector.broadcast %broadcast_in_dim3A_337 : f32 to vector<16xf32>
    %sub3A_339 = arith.subf %gather3A_199, %select_n3A_336 : vector<16xf32>
    %exp3A_340 = math.exp %sub3A_339 : vector<16xf32>
    %add3A_341 = arith.addf %broadcast_in_dim3A_338, %exp3A_340 : vector<16xf32>
    %sub3A_342 = arith.subf %gather3A_205, %select_n3A_336 : vector<16xf32>
    %exp3A_343 = math.exp %sub3A_342 : vector<16xf32>
    %add3A_344 = arith.addf %add3A_341, %exp3A_343 : vector<16xf32>
    %sub3A_345 = arith.subf %gather3A_214, %select_n3A_336 : vector<16xf32>
    %exp3A_346 = math.exp %sub3A_345 : vector<16xf32>
    %add3A_347 = arith.addf %add3A_344, %exp3A_346 : vector<16xf32>
    %sub3A_348 = arith.subf %gather3A_223, %select_n3A_336 : vector<16xf32>
    %exp3A_349 = math.exp %sub3A_348 : vector<16xf32>
    %add3A_350 = arith.addf %add3A_347, %exp3A_349 : vector<16xf32>
    %sub3A_351 = arith.subf %gather3A_232, %select_n3A_336 : vector<16xf32>
    %exp3A_352 = math.exp %sub3A_351 : vector<16xf32>
    %add3A_353 = arith.addf %add3A_350, %exp3A_352 : vector<16xf32>
    %sub3A_354 = arith.subf %gather3A_241, %select_n3A_336 : vector<16xf32>
    %exp3A_355 = math.exp %sub3A_354 : vector<16xf32>
    %add3A_356 = arith.addf %add3A_353, %exp3A_355 : vector<16xf32>
    %sub3A_357 = arith.subf %gather3A_250, %select_n3A_336 : vector<16xf32>
    %exp3A_358 = math.exp %sub3A_357 : vector<16xf32>
    %add3A_359 = arith.addf %add3A_356, %exp3A_358 : vector<16xf32>
    %sub3A_360 = arith.subf %gather3A_259, %select_n3A_336 : vector<16xf32>
    %exp3A_361 = math.exp %sub3A_360 : vector<16xf32>
    %add3A_362 = arith.addf %add3A_359, %exp3A_361 : vector<16xf32>
    %sub3A_363 = arith.subf %gather3A_268, %select_n3A_336 : vector<16xf32>
    %exp3A_364 = math.exp %sub3A_363 : vector<16xf32>
    %add3A_365 = arith.addf %add3A_362, %exp3A_364 : vector<16xf32>
    %sub3A_366 = arith.subf %gather3A_277, %select_n3A_336 : vector<16xf32>
    %exp3A_367 = math.exp %sub3A_366 : vector<16xf32>
    %add3A_368 = arith.addf %add3A_365, %exp3A_367 : vector<16xf32>
    %sub3A_369 = arith.subf %gather3A_286, %select_n3A_336 : vector<16xf32>
    %exp3A_370 = math.exp %sub3A_369 : vector<16xf32>
    %add3A_371 = arith.addf %add3A_368, %exp3A_370 : vector<16xf32>
    %sub3A_372 = arith.subf %gather3A_295, %select_n3A_336 : vector<16xf32>
    %exp3A_373 = math.exp %sub3A_372 : vector<16xf32>
    %add3A_374 = arith.addf %add3A_371, %exp3A_373 : vector<16xf32>
    %sub3A_375 = arith.subf %gather3A_304, %select_n3A_336 : vector<16xf32>
    %exp3A_376 = math.exp %sub3A_375 : vector<16xf32>
    %add3A_377 = arith.addf %add3A_374, %exp3A_376 : vector<16xf32>
    %sub3A_378 = arith.subf %gather3A_313, %select_n3A_336 : vector<16xf32>
    %exp3A_379 = math.exp %sub3A_378 : vector<16xf32>
    %add3A_380 = arith.addf %add3A_377, %exp3A_379 : vector<16xf32>
    %sub3A_381 = arith.subf %gather3A_322, %select_n3A_336 : vector<16xf32>
    %exp3A_382 = math.exp %sub3A_381 : vector<16xf32>
    %add3A_383 = arith.addf %add3A_380, %exp3A_382 : vector<16xf32>
    %sub3A_384 = arith.subf %gather3A_331, %select_n3A_336 : vector<16xf32>
    %exp3A_385 = math.exp %sub3A_384 : vector<16xf32>
    %add3A_386 = arith.addf %add3A_383, %exp3A_385 : vector<16xf32>
    %bitcast_convert_type3A_387 = tpu.bitcast %add3A_386 : vector<16xf32> -> vector<16xi32>
    %shift_right_arithmetic3A_388 = arith.constant 23 : i32
    %shift_right_arithmetic3A_389 = vector.broadcast %shift_right_arithmetic3A_388 : i32 to vector<16xi32>
    %shift_right_arithmetic3A_390 = arith.shrsi %bitcast_convert_type3A_387, %shift_right_arithmetic3A_389 : vector<16xi32>
    %sub3A_391 = arith.constant 127 : i32
    %sub3A_392 = vector.broadcast %sub3A_391 : i32 to vector<16xi32>
    %sub3A_393 = arith.subi %shift_right_arithmetic3A_390, %sub3A_392 : vector<16xi32>
    %and3A_394 = arith.constant 8388607 : i32
    %and3A_395 = vector.broadcast %and3A_394 : i32 to vector<16xi32>
    %and3A_396 = arith.andi %bitcast_convert_type3A_387, %and3A_395 : vector<16xi32>
    %or3A_397 = arith.constant 1065353216 : i32
    %or3A_398 = vector.broadcast %or3A_397 : i32 to vector<16xi32>
    %or3A_399 = arith.ori %and3A_396, %or3A_398 : vector<16xi32>
    %bitcast_convert_type3A_400 = tpu.bitcast %or3A_399 : vector<16xi32> -> vector<16xf32>
    %sub3A_401 = arith.constant 1.000000e+00 : f32
    %sub3A_402 = vector.broadcast %sub3A_401 : f32 to vector<16xf32>
    %sub3A_403 = arith.subf %bitcast_convert_type3A_400, %sub3A_402 : vector<16xf32>
    %add3A_404 = arith.constant 1.000000e+00 : f32
    %add3A_405 = vector.broadcast %add3A_404 : f32 to vector<16xf32>
    %add3A_406 = arith.addf %bitcast_convert_type3A_400, %add3A_405 : vector<16xf32>
    %div3A_407 = arith.divf %sub3A_403, %add3A_406 : vector<16xf32>
    %mul3A_408 = arith.mulf %div3A_407, %div3A_407 : vector<16xf32>
    %mul3A_409 = arith.constant 2.000000e+00 : f32
    %mul3A_410 = vector.broadcast %mul3A_409 : f32 to vector<16xf32>
    %mul3A_411 = arith.mulf %mul3A_410, %div3A_407 : vector<16xf32>
    %mul3A_412 = arith.constant 0.142857149 : f32
    %mul3A_413 = vector.broadcast %mul3A_412 : f32 to vector<16xf32>
    %mul3A_414 = arith.mulf %mul3A_408, %mul3A_413 : vector<16xf32>
    %add3A_415 = arith.constant 2.000000e-01 : f32
    %add3A_416 = vector.broadcast %add3A_415 : f32 to vector<16xf32>
    %add3A_417 = arith.addf %add3A_416, %mul3A_414 : vector<16xf32>
    %mul3A_418 = arith.mulf %mul3A_408, %add3A_417 : vector<16xf32>
    %add3A_419 = arith.constant 0.333333343 : f32
    %add3A_420 = vector.broadcast %add3A_419 : f32 to vector<16xf32>
    %add3A_421 = arith.addf %add3A_420, %mul3A_418 : vector<16xf32>
    %mul3A_422 = arith.mulf %mul3A_408, %add3A_421 : vector<16xf32>
    %add3A_423 = arith.constant 1.000000e+00 : f32
    %add3A_424 = vector.broadcast %add3A_423 : f32 to vector<16xf32>
    %add3A_425 = arith.addf %add3A_424, %mul3A_422 : vector<16xf32>
    %mul3A_426 = arith.mulf %mul3A_411, %add3A_425 : vector<16xf32>
    %convert_element_type3A_427 = arith.sitofp %sub3A_393 : vector<16xi32> to vector<16xf32>
    %mul3A_428 = arith.constant 0.693147182 : f32
    %mul3A_429 = vector.broadcast %mul3A_428 : f32 to vector<16xf32>
    %mul3A_430 = arith.mulf %convert_element_type3A_427, %mul3A_429 : vector<16xf32>
    %add3A_431 = arith.addf %mul3A_430, %mul3A_426 : vector<16xf32>
    %neg3A_432 = arith.constant 0.000000e+00 : f32
    %neg3A_433 = vector.broadcast %neg3A_432 : f32 to vector<16xf32>
    %neg3A_434 = arith.subf %neg3A_433, %add3A_431 : vector<16xf32>
    %swap3A = arith.constant 0 : index
    %swap3A_435 = tpu.vector_load %arg17[%swap3A] {strides = array<i32>} : memref<128xi32, #tpu.memory_space<vmem>>, vector<16xi32>,
    tpu.vector_store %arg17[%swap3A], %select_n3A_335 {strides = array<i32>} : memref<128xi32, #tpu.memory_space<vmem>>, vector<16xi32>,
    %swap3A_436 = arith.constant 0 : index
    %swap3A_437 = tpu.vector_load %arg18[%swap3A_436] {strides = array<i32>} : memref<128xf32, #tpu.memory_space<vmem>>, vector<16xf32>,
    tpu.vector_store %arg18[%swap3A_436], %gather3A_195 {strides = array<i32>} : memref<128xf32, #tpu.memory_space<vmem>>, vector<16xf32>,
    %swap3A_438 = arith.constant 0 : index
    %swap3A_439 = tpu.vector_load %arg19[%swap3A_438] {strides = array<i32>} : memref<128xf32, #tpu.memory_space<vmem>>, vector<16xf32>,
    tpu.vector_store %arg19[%swap3A_438], %neg3A_434 {strides = array<i32>} : memref<128xf32, #tpu.memory_space<vmem>>, vector<16xf32>,
    %swap3A_440 = arith.constant 0 : index
    %swap3A_441 = tpu.vector_load %arg20[%swap3A_440] {strides = array<i32>} : memref<128xi32, #tpu.memory_space<vmem>>, vector<16xi32>,
    tpu.vector_store %arg20[%swap3A_440], %select_n3A_185 {strides = array<i32>} : memref<128xi32, #tpu.memory_space<vmem>>, vector<16xi32>,
    %swap3A_442 = arith.constant 0 : index
    %swap3A_443 = tpu.vector_load %arg21[%swap3A_442] {strides = array<i32>} : memref<128xf32, #tpu.memory_space<vmem>>, vector<16xf32>,
    tpu.vector_store %arg21[%swap3A_442], %get3A_160 {strides = array<i32>} : memref<128xf32, #tpu.memory_space<vmem>>, vector<16xf32>,
    %swap3A_444 = arith.constant 0 : index
    %swap3A_445 = tpu.vector_load %arg22[%swap3A_444] {strides = array<i32>} : memref<128xf32, #tpu.memory_space<vmem>>, vector<16xf32>,
    tpu.vector_store %arg22[%swap3A_444], %neg3A_156 {strides = array<i32>} : memref<128xf32, #tpu.memory_space<vmem>>, vector<16xf32>,
    %swap3A_446 = arith.constant 0 : index
    %swap3A_447 = tpu.vector_load %arg23[%swap3A_446] {strides = array<i32>} : memref<128xf32, #tpu.memory_space<vmem>>, vector<16xf32>,
    tpu.vector_store %arg23[%swap3A_446], %select_n3A_191 {strides = array<i32>} : memref<128xf32, #tpu.memory_space<vmem>>, vector<16xf32>,
    %add3A_448 = arith.constant 16 : i32
    %add3A_449 = vector.broadcast %add3A_448 : i32 to vector<16xi32>
    %add3A_450 = arith.addi %iota3A, %add3A_449 : vector<16xi32>
    %get3A_451 = arith.constant 0 : i32
    %get3A_452 = arith.index_cast %get3A_451 : i32 to index
    %get3A_453 = arith.constant 16 : index
    %get3A_454 = tpu.vector_load %arg14[%get3A_452, %get3A_453] {strides = array<i32>} : memref<32x128xf32, #tpu.memory_space<vmem>>, vector<16xf32>,
    %broadcast_in_dim3A_455 = arith.constant 0 : i32
    %broadcast_in_dim3A_456 = vector.broadcast %broadcast_in_dim3A_455 : i32 to vector<16xi32>
    %get3A_457 = arith.constant 1 : i32
    %get3A_458 = arith.index_cast %get3A_457 : i32 to index
    %get3A_459 = arith.constant 16 : index
    %get3A_460 = tpu.vector_load %arg14[%get3A_458, %get3A_459] {strides = array<i32>} : memref<32x128xf32, #tpu.memory_space<vmem>>, vector<16xf32>,
    %gt3A_461 = arith.cmpf ogt, %get3A_460, %get3A_454 : vector<16xf32>
    %jit3A_462 = arith.constant 1 : i32
    %broadcast_in_dim3A_463 = vector.broadcast %jit3A_462 : i32 to vector<16xi32>
    %select_n3A_464 = arith.select %gt3A_461, %broadcast_in_dim3A_463, %broadcast_in_dim3A_456 : vector<16xi1>, vector<16xi32>
    %select_n3A_465 = arith.select %gt3A_461, %get3A_460, %get3A_454 : vector<16xi1>, vector<16xf32>
    %get3A_466 = arith.constant 2 : i32
    %get3A_467 = arith.index_cast %get3A_466 : i32 to index
    %get3A_468 = arith.constant 16 : index
    %get3A_469 = tpu.vector_load %arg14[%get3A_467, %get3A_468] {strides = array<i32>} : memref<32x128xf32, #tpu.memory_space<vmem>>, vector<16xf32>,
    %gt3A_470 = arith.cmpf ogt, %get3A_469, %select_n3A_465 : vector<16xf32>
    %jit3A_471 = arith.constant 2 : i32
    %broadcast_in_dim3A_472 = vector.broadcast %jit3A_471 : i32 to vector<16xi32>
    %select_n3A_473 = arith.select %gt3A_470, %broadcast_in_dim3A_472, %select_n3A_464 : vector<16xi1>, vector<16xi32>
    %select_n3A_474 = arith.select %gt3A_470, %get3A_469, %select_n3A_465 : vector<16xi1>, vector<16xf32>
    %get3A_475 = arith.constant 3 : i32
    %get3A_476 = arith.index_cast %get3A_475 : i32 to index
    %get3A_477 = arith.constant 16 : index
    %get3A_478 = tpu.vector_load %arg14[%get3A_476, %get3A_477] {strides = array<i32>} : memref<32x128xf32, #tpu.memory_space<vmem>>, vector<16xf32>,
    %gt3A_479 = arith.cmpf ogt, %get3A_478, %select_n3A_474 : vector<16xf32>
    %jit3A_480 = arith.constant 3 : i32
    %broadcast_in_dim3A_481 = vector.broadcast %jit3A_480 : i32 to vector<16xi32>
    %select_n3A_482 = arith.select %gt3A_479, %broadcast_in_dim3A_481, %select_n3A_473 : vector<16xi1>, vector<16xi32>
    %select_n3A_483 = arith.select %gt3A_479, %get3A_478, %select_n3A_474 : vector<16xi1>, vector<16xf32>
    %get3A_484 = arith.constant 4 : i32
    %get3A_485 = arith.index_cast %get3A_484 : i32 to index
    %get3A_486 = arith.constant 16 : index
    %get3A_487 = tpu.vector_load %arg14[%get3A_485, %get3A_486] {strides = array<i32>} : memref<32x128xf32, #tpu.memory_space<vmem>>, vector<16xf32>,
    %gt3A_488 = arith.cmpf ogt, %get3A_487, %select_n3A_483 : vector<16xf32>
    %jit3A_489 = arith.constant 4 : i32
    %broadcast_in_dim3A_490 = vector.broadcast %jit3A_489 : i32 to vector<16xi32>
    %select_n3A_491 = arith.select %gt3A_488, %broadcast_in_dim3A_490, %select_n3A_482 : vector<16xi1>, vector<16xi32>
    %select_n3A_492 = arith.select %gt3A_488, %get3A_487, %select_n3A_483 : vector<16xi1>, vector<16xf32>
    %get3A_493 = arith.constant 5 : i32
    %get3A_494 = arith.index_cast %get3A_493 : i32 to index
    %get3A_495 = arith.constant 16 : index
    %get3A_496 = tpu.vector_load %arg14[%get3A_494, %get3A_495] {strides = array<i32>} : memref<32x128xf32, #tpu.memory_space<vmem>>, vector<16xf32>,
    %gt3A_497 = arith.cmpf ogt, %get3A_496, %select_n3A_492 : vector<16xf32>
    %jit3A_498 = arith.constant 5 : i32
    %broadcast_in_dim3A_499 = vector.broadcast %jit3A_498 : i32 to vector<16xi32>
    %select_n3A_500 = arith.select %gt3A_497, %broadcast_in_dim3A_499, %select_n3A_491 : vector<16xi1>, vector<16xi32>
    %select_n3A_501 = arith.select %gt3A_497, %get3A_496, %select_n3A_492 : vector<16xi1>, vector<16xf32>
    %get3A_502 = arith.constant 6 : i32
    %get3A_503 = arith.index_cast %get3A_502 : i32 to index
    %get3A_504 = arith.constant 16 : index
    %get3A_505 = tpu.vector_load %arg14[%get3A_503, %get3A_504] {strides = array<i32>} : memref<32x128xf32, #tpu.memory_space<vmem>>, vector<16xf32>,
    %gt3A_506 = arith.cmpf ogt, %get3A_505, %select_n3A_501 : vector<16xf32>
    %jit3A_507 = arith.constant 6 : i32
    %broadcast_in_dim3A_508 = vector.broadcast %jit3A_507 : i32 to vector<16xi32>
    %select_n3A_509 = arith.select %gt3A_506, %broadcast_in_dim3A_508, %select_n3A_500 : vector<16xi1>, vector<16xi32>
    %select_n3A_510 = arith.select %gt3A_506, %get3A_505, %select_n3A_501 : vector<16xi1>, vector<16xf32>
    %get3A_511 = arith.constant 7 : i32
    %get3A_512 = arith.index_cast %get3A_511 : i32 to index
    %get3A_513 = arith.constant 16 : index
    %get3A_514 = tpu.vector_load %arg14[%get3A_512, %get3A_513] {strides = array<i32>} : memref<32x128xf32, #tpu.memory_space<vmem>>, vector<16xf32>,
    %gt3A_515 = arith.cmpf ogt, %get3A_514, %select_n3A_510 : vector<16xf32>
    %jit3A_516 = arith.constant 7 : i32
    %broadcast_in_dim3A_517 = vector.broadcast %jit3A_516 : i32 to vector<16xi32>
    %select_n3A_518 = arith.select %gt3A_515, %broadcast_in_dim3A_517, %select_n3A_509 : vector<16xi1>, vector<16xi32>
    %select_n3A_519 = arith.select %gt3A_515, %get3A_514, %select_n3A_510 : vector<16xi1>, vector<16xf32>
    %broadcast_in_dim3A_520 = arith.constant 0.000000e+00 : f32
    %broadcast_in_dim3A_521 = vector.broadcast %broadcast_in_dim3A_520 : f32 to vector<16xf32>
    %sub3A_522 = arith.subf %get3A_454, %select_n3A_519 : vector<16xf32>
    %exp3A_523 = math.exp %sub3A_522 : vector<16xf32>
    %add3A_524 = arith.addf %broadcast_in_dim3A_521, %exp3A_523 : vector<16xf32>
    %sub3A_525 = arith.subf %get3A_460, %select_n3A_519 : vector<16xf32>
    %exp3A_526 = math.exp %sub3A_525 : vector<16xf32>
    %add3A_527 = arith.addf %add3A_524, %exp3A_526 : vector<16xf32>
    %sub3A_528 = arith.subf %get3A_469, %select_n3A_519 : vector<16xf32>
    %exp3A_529 = math.exp %sub3A_528 : vector<16xf32>
    %add3A_530 = arith.addf %add3A_527, %exp3A_529 : vector<16xf32>
    %sub3A_531 = arith.subf %get3A_478, %select_n3A_519 : vector<16xf32>
    %exp3A_532 = math.exp %sub3A_531 : vector<16xf32>
    %add3A_533 = arith.addf %add3A_530, %exp3A_532 : vector<16xf32>
    %sub3A_534 = arith.subf %get3A_487, %select_n3A_519 : vector<16xf32>
    %exp3A_535 = math.exp %sub3A_534 : vector<16xf32>
    %add3A_536 = arith.addf %add3A_533, %exp3A_535 : vector<16xf32>
    %sub3A_537 = arith.subf %get3A_496, %select_n3A_519 : vector<16xf32>
    %exp3A_538 = math.exp %sub3A_537 : vector<16xf32>
    %add3A_539 = arith.addf %add3A_536, %exp3A_538 : vector<16xf32>
    %sub3A_540 = arith.subf %get3A_505, %select_n3A_519 : vector<16xf32>
    %exp3A_541 = math.exp %sub3A_540 : vector<16xf32>
    %add3A_542 = arith.addf %add3A_539, %exp3A_541 : vector<16xf32>
    %sub3A_543 = arith.subf %get3A_514, %select_n3A_519 : vector<16xf32>
    %exp3A_544 = math.exp %sub3A_543 : vector<16xf32>
    %add3A_545 = arith.addf %add3A_542, %exp3A_544 : vector<16xf32>
    %bitcast_convert_type3A_546 = tpu.bitcast %add3A_545 : vector<16xf32> -> vector<16xi32>
    %shift_right_arithmetic3A_547 = arith.constant 23 : i32
    %shift_right_arithmetic3A_548 = vector.broadcast %shift_right_arithmetic3A_547 : i32 to vector<16xi32>
    %shift_right_arithmetic3A_549 = arith.shrsi %bitcast_convert_type3A_546, %shift_right_arithmetic3A_548 : vector<16xi32>
    %sub3A_550 = arith.constant 127 : i32
    %sub3A_551 = vector.broadcast %sub3A_550 : i32 to vector<16xi32>
    %sub3A_552 = arith.subi %shift_right_arithmetic3A_549, %sub3A_551 : vector<16xi32>
    %and3A_553 = arith.constant 8388607 : i32
    %and3A_554 = vector.broadcast %and3A_553 : i32 to vector<16xi32>
    %and3A_555 = arith.andi %bitcast_convert_type3A_546, %and3A_554 : vector<16xi32>
    %or3A_556 = arith.constant 1065353216 : i32
    %or3A_557 = vector.broadcast %or3A_556 : i32 to vector<16xi32>
    %or3A_558 = arith.ori %and3A_555, %or3A_557 : vector<16xi32>
    %bitcast_convert_type3A_559 = tpu.bitcast %or3A_558 : vector<16xi32> -> vector<16xf32>
    %sub3A_560 = arith.constant 1.000000e+00 : f32
    %sub3A_561 = vector.broadcast %sub3A_560 : f32 to vector<16xf32>
    %sub3A_562 = arith.subf %bitcast_convert_type3A_559, %sub3A_561 : vector<16xf32>
    %add3A_563 = arith.constant 1.000000e+00 : f32
    %add3A_564 = vector.broadcast %add3A_563 : f32 to vector<16xf32>
    %add3A_565 = arith.addf %bitcast_convert_type3A_559, %add3A_564 : vector<16xf32>
    %div3A_566 = arith.divf %sub3A_562, %add3A_565 : vector<16xf32>
    %mul3A_567 = arith.mulf %div3A_566, %div3A_566 : vector<16xf32>
    %mul3A_568 = arith.constant 2.000000e+00 : f32
    %mul3A_569 = vector.broadcast %mul3A_568 : f32 to vector<16xf32>
    %mul3A_570 = arith.mulf %mul3A_569, %div3A_566 : vector<16xf32>
    %mul3A_571 = arith.constant 0.142857149 : f32
    %mul3A_572 = vector.broadcast %mul3A_571 : f32 to vector<16xf32>
    %mul3A_573 = arith.mulf %mul3A_567, %mul3A_572 : vector<16xf32>
    %add3A_574 = arith.constant 2.000000e-01 : f32
    %add3A_575 = vector.broadcast %add3A_574 : f32 to vector<16xf32>
    %add3A_576 = arith.addf %add3A_575, %mul3A_573 : vector<16xf32>
    %mul3A_577 = arith.mulf %mul3A_567, %add3A_576 : vector<16xf32>
    %add3A_578 = arith.constant 0.333333343 : f32
    %add3A_579 = vector.broadcast %add3A_578 : f32 to vector<16xf32>
    %add3A_580 = arith.addf %add3A_579, %mul3A_577 : vector<16xf32>
    %mul3A_581 = arith.mulf %mul3A_567, %add3A_580 : vector<16xf32>
    %add3A_582 = arith.constant 1.000000e+00 : f32
    %add3A_583 = vector.broadcast %add3A_582 : f32 to vector<16xf32>
    %add3A_584 = arith.addf %add3A_583, %mul3A_581 : vector<16xf32>
    %mul3A_585 = arith.mulf %mul3A_570, %add3A_584 : vector<16xf32>
    %convert_element_type3A_586 = arith.sitofp %sub3A_552 : vector<16xi32> to vector<16xf32>
    %mul3A_587 = arith.constant 0.693147182 : f32
    %mul3A_588 = vector.broadcast %mul3A_587 : f32 to vector<16xf32>
    %mul3A_589 = arith.mulf %convert_element_type3A_586, %mul3A_588 : vector<16xf32>
    %add3A_590 = arith.addf %mul3A_589, %mul3A_585 : vector<16xf32>
    %neg3A_591 = arith.constant 0.000000e+00 : f32
    %neg3A_592 = vector.broadcast %neg3A_591 : f32 to vector<16xf32>
    %neg3A_593 = arith.subf %neg3A_592, %add3A_590 : vector<16xf32>
    %get3A_594 = arith.constant 8 : i32
    %get3A_595 = arith.index_cast %get3A_594 : i32 to index
    %get3A_596 = arith.constant 16 : index
    %get3A_597 = tpu.vector_load %arg14[%get3A_595, %get3A_596] {strides = array<i32>} : memref<32x128xf32, #tpu.memory_space<vmem>>, vector<16xf32>,
    %get3A_598 = arith.constant 16 : index
    %get3A_599 = tpu.vector_load %arg15[%get3A_598] {strides = array<i32>} : memref<128xi32, #tpu.memory_space<vmem>>, vector<16xi32>,
    %get3A_600 = arith.constant 16 : index
    %get3A_601 = tpu.vector_load %arg16[%get3A_600] {strides = array<i32>} : memref<128xi32, #tpu.memory_space<vmem>>, vector<16xi32>,
    %add3A_602 = arith.constant 9 : i32
    %add3A_603 = vector.broadcast %add3A_602 : i32 to vector<16xi32>
    %add3A_604 = arith.addi %get3A_599, %add3A_603 : vector<16xi32>
    %gather3A_605 = tpu.vector_load_idx %arg14[%add3A_604, %add3A_450] : memref<32x128xf32, #tpu.memory_space<vmem>>[vector<16xi32>, vector<16xi32>], vector<16xf32>,
    %neg3A_606 = arith.constant 0.000000e+00 : f32
    %neg3A_607 = vector.broadcast %neg3A_606 : f32 to vector<16xf32>
    %neg3A_608 = arith.subf %neg3A_607, %gather3A_605 : vector<16xf32>
    %exp3A_609 = math.exp %neg3A_608 : vector<16xf32>
    %add3A_610 = arith.constant 1.000000e+00 : f32
    %add3A_611 = vector.broadcast %add3A_610 : f32 to vector<16xf32>
    %add3A_612 = arith.addf %add3A_611, %exp3A_609 : vector<16xf32>
    %div3A_613 = arith.constant 1.000000e+00 : f32
    %div3A_614 = vector.broadcast %div3A_613 : f32 to vector<16xf32>
    %div3A_615 = arith.divf %div3A_614, %add3A_612 : vector<16xf32>
    %gt3A_616 = arith.constant 5.000000e-01 : f32
    %gt3A_617 = vector.broadcast %gt3A_616 : f32 to vector<16xf32>
    %gt3A_618 = arith.cmpf ogt, %div3A_615, %gt3A_617 : vector<16xf32>
    %gt3A_619 = arith.constant 0 : i32
    %gt3A_620 = vector.broadcast %gt3A_619 : i32 to vector<16xi32>
    %gt3A_621 = arith.cmpi sgt, %get3A_601, %gt3A_620 : vector<16xi32>
    %or3A_622 = arith.ori %gt3A_618, %gt3A_621 : vector<16xi1>
    %select_n3A_623 = arith.select %or3A_622, %select_n3A_518, %get3A_599 : vector<16xi1>, vector<16xi32>
    %gt3A_624 = arith.constant 0 : i32
    %gt3A_625 = vector.broadcast %gt3A_624 : i32 to vector<16xi32>
    %gt3A_626 = arith.cmpi sgt, %get3A_601, %gt3A_625 : vector<16xi32>
    %jit3A_627 = arith.constant 0.000000e+00 : f32
    %broadcast_in_dim3A_628 = vector.broadcast %jit3A_627 : f32 to vector<16xf32>
    %select_n3A_629 = arith.select %gt3A_626, %broadcast_in_dim3A_628, %div3A_615 : vector<16xi1>, vector<16xf32>
    %add3A_630 = arith.constant 17 : i32
    %add3A_631 = vector.broadcast %add3A_630 : i32 to vector<16xi32>
    %add3A_632 = arith.addi %select_n3A_623, %add3A_631 : vector<16xi32>
    %gather3A_633 = tpu.vector_load_idx %arg14[%add3A_632, %add3A_450] : memref<32x128xf32, #tpu.memory_space<vmem>>[vector<16xi32>, vector<16xi32>], vector<16xf32>,
    %mul3A_634 = arith.constant 16 : i32
    %mul3A_635 = vector.broadcast %mul3A_634 : i32 to vector<16xi32>
    %mul3A_636 = arith.muli %select_n3A_623, %mul3A_635 : vector<16xi32>
    %gather3A_637 = tpu.vector_load_idx %arg13[%add3A_450, %mul3A_636] : memref<128x128xf32, #tpu.memory_space<vmem>>[vector<16xi32>, vector<16xi32>], vector<16xf32>,
    %broadcast_in_dim3A_638 = arith.constant 0 : i32
    %broadcast_in_dim3A_639 = vector.broadcast %broadcast_in_dim3A_638 : i32 to vector<16xi32>
    %add3A_640 = arith.constant 1 : i32
    %add3A_641 = vector.broadcast %add3A_640 : i32 to vector<16xi32>
    %add3A_642 = arith.addi %mul3A_636, %add3A_641 : vector<16xi32>
    %gather3A_643 = tpu.vector_load_idx %arg13[%add3A_450, %add3A_642] : memref<128x128xf32, #tpu.memory_space<vmem>>[vector<16xi32>, vector<16xi32>], vector<16xf32>,
    %gt3A_644 = arith.cmpf ogt, %gather3A_643, %gather3A_637 : vector<16xf32>
    %jit3A_645 = arith.constant 1 : i32
    %broadcast_in_dim3A_646 = vector.broadcast %jit3A_645 : i32 to vector<16xi32>
    %select_n3A_647 = arith.select %gt3A_644, %broadcast_in_dim3A_646, %broadcast_in_dim3A_639 : vector<16xi1>, vector<16xi32>
    %select_n3A_648 = arith.select %gt3A_644, %gather3A_643, %gather3A_637 : vector<16xi1>, vector<16xf32>
    %add3A_649 = arith.constant 2 : i32
    %add3A_650 = vector.broadcast %add3A_649 : i32 to vector<16xi32>
    %add3A_651 = arith.addi %mul3A_636, %add3A_650 : vector<16xi32>
    %gather3A_652 = tpu.vector_load_idx %arg13[%add3A_450, %add3A_651] : memref<128x128xf32, #tpu.memory_space<vmem>>[vector<16xi32>, vector<16xi32>], vector<16xf32>,
    %gt3A_653 = arith.cmpf ogt, %gather3A_652, %select_n3A_648 : vector<16xf32>
    %jit3A_654 = arith.constant 2 : i32
    %broadcast_in_dim3A_655 = vector.broadcast %jit3A_654 : i32 to vector<16xi32>
    %select_n3A_656 = arith.select %gt3A_653, %broadcast_in_dim3A_655, %select_n3A_647 : vector<16xi1>, vector<16xi32>
    %select_n3A_657 = arith.select %gt3A_653, %gather3A_652, %select_n3A_648 : vector<16xi1>, vector<16xf32>
    %add3A_658 = arith.constant 3 : i32
    %add3A_659 = vector.broadcast %add3A_658 : i32 to vector<16xi32>
    %add3A_660 = arith.addi %mul3A_636, %add3A_659 : vector<16xi32>
    %gather3A_661 = tpu.vector_load_idx %arg13[%add3A_450, %add3A_660] : memref<128x128xf32, #tpu.memory_space<vmem>>[vector<16xi32>, vector<16xi32>], vector<16xf32>,
    %gt3A_662 = arith.cmpf ogt, %gather3A_661, %select_n3A_657 : vector<16xf32>
    %jit3A_663 = arith.constant 3 : i32
    %broadcast_in_dim3A_664 = vector.broadcast %jit3A_663 : i32 to vector<16xi32>
    %select_n3A_665 = arith.select %gt3A_662, %broadcast_in_dim3A_664, %select_n3A_656 : vector<16xi1>, vector<16xi32>
    %select_n3A_666 = arith.select %gt3A_662, %gather3A_661, %select_n3A_657 : vector<16xi1>, vector<16xf32>
    %add3A_667 = arith.constant 4 : i32
    %add3A_668 = vector.broadcast %add3A_667 : i32 to vector<16xi32>
    %add3A_669 = arith.addi %mul3A_636, %add3A_668 : vector<16xi32>
    %gather3A_670 = tpu.vector_load_idx %arg13[%add3A_450, %add3A_669] : memref<128x128xf32, #tpu.memory_space<vmem>>[vector<16xi32>, vector<16xi32>], vector<16xf32>,
    %gt3A_671 = arith.cmpf ogt, %gather3A_670, %select_n3A_666 : vector<16xf32>
    %jit3A_672 = arith.constant 4 : i32
    %broadcast_in_dim3A_673 = vector.broadcast %jit3A_672 : i32 to vector<16xi32>
    %select_n3A_674 = arith.select %gt3A_671, %broadcast_in_dim3A_673, %select_n3A_665 : vector<16xi1>, vector<16xi32>
    %select_n3A_675 = arith.select %gt3A_671, %gather3A_670, %select_n3A_666 : vector<16xi1>, vector<16xf32>
    %add3A_676 = arith.constant 5 : i32
    %add3A_677 = vector.broadcast %add3A_676 : i32 to vector<16xi32>
    %add3A_678 = arith.addi %mul3A_636, %add3A_677 : vector<16xi32>
    %gather3A_679 = tpu.vector_load_idx %arg13[%add3A_450, %add3A_678] : memref<128x128xf32, #tpu.memory_space<vmem>>[vector<16xi32>, vector<16xi32>], vector<16xf32>,
    %gt3A_680 = arith.cmpf ogt, %gather3A_679, %select_n3A_675 : vector<16xf32>
    %jit3A_681 = arith.constant 5 : i32
    %broadcast_in_dim3A_682 = vector.broadcast %jit3A_681 : i32 to vector<16xi32>
    %select_n3A_683 = arith.select %gt3A_680, %broadcast_in_dim3A_682, %select_n3A_674 : vector<16xi1>, vector<16xi32>
    %select_n3A_684 = arith.select %gt3A_680, %gather3A_679, %select_n3A_675 : vector<16xi1>, vector<16xf32>
    %add3A_685 = arith.constant 6 : i32
    %add3A_686 = vector.broadcast %add3A_685 : i32 to vector<16xi32>
    %add3A_687 = arith.addi %mul3A_636, %add3A_686 : vector<16xi32>
    %gather3A_688 = tpu.vector_load_idx %arg13[%add3A_450, %add3A_687] : memref<128x128xf32, #tpu.memory_space<vmem>>[vector<16xi32>, vector<16xi32>], vector<16xf32>,
    %gt3A_689 = arith.cmpf ogt, %gather3A_688, %select_n3A_684 : vector<16xf32>
    %jit3A_690 = arith.constant 6 : i32
    %broadcast_in_dim3A_691 = vector.broadcast %jit3A_690 : i32 to vector<16xi32>
    %select_n3A_692 = arith.select %gt3A_689, %broadcast_in_dim3A_691, %select_n3A_683 : vector<16xi1>, vector<16xi32>
    %select_n3A_693 = arith.select %gt3A_689, %gather3A_688, %select_n3A_684 : vector<16xi1>, vector<16xf32>
    %add3A_694 = arith.constant 7 : i32
    %add3A_695 = vector.broadcast %add3A_694 : i32 to vector<16xi32>
    %add3A_696 = arith.addi %mul3A_636, %add3A_695 : vector<16xi32>
    %gather3A_697 = tpu.vector_load_idx %arg13[%add3A_450, %add3A_696] : memref<128x128xf32, #tpu.memory_space<vmem>>[vector<16xi32>, vector<16xi32>], vector<16xf32>,
    %gt3A_698 = arith.cmpf ogt, %gather3A_697, %select_n3A_693 : vector<16xf32>
    %jit3A_699 = arith.constant 7 : i32
    %broadcast_in_dim3A_700 = vector.broadcast %jit3A_699 : i32 to vector<16xi32>
    %select_n3A_701 = arith.select %gt3A_698, %broadcast_in_dim3A_700, %select_n3A_692 : vector<16xi1>, vector<16xi32>
    %select_n3A_702 = arith.select %gt3A_698, %gather3A_697, %select_n3A_693 : vector<16xi1>, vector<16xf32>
    %add3A_703 = arith.constant 8 : i32
    %add3A_704 = vector.broadcast %add3A_703 : i32 to vector<16xi32>
    %add3A_705 = arith.addi %mul3A_636, %add3A_704 : vector<16xi32>
    %gather3A_706 = tpu.vector_load_idx %arg13[%add3A_450, %add3A_705] : memref<128x128xf32, #tpu.memory_space<vmem>>[vector<16xi32>, vector<16xi32>], vector<16xf32>,
    %gt3A_707 = arith.cmpf ogt, %gather3A_706, %select_n3A_702 : vector<16xf32>
    %jit3A_708 = arith.constant 8 : i32
    %broadcast_in_dim3A_709 = vector.broadcast %jit3A_708 : i32 to vector<16xi32>
    %select_n3A_710 = arith.select %gt3A_707, %broadcast_in_dim3A_709, %select_n3A_701 : vector<16xi1>, vector<16xi32>
    %select_n3A_711 = arith.select %gt3A_707, %gather3A_706, %select_n3A_702 : vector<16xi1>, vector<16xf32>
    %add3A_712 = arith.constant 9 : i32
    %add3A_713 = vector.broadcast %add3A_712 : i32 to vector<16xi32>
    %add3A_714 = arith.addi %mul3A_636, %add3A_713 : vector<16xi32>
    %gather3A_715 = tpu.vector_load_idx %arg13[%add3A_450, %add3A_714] : memref<128x128xf32, #tpu.memory_space<vmem>>[vector<16xi32>, vector<16xi32>], vector<16xf32>,
    %gt3A_716 = arith.cmpf ogt, %gather3A_715, %select_n3A_711 : vector<16xf32>
    %jit3A_717 = arith.constant 9 : i32
    %broadcast_in_dim3A_718 = vector.broadcast %jit3A_717 : i32 to vector<16xi32>
    %select_n3A_719 = arith.select %gt3A_716, %broadcast_in_dim3A_718, %select_n3A_710 : vector<16xi1>, vector<16xi32>
    %select_n3A_720 = arith.select %gt3A_716, %gather3A_715, %select_n3A_711 : vector<16xi1>, vector<16xf32>
    %add3A_721 = arith.constant 10 : i32
    %add3A_722 = vector.broadcast %add3A_721 : i32 to vector<16xi32>
    %add3A_723 = arith.addi %mul3A_636, %add3A_722 : vector<16xi32>
    %gather3A_724 = tpu.vector_load_idx %arg13[%add3A_450, %add3A_723] : memref<128x128xf32, #tpu.memory_space<vmem>>[vector<16xi32>, vector<16xi32>], vector<16xf32>,
    %gt3A_725 = arith.cmpf ogt, %gather3A_724, %select_n3A_720 : vector<16xf32>
    %jit3A_726 = arith.constant 10 : i32
    %broadcast_in_dim3A_727 = vector.broadcast %jit3A_726 : i32 to vector<16xi32>
    %select_n3A_728 = arith.select %gt3A_725, %broadcast_in_dim3A_727, %select_n3A_719 : vector<16xi1>, vector<16xi32>
    %select_n3A_729 = arith.select %gt3A_725, %gather3A_724, %select_n3A_720 : vector<16xi1>, vector<16xf32>
    %add3A_730 = arith.constant 11 : i32
    %add3A_731 = vector.broadcast %add3A_730 : i32 to vector<16xi32>
    %add3A_732 = arith.addi %mul3A_636, %add3A_731 : vector<16xi32>
    %gather3A_733 = tpu.vector_load_idx %arg13[%add3A_450, %add3A_732] : memref<128x128xf32, #tpu.memory_space<vmem>>[vector<16xi32>, vector<16xi32>], vector<16xf32>,
    %gt3A_734 = arith.cmpf ogt, %gather3A_733, %select_n3A_729 : vector<16xf32>
    %jit3A_735 = arith.constant 11 : i32
    %broadcast_in_dim3A_736 = vector.broadcast %jit3A_735 : i32 to vector<16xi32>
    %select_n3A_737 = arith.select %gt3A_734, %broadcast_in_dim3A_736, %select_n3A_728 : vector<16xi1>, vector<16xi32>
    %select_n3A_738 = arith.select %gt3A_734, %gather3A_733, %select_n3A_729 : vector<16xi1>, vector<16xf32>
    %add3A_739 = arith.constant 12 : i32
    %add3A_740 = vector.broadcast %add3A_739 : i32 to vector<16xi32>
    %add3A_741 = arith.addi %mul3A_636, %add3A_740 : vector<16xi32>
    %gather3A_742 = tpu.vector_load_idx %arg13[%add3A_450, %add3A_741] : memref<128x128xf32, #tpu.memory_space<vmem>>[vector<16xi32>, vector<16xi32>], vector<16xf32>,
    %gt3A_743 = arith.cmpf ogt, %gather3A_742, %select_n3A_738 : vector<16xf32>
    %jit3A_744 = arith.constant 12 : i32
    %broadcast_in_dim3A_745 = vector.broadcast %jit3A_744 : i32 to vector<16xi32>
    %select_n3A_746 = arith.select %gt3A_743, %broadcast_in_dim3A_745, %select_n3A_737 : vector<16xi1>, vector<16xi32>
    %select_n3A_747 = arith.select %gt3A_743, %gather3A_742, %select_n3A_738 : vector<16xi1>, vector<16xf32>
    %add3A_748 = arith.constant 13 : i32
    %add3A_749 = vector.broadcast %add3A_748 : i32 to vector<16xi32>
    %add3A_750 = arith.addi %mul3A_636, %add3A_749 : vector<16xi32>
    %gather3A_751 = tpu.vector_load_idx %arg13[%add3A_450, %add3A_750] : memref<128x128xf32, #tpu.memory_space<vmem>>[vector<16xi32>, vector<16xi32>], vector<16xf32>,
    %gt3A_752 = arith.cmpf ogt, %gather3A_751, %select_n3A_747 : vector<16xf32>
    %jit3A_753 = arith.constant 13 : i32
    %broadcast_in_dim3A_754 = vector.broadcast %jit3A_753 : i32 to vector<16xi32>
    %select_n3A_755 = arith.select %gt3A_752, %broadcast_in_dim3A_754, %select_n3A_746 : vector<16xi1>, vector<16xi32>
    %select_n3A_756 = arith.select %gt3A_752, %gather3A_751, %select_n3A_747 : vector<16xi1>, vector<16xf32>
    %add3A_757 = arith.constant 14 : i32
    %add3A_758 = vector.broadcast %add3A_757 : i32 to vector<16xi32>
    %add3A_759 = arith.addi %mul3A_636, %add3A_758 : vector<16xi32>
    %gather3A_760 = tpu.vector_load_idx %arg13[%add3A_450, %add3A_759] : memref<128x128xf32, #tpu.memory_space<vmem>>[vector<16xi32>, vector<16xi32>], vector<16xf32>,
    %gt3A_761 = arith.cmpf ogt, %gather3A_760, %select_n3A_756 : vector<16xf32>
    %jit3A_762 = arith.constant 14 : i32
    %broadcast_in_dim3A_763 = vector.broadcast %jit3A_762 : i32 to vector<16xi32>
    %select_n3A_764 = arith.select %gt3A_761, %broadcast_in_dim3A_763, %select_n3A_755 : vector<16xi1>, vector<16xi32>
    %select_n3A_765 = arith.select %gt3A_761, %gather3A_760, %select_n3A_756 : vector<16xi1>, vector<16xf32>
    %add3A_766 = arith.constant 15 : i32
    %add3A_767 = vector.broadcast %add3A_766 : i32 to vector<16xi32>
    %add3A_768 = arith.addi %mul3A_636, %add3A_767 : vector<16xi32>
    %gather3A_769 = tpu.vector_load_idx %arg13[%add3A_450, %add3A_768] : memref<128x128xf32, #tpu.memory_space<vmem>>[vector<16xi32>, vector<16xi32>], vector<16xf32>,
    %gt3A_770 = arith.cmpf ogt, %gather3A_769, %select_n3A_765 : vector<16xf32>
    %jit3A_771 = arith.constant 15 : i32
    %broadcast_in_dim3A_772 = vector.broadcast %jit3A_771 : i32 to vector<16xi32>
    %select_n3A_773 = arith.select %gt3A_770, %broadcast_in_dim3A_772, %select_n3A_764 : vector<16xi1>, vector<16xi32>
    %select_n3A_774 = arith.select %gt3A_770, %gather3A_769, %select_n3A_765 : vector<16xi1>, vector<16xf32>
    %broadcast_in_dim3A_775 = arith.constant 0.000000e+00 : f32
    %broadcast_in_dim3A_776 = vector.broadcast %broadcast_in_dim3A_775 : f32 to vector<16xf32>
    %sub3A_777 = arith.subf %gather3A_637, %select_n3A_774 : vector<16xf32>
    %exp3A_778 = math.exp %sub3A_777 : vector<16xf32>
    %add3A_779 = arith.addf %broadcast_in_dim3A_776, %exp3A_778 : vector<16xf32>
    %sub3A_780 = arith.subf %gather3A_643, %select_n3A_774 : vector<16xf32>
    %exp3A_781 = math.exp %sub3A_780 : vector<16xf32>
    %add3A_782 = arith.addf %add3A_779, %exp3A_781 : vector<16xf32>
    %sub3A_783 = arith.subf %gather3A_652, %select_n3A_774 : vector<16xf32>
    %exp3A_784 = math.exp %sub3A_783 : vector<16xf32>
    %add3A_785 = arith.addf %add3A_782, %exp3A_784 : vector<16xf32>
    %sub3A_786 = arith.subf %gather3A_661, %select_n3A_774 : vector<16xf32>
    %exp3A_787 = math.exp %sub3A_786 : vector<16xf32>
    %add3A_788 = arith.addf %add3A_785, %exp3A_787 : vector<16xf32>
    %sub3A_789 = arith.subf %gather3A_670, %select_n3A_774 : vector<16xf32>
    %exp3A_790 = math.exp %sub3A_789 : vector<16xf32>
    %add3A_791 = arith.addf %add3A_788, %exp3A_790 : vector<16xf32>
    %sub3A_792 = arith.subf %gather3A_679, %select_n3A_774 : vector<16xf32>
    %exp3A_793 = math.exp %sub3A_792 : vector<16xf32>
    %add3A_794 = arith.addf %add3A_791, %exp3A_793 : vector<16xf32>
    %sub3A_795 = arith.subf %gather3A_688, %select_n3A_774 : vector<16xf32>
    %exp3A_796 = math.exp %sub3A_795 : vector<16xf32>
    %add3A_797 = arith.addf %add3A_794, %exp3A_796 : vector<16xf32>
    %sub3A_798 = arith.subf %gather3A_697, %select_n3A_774 : vector<16xf32>
    %exp3A_799 = math.exp %sub3A_798 : vector<16xf32>
    %add3A_800 = arith.addf %add3A_797, %exp3A_799 : vector<16xf32>
    %sub3A_801 = arith.subf %gather3A_706, %select_n3A_774 : vector<16xf32>
    %exp3A_802 = math.exp %sub3A_801 : vector<16xf32>
    %add3A_803 = arith.addf %add3A_800, %exp3A_802 : vector<16xf32>
    %sub3A_804 = arith.subf %gather3A_715, %select_n3A_774 : vector<16xf32>
    %exp3A_805 = math.exp %sub3A_804 : vector<16xf32>
    %add3A_806 = arith.addf %add3A_803, %exp3A_805 : vector<16xf32>
    %sub3A_807 = arith.subf %gather3A_724, %select_n3A_774 : vector<16xf32>
    %exp3A_808 = math.exp %sub3A_807 : vector<16xf32>
    %add3A_809 = arith.addf %add3A_806, %exp3A_808 : vector<16xf32>
    %sub3A_810 = arith.subf %gather3A_733, %select_n3A_774 : vector<16xf32>
    %exp3A_811 = math.exp %sub3A_810 : vector<16xf32>
    %add3A_812 = arith.addf %add3A_809, %exp3A_811 : vector<16xf32>
    %sub3A_813 = arith.subf %gather3A_742, %select_n3A_774 : vector<16xf32>
    %exp3A_814 = math.exp %sub3A_813 : vector<16xf32>
    %add3A_815 = arith.addf %add3A_812, %exp3A_814 : vector<16xf32>
    %sub3A_816 = arith.subf %gather3A_751, %select_n3A_774 : vector<16xf32>
    %exp3A_817 = math.exp %sub3A_816 : vector<16xf32>
    %add3A_818 = arith.addf %add3A_815, %exp3A_817 : vector<16xf32>
    %sub3A_819 = arith.subf %gather3A_760, %select_n3A_774 : vector<16xf32>
    %exp3A_820 = math.exp %sub3A_819 : vector<16xf32>
    %add3A_821 = arith.addf %add3A_818, %exp3A_820 : vector<16xf32>
    %sub3A_822 = arith.subf %gather3A_769, %select_n3A_774 : vector<16xf32>
    %exp3A_823 = math.exp %sub3A_822 : vector<16xf32>
    %add3A_824 = arith.addf %add3A_821, %exp3A_823 : vector<16xf32>
    %bitcast_convert_type3A_825 = tpu.bitcast %add3A_824 : vector<16xf32> -> vector<16xi32>
    %shift_right_arithmetic3A_826 = arith.constant 23 : i32
    %shift_right_arithmetic3A_827 = vector.broadcast %shift_right_arithmetic3A_826 : i32 to vector<16xi32>
    %shift_right_arithmetic3A_828 = arith.shrsi %bitcast_convert_type3A_825, %shift_right_arithmetic3A_827 : vector<16xi32>
    %sub3A_829 = arith.constant 127 : i32
    %sub3A_830 = vector.broadcast %sub3A_829 : i32 to vector<16xi32>
    %sub3A_831 = arith.subi %shift_right_arithmetic3A_828, %sub3A_830 : vector<16xi32>
    %and3A_832 = arith.constant 8388607 : i32
    %and3A_833 = vector.broadcast %and3A_832 : i32 to vector<16xi32>
    %and3A_834 = arith.andi %bitcast_convert_type3A_825, %and3A_833 : vector<16xi32>
    %or3A_835 = arith.constant 1065353216 : i32
    %or3A_836 = vector.broadcast %or3A_835 : i32 to vector<16xi32>
    %or3A_837 = arith.ori %and3A_834, %or3A_836 : vector<16xi32>
    %bitcast_convert_type3A_838 = tpu.bitcast %or3A_837 : vector<16xi32> -> vector<16xf32>
    %sub3A_839 = arith.constant 1.000000e+00 : f32
    %sub3A_840 = vector.broadcast %sub3A_839 : f32 to vector<16xf32>
    %sub3A_841 = arith.subf %bitcast_convert_type3A_838, %sub3A_840 : vector<16xf32>
    %add3A_842 = arith.constant 1.000000e+00 : f32
    %add3A_843 = vector.broadcast %add3A_842 : f32 to vector<16xf32>
    %add3A_844 = arith.addf %bitcast_convert_type3A_838, %add3A_843 : vector<16xf32>
    %div3A_845 = arith.divf %sub3A_841, %add3A_844 : vector<16xf32>
    %mul3A_846 = arith.mulf %div3A_845, %div3A_845 : vector<16xf32>
    %mul3A_847 = arith.constant 2.000000e+00 : f32
    %mul3A_848 = vector.broadcast %mul3A_847 : f32 to vector<16xf32>
    %mul3A_849 = arith.mulf %mul3A_848, %div3A_845 : vector<16xf32>
    %mul3A_850 = arith.constant 0.142857149 : f32
    %mul3A_851 = vector.broadcast %mul3A_850 : f32 to vector<16xf32>
    %mul3A_852 = arith.mulf %mul3A_846, %mul3A_851 : vector<16xf32>
    %add3A_853 = arith.constant 2.000000e-01 : f32
    %add3A_854 = vector.broadcast %add3A_853 : f32 to vector<16xf32>
    %add3A_855 = arith.addf %add3A_854, %mul3A_852 : vector<16xf32>
    %mul3A_856 = arith.mulf %mul3A_846, %add3A_855 : vector<16xf32>
    %add3A_857 = arith.constant 0.333333343 : f32
    %add3A_858 = vector.broadcast %add3A_857 : f32 to vector<16xf32>
    %add3A_859 = arith.addf %add3A_858, %mul3A_856 : vector<16xf32>
    %mul3A_860 = arith.mulf %mul3A_846, %add3A_859 : vector<16xf32>
    %add3A_861 = arith.constant 1.000000e+00 : f32
    %add3A_862 = vector.broadcast %add3A_861 : f32 to vector<16xf32>
    %add3A_863 = arith.addf %add3A_862, %mul3A_860 : vector<16xf32>
    %mul3A_864 = arith.mulf %mul3A_849, %add3A_863 : vector<16xf32>
    %convert_element_type3A_865 = arith.sitofp %sub3A_831 : vector<16xi32> to vector<16xf32>
    %mul3A_866 = arith.constant 0.693147182 : f32
    %mul3A_867 = vector.broadcast %mul3A_866 : f32 to vector<16xf32>
    %mul3A_868 = arith.mulf %convert_element_type3A_865, %mul3A_867 : vector<16xf32>
    %add3A_869 = arith.addf %mul3A_868, %mul3A_864 : vector<16xf32>
    %neg3A_870 = arith.constant 0.000000e+00 : f32
    %neg3A_871 = vector.broadcast %neg3A_870 : f32 to vector<16xf32>
    %neg3A_872 = arith.subf %neg3A_871, %add3A_869 : vector<16xf32>
    %swap3A_873 = arith.constant 16 : index
    %swap3A_874 = tpu.vector_load %arg17[%swap3A_873] {strides = array<i32>} : memref<128xi32, #tpu.memory_space<vmem>>, vector<16xi32>,
    tpu.vector_store %arg17[%swap3A_873], %select_n3A_773 {strides = array<i32>} : memref<128xi32, #tpu.memory_space<vmem>>, vector<16xi32>,
    %swap3A_875 = arith.constant 16 : index
    %swap3A_876 = tpu.vector_load %arg18[%swap3A_875] {strides = array<i32>} : memref<128xf32, #tpu.memory_space<vmem>>, vector<16xf32>,
    tpu.vector_store %arg18[%swap3A_875], %gather3A_633 {strides = array<i32>} : memref<128xf32, #tpu.memory_space<vmem>>, vector<16xf32>,
    %swap3A_877 = arith.constant 16 : index
    %swap3A_878 = tpu.vector_load %arg19[%swap3A_877] {strides = array<i32>} : memref<128xf32, #tpu.memory_space<vmem>>, vector<16xf32>,
    tpu.vector_store %arg19[%swap3A_877], %neg3A_872 {strides = array<i32>} : memref<128xf32, #tpu.memory_space<vmem>>, vector<16xf32>,
    %swap3A_879 = arith.constant 16 : index
    %swap3A_880 = tpu.vector_load %arg20[%swap3A_879] {strides = array<i32>} : memref<128xi32, #tpu.memory_space<vmem>>, vector<16xi32>,
    tpu.vector_store %arg20[%swap3A_879], %select_n3A_623 {strides = array<i32>} : memref<128xi32, #tpu.memory_space<vmem>>, vector<16xi32>,
    %swap3A_881 = arith.constant 16 : index
    %swap3A_882 = tpu.vector_load %arg21[%swap3A_881] {strides = array<i32>} : memref<128xf32, #tpu.memory_space<vmem>>, vector<16xf32>,
    tpu.vector_store %arg21[%swap3A_881], %get3A_597 {strides = array<i32>} : memref<128xf32, #tpu.memory_space<vmem>>, vector<16xf32>,
    %swap3A_883 = arith.constant 16 : index
    %swap3A_884 = tpu.vector_load %arg22[%swap3A_883] {strides = array<i32>} : memref<128xf32, #tpu.memory_space<vmem>>, vector<16xf32>,
    tpu.vector_store %arg22[%swap3A_883], %neg3A_593 {strides = array<i32>} : memref<128xf32, #tpu.memory_space<vmem>>, vector<16xf32>,
    %swap3A_885 = arith.constant 16 : index
    %swap3A_886 = tpu.vector_load %arg23[%swap3A_885] {strides = array<i32>} : memref<128xf32, #tpu.memory_space<vmem>>, vector<16xf32>,
    tpu.vector_store %arg23[%swap3A_885], %select_n3A_629 {strides = array<i32>} : memref<128xf32, #tpu.memory_space<vmem>>, vector<16xf32>,
    %add3A_887 = arith.constant 32 : i32
    %add3A_888 = vector.broadcast %add3A_887 : i32 to vector<16xi32>
    %add3A_889 = arith.addi %iota3A, %add3A_888 : vector<16xi32>
    %get3A_890 = arith.constant 0 : i32
    %get3A_891 = arith.index_cast %get3A_890 : i32 to index
    %get3A_892 = arith.constant 32 : index
    %get3A_893 = tpu.vector_load %arg14[%get3A_891, %get3A_892] {strides = array<i32>} : memref<32x128xf32, #tpu.memory_space<vmem>>, vector<16xf32>,
    %broadcast_in_dim3A_894 = arith.constant 0 : i32
    %broadcast_in_dim3A_895 = vector.broadcast %broadcast_in_dim3A_894 : i32 to vector<16xi32>
    %get3A_896 = arith.constant 1 : i32
    %get3A_897 = arith.index_cast %get3A_896 : i32 to index
    %get3A_898 = arith.constant 32 : index
    %get3A_899 = tpu.vector_load %arg14[%get3A_897, %get3A_898] {strides = array<i32>} : memref<32x128xf32, #tpu.memory_space<vmem>>, vector<16xf32>,
    %gt3A_900 = arith.cmpf ogt, %get3A_899, %get3A_893 : vector<16xf32>
    %jit3A_901 = arith.constant 1 : i32
    %broadcast_in_dim3A_902 = vector.broadcast %jit3A_901 : i32 to vector<16xi32>
    %select_n3A_903 = arith.select %gt3A_900, %broadcast_in_dim3A_902, %broadcast_in_dim3A_895 : vector<16xi1>, vector<16xi32>
    %select_n3A_904 = arith.select %gt3A_900, %get3A_899, %get3A_893 : vector<16xi1>, vector<16xf32>
    %get3A_905 = arith.constant 2 : i32
    %get3A_906 = arith.index_cast %get3A_905 : i32 to index
    %get3A_907 = arith.constant 32 : index
    %get3A_908 = tpu.vector_load %arg14[%get3A_906, %get3A_907] {strides = array<i32>} : memref<32x128xf32, #tpu.memory_space<vmem>>, vector<16xf32>,
    %gt3A_909 = arith.cmpf ogt, %get3A_908, %select_n3A_904 : vector<16xf32>
    %jit3A_910 = arith.constant 2 : i32
    %broadcast_in_dim3A_911 = vector.broadcast %jit3A_910 : i32 to vector<16xi32>
    %select_n3A_912 = arith.select %gt3A_909, %broadcast_in_dim3A_911, %select_n3A_903 : vector<16xi1>, vector<16xi32>
    %select_n3A_913 = arith.select %gt3A_909, %get3A_908, %select_n3A_904 : vector<16xi1>, vector<16xf32>
    %get3A_914 = arith.constant 3 : i32
    %get3A_915 = arith.index_cast %get3A_914 : i32 to index
    %get3A_916 = arith.constant 32 : index
    %get3A_917 = tpu.vector_load %arg14[%get3A_915, %get3A_916] {strides = array<i32>} : memref<32x128xf32, #tpu.memory_space<vmem>>, vector<16xf32>,
    %gt3A_918 = arith.cmpf ogt, %get3A_917, %select_n3A_913 : vector<16xf32>
    %jit3A_919 = arith.constant 3 : i32
    %broadcast_in_dim3A_920 = vector.broadcast %jit3A_919 : i32 to vector<16xi32>
    %select_n3A_921 = arith.select %gt3A_918, %broadcast_in_dim3A_920, %select_n3A_912 : vector<16xi1>, vector<16xi32>
    %select_n3A_922 = arith.select %gt3A_918, %get3A_917, %select_n3A_913 : vector<16xi1>, vector<16xf32>
    %get3A_923 = arith.constant 4 : i32
    %get3A_924 = arith.index_cast %get3A_923 : i32 to index
    %get3A_925 = arith.constant 32 : index
    %get3A_926 = tpu.vector_load %arg14[%get3A_924, %get3A_925] {strides = array<i32>} : memref<32x128xf32, #tpu.memory_space<vmem>>, vector<16xf32>,
    %gt3A_927 = arith.cmpf ogt, %get3A_926, %select_n3A_922 : vector<16xf32>
    %jit3A_928 = arith.constant 4 : i32
    %broadcast_in_dim3A_929 = vector.broadcast %jit3A_928 : i32 to vector<16xi32>
    %select_n3A_930 = arith.select %gt3A_927, %broadcast_in_dim3A_929, %select_n3A_921 : vector<16xi1>, vector<16xi32>
    %select_n3A_931 = arith.select %gt3A_927, %get3A_926, %select_n3A_922 : vector<16xi1>, vector<16xf32>
    %get3A_932 = arith.constant 5 : i32
    %get3A_933 = arith.index_cast %get3A_932 : i32 to index
    %get3A_934 = arith.constant 32 : index
    %get3A_935 = tpu.vector_load %arg14[%get3A_933, %get3A_934] {strides = array<i32>} : memref<32x128xf32, #tpu.memory_space<vmem>>, vector<16xf32>,
    %gt3A_936 = arith.cmpf ogt, %get3A_935, %select_n3A_931 : vector<16xf32>
    %jit3A_937 = arith.constant 5 : i32
    %broadcast_in_dim3A_938 = vector.broadcast %jit3A_937 : i32 to vector<16xi32>
    %select_n3A_939 = arith.select %gt3A_936, %broadcast_in_dim3A_938, %select_n3A_930 : vector<16xi1>, vector<16xi32>
    %select_n3A_940 = arith.select %gt3A_936, %get3A_935, %select_n3A_931 : vector<16xi1>, vector<16xf32>
    %get3A_941 = arith.constant 6 : i32
    %get3A_942 = arith.index_cast %get3A_941 : i32 to index
    %get3A_943 = arith.constant 32 : index
    %get3A_944 = tpu.vector_load %arg14[%get3A_942, %get3A_943] {strides = array<i32>} : memref<32x128xf32, #tpu.memory_space<vmem>>, vector<16xf32>,
    %gt3A_945 = arith.cmpf ogt, %get3A_944, %select_n3A_940 : vector<16xf32>
    %jit3A_946 = arith.constant 6 : i32
    %broadcast_in_dim3A_947 = vector.broadcast %jit3A_946 : i32 to vector<16xi32>
    %select_n3A_948 = arith.select %gt3A_945, %broadcast_in_dim3A_947, %select_n3A_939 : vector<16xi1>, vector<16xi32>
    %select_n3A_949 = arith.select %gt3A_945, %get3A_944, %select_n3A_940 : vector<16xi1>, vector<16xf32>
    %get3A_950 = arith.constant 7 : i32
    %get3A_951 = arith.index_cast %get3A_950 : i32 to index
    %get3A_952 = arith.constant 32 : index
    %get3A_953 = tpu.vector_load %arg14[%get3A_951, %get3A_952] {strides = array<i32>} : memref<32x128xf32, #tpu.memory_space<vmem>>, vector<16xf32>,
    %gt3A_954 = arith.cmpf ogt, %get3A_953, %select_n3A_949 : vector<16xf32>
    %jit3A_955 = arith.constant 7 : i32
    %broadcast_in_dim3A_956 = vector.broadcast %jit3A_955 : i32 to vector<16xi32>
    %select_n3A_957 = arith.select %gt3A_954, %broadcast_in_dim3A_956, %select_n3A_948 : vector<16xi1>, vector<16xi32>
    %select_n3A_958 = arith.select %gt3A_954, %get3A_953, %select_n3A_949 : vector<16xi1>, vector<16xf32>
    %broadcast_in_dim3A_959 = arith.constant 0.000000e+00 : f32
    %broadcast_in_dim3A_960 = vector.broadcast %broadcast_in_dim3A_959 : f32 to vector<16xf32>
    %sub3A_961 = arith.subf %get3A_893, %select_n3A_958 : vector<16xf32>
    %exp3A_962 = math.exp %sub3A_961 : vector<16xf32>
    %add3A_963 = arith.addf %broadcast_in_dim3A_960, %exp3A_962 : vector<16xf32>
    %sub3A_964 = arith.subf %get3A_899, %select_n3A_958 : vector<16xf32>
    %exp3A_965 = math.exp %sub3A_964 : vector<16xf32>
    %add3A_966 = arith.addf %add3A_963, %exp3A_965 : vector<16xf32>
    %sub3A_967 = arith.subf %get3A_908, %select_n3A_958 : vector<16xf32>
    %exp3A_968 = math.exp %sub3A_967 : vector<16xf32>
    %add3A_969 = arith.addf %add3A_966, %exp3A_968 : vector<16xf32>
    %sub3A_970 = arith.subf %get3A_917, %select_n3A_958 : vector<16xf32>
    %exp3A_971 = math.exp %sub3A_970 : vector<16xf32>
    %add3A_972 = arith.addf %add3A_969, %exp3A_971 : vector<16xf32>
    %sub3A_973 = arith.subf %get3A_926, %select_n3A_958 : vector<16xf32>
    %exp3A_974 = math.exp %sub3A_973 : vector<16xf32>
    %add3A_975 = arith.addf %add3A_972, %exp3A_974 : vector<16xf32>
    %sub3A_976 = arith.subf %get3A_935, %select_n3A_958 : vector<16xf32>
    %exp3A_977 = math.exp %sub3A_976 : vector<16xf32>
    %add3A_978 = arith.addf %add3A_975, %exp3A_977 : vector<16xf32>
    %sub3A_979 = arith.subf %get3A_944, %select_n3A_958 : vector<16xf32>
    %exp3A_980 = math.exp %sub3A_979 : vector<16xf32>
    %add3A_981 = arith.addf %add3A_978, %exp3A_980 : vector<16xf32>
    %sub3A_982 = arith.subf %get3A_953, %select_n3A_958 : vector<16xf32>
    %exp3A_983 = math.exp %sub3A_982 : vector<16xf32>
    %add3A_984 = arith.addf %add3A_981, %exp3A_983 : vector<16xf32>
    %bitcast_convert_type3A_985 = tpu.bitcast %add3A_984 : vector<16xf32> -> vector<16xi32>
    %shift_right_arithmetic3A_986 = arith.constant 23 : i32
    %shift_right_arithmetic3A_987 = vector.broadcast %shift_right_arithmetic3A_986 : i32 to vector<16xi32>
    %shift_right_arithmetic3A_988 = arith.shrsi %bitcast_convert_type3A_985, %shift_right_arithmetic3A_987 : vector<16xi32>
    %sub3A_989 = arith.constant 127 : i32
    %sub3A_990 = vector.broadcast %sub3A_989 : i32 to vector<16xi32>
    %sub3A_991 = arith.subi %shift_right_arithmetic3A_988, %sub3A_990 : vector<16xi32>
    %and3A_992 = arith.constant 8388607 : i32
    %and3A_993 = vector.broadcast %and3A_992 : i32 to vector<16xi32>
    %and3A_994 = arith.andi %bitcast_convert_type3A_985, %and3A_993 : vector<16xi32>
    %or3A_995 = arith.constant 1065353216 : i32
    %or3A_996 = vector.broadcast %or3A_995 : i32 to vector<16xi32>
    %or3A_997 = arith.ori %and3A_994, %or3A_996 : vector<16xi32>
    %bitcast_convert_type3A_998 = tpu.bitcast %or3A_997 : vector<16xi32> -> vector<16xf32>
    %sub3A_999 = arith.constant 1.000000e+00 : f32
    %sub3A_1000 = vector.broadcast %sub3A_999 : f32 to vector<16xf32>
    %sub3A_1001 = arith.subf %bitcast_convert_type3A_998, %sub3A_1000 : vector<16xf32>
    %add3A_1002 = arith.constant 1.000000e+00 : f32
    %add3A_1003 = vector.broadcast %add3A_1002 : f32 to vector<16xf32>
    %add3A_1004 = arith.addf %bitcast_convert_type3A_998, %add3A_1003 : vector<16xf32>
    %div3A_1005 = arith.divf %sub3A_1001, %add3A_1004 : vector<16xf32>
    %mul3A_1006 = arith.mulf %div3A_1005, %div3A_1005 : vector<16xf32>
    %mul3A_1007 = arith.constant 2.000000e+00 : f32
    %mul3A_1008 = vector.broadcast %mul3A_1007 : f32 to vector<16xf32>
    %mul3A_1009 = arith.mulf %mul3A_1008, %div3A_1005 : vector<16xf32>
    %mul3A_1010 = arith.constant 0.142857149 : f32
    %mul3A_1011 = vector.broadcast %mul3A_1010 : f32 to vector<16xf32>
    %mul3A_1012 = arith.mulf %mul3A_1006, %mul3A_1011 : vector<16xf32>
    %add3A_1013 = arith.constant 2.000000e-01 : f32
    %add3A_1014 = vector.broadcast %add3A_1013 : f32 to vector<16xf32>
    %add3A_1015 = arith.addf %add3A_1014, %mul3A_1012 : vector<16xf32>
    %mul3A_1016 = arith.mulf %mul3A_1006, %add3A_1015 : vector<16xf32>
    %add3A_1017 = arith.constant 0.333333343 : f32
    %add3A_1018 = vector.broadcast %add3A_1017 : f32 to vector<16xf32>
    %add3A_1019 = arith.addf %add3A_1018, %mul3A_1016 : vector<16xf32>
    %mul3A_1020 = arith.mulf %mul3A_1006, %add3A_1019 : vector<16xf32>
    %add3A_1021 = arith.constant 1.000000e+00 : f32
    %add3A_1022 = vector.broadcast %add3A_1021 : f32 to vector<16xf32>
    %add3A_1023 = arith.addf %add3A_1022, %mul3A_1020 : vector<16xf32>
    %mul3A_1024 = arith.mulf %mul3A_1009, %add3A_1023 : vector<16xf32>
    %convert_element_type3A_1025 = arith.sitofp %sub3A_991 : vector<16xi32> to vector<16xf32>
    %mul3A_1026 = arith.constant 0.693147182 : f32
    %mul3A_1027 = vector.broadcast %mul3A_1026 : f32 to vector<16xf32>
    %mul3A_1028 = arith.mulf %convert_element_type3A_1025, %mul3A_1027 : vector<16xf32>
    %add3A_1029 = arith.addf %mul3A_1028, %mul3A_1024 : vector<16xf32>
    %neg3A_1030 = arith.constant 0.000000e+00 : f32
    %neg3A_1031 = vector.broadcast %neg3A_1030 : f32 to vector<16xf32>
    %neg3A_1032 = arith.subf %neg3A_1031, %add3A_1029 : vector<16xf32>
    %get3A_1033 = arith.constant 8 : i32
    %get3A_1034 = arith.index_cast %get3A_1033 : i32 to index
    %get3A_1035 = arith.constant 32 : index
    %get3A_1036 = tpu.vector_load %arg14[%get3A_1034, %get3A_1035] {strides = array<i32>} : memref<32x128xf32, #tpu.memory_space<vmem>>, vector<16xf32>,
    %get3A_1037 = arith.constant 32 : index
    %get3A_1038 = tpu.vector_load %arg15[%get3A_1037] {strides = array<i32>} : memref<128xi32, #tpu.memory_space<vmem>>, vector<16xi32>,
    %get3A_1039 = arith.constant 32 : index
    %get3A_1040 = tpu.vector_load %arg16[%get3A_1039] {strides = array<i32>} : memref<128xi32, #tpu.memory_space<vmem>>, vector<16xi32>,
    %add3A_1041 = arith.constant 9 : i32
    %add3A_1042 = vector.broadcast %add3A_1041 : i32 to vector<16xi32>
    %add3A_1043 = arith.addi %get3A_1038, %add3A_1042 : vector<16xi32>
    %gather3A_1044 = tpu.vector_load_idx %arg14[%add3A_1043, %add3A_889] : memref<32x128xf32, #tpu.memory_space<vmem>>[vector<16xi32>, vector<16xi32>], vector<16xf32>,
    %neg3A_1045 = arith.constant 0.000000e+00 : f32
    %neg3A_1046 = vector.broadcast %neg3A_1045 : f32 to vector<16xf32>
    %neg3A_1047 = arith.subf %neg3A_1046, %gather3A_1044 : vector<16xf32>
    %exp3A_1048 = math.exp %neg3A_1047 : vector<16xf32>
    %add3A_1049 = arith.constant 1.000000e+00 : f32
    %add3A_1050 = vector.broadcast %add3A_1049 : f32 to vector<16xf32>
    %add3A_1051 = arith.addf %add3A_1050, %exp3A_1048 : vector<16xf32>
    %div3A_1052 = arith.constant 1.000000e+00 : f32
    %div3A_1053 = vector.broadcast %div3A_1052 : f32 to vector<16xf32>
    %div3A_1054 = arith.divf %div3A_1053, %add3A_1051 : vector<16xf32>
    %gt3A_1055 = arith.constant 5.000000e-01 : f32
    %gt3A_1056 = vector.broadcast %gt3A_1055 : f32 to vector<16xf32>
    %gt3A_1057 = arith.cmpf ogt, %div3A_1054, %gt3A_1056 : vector<16xf32>
    %gt3A_1058 = arith.constant 0 : i32
    %gt3A_1059 = vector.broadcast %gt3A_1058 : i32 to vector<16xi32>
    %gt3A_1060 = arith.cmpi sgt, %get3A_1040, %gt3A_1059 : vector<16xi32>
    %or3A_1061 = arith.ori %gt3A_1057, %gt3A_1060 : vector<16xi1>
    %select_n3A_1062 = arith.select %or3A_1061, %select_n3A_957, %get3A_1038 : vector<16xi1>, vector<16xi32>
    %gt3A_1063 = arith.constant 0 : i32
    %gt3A_1064 = vector.broadcast %gt3A_1063 : i32 to vector<16xi32>
    %gt3A_1065 = arith.cmpi sgt, %get3A_1040, %gt3A_1064 : vector<16xi32>
    %jit3A_1066 = arith.constant 0.000000e+00 : f32
    %broadcast_in_dim3A_1067 = vector.broadcast %jit3A_1066 : f32 to vector<16xf32>
    %select_n3A_1068 = arith.select %gt3A_1065, %broadcast_in_dim3A_1067, %div3A_1054 : vector<16xi1>, vector<16xf32>
    %add3A_1069 = arith.constant 17 : i32
    %add3A_1070 = vector.broadcast %add3A_1069 : i32 to vector<16xi32>
    %add3A_1071 = arith.addi %select_n3A_1062, %add3A_1070 : vector<16xi32>
    %gather3A_1072 = tpu.vector_load_idx %arg14[%add3A_1071, %add3A_889] : memref<32x128xf32, #tpu.memory_space<vmem>>[vector<16xi32>, vector<16xi32>], vector<16xf32>,
    %mul3A_1073 = arith.constant 16 : i32
    %mul3A_1074 = vector.broadcast %mul3A_1073 : i32 to vector<16xi32>
    %mul3A_1075 = arith.muli %select_n3A_1062, %mul3A_1074 : vector<16xi32>
    %gather3A_1076 = tpu.vector_load_idx %arg13[%add3A_889, %mul3A_1075] : memref<128x128xf32, #tpu.memory_space<vmem>>[vector<16xi32>, vector<16xi32>], vector<16xf32>,
    %broadcast_in_dim3A_1077 = arith.constant 0 : i32
    %broadcast_in_dim3A_1078 = vector.broadcast %broadcast_in_dim3A_1077 : i32 to vector<16xi32>
    %add3A_1079 = arith.constant 1 : i32
    %add3A_1080 = vector.broadcast %add3A_1079 : i32 to vector<16xi32>
    %add3A_1081 = arith.addi %mul3A_1075, %add3A_1080 : vector<16xi32>
    %gather3A_1082 = tpu.vector_load_idx %arg13[%add3A_889, %add3A_1081] : memref<128x128xf32, #tpu.memory_space<vmem>>[vector<16xi32>, vector<16xi32>], vector<16xf32>,
    %gt3A_1083 = arith.cmpf ogt, %gather3A_1082, %gather3A_1076 : vector<16xf32>
    %jit3A_1084 = arith.constant 1 : i32
    %broadcast_in_dim3A_1085 = vector.broadcast %jit3A_1084 : i32 to vector<16xi32>
    %select_n3A_1086 = arith.select %gt3A_1083, %broadcast_in_dim3A_1085, %broadcast_in_dim3A_1078 : vector<16xi1>, vector<16xi32>
    %select_n3A_1087 = arith.select %gt3A_1083, %gather3A_1082, %gather3A_1076 : vector<16xi1>, vector<16xf32>
    %add3A_1088 = arith.constant 2 : i32
    %add3A_1089 = vector.broadcast %add3A_1088 : i32 to vector<16xi32>
    %add3A_1090 = arith.addi %mul3A_1075, %add3A_1089 : vector<16xi32>
    %gather3A_1091 = tpu.vector_load_idx %arg13[%add3A_889, %add3A_1090] : memref<128x128xf32, #tpu.memory_space<vmem>>[vector<16xi32>, vector<16xi32>], vector<16xf32>,
    %gt3A_1092 = arith.cmpf ogt, %gather3A_1091, %select_n3A_1087 : vector<16xf32>
    %jit3A_1093 = arith.constant 2 : i32
    %broadcast_in_dim3A_1094 = vector.broadcast %jit3A_1093 : i32 to vector<16xi32>
    %select_n3A_1095 = arith.select %gt3A_1092, %broadcast_in_dim3A_1094, %select_n3A_1086 : vector<16xi1>, vector<16xi32>
    %select_n3A_1096 = arith.select %gt3A_1092, %gather3A_1091, %select_n3A_1087 : vector<16xi1>, vector<16xf32>
    %add3A_1097 = arith.constant 3 : i32
    %add3A_1098 = vector.broadcast %add3A_1097 : i32 to vector<16xi32>
    %add3A_1099 = arith.addi %mul3A_1075, %add3A_1098 : vector<16xi32>
    %gather3A_1100 = tpu.vector_load_idx %arg13[%add3A_889, %add3A_1099] : memref<128x128xf32, #tpu.memory_space<vmem>>[vector<16xi32>, vector<16xi32>], vector<16xf32>,
    %gt3A_1101 = arith.cmpf ogt, %gather3A_1100, %select_n3A_1096 : vector<16xf32>
    %jit3A_1102 = arith.constant 3 : i32
    %broadcast_in_dim3A_1103 = vector.broadcast %jit3A_1102 : i32 to vector<16xi32>
    %select_n3A_1104 = arith.select %gt3A_1101, %broadcast_in_dim3A_1103, %select_n3A_1095 : vector<16xi1>, vector<16xi32>
    %select_n3A_1105 = arith.select %gt3A_1101, %gather3A_1100, %select_n3A_1096 : vector<16xi1>, vector<16xf32>
    %add3A_1106 = arith.constant 4 : i32
    %add3A_1107 = vector.broadcast %add3A_1106 : i32 to vector<16xi32>
    %add3A_1108 = arith.addi %mul3A_1075, %add3A_1107 : vector<16xi32>
    %gather3A_1109 = tpu.vector_load_idx %arg13[%add3A_889, %add3A_1108] : memref<128x128xf32, #tpu.memory_space<vmem>>[vector<16xi32>, vector<16xi32>], vector<16xf32>,
    %gt3A_1110 = arith.cmpf ogt, %gather3A_1109, %select_n3A_1105 : vector<16xf32>
    %jit3A_1111 = arith.constant 4 : i32
    %broadcast_in_dim3A_1112 = vector.broadcast %jit3A_1111 : i32 to vector<16xi32>
    %select_n3A_1113 = arith.select %gt3A_1110, %broadcast_in_dim3A_1112, %select_n3A_1104 : vector<16xi1>, vector<16xi32>
    %select_n3A_1114 = arith.select %gt3A_1110, %gather3A_1109, %select_n3A_1105 : vector<16xi1>, vector<16xf32>
    %add3A_1115 = arith.constant 5 : i32
    %add3A_1116 = vector.broadcast %add3A_1115 : i32 to vector<16xi32>
    %add3A_1117 = arith.addi %mul3A_1075, %add3A_1116 : vector<16xi32>
    %gather3A_1118 = tpu.vector_load_idx %arg13[%add3A_889, %add3A_1117] : memref<128x128xf32, #tpu.memory_space<vmem>>[vector<16xi32>, vector<16xi32>], vector<16xf32>,
    %gt3A_1119 = arith.cmpf ogt, %gather3A_1118, %select_n3A_1114 : vector<16xf32>
    %jit3A_1120 = arith.constant 5 : i32
    %broadcast_in_dim3A_1121 = vector.broadcast %jit3A_1120 : i32 to vector<16xi32>
    %select_n3A_1122 = arith.select %gt3A_1119, %broadcast_in_dim3A_1121, %select_n3A_1113 : vector<16xi1>, vector<16xi32>
    %select_n3A_1123 = arith.select %gt3A_1119, %gather3A_1118, %select_n3A_1114 : vector<16xi1>, vector<16xf32>
    %add3A_1124 = arith.constant 6 : i32
    %add3A_1125 = vector.broadcast %add3A_1124 : i32 to vector<16xi32>
    %add3A_1126 = arith.addi %mul3A_1075, %add3A_1125 : vector<16xi32>
    %gather3A_1127 = tpu.vector_load_idx %arg13[%add3A_889, %add3A_1126] : memref<128x128xf32, #tpu.memory_space<vmem>>[vector<16xi32>, vector<16xi32>], vector<16xf32>,
    %gt3A_1128 = arith.cmpf ogt, %gather3A_1127, %select_n3A_1123 : vector<16xf32>
    %jit3A_1129 = arith.constant 6 : i32
    %broadcast_in_dim3A_1130 = vector.broadcast %jit3A_1129 : i32 to vector<16xi32>
    %select_n3A_1131 = arith.select %gt3A_1128, %broadcast_in_dim3A_1130, %select_n3A_1122 : vector<16xi1>, vector<16xi32>
    %select_n3A_1132 = arith.select %gt3A_1128, %gather3A_1127, %select_n3A_1123 : vector<16xi1>, vector<16xf32>
    %add3A_1133 = arith.constant 7 : i32
    %add3A_1134 = vector.broadcast %add3A_1133 : i32 to vector<16xi32>
    %add3A_1135 = arith.addi %mul3A_1075, %add3A_1134 : vector<16xi32>
    %gather3A_1136 = tpu.vector_load_idx %arg13[%add3A_889, %add3A_1135] : memref<128x128xf32, #tpu.memory_space<vmem>>[vector<16xi32>, vector<16xi32>], vector<16xf32>,
    %gt3A_1137 = arith.cmpf ogt, %gather3A_1136, %select_n3A_1132 : vector<16xf32>
    %jit3A_1138 = arith.constant 7 : i32
    %broadcast_in_dim3A_1139 = vector.broadcast %jit3A_1138 : i32 to vector<16xi32>
    %select_n3A_1140 = arith.select %gt3A_1137, %broadcast_in_dim3A_1139, %select_n3A_1131 : vector<16xi1>, vector<16xi32>
    %select_n3A_1141 = arith.select %gt3A_1137, %gather3A_1136, %select_n3A_1132 : vector<16xi1>, vector<16xf32>
    %add3A_1142 = arith.constant 8 : i32
    %add3A_1143 = vector.broadcast %add3A_1142 : i32 to vector<16xi32>
    %add3A_1144 = arith.addi %mul3A_1075, %add3A_1143 : vector<16xi32>
    %gather3A_1145 = tpu.vector_load_idx %arg13[%add3A_889, %add3A_1144] : memref<128x128xf32, #tpu.memory_space<vmem>>[vector<16xi32>, vector<16xi32>], vector<16xf32>,
    %gt3A_1146 = arith.cmpf ogt, %gather3A_1145, %select_n3A_1141 : vector<16xf32>
    %jit3A_1147 = arith.constant 8 : i32
    %broadcast_in_dim3A_1148 = vector.broadcast %jit3A_1147 : i32 to vector<16xi32>
    %select_n3A_1149 = arith.select %gt3A_1146, %broadcast_in_dim3A_1148, %select_n3A_1140 : vector<16xi1>, vector<16xi32>
    %select_n3A_1150 = arith.select %gt3A_1146, %gather3A_1145, %select_n3A_1141 : vector<16xi1>, vector<16xf32>
    %add3A_1151 = arith.constant 9 : i32
    %add3A_1152 = vector.broadcast %add3A_1151 : i32 to vector<16xi32>
    %add3A_1153 = arith.addi %mul3A_1075, %add3A_1152 : vector<16xi32>
    %gather3A_1154 = tpu.vector_load_idx %arg13[%add3A_889, %add3A_1153] : memref<128x128xf32, #tpu.memory_space<vmem>>[vector<16xi32>, vector<16xi32>], vector<16xf32>,
    %gt3A_1155 = arith.cmpf ogt, %gather3A_1154, %select_n3A_1150 : vector<16xf32>
    %jit3A_1156 = arith.constant 9 : i32
    %broadcast_in_dim3A_1157 = vector.broadcast %jit3A_1156 : i32 to vector<16xi32>
    %select_n3A_1158 = arith.select %gt3A_1155, %broadcast_in_dim3A_1157, %select_n3A_1149 : vector<16xi1>, vector<16xi32>
    %select_n3A_1159 = arith.select %gt3A_1155, %gather3A_1154, %select_n3A_1150 : vector<16xi1>, vector<16xf32>
    %add3A_1160 = arith.constant 10 : i32
    %add3A_1161 = vector.broadcast %add3A_1160 : i32 to vector<16xi32>
    %add3A_1162 = arith.addi %mul3A_1075, %add3A_1161 : vector<16xi32>
    %gather3A_1163 = tpu.vector_load_idx %arg13[%add3A_889, %add3A_1162] : memref<128x128xf32, #tpu.memory_space<vmem>>[vector<16xi32>, vector<16xi32>], vector<16xf32>,
    %gt3A_1164 = arith.cmpf ogt, %gather3A_1163, %select_n3A_1159 : vector<16xf32>
    %jit3A_1165 = arith.constant 10 : i32
    %broadcast_in_dim3A_1166 = vector.broadcast %jit3A_1165 : i32 to vector<16xi32>
    %select_n3A_1167 = arith.select %gt3A_1164, %broadcast_in_dim3A_1166, %select_n3A_1158 : vector<16xi1>, vector<16xi32>
    %select_n3A_1168 = arith.select %gt3A_1164, %gather3A_1163, %select_n3A_1159 : vector<16xi1>, vector<16xf32>
    %add3A_1169 = arith.constant 11 : i32
    %add3A_1170 = vector.broadcast %add3A_1169 : i32 to vector<16xi32>
    %add3A_1171 = arith.addi %mul3A_1075, %add3A_1170 : vector<16xi32>
    %gather3A_1172 = tpu.vector_load_idx %arg13[%add3A_889, %add3A_1171] : memref<128x128xf32, #tpu.memory_space<vmem>>[vector<16xi32>, vector<16xi32>], vector<16xf32>,
    %gt3A_1173 = arith.cmpf ogt, %gather3A_1172, %select_n3A_1168 : vector<16xf32>
    %jit3A_1174 = arith.constant 11 : i32
    %broadcast_in_dim3A_1175 = vector.broadcast %jit3A_1174 : i32 to vector<16xi32>
    %select_n3A_1176 = arith.select %gt3A_1173, %broadcast_in_dim3A_1175, %select_n3A_1167 : vector<16xi1>, vector<16xi32>
    %select_n3A_1177 = arith.select %gt3A_1173, %gather3A_1172, %select_n3A_1168 : vector<16xi1>, vector<16xf32>
    %add3A_1178 = arith.constant 12 : i32
    %add3A_1179 = vector.broadcast %add3A_1178 : i32 to vector<16xi32>
    %add3A_1180 = arith.addi %mul3A_1075, %add3A_1179 : vector<16xi32>
    %gather3A_1181 = tpu.vector_load_idx %arg13[%add3A_889, %add3A_1180] : memref<128x128xf32, #tpu.memory_space<vmem>>[vector<16xi32>, vector<16xi32>], vector<16xf32>,
    %gt3A_1182 = arith.cmpf ogt, %gather3A_1181, %select_n3A_1177 : vector<16xf32>
    %jit3A_1183 = arith.constant 12 : i32
    %broadcast_in_dim3A_1184 = vector.broadcast %jit3A_1183 : i32 to vector<16xi32>
    %select_n3A_1185 = arith.select %gt3A_1182, %broadcast_in_dim3A_1184, %select_n3A_1176 : vector<16xi1>, vector<16xi32>
    %select_n3A_1186 = arith.select %gt3A_1182, %gather3A_1181, %select_n3A_1177 : vector<16xi1>, vector<16xf32>
    %add3A_1187 = arith.constant 13 : i32
    %add3A_1188 = vector.broadcast %add3A_1187 : i32 to vector<16xi32>
    %add3A_1189 = arith.addi %mul3A_1075, %add3A_1188 : vector<16xi32>
    %gather3A_1190 = tpu.vector_load_idx %arg13[%add3A_889, %add3A_1189] : memref<128x128xf32, #tpu.memory_space<vmem>>[vector<16xi32>, vector<16xi32>], vector<16xf32>,
    %gt3A_1191 = arith.cmpf ogt, %gather3A_1190, %select_n3A_1186 : vector<16xf32>
    %jit3A_1192 = arith.constant 13 : i32
    %broadcast_in_dim3A_1193 = vector.broadcast %jit3A_1192 : i32 to vector<16xi32>
    %select_n3A_1194 = arith.select %gt3A_1191, %broadcast_in_dim3A_1193, %select_n3A_1185 : vector<16xi1>, vector<16xi32>
    %select_n3A_1195 = arith.select %gt3A_1191, %gather3A_1190, %select_n3A_1186 : vector<16xi1>, vector<16xf32>
    %add3A_1196 = arith.constant 14 : i32
    %add3A_1197 = vector.broadcast %add3A_1196 : i32 to vector<16xi32>
    %add3A_1198 = arith.addi %mul3A_1075, %add3A_1197 : vector<16xi32>
    %gather3A_1199 = tpu.vector_load_idx %arg13[%add3A_889, %add3A_1198] : memref<128x128xf32, #tpu.memory_space<vmem>>[vector<16xi32>, vector<16xi32>], vector<16xf32>,
    %gt3A_1200 = arith.cmpf ogt, %gather3A_1199, %select_n3A_1195 : vector<16xf32>
    %jit3A_1201 = arith.constant 14 : i32
    %broadcast_in_dim3A_1202 = vector.broadcast %jit3A_1201 : i32 to vector<16xi32>
    %select_n3A_1203 = arith.select %gt3A_1200, %broadcast_in_dim3A_1202, %select_n3A_1194 : vector<16xi1>, vector<16xi32>
    %select_n3A_1204 = arith.select %gt3A_1200, %gather3A_1199, %select_n3A_1195 : vector<16xi1>, vector<16xf32>
    %add3A_1205 = arith.constant 15 : i32
    %add3A_1206 = vector.broadcast %add3A_1205 : i32 to vector<16xi32>
    %add3A_1207 = arith.addi %mul3A_1075, %add3A_1206 : vector<16xi32>
    %gather3A_1208 = tpu.vector_load_idx %arg13[%add3A_889, %add3A_1207] : memref<128x128xf32, #tpu.memory_space<vmem>>[vector<16xi32>, vector<16xi32>], vector<16xf32>,
    %gt3A_1209 = arith.cmpf ogt, %gather3A_1208, %select_n3A_1204 : vector<16xf32>
    %jit3A_1210 = arith.constant 15 : i32
    %broadcast_in_dim3A_1211 = vector.broadcast %jit3A_1210 : i32 to vector<16xi32>
    %select_n3A_1212 = arith.select %gt3A_1209, %broadcast_in_dim3A_1211, %select_n3A_1203 : vector<16xi1>, vector<16xi32>
    %select_n3A_1213 = arith.select %gt3A_1209, %gather3A_1208, %select_n3A_1204 : vector<16xi1>, vector<16xf32>
    %broadcast_in_dim3A_1214 = arith.constant 0.000000e+00 : f32
    %broadcast_in_dim3A_1215 = vector.broadcast %broadcast_in_dim3A_1214 : f32 to vector<16xf32>
    %sub3A_1216 = arith.subf %gather3A_1076, %select_n3A_1213 : vector<16xf32>
    %exp3A_1217 = math.exp %sub3A_1216 : vector<16xf32>
    %add3A_1218 = arith.addf %broadcast_in_dim3A_1215, %exp3A_1217 : vector<16xf32>
    %sub3A_1219 = arith.subf %gather3A_1082, %select_n3A_1213 : vector<16xf32>
    %exp3A_1220 = math.exp %sub3A_1219 : vector<16xf32>
    %add3A_1221 = arith.addf %add3A_1218, %exp3A_1220 : vector<16xf32>
    %sub3A_1222 = arith.subf %gather3A_1091, %select_n3A_1213 : vector<16xf32>
    %exp3A_1223 = math.exp %sub3A_1222 : vector<16xf32>
    %add3A_1224 = arith.addf %add3A_1221, %exp3A_1223 : vector<16xf32>
    %sub3A_1225 = arith.subf %gather3A_1100, %select_n3A_1213 : vector<16xf32>
    %exp3A_1226 = math.exp %sub3A_1225 : vector<16xf32>
    %add3A_1227 = arith.addf %add3A_1224, %exp3A_1226 : vector<16xf32>
    %sub3A_1228 = arith.subf %gather3A_1109, %select_n3A_1213 : vector<16xf32>
    %exp3A_1229 = math.exp %sub3A_1228 : vector<16xf32>
    %add3A_1230 = arith.addf %add3A_1227, %exp3A_1229 : vector<16xf32>
    %sub3A_1231 = arith.subf %gather3A_1118, %select_n3A_1213 : vector<16xf32>
    %exp3A_1232 = math.exp %sub3A_1231 : vector<16xf32>
    %add3A_1233 = arith.addf %add3A_1230, %exp3A_1232 : vector<16xf32>
    %sub3A_1234 = arith.subf %gather3A_1127, %select_n3A_1213 : vector<16xf32>
    %exp3A_1235 = math.exp %sub3A_1234 : vector<16xf32>
    %add3A_1236 = arith.addf %add3A_1233, %exp3A_1235 : vector<16xf32>
    %sub3A_1237 = arith.subf %gather3A_1136, %select_n3A_1213 : vector<16xf32>
    %exp3A_1238 = math.exp %sub3A_1237 : vector<16xf32>
    %add3A_1239 = arith.addf %add3A_1236, %exp3A_1238 : vector<16xf32>
    %sub3A_1240 = arith.subf %gather3A_1145, %select_n3A_1213 : vector<16xf32>
    %exp3A_1241 = math.exp %sub3A_1240 : vector<16xf32>
    %add3A_1242 = arith.addf %add3A_1239, %exp3A_1241 : vector<16xf32>
    %sub3A_1243 = arith.subf %gather3A_1154, %select_n3A_1213 : vector<16xf32>
    %exp3A_1244 = math.exp %sub3A_1243 : vector<16xf32>
    %add3A_1245 = arith.addf %add3A_1242, %exp3A_1244 : vector<16xf32>
    %sub3A_1246 = arith.subf %gather3A_1163, %select_n3A_1213 : vector<16xf32>
    %exp3A_1247 = math.exp %sub3A_1246 : vector<16xf32>
    %add3A_1248 = arith.addf %add3A_1245, %exp3A_1247 : vector<16xf32>
    %sub3A_1249 = arith.subf %gather3A_1172, %select_n3A_1213 : vector<16xf32>
    %exp3A_1250 = math.exp %sub3A_1249 : vector<16xf32>
    %add3A_1251 = arith.addf %add3A_1248, %exp3A_1250 : vector<16xf32>
    %sub3A_1252 = arith.subf %gather3A_1181, %select_n3A_1213 : vector<16xf32>
    %exp3A_1253 = math.exp %sub3A_1252 : vector<16xf32>
    %add3A_1254 = arith.addf %add3A_1251, %exp3A_1253 : vector<16xf32>
    %sub3A_1255 = arith.subf %gather3A_1190, %select_n3A_1213 : vector<16xf32>
    %exp3A_1256 = math.exp %sub3A_1255 : vector<16xf32>
    %add3A_1257 = arith.addf %add3A_1254, %exp3A_1256 : vector<16xf32>
    %sub3A_1258 = arith.subf %gather3A_1199, %select_n3A_1213 : vector<16xf32>
    %exp3A_1259 = math.exp %sub3A_1258 : vector<16xf32>
    %add3A_1260 = arith.addf %add3A_1257, %exp3A_1259 : vector<16xf32>
    %sub3A_1261 = arith.subf %gather3A_1208, %select_n3A_1213 : vector<16xf32>
    %exp3A_1262 = math.exp %sub3A_1261 : vector<16xf32>
    %add3A_1263 = arith.addf %add3A_1260, %exp3A_1262 : vector<16xf32>
    %bitcast_convert_type3A_1264 = tpu.bitcast %add3A_1263 : vector<16xf32> -> vector<16xi32>
    %shift_right_arithmetic3A_1265 = arith.constant 23 : i32
    %shift_right_arithmetic3A_1266 = vector.broadcast %shift_right_arithmetic3A_1265 : i32 to vector<16xi32>
    %shift_right_arithmetic3A_1267 = arith.shrsi %bitcast_convert_type3A_1264, %shift_right_arithmetic3A_1266 : vector<16xi32>
    %sub3A_1268 = arith.constant 127 : i32
    %sub3A_1269 = vector.broadcast %sub3A_1268 : i32 to vector<16xi32>
    %sub3A_1270 = arith.subi %shift_right_arithmetic3A_1267, %sub3A_1269 : vector<16xi32>
    %and3A_1271 = arith.constant 8388607 : i32
    %and3A_1272 = vector.broadcast %and3A_1271 : i32 to vector<16xi32>
    %and3A_1273 = arith.andi %bitcast_convert_type3A_1264, %and3A_1272 : vector<16xi32>
    %or3A_1274 = arith.constant 1065353216 : i32
    %or3A_1275 = vector.broadcast %or3A_1274 : i32 to vector<16xi32>
    %or3A_1276 = arith.ori %and3A_1273, %or3A_1275 : vector<16xi32>
    %bitcast_convert_type3A_1277 = tpu.bitcast %or3A_1276 : vector<16xi32> -> vector<16xf32>
    %sub3A_1278 = arith.constant 1.000000e+00 : f32
    %sub3A_1279 = vector.broadcast %sub3A_1278 : f32 to vector<16xf32>
    %sub3A_1280 = arith.subf %bitcast_convert_type3A_1277, %sub3A_1279 : vector<16xf32>
    %add3A_1281 = arith.constant 1.000000e+00 : f32
    %add3A_1282 = vector.broadcast %add3A_1281 : f32 to vector<16xf32>
    %add3A_1283 = arith.addf %bitcast_convert_type3A_1277, %add3A_1282 : vector<16xf32>
    %div3A_1284 = arith.divf %sub3A_1280, %add3A_1283 : vector<16xf32>
    %mul3A_1285 = arith.mulf %div3A_1284, %div3A_1284 : vector<16xf32>
    %mul3A_1286 = arith.constant 2.000000e+00 : f32
    %mul3A_1287 = vector.broadcast %mul3A_1286 : f32 to vector<16xf32>
    %mul3A_1288 = arith.mulf %mul3A_1287, %div3A_1284 : vector<16xf32>
    %mul3A_1289 = arith.constant 0.142857149 : f32
    %mul3A_1290 = vector.broadcast %mul3A_1289 : f32 to vector<16xf32>
    %mul3A_1291 = arith.mulf %mul3A_1285, %mul3A_1290 : vector<16xf32>
    %add3A_1292 = arith.constant 2.000000e-01 : f32
    %add3A_1293 = vector.broadcast %add3A_1292 : f32 to vector<16xf32>
    %add3A_1294 = arith.addf %add3A_1293, %mul3A_1291 : vector<16xf32>
    %mul3A_1295 = arith.mulf %mul3A_1285, %add3A_1294 : vector<16xf32>
    %add3A_1296 = arith.constant 0.333333343 : f32
    %add3A_1297 = vector.broadcast %add3A_1296 : f32 to vector<16xf32>
    %add3A_1298 = arith.addf %add3A_1297, %mul3A_1295 : vector<16xf32>
    %mul3A_1299 = arith.mulf %mul3A_1285, %add3A_1298 : vector<16xf32>
    %add3A_1300 = arith.constant 1.000000e+00 : f32
    %add3A_1301 = vector.broadcast %add3A_1300 : f32 to vector<16xf32>
    %add3A_1302 = arith.addf %add3A_1301, %mul3A_1299 : vector<16xf32>
    %mul3A_1303 = arith.mulf %mul3A_1288, %add3A_1302 : vector<16xf32>
    %convert_element_type3A_1304 = arith.sitofp %sub3A_1270 : vector<16xi32> to vector<16xf32>
    %mul3A_1305 = arith.constant 0.693147182 : f32
    %mul3A_1306 = vector.broadcast %mul3A_1305 : f32 to vector<16xf32>
    %mul3A_1307 = arith.mulf %convert_element_type3A_1304, %mul3A_1306 : vector<16xf32>
    %add3A_1308 = arith.addf %mul3A_1307, %mul3A_1303 : vector<16xf32>
    %neg3A_1309 = arith.constant 0.000000e+00 : f32
    %neg3A_1310 = vector.broadcast %neg3A_1309 : f32 to vector<16xf32>
    %neg3A_1311 = arith.subf %neg3A_1310, %add3A_1308 : vector<16xf32>
    %swap3A_1312 = arith.constant 32 : index
    %swap3A_1313 = tpu.vector_load %arg17[%swap3A_1312] {strides = array<i32>} : memref<128xi32, #tpu.memory_space<vmem>>, vector<16xi32>,
    tpu.vector_store %arg17[%swap3A_1312], %select_n3A_1212 {strides = array<i32>} : memref<128xi32, #tpu.memory_space<vmem>>, vector<16xi32>,
    %swap3A_1314 = arith.constant 32 : index
    %swap3A_1315 = tpu.vector_load %arg18[%swap3A_1314] {strides = array<i32>} : memref<128xf32, #tpu.memory_space<vmem>>, vector<16xf32>,
    tpu.vector_store %arg18[%swap3A_1314], %gather3A_1072 {strides = array<i32>} : memref<128xf32, #tpu.memory_space<vmem>>, vector<16xf32>,
    %swap3A_1316 = arith.constant 32 : index
    %swap3A_1317 = tpu.vector_load %arg19[%swap3A_1316] {strides = array<i32>} : memref<128xf32, #tpu.memory_space<vmem>>, vector<16xf32>,
    tpu.vector_store %arg19[%swap3A_1316], %neg3A_1311 {strides = array<i32>} : memref<128xf32, #tpu.memory_space<vmem>>, vector<16xf32>,
    %swap3A_1318 = arith.constant 32 : index
    %swap3A_1319 = tpu.vector_load %arg20[%swap3A_1318] {strides = array<i32>} : memref<128xi32, #tpu.memory_space<vmem>>, vector<16xi32>,
    tpu.vector_store %arg20[%swap3A_1318], %select_n3A_1062 {strides = array<i32>} : memref<128xi32, #tpu.memory_space<vmem>>, vector<16xi32>,
    %swap3A_1320 = arith.constant 32 : index
    %swap3A_1321 = tpu.vector_load %arg21[%swap3A_1320] {strides = array<i32>} : memref<128xf32, #tpu.memory_space<vmem>>, vector<16xf32>,
    tpu.vector_store %arg21[%swap3A_1320], %get3A_1036 {strides = array<i32>} : memref<128xf32, #tpu.memory_space<vmem>>, vector<16xf32>,
    %swap3A_1322 = arith.constant 32 : index
    %swap3A_1323 = tpu.vector_load %arg22[%swap3A_1322] {strides = array<i32>} : memref<128xf32, #tpu.memory_space<vmem>>, vector<16xf32>,
    tpu.vector_store %arg22[%swap3A_1322], %neg3A_1032 {strides = array<i32>} : memref<128xf32, #tpu.memory_space<vmem>>, vector<16xf32>,
    %swap3A_1324 = arith.constant 32 : index
    %swap3A_1325 = tpu.vector_load %arg23[%swap3A_1324] {strides = array<i32>} : memref<128xf32, #tpu.memory_space<vmem>>, vector<16xf32>,
    tpu.vector_store %arg23[%swap3A_1324], %select_n3A_1068 {strides = array<i32>} : memref<128xf32, #tpu.memory_space<vmem>>, vector<16xf32>,
    %add3A_1326 = arith.constant 48 : i32
    %add3A_1327 = vector.broadcast %add3A_1326 : i32 to vector<16xi32>
    %add3A_1328 = arith.addi %iota3A, %add3A_1327 : vector<16xi32>
    %get3A_1329 = arith.constant 0 : i32
    %get3A_1330 = arith.index_cast %get3A_1329 : i32 to index
    %get3A_1331 = arith.constant 48 : index
    %get3A_1332 = tpu.vector_load %arg14[%get3A_1330, %get3A_1331] {strides = array<i32>} : memref<32x128xf32, #tpu.memory_space<vmem>>, vector<16xf32>,
    %broadcast_in_dim3A_1333 = arith.constant 0 : i32
    %broadcast_in_dim3A_1334 = vector.broadcast %broadcast_in_dim3A_1333 : i32 to vector<16xi32>
    %get3A_1335 = arith.constant 1 : i32
    %get3A_1336 = arith.index_cast %get3A_1335 : i32 to index
    %get3A_1337 = arith.constant 48 : index
    %get3A_1338 = tpu.vector_load %arg14[%get3A_1336, %get3A_1337] {strides = array<i32>} : memref<32x128xf32, #tpu.memory_space<vmem>>, vector<16xf32>,
    %gt3A_1339 = arith.cmpf ogt, %get3A_1338, %get3A_1332 : vector<16xf32>
    %jit3A_1340 = arith.constant 1 : i32
    %broadcast_in_dim3A_1341 = vector.broadcast %jit3A_1340 : i32 to vector<16xi32>
    %select_n3A_1342 = arith.select %gt3A_1339, %broadcast_in_dim3A_1341, %broadcast_in_dim3A_1334 : vector<16xi1>, vector<16xi32>
    %select_n3A_1343 = arith.select %gt3A_1339, %get3A_1338, %get3A_1332 : vector<16xi1>, vector<16xf32>
    %get3A_1344 = arith.constant 2 : i32
    %get3A_1345 = arith.index_cast %get3A_1344 : i32 to index
    %get3A_1346 = arith.constant 48 : index
    %get3A_1347 = tpu.vector_load %arg14[%get3A_1345, %get3A_1346] {strides = array<i32>} : memref<32x128xf32, #tpu.memory_space<vmem>>, vector<16xf32>,
    %gt3A_1348 = arith.cmpf ogt, %get3A_1347, %select_n3A_1343 : vector<16xf32>
    %jit3A_1349 = arith.constant 2 : i32
    %broadcast_in_dim3A_1350 = vector.broadcast %jit3A_1349 : i32 to vector<16xi32>
    %select_n3A_1351 = arith.select %gt3A_1348, %broadcast_in_dim3A_1350, %select_n3A_1342 : vector<16xi1>, vector<16xi32>
    %select_n3A_1352 = arith.select %gt3A_1348, %get3A_1347, %select_n3A_1343 : vector<16xi1>, vector<16xf32>
    %get3A_1353 = arith.constant 3 : i32
    %get3A_1354 = arith.index_cast %get3A_1353 : i32 to index
    %get3A_1355 = arith.constant 48 : index
    %get3A_1356 = tpu.vector_load %arg14[%get3A_1354, %get3A_1355] {strides = array<i32>} : memref<32x128xf32, #tpu.memory_space<vmem>>, vector<16xf32>,
    %gt3A_1357 = arith.cmpf ogt, %get3A_1356, %select_n3A_1352 : vector<16xf32>
    %jit3A_1358 = arith.constant 3 : i32
    %broadcast_in_dim3A_1359 = vector.broadcast %jit3A_1358 : i32 to vector<16xi32>
    %select_n3A_1360 = arith.select %gt3A_1357, %broadcast_in_dim3A_1359, %select_n3A_1351 : vector<16xi1>, vector<16xi32>
    %select_n3A_1361 = arith.select %gt3A_1357, %get3A_1356, %select_n3A_1352 : vector<16xi1>, vector<16xf32>
    %get3A_1362 = arith.constant 4 : i32
    %get3A_1363 = arith.index_cast %get3A_1362 : i32 to index
    %get3A_1364 = arith.constant 48 : index
    %get3A_1365 = tpu.vector_load %arg14[%get3A_1363, %get3A_1364] {strides = array<i32>} : memref<32x128xf32, #tpu.memory_space<vmem>>, vector<16xf32>,
    %gt3A_1366 = arith.cmpf ogt, %get3A_1365, %select_n3A_1361 : vector<16xf32>
    %jit3A_1367 = arith.constant 4 : i32
    %broadcast_in_dim3A_1368 = vector.broadcast %jit3A_1367 : i32 to vector<16xi32>
    %select_n3A_1369 = arith.select %gt3A_1366, %broadcast_in_dim3A_1368, %select_n3A_1360 : vector<16xi1>, vector<16xi32>
    %select_n3A_1370 = arith.select %gt3A_1366, %get3A_1365, %select_n3A_1361 : vector<16xi1>, vector<16xf32>
    %get3A_1371 = arith.constant 5 : i32
    %get3A_1372 = arith.index_cast %get3A_1371 : i32 to index
    %get3A_1373 = arith.constant 48 : index
    %get3A_1374 = tpu.vector_load %arg14[%get3A_1372, %get3A_1373] {strides = array<i32>} : memref<32x128xf32, #tpu.memory_space<vmem>>, vector<16xf32>,
    %gt3A_1375 = arith.cmpf ogt, %get3A_1374, %select_n3A_1370 : vector<16xf32>
    %jit3A_1376 = arith.constant 5 : i32
    %broadcast_in_dim3A_1377 = vector.broadcast %jit3A_1376 : i32 to vector<16xi32>
    %select_n3A_1378 = arith.select %gt3A_1375, %broadcast_in_dim3A_1377, %select_n3A_1369 : vector<16xi1>, vector<16xi32>
    %select_n3A_1379 = arith.select %gt3A_1375, %get3A_1374, %select_n3A_1370 : vector<16xi1>, vector<16xf32>
    %get3A_1380 = arith.constant 6 : i32
    %get3A_1381 = arith.index_cast %get3A_1380 : i32 to index
    %get3A_1382 = arith.constant 48 : index
    %get3A_1383 = tpu.vector_load %arg14[%get3A_1381, %get3A_1382] {strides = array<i32>} : memref<32x128xf32, #tpu.memory_space<vmem>>, vector<16xf32>,
    %gt3A_1384 = arith.cmpf ogt, %get3A_1383, %select_n3A_1379 : vector<16xf32>
    %jit3A_1385 = arith.constant 6 : i32
    %broadcast_in_dim3A_1386 = vector.broadcast %jit3A_1385 : i32 to vector<16xi32>
    %select_n3A_1387 = arith.select %gt3A_1384, %broadcast_in_dim3A_1386, %select_n3A_1378 : vector<16xi1>, vector<16xi32>
    %select_n3A_1388 = arith.select %gt3A_1384, %get3A_1383, %select_n3A_1379 : vector<16xi1>, vector<16xf32>
    %get3A_1389 = arith.constant 7 : i32
    %get3A_1390 = arith.index_cast %get3A_1389 : i32 to index
    %get3A_1391 = arith.constant 48 : index
    %get3A_1392 = tpu.vector_load %arg14[%get3A_1390, %get3A_1391] {strides = array<i32>} : memref<32x128xf32, #tpu.memory_space<vmem>>, vector<16xf32>,
    %gt3A_1393 = arith.cmpf ogt, %get3A_1392, %select_n3A_1388 : vector<16xf32>
    %jit3A_1394 = arith.constant 7 : i32
    %broadcast_in_dim3A_1395 = vector.broadcast %jit3A_1394 : i32 to vector<16xi32>
    %select_n3A_1396 = arith.select %gt3A_1393, %broadcast_in_dim3A_1395, %select_n3A_1387 : vector<16xi1>, vector<16xi32>
    %select_n3A_1397 = arith.select %gt3A_1393, %get3A_1392, %select_n3A_1388 : vector<16xi1>, vector<16xf32>
    %broadcast_in_dim3A_1398 = arith.constant 0.000000e+00 : f32
    %broadcast_in_dim3A_1399 = vector.broadcast %broadcast_in_dim3A_1398 : f32 to vector<16xf32>
    %sub3A_1400 = arith.subf %get3A_1332, %select_n3A_1397 : vector<16xf32>
    %exp3A_1401 = math.exp %sub3A_1400 : vector<16xf32>
    %add3A_1402 = arith.addf %broadcast_in_dim3A_1399, %exp3A_1401 : vector<16xf32>
    %sub3A_1403 = arith.subf %get3A_1338, %select_n3A_1397 : vector<16xf32>
    %exp3A_1404 = math.exp %sub3A_1403 : vector<16xf32>
    %add3A_1405 = arith.addf %add3A_1402, %exp3A_1404 : vector<16xf32>
    %sub3A_1406 = arith.subf %get3A_1347, %select_n3A_1397 : vector<16xf32>
    %exp3A_1407 = math.exp %sub3A_1406 : vector<16xf32>
    %add3A_1408 = arith.addf %add3A_1405, %exp3A_1407 : vector<16xf32>
    %sub3A_1409 = arith.subf %get3A_1356, %select_n3A_1397 : vector<16xf32>
    %exp3A_1410 = math.exp %sub3A_1409 : vector<16xf32>
    %add3A_1411 = arith.addf %add3A_1408, %exp3A_1410 : vector<16xf32>
    %sub3A_1412 = arith.subf %get3A_1365, %select_n3A_1397 : vector<16xf32>
    %exp3A_1413 = math.exp %sub3A_1412 : vector<16xf32>
    %add3A_1414 = arith.addf %add3A_1411, %exp3A_1413 : vector<16xf32>
    %sub3A_1415 = arith.subf %get3A_1374, %select_n3A_1397 : vector<16xf32>
    %exp3A_1416 = math.exp %sub3A_1415 : vector<16xf32>
    %add3A_1417 = arith.addf %add3A_1414, %exp3A_1416 : vector<16xf32>
    %sub3A_1418 = arith.subf %get3A_1383, %select_n3A_1397 : vector<16xf32>
    %exp3A_1419 = math.exp %sub3A_1418 : vector<16xf32>
    %add3A_1420 = arith.addf %add3A_1417, %exp3A_1419 : vector<16xf32>
    %sub3A_1421 = arith.subf %get3A_1392, %select_n3A_1397 : vector<16xf32>
    %exp3A_1422 = math.exp %sub3A_1421 : vector<16xf32>
    %add3A_1423 = arith.addf %add3A_1420, %exp3A_1422 : vector<16xf32>
    %bitcast_convert_type3A_1424 = tpu.bitcast %add3A_1423 : vector<16xf32> -> vector<16xi32>
    %shift_right_arithmetic3A_1425 = arith.constant 23 : i32
    %shift_right_arithmetic3A_1426 = vector.broadcast %shift_right_arithmetic3A_1425 : i32 to vector<16xi32>
    %shift_right_arithmetic3A_1427 = arith.shrsi %bitcast_convert_type3A_1424, %shift_right_arithmetic3A_1426 : vector<16xi32>
    %sub3A_1428 = arith.constant 127 : i32
    %sub3A_1429 = vector.broadcast %sub3A_1428 : i32 to vector<16xi32>
    %sub3A_1430 = arith.subi %shift_right_arithmetic3A_1427, %sub3A_1429 : vector<16xi32>
    %and3A_1431 = arith.constant 8388607 : i32
    %and3A_1432 = vector.broadcast %and3A_1431 : i32 to vector<16xi32>
    %and3A_1433 = arith.andi %bitcast_convert_type3A_1424, %and3A_1432 : vector<16xi32>
    %or3A_1434 = arith.constant 1065353216 : i32
    %or3A_1435 = vector.broadcast %or3A_1434 : i32 to vector<16xi32>
    %or3A_1436 = arith.ori %and3A_1433, %or3A_1435 : vector<16xi32>
    %bitcast_convert_type3A_1437 = tpu.bitcast %or3A_1436 : vector<16xi32> -> vector<16xf32>
    %sub3A_1438 = arith.constant 1.000000e+00 : f32
    %sub3A_1439 = vector.broadcast %sub3A_1438 : f32 to vector<16xf32>
    %sub3A_1440 = arith.subf %bitcast_convert_type3A_1437, %sub3A_1439 : vector<16xf32>
    %add3A_1441 = arith.constant 1.000000e+00 : f32
    %add3A_1442 = vector.broadcast %add3A_1441 : f32 to vector<16xf32>
    %add3A_1443 = arith.addf %bitcast_convert_type3A_1437, %add3A_1442 : vector<16xf32>
    %div3A_1444 = arith.divf %sub3A_1440, %add3A_1443 : vector<16xf32>
    %mul3A_1445 = arith.mulf %div3A_1444, %div3A_1444 : vector<16xf32>
    %mul3A_1446 = arith.constant 2.000000e+00 : f32
    %mul3A_1447 = vector.broadcast %mul3A_1446 : f32 to vector<16xf32>
    %mul3A_1448 = arith.mulf %mul3A_1447, %div3A_1444 : vector<16xf32>
    %mul3A_1449 = arith.constant 0.142857149 : f32
    %mul3A_1450 = vector.broadcast %mul3A_1449 : f32 to vector<16xf32>
    %mul3A_1451 = arith.mulf %mul3A_1445, %mul3A_1450 : vector<16xf32>
    %add3A_1452 = arith.constant 2.000000e-01 : f32
    %add3A_1453 = vector.broadcast %add3A_1452 : f32 to vector<16xf32>
    %add3A_1454 = arith.addf %add3A_1453, %mul3A_1451 : vector<16xf32>
    %mul3A_1455 = arith.mulf %mul3A_1445, %add3A_1454 : vector<16xf32>
    %add3A_1456 = arith.constant 0.333333343 : f32
    %add3A_1457 = vector.broadcast %add3A_1456 : f32 to vector<16xf32>
    %add3A_1458 = arith.addf %add3A_1457, %mul3A_1455 : vector<16xf32>
    %mul3A_1459 = arith.mulf %mul3A_1445, %add3A_1458 : vector<16xf32>
    %add3A_1460 = arith.constant 1.000000e+00 : f32
    %add3A_1461 = vector.broadcast %add3A_1460 : f32 to vector<16xf32>
    %add3A_1462 = arith.addf %add3A_1461, %mul3A_1459 : vector<16xf32>
    %mul3A_1463 = arith.mulf %mul3A_1448, %add3A_1462 : vector<16xf32>
    %convert_element_type3A_1464 = arith.sitofp %sub3A_1430 : vector<16xi32> to vector<16xf32>
    %mul3A_1465 = arith.constant 0.693147182 : f32
    %mul3A_1466 = vector.broadcast %mul3A_1465 : f32 to vector<16xf32>
    %mul3A_1467 = arith.mulf %convert_element_type3A_1464, %mul3A_1466 : vector<16xf32>
    %add3A_1468 = arith.addf %mul3A_1467, %mul3A_1463 : vector<16xf32>
    %neg3A_1469 = arith.constant 0.000000e+00 : f32
    %neg3A_1470 = vector.broadcast %neg3A_1469 : f32 to vector<16xf32>
    %neg3A_1471 = arith.subf %neg3A_1470, %add3A_1468 : vector<16xf32>
    %get3A_1472 = arith.constant 8 : i32
    %get3A_1473 = arith.index_cast %get3A_1472 : i32 to index
    %get3A_1474 = arith.constant 48 : index
    %get3A_1475 = tpu.vector_load %arg14[%get3A_1473, %get3A_1474] {strides = array<i32>} : memref<32x128xf32, #tpu.memory_space<vmem>>, vector<16xf32>,
    %get3A_1476 = arith.constant 48 : index
    %get3A_1477 = tpu.vector_load %arg15[%get3A_1476] {strides = array<i32>} : memref<128xi32, #tpu.memory_space<vmem>>, vector<16xi32>,
    %get3A_1478 = arith.constant 48 : index
    %get3A_1479 = tpu.vector_load %arg16[%get3A_1478] {strides = array<i32>} : memref<128xi32, #tpu.memory_space<vmem>>, vector<16xi32>,
    %add3A_1480 = arith.constant 9 : i32
    %add3A_1481 = vector.broadcast %add3A_1480 : i32 to vector<16xi32>
    %add3A_1482 = arith.addi %get3A_1477, %add3A_1481 : vector<16xi32>
    %gather3A_1483 = tpu.vector_load_idx %arg14[%add3A_1482, %add3A_1328] : memref<32x128xf32, #tpu.memory_space<vmem>>[vector<16xi32>, vector<16xi32>], vector<16xf32>,
    %neg3A_1484 = arith.constant 0.000000e+00 : f32
    %neg3A_1485 = vector.broadcast %neg3A_1484 : f32 to vector<16xf32>
    %neg3A_1486 = arith.subf %neg3A_1485, %gather3A_1483 : vector<16xf32>
    %exp3A_1487 = math.exp %neg3A_1486 : vector<16xf32>
    %add3A_1488 = arith.constant 1.000000e+00 : f32
    %add3A_1489 = vector.broadcast %add3A_1488 : f32 to vector<16xf32>
    %add3A_1490 = arith.addf %add3A_1489, %exp3A_1487 : vector<16xf32>
    %div3A_1491 = arith.constant 1.000000e+00 : f32
    %div3A_1492 = vector.broadcast %div3A_1491 : f32 to vector<16xf32>
    %div3A_1493 = arith.divf %div3A_1492, %add3A_1490 : vector<16xf32>
    %gt3A_1494 = arith.constant 5.000000e-01 : f32
    %gt3A_1495 = vector.broadcast %gt3A_1494 : f32 to vector<16xf32>
    %gt3A_1496 = arith.cmpf ogt, %div3A_1493, %gt3A_1495 : vector<16xf32>
    %gt3A_1497 = arith.constant 0 : i32
    %gt3A_1498 = vector.broadcast %gt3A_1497 : i32 to vector<16xi32>
    %gt3A_1499 = arith.cmpi sgt, %get3A_1479, %gt3A_1498 : vector<16xi32>
    %or3A_1500 = arith.ori %gt3A_1496, %gt3A_1499 : vector<16xi1>
    %select_n3A_1501 = arith.select %or3A_1500, %select_n3A_1396, %get3A_1477 : vector<16xi1>, vector<16xi32>
    %gt3A_1502 = arith.constant 0 : i32
    %gt3A_1503 = vector.broadcast %gt3A_1502 : i32 to vector<16xi32>
    %gt3A_1504 = arith.cmpi sgt, %get3A_1479, %gt3A_1503 : vector<16xi32>
    %jit3A_1505 = arith.constant 0.000000e+00 : f32
    %broadcast_in_dim3A_1506 = vector.broadcast %jit3A_1505 : f32 to vector<16xf32>
    %select_n3A_1507 = arith.select %gt3A_1504, %broadcast_in_dim3A_1506, %div3A_1493 : vector<16xi1>, vector<16xf32>
    %add3A_1508 = arith.constant 17 : i32
    %add3A_1509 = vector.broadcast %add3A_1508 : i32 to vector<16xi32>
    %add3A_1510 = arith.addi %select_n3A_1501, %add3A_1509 : vector<16xi32>
    %gather3A_1511 = tpu.vector_load_idx %arg14[%add3A_1510, %add3A_1328] : memref<32x128xf32, #tpu.memory_space<vmem>>[vector<16xi32>, vector<16xi32>], vector<16xf32>,
    %mul3A_1512 = arith.constant 16 : i32
    %mul3A_1513 = vector.broadcast %mul3A_1512 : i32 to vector<16xi32>
    %mul3A_1514 = arith.muli %select_n3A_1501, %mul3A_1513 : vector<16xi32>
    %gather3A_1515 = tpu.vector_load_idx %arg13[%add3A_1328, %mul3A_1514] : memref<128x128xf32, #tpu.memory_space<vmem>>[vector<16xi32>, vector<16xi32>], vector<16xf32>,
    %broadcast_in_dim3A_1516 = arith.constant 0 : i32
    %broadcast_in_dim3A_1517 = vector.broadcast %broadcast_in_dim3A_1516 : i32 to vector<16xi32>
    %add3A_1518 = arith.constant 1 : i32
    %add3A_1519 = vector.broadcast %add3A_1518 : i32 to vector<16xi32>
    %add3A_1520 = arith.addi %mul3A_1514, %add3A_1519 : vector<16xi32>
    %gather3A_1521 = tpu.vector_load_idx %arg13[%add3A_1328, %add3A_1520] : memref<128x128xf32, #tpu.memory_space<vmem>>[vector<16xi32>, vector<16xi32>], vector<16xf32>,
    %gt3A_1522 = arith.cmpf ogt, %gather3A_1521, %gather3A_1515 : vector<16xf32>
    %jit3A_1523 = arith.constant 1 : i32
    %broadcast_in_dim3A_1524 = vector.broadcast %jit3A_1523 : i32 to vector<16xi32>
    %select_n3A_1525 = arith.select %gt3A_1522, %broadcast_in_dim3A_1524, %broadcast_in_dim3A_1517 : vector<16xi1>, vector<16xi32>
    %select_n3A_1526 = arith.select %gt3A_1522, %gather3A_1521, %gather3A_1515 : vector<16xi1>, vector<16xf32>
    %add3A_1527 = arith.constant 2 : i32
    %add3A_1528 = vector.broadcast %add3A_1527 : i32 to vector<16xi32>
    %add3A_1529 = arith.addi %mul3A_1514, %add3A_1528 : vector<16xi32>
    %gather3A_1530 = tpu.vector_load_idx %arg13[%add3A_1328, %add3A_1529] : memref<128x128xf32, #tpu.memory_space<vmem>>[vector<16xi32>, vector<16xi32>], vector<16xf32>,
    %gt3A_1531 = arith.cmpf ogt, %gather3A_1530, %select_n3A_1526 : vector<16xf32>
    %jit3A_1532 = arith.constant 2 : i32
    %broadcast_in_dim3A_1533 = vector.broadcast %jit3A_1532 : i32 to vector<16xi32>
    %select_n3A_1534 = arith.select %gt3A_1531, %broadcast_in_dim3A_1533, %select_n3A_1525 : vector<16xi1>, vector<16xi32>
    %select_n3A_1535 = arith.select %gt3A_1531, %gather3A_1530, %select_n3A_1526 : vector<16xi1>, vector<16xf32>
    %add3A_1536 = arith.constant 3 : i32
    %add3A_1537 = vector.broadcast %add3A_1536 : i32 to vector<16xi32>
    %add3A_1538 = arith.addi %mul3A_1514, %add3A_1537 : vector<16xi32>
    %gather3A_1539 = tpu.vector_load_idx %arg13[%add3A_1328, %add3A_1538] : memref<128x128xf32, #tpu.memory_space<vmem>>[vector<16xi32>, vector<16xi32>], vector<16xf32>,
    %gt3A_1540 = arith.cmpf ogt, %gather3A_1539, %select_n3A_1535 : vector<16xf32>
    %jit3A_1541 = arith.constant 3 : i32
    %broadcast_in_dim3A_1542 = vector.broadcast %jit3A_1541 : i32 to vector<16xi32>
    %select_n3A_1543 = arith.select %gt3A_1540, %broadcast_in_dim3A_1542, %select_n3A_1534 : vector<16xi1>, vector<16xi32>
    %select_n3A_1544 = arith.select %gt3A_1540, %gather3A_1539, %select_n3A_1535 : vector<16xi1>, vector<16xf32>
    %add3A_1545 = arith.constant 4 : i32
    %add3A_1546 = vector.broadcast %add3A_1545 : i32 to vector<16xi32>
    %add3A_1547 = arith.addi %mul3A_1514, %add3A_1546 : vector<16xi32>
    %gather3A_1548 = tpu.vector_load_idx %arg13[%add3A_1328, %add3A_1547] : memref<128x128xf32, #tpu.memory_space<vmem>>[vector<16xi32>, vector<16xi32>], vector<16xf32>,
    %gt3A_1549 = arith.cmpf ogt, %gather3A_1548, %select_n3A_1544 : vector<16xf32>
    %jit3A_1550 = arith.constant 4 : i32
    %broadcast_in_dim3A_1551 = vector.broadcast %jit3A_1550 : i32 to vector<16xi32>
    %select_n3A_1552 = arith.select %gt3A_1549, %broadcast_in_dim3A_1551, %select_n3A_1543 : vector<16xi1>, vector<16xi32>
    %select_n3A_1553 = arith.select %gt3A_1549, %gather3A_1548, %select_n3A_1544 : vector<16xi1>, vector<16xf32>
    %add3A_1554 = arith.constant 5 : i32
    %add3A_1555 = vector.broadcast %add3A_1554 : i32 to vector<16xi32>
    %add3A_1556 = arith.addi %mul3A_1514, %add3A_1555 : vector<16xi32>
    %gather3A_1557 = tpu.vector_load_idx %arg13[%add3A_1328, %add3A_1556] : memref<128x128xf32, #tpu.memory_space<vmem>>[vector<16xi32>, vector<16xi32>], vector<16xf32>,
    %gt3A_1558 = arith.cmpf ogt, %gather3A_1557, %select_n3A_1553 : vector<16xf32>
    %jit3A_1559 = arith.constant 5 : i32
    %broadcast_in_dim3A_1560 = vector.broadcast %jit3A_1559 : i32 to vector<16xi32>
    %select_n3A_1561 = arith.select %gt3A_1558, %broadcast_in_dim3A_1560, %select_n3A_1552 : vector<16xi1>, vector<16xi32>
    %select_n3A_1562 = arith.select %gt3A_1558, %gather3A_1557, %select_n3A_1553 : vector<16xi1>, vector<16xf32>
    %add3A_1563 = arith.constant 6 : i32
    %add3A_1564 = vector.broadcast %add3A_1563 : i32 to vector<16xi32>
    %add3A_1565 = arith.addi %mul3A_1514, %add3A_1564 : vector<16xi32>
    %gather3A_1566 = tpu.vector_load_idx %arg13[%add3A_1328, %add3A_1565] : memref<128x128xf32, #tpu.memory_space<vmem>>[vector<16xi32>, vector<16xi32>], vector<16xf32>,
    %gt3A_1567 = arith.cmpf ogt, %gather3A_1566, %select_n3A_1562 : vector<16xf32>
    %jit3A_1568 = arith.constant 6 : i32
    %broadcast_in_dim3A_1569 = vector.broadcast %jit3A_1568 : i32 to vector<16xi32>
    %select_n3A_1570 = arith.select %gt3A_1567, %broadcast_in_dim3A_1569, %select_n3A_1561 : vector<16xi1>, vector<16xi32>
    %select_n3A_1571 = arith.select %gt3A_1567, %gather3A_1566, %select_n3A_1562 : vector<16xi1>, vector<16xf32>
    %add3A_1572 = arith.constant 7 : i32
    %add3A_1573 = vector.broadcast %add3A_1572 : i32 to vector<16xi32>
    %add3A_1574 = arith.addi %mul3A_1514, %add3A_1573 : vector<16xi32>
    %gather3A_1575 = tpu.vector_load_idx %arg13[%add3A_1328, %add3A_1574] : memref<128x128xf32, #tpu.memory_space<vmem>>[vector<16xi32>, vector<16xi32>], vector<16xf32>,
    %gt3A_1576 = arith.cmpf ogt, %gather3A_1575, %select_n3A_1571 : vector<16xf32>
    %jit3A_1577 = arith.constant 7 : i32
    %broadcast_in_dim3A_1578 = vector.broadcast %jit3A_1577 : i32 to vector<16xi32>
    %select_n3A_1579 = arith.select %gt3A_1576, %broadcast_in_dim3A_1578, %select_n3A_1570 : vector<16xi1>, vector<16xi32>
    %select_n3A_1580 = arith.select %gt3A_1576, %gather3A_1575, %select_n3A_1571 : vector<16xi1>, vector<16xf32>
    %add3A_1581 = arith.constant 8 : i32
    %add3A_1582 = vector.broadcast %add3A_1581 : i32 to vector<16xi32>
    %add3A_1583 = arith.addi %mul3A_1514, %add3A_1582 : vector<16xi32>
    %gather3A_1584 = tpu.vector_load_idx %arg13[%add3A_1328, %add3A_1583] : memref<128x128xf32, #tpu.memory_space<vmem>>[vector<16xi32>, vector<16xi32>], vector<16xf32>,
    %gt3A_1585 = arith.cmpf ogt, %gather3A_1584, %select_n3A_1580 : vector<16xf32>
    %jit3A_1586 = arith.constant 8 : i32
    %broadcast_in_dim3A_1587 = vector.broadcast %jit3A_1586 : i32 to vector<16xi32>
    %select_n3A_1588 = arith.select %gt3A_1585, %broadcast_in_dim3A_1587, %select_n3A_1579 : vector<16xi1>, vector<16xi32>
    %select_n3A_1589 = arith.select %gt3A_1585, %gather3A_1584, %select_n3A_1580 : vector<16xi1>, vector<16xf32>
    %add3A_1590 = arith.constant 9 : i32
    %add3A_1591 = vector.broadcast %add3A_1590 : i32 to vector<16xi32>
    %add3A_1592 = arith.addi %mul3A_1514, %add3A_1591 : vector<16xi32>
    %gather3A_1593 = tpu.vector_load_idx %arg13[%add3A_1328, %add3A_1592] : memref<128x128xf32, #tpu.memory_space<vmem>>[vector<16xi32>, vector<16xi32>], vector<16xf32>,
    %gt3A_1594 = arith.cmpf ogt, %gather3A_1593, %select_n3A_1589 : vector<16xf32>
    %jit3A_1595 = arith.constant 9 : i32
    %broadcast_in_dim3A_1596 = vector.broadcast %jit3A_1595 : i32 to vector<16xi32>
    %select_n3A_1597 = arith.select %gt3A_1594, %broadcast_in_dim3A_1596, %select_n3A_1588 : vector<16xi1>, vector<16xi32>
    %select_n3A_1598 = arith.select %gt3A_1594, %gather3A_1593, %select_n3A_1589 : vector<16xi1>, vector<16xf32>
    %add3A_1599 = arith.constant 10 : i32
    %add3A_1600 = vector.broadcast %add3A_1599 : i32 to vector<16xi32>
    %add3A_1601 = arith.addi %mul3A_1514, %add3A_1600 : vector<16xi32>
    %gather3A_1602 = tpu.vector_load_idx %arg13[%add3A_1328, %add3A_1601] : memref<128x128xf32, #tpu.memory_space<vmem>>[vector<16xi32>, vector<16xi32>], vector<16xf32>,
    %gt3A_1603 = arith.cmpf ogt, %gather3A_1602, %select_n3A_1598 : vector<16xf32>
    %jit3A_1604 = arith.constant 10 : i32
    %broadcast_in_dim3A_1605 = vector.broadcast %jit3A_1604 : i32 to vector<16xi32>
    %select_n3A_1606 = arith.select %gt3A_1603, %broadcast_in_dim3A_1605, %select_n3A_1597 : vector<16xi1>, vector<16xi32>
    %select_n3A_1607 = arith.select %gt3A_1603, %gather3A_1602, %select_n3A_1598 : vector<16xi1>, vector<16xf32>
    %add3A_1608 = arith.constant 11 : i32
    %add3A_1609 = vector.broadcast %add3A_1608 : i32 to vector<16xi32>
    %add3A_1610 = arith.addi %mul3A_1514, %add3A_1609 : vector<16xi32>
    %gather3A_1611 = tpu.vector_load_idx %arg13[%add3A_1328, %add3A_1610] : memref<128x128xf32, #tpu.memory_space<vmem>>[vector<16xi32>, vector<16xi32>], vector<16xf32>,
    %gt3A_1612 = arith.cmpf ogt, %gather3A_1611, %select_n3A_1607 : vector<16xf32>
    %jit3A_1613 = arith.constant 11 : i32
    %broadcast_in_dim3A_1614 = vector.broadcast %jit3A_1613 : i32 to vector<16xi32>
    %select_n3A_1615 = arith.select %gt3A_1612, %broadcast_in_dim3A_1614, %select_n3A_1606 : vector<16xi1>, vector<16xi32>
    %select_n3A_1616 = arith.select %gt3A_1612, %gather3A_1611, %select_n3A_1607 : vector<16xi1>, vector<16xf32>
    %add3A_1617 = arith.constant 12 : i32
    %add3A_1618 = vector.broadcast %add3A_1617 : i32 to vector<16xi32>
    %add3A_1619 = arith.addi %mul3A_1514, %add3A_1618 : vector<16xi32>
    %gather3A_1620 = tpu.vector_load_idx %arg13[%add3A_1328, %add3A_1619] : memref<128x128xf32, #tpu.memory_space<vmem>>[vector<16xi32>, vector<16xi32>], vector<16xf32>,
    %gt3A_1621 = arith.cmpf ogt, %gather3A_1620, %select_n3A_1616 : vector<16xf32>
    %jit3A_1622 = arith.constant 12 : i32
    %broadcast_in_dim3A_1623 = vector.broadcast %jit3A_1622 : i32 to vector<16xi32>
    %select_n3A_1624 = arith.select %gt3A_1621, %broadcast_in_dim3A_1623, %select_n3A_1615 : vector<16xi1>, vector<16xi32>
    %select_n3A_1625 = arith.select %gt3A_1621, %gather3A_1620, %select_n3A_1616 : vector<16xi1>, vector<16xf32>
    %add3A_1626 = arith.constant 13 : i32
    %add3A_1627 = vector.broadcast %add3A_1626 : i32 to vector<16xi32>
    %add3A_1628 = arith.addi %mul3A_1514, %add3A_1627 : vector<16xi32>
    %gather3A_1629 = tpu.vector_load_idx %arg13[%add3A_1328, %add3A_1628] : memref<128x128xf32, #tpu.memory_space<vmem>>[vector<16xi32>, vector<16xi32>], vector<16xf32>,
    %gt3A_1630 = arith.cmpf ogt, %gather3A_1629, %select_n3A_1625 : vector<16xf32>
    %jit3A_1631 = arith.constant 13 : i32
    %broadcast_in_dim3A_1632 = vector.broadcast %jit3A_1631 : i32 to vector<16xi32>
    %select_n3A_1633 = arith.select %gt3A_1630, %broadcast_in_dim3A_1632, %select_n3A_1624 : vector<16xi1>, vector<16xi32>
    %select_n3A_1634 = arith.select %gt3A_1630, %gather3A_1629, %select_n3A_1625 : vector<16xi1>, vector<16xf32>
    %add3A_1635 = arith.constant 14 : i32
    %add3A_1636 = vector.broadcast %add3A_1635 : i32 to vector<16xi32>
    %add3A_1637 = arith.addi %mul3A_1514, %add3A_1636 : vector<16xi32>
    %gather3A_1638 = tpu.vector_load_idx %arg13[%add3A_1328, %add3A_1637] : memref<128x128xf32, #tpu.memory_space<vmem>>[vector<16xi32>, vector<16xi32>], vector<16xf32>,
    %gt3A_1639 = arith.cmpf ogt, %gather3A_1638, %select_n3A_1634 : vector<16xf32>
    %jit3A_1640 = arith.constant 14 : i32
    %broadcast_in_dim3A_1641 = vector.broadcast %jit3A_1640 : i32 to vector<16xi32>
    %select_n3A_1642 = arith.select %gt3A_1639, %broadcast_in_dim3A_1641, %select_n3A_1633 : vector<16xi1>, vector<16xi32>
    %select_n3A_1643 = arith.select %gt3A_1639, %gather3A_1638, %select_n3A_1634 : vector<16xi1>, vector<16xf32>
    %add3A_1644 = arith.constant 15 : i32
    %add3A_1645 = vector.broadcast %add3A_1644 : i32 to vector<16xi32>
    %add3A_1646 = arith.addi %mul3A_1514, %add3A_1645 : vector<16xi32>
    %gather3A_1647 = tpu.vector_load_idx %arg13[%add3A_1328, %add3A_1646] : memref<128x128xf32, #tpu.memory_space<vmem>>[vector<16xi32>, vector<16xi32>], vector<16xf32>,
    %gt3A_1648 = arith.cmpf ogt, %gather3A_1647, %select_n3A_1643 : vector<16xf32>
    %jit3A_1649 = arith.constant 15 : i32
    %broadcast_in_dim3A_1650 = vector.broadcast %jit3A_1649 : i32 to vector<16xi32>
    %select_n3A_1651 = arith.select %gt3A_1648, %broadcast_in_dim3A_1650, %select_n3A_1642 : vector<16xi1>, vector<16xi32>
    %select_n3A_1652 = arith.select %gt3A_1648, %gather3A_1647, %select_n3A_1643 : vector<16xi1>, vector<16xf32>
    %broadcast_in_dim3A_1653 = arith.constant 0.000000e+00 : f32
    %broadcast_in_dim3A_1654 = vector.broadcast %broadcast_in_dim3A_1653 : f32 to vector<16xf32>
    %sub3A_1655 = arith.subf %gather3A_1515, %select_n3A_1652 : vector<16xf32>
    %exp3A_1656 = math.exp %sub3A_1655 : vector<16xf32>
    %add3A_1657 = arith.addf %broadcast_in_dim3A_1654, %exp3A_1656 : vector<16xf32>
    %sub3A_1658 = arith.subf %gather3A_1521, %select_n3A_1652 : vector<16xf32>
    %exp3A_1659 = math.exp %sub3A_1658 : vector<16xf32>
    %add3A_1660 = arith.addf %add3A_1657, %exp3A_1659 : vector<16xf32>
    %sub3A_1661 = arith.subf %gather3A_1530, %select_n3A_1652 : vector<16xf32>
    %exp3A_1662 = math.exp %sub3A_1661 : vector<16xf32>
    %add3A_1663 = arith.addf %add3A_1660, %exp3A_1662 : vector<16xf32>
    %sub3A_1664 = arith.subf %gather3A_1539, %select_n3A_1652 : vector<16xf32>
    %exp3A_1665 = math.exp %sub3A_1664 : vector<16xf32>
    %add3A_1666 = arith.addf %add3A_1663, %exp3A_1665 : vector<16xf32>
    %sub3A_1667 = arith.subf %gather3A_1548, %select_n3A_1652 : vector<16xf32>
    %exp3A_1668 = math.exp %sub3A_1667 : vector<16xf32>
    %add3A_1669 = arith.addf %add3A_1666, %exp3A_1668 : vector<16xf32>
    %sub3A_1670 = arith.subf %gather3A_1557, %select_n3A_1652 : vector<16xf32>
    %exp3A_1671 = math.exp %sub3A_1670 : vector<16xf32>
    %add3A_1672 = arith.addf %add3A_1669, %exp3A_1671 : vector<16xf32>
    %sub3A_1673 = arith.subf %gather3A_1566, %select_n3A_1652 : vector<16xf32>
    %exp3A_1674 = math.exp %sub3A_1673 : vector<16xf32>
    %add3A_1675 = arith.addf %add3A_1672, %exp3A_1674 : vector<16xf32>
    %sub3A_1676 = arith.subf %gather3A_1575, %select_n3A_1652 : vector<16xf32>
    %exp3A_1677 = math.exp %sub3A_1676 : vector<16xf32>
    %add3A_1678 = arith.addf %add3A_1675, %exp3A_1677 : vector<16xf32>
    %sub3A_1679 = arith.subf %gather3A_1584, %select_n3A_1652 : vector<16xf32>
    %exp3A_1680 = math.exp %sub3A_1679 : vector<16xf32>
    %add3A_1681 = arith.addf %add3A_1678, %exp3A_1680 : vector<16xf32>
    %sub3A_1682 = arith.subf %gather3A_1593, %select_n3A_1652 : vector<16xf32>
    %exp3A_1683 = math.exp %sub3A_1682 : vector<16xf32>
    %add3A_1684 = arith.addf %add3A_1681, %exp3A_1683 : vector<16xf32>
    %sub3A_1685 = arith.subf %gather3A_1602, %select_n3A_1652 : vector<16xf32>
    %exp3A_1686 = math.exp %sub3A_1685 : vector<16xf32>
    %add3A_1687 = arith.addf %add3A_1684, %exp3A_1686 : vector<16xf32>
    %sub3A_1688 = arith.subf %gather3A_1611, %select_n3A_1652 : vector<16xf32>
    %exp3A_1689 = math.exp %sub3A_1688 : vector<16xf32>
    %add3A_1690 = arith.addf %add3A_1687, %exp3A_1689 : vector<16xf32>
    %sub3A_1691 = arith.subf %gather3A_1620, %select_n3A_1652 : vector<16xf32>
    %exp3A_1692 = math.exp %sub3A_1691 : vector<16xf32>
    %add3A_1693 = arith.addf %add3A_1690, %exp3A_1692 : vector<16xf32>
    %sub3A_1694 = arith.subf %gather3A_1629, %select_n3A_1652 : vector<16xf32>
    %exp3A_1695 = math.exp %sub3A_1694 : vector<16xf32>
    %add3A_1696 = arith.addf %add3A_1693, %exp3A_1695 : vector<16xf32>
    %sub3A_1697 = arith.subf %gather3A_1638, %select_n3A_1652 : vector<16xf32>
    %exp3A_1698 = math.exp %sub3A_1697 : vector<16xf32>
    %add3A_1699 = arith.addf %add3A_1696, %exp3A_1698 : vector<16xf32>
    %sub3A_1700 = arith.subf %gather3A_1647, %select_n3A_1652 : vector<16xf32>
    %exp3A_1701 = math.exp %sub3A_1700 : vector<16xf32>
    %add3A_1702 = arith.addf %add3A_1699, %exp3A_1701 : vector<16xf32>
    %bitcast_convert_type3A_1703 = tpu.bitcast %add3A_1702 : vector<16xf32> -> vector<16xi32>
    %shift_right_arithmetic3A_1704 = arith.constant 23 : i32
    %shift_right_arithmetic3A_1705 = vector.broadcast %shift_right_arithmetic3A_1704 : i32 to vector<16xi32>
    %shift_right_arithmetic3A_1706 = arith.shrsi %bitcast_convert_type3A_1703, %shift_right_arithmetic3A_1705 : vector<16xi32>
    %sub3A_1707 = arith.constant 127 : i32
    %sub3A_1708 = vector.broadcast %sub3A_1707 : i32 to vector<16xi32>
    %sub3A_1709 = arith.subi %shift_right_arithmetic3A_1706, %sub3A_1708 : vector<16xi32>
    %and3A_1710 = arith.constant 8388607 : i32
    %and3A_1711 = vector.broadcast %and3A_1710 : i32 to vector<16xi32>
    %and3A_1712 = arith.andi %bitcast_convert_type3A_1703, %and3A_1711 : vector<16xi32>
    %or3A_1713 = arith.constant 1065353216 : i32
    %or3A_1714 = vector.broadcast %or3A_1713 : i32 to vector<16xi32>
    %or3A_1715 = arith.ori %and3A_1712, %or3A_1714 : vector<16xi32>
    %bitcast_convert_type3A_1716 = tpu.bitcast %or3A_1715 : vector<16xi32> -> vector<16xf32>
    %sub3A_1717 = arith.constant 1.000000e+00 : f32
    %sub3A_1718 = vector.broadcast %sub3A_1717 : f32 to vector<16xf32>
    %sub3A_1719 = arith.subf %bitcast_convert_type3A_1716, %sub3A_1718 : vector<16xf32>
    %add3A_1720 = arith.constant 1.000000e+00 : f32
    %add3A_1721 = vector.broadcast %add3A_1720 : f32 to vector<16xf32>
    %add3A_1722 = arith.addf %bitcast_convert_type3A_1716, %add3A_1721 : vector<16xf32>
    %div3A_1723 = arith.divf %sub3A_1719, %add3A_1722 : vector<16xf32>
    %mul3A_1724 = arith.mulf %div3A_1723, %div3A_1723 : vector<16xf32>
    %mul3A_1725 = arith.constant 2.000000e+00 : f32
    %mul3A_1726 = vector.broadcast %mul3A_1725 : f32 to vector<16xf32>
    %mul3A_1727 = arith.mulf %mul3A_1726, %div3A_1723 : vector<16xf32>
    %mul3A_1728 = arith.constant 0.142857149 : f32
    %mul3A_1729 = vector.broadcast %mul3A_1728 : f32 to vector<16xf32>
    %mul3A_1730 = arith.mulf %mul3A_1724, %mul3A_1729 : vector<16xf32>
    %add3A_1731 = arith.constant 2.000000e-01 : f32
    %add3A_1732 = vector.broadcast %add3A_1731 : f32 to vector<16xf32>
    %add3A_1733 = arith.addf %add3A_1732, %mul3A_1730 : vector<16xf32>
    %mul3A_1734 = arith.mulf %mul3A_1724, %add3A_1733 : vector<16xf32>
    %add3A_1735 = arith.constant 0.333333343 : f32
    %add3A_1736 = vector.broadcast %add3A_1735 : f32 to vector<16xf32>
    %add3A_1737 = arith.addf %add3A_1736, %mul3A_1734 : vector<16xf32>
    %mul3A_1738 = arith.mulf %mul3A_1724, %add3A_1737 : vector<16xf32>
    %add3A_1739 = arith.constant 1.000000e+00 : f32
    %add3A_1740 = vector.broadcast %add3A_1739 : f32 to vector<16xf32>
    %add3A_1741 = arith.addf %add3A_1740, %mul3A_1738 : vector<16xf32>
    %mul3A_1742 = arith.mulf %mul3A_1727, %add3A_1741 : vector<16xf32>
    %convert_element_type3A_1743 = arith.sitofp %sub3A_1709 : vector<16xi32> to vector<16xf32>
    %mul3A_1744 = arith.constant 0.693147182 : f32
    %mul3A_1745 = vector.broadcast %mul3A_1744 : f32 to vector<16xf32>
    %mul3A_1746 = arith.mulf %convert_element_type3A_1743, %mul3A_1745 : vector<16xf32>
    %add3A_1747 = arith.addf %mul3A_1746, %mul3A_1742 : vector<16xf32>
    %neg3A_1748 = arith.constant 0.000000e+00 : f32
    %neg3A_1749 = vector.broadcast %neg3A_1748 : f32 to vector<16xf32>
    %neg3A_1750 = arith.subf %neg3A_1749, %add3A_1747 : vector<16xf32>
    %swap3A_1751 = arith.constant 48 : index
    %swap3A_1752 = tpu.vector_load %arg17[%swap3A_1751] {strides = array<i32>} : memref<128xi32, #tpu.memory_space<vmem>>, vector<16xi32>,
    tpu.vector_store %arg17[%swap3A_1751], %select_n3A_1651 {strides = array<i32>} : memref<128xi32, #tpu.memory_space<vmem>>, vector<16xi32>,
    %swap3A_1753 = arith.constant 48 : index
    %swap3A_1754 = tpu.vector_load %arg18[%swap3A_1753] {strides = array<i32>} : memref<128xf32, #tpu.memory_space<vmem>>, vector<16xf32>,
    tpu.vector_store %arg18[%swap3A_1753], %gather3A_1511 {strides = array<i32>} : memref<128xf32, #tpu.memory_space<vmem>>, vector<16xf32>,
    %swap3A_1755 = arith.constant 48 : index
    %swap3A_1756 = tpu.vector_load %arg19[%swap3A_1755] {strides = array<i32>} : memref<128xf32, #tpu.memory_space<vmem>>, vector<16xf32>,
    tpu.vector_store %arg19[%swap3A_1755], %neg3A_1750 {strides = array<i32>} : memref<128xf32, #tpu.memory_space<vmem>>, vector<16xf32>,
    %swap3A_1757 = arith.constant 48 : index
    %swap3A_1758 = tpu.vector_load %arg20[%swap3A_1757] {strides = array<i32>} : memref<128xi32, #tpu.memory_space<vmem>>, vector<16xi32>,
    tpu.vector_store %arg20[%swap3A_1757], %select_n3A_1501 {strides = array<i32>} : memref<128xi32, #tpu.memory_space<vmem>>, vector<16xi32>,
    %swap3A_1759 = arith.constant 48 : index
    %swap3A_1760 = tpu.vector_load %arg21[%swap3A_1759] {strides = array<i32>} : memref<128xf32, #tpu.memory_space<vmem>>, vector<16xf32>,
    tpu.vector_store %arg21[%swap3A_1759], %get3A_1475 {strides = array<i32>} : memref<128xf32, #tpu.memory_space<vmem>>, vector<16xf32>,
    %swap3A_1761 = arith.constant 48 : index
    %swap3A_1762 = tpu.vector_load %arg22[%swap3A_1761] {strides = array<i32>} : memref<128xf32, #tpu.memory_space<vmem>>, vector<16xf32>,
    tpu.vector_store %arg22[%swap3A_1761], %neg3A_1471 {strides = array<i32>} : memref<128xf32, #tpu.memory_space<vmem>>, vector<16xf32>,
    %swap3A_1763 = arith.constant 48 : index
    %swap3A_1764 = tpu.vector_load %arg23[%swap3A_1763] {strides = array<i32>} : memref<128xf32, #tpu.memory_space<vmem>>, vector<16xf32>,
    tpu.vector_store %arg23[%swap3A_1763], %select_n3A_1507 {strides = array<i32>} : memref<128xf32, #tpu.memory_space<vmem>>, vector<16xf32>,
    %add3A_1765 = arith.constant 64 : i32
    %add3A_1766 = vector.broadcast %add3A_1765 : i32 to vector<16xi32>
    %add3A_1767 = arith.addi %iota3A, %add3A_1766 : vector<16xi32>
    %get3A_1768 = arith.constant 0 : i32
    %get3A_1769 = arith.index_cast %get3A_1768 : i32 to index
    %get3A_1770 = arith.constant 64 : index
    %get3A_1771 = tpu.vector_load %arg14[%get3A_1769, %get3A_1770] {strides = array<i32>} : memref<32x128xf32, #tpu.memory_space<vmem>>, vector<16xf32>,
    %broadcast_in_dim3A_1772 = arith.constant 0 : i32
    %broadcast_in_dim3A_1773 = vector.broadcast %broadcast_in_dim3A_1772 : i32 to vector<16xi32>
    %get3A_1774 = arith.constant 1 : i32
    %get3A_1775 = arith.index_cast %get3A_1774 : i32 to index
    %get3A_1776 = arith.constant 64 : index
    %get3A_1777 = tpu.vector_load %arg14[%get3A_1775, %get3A_1776] {strides = array<i32>} : memref<32x128xf32, #tpu.memory_space<vmem>>, vector<16xf32>,
    %gt3A_1778 = arith.cmpf ogt, %get3A_1777, %get3A_1771 : vector<16xf32>
    %jit3A_1779 = arith.constant 1 : i32
    %broadcast_in_dim3A_1780 = vector.broadcast %jit3A_1779 : i32 to vector<16xi32>
    %select_n3A_1781 = arith.select %gt3A_1778, %broadcast_in_dim3A_1780, %broadcast_in_dim3A_1773 : vector<16xi1>, vector<16xi32>
    %select_n3A_1782 = arith.select %gt3A_1778, %get3A_1777, %get3A_1771 : vector<16xi1>, vector<16xf32>
    %get3A_1783 = arith.constant 2 : i32
    %get3A_1784 = arith.index_cast %get3A_1783 : i32 to index
    %get3A_1785 = arith.constant 64 : index
    %get3A_1786 = tpu.vector_load %arg14[%get3A_1784, %get3A_1785] {strides = array<i32>} : memref<32x128xf32, #tpu.memory_space<vmem>>, vector<16xf32>,
    %gt3A_1787 = arith.cmpf ogt, %get3A_1786, %select_n3A_1782 : vector<16xf32>
    %jit3A_1788 = arith.constant 2 : i32
    %broadcast_in_dim3A_1789 = vector.broadcast %jit3A_1788 : i32 to vector<16xi32>
    %select_n3A_1790 = arith.select %gt3A_1787, %broadcast_in_dim3A_1789, %select_n3A_1781 : vector<16xi1>, vector<16xi32>
    %select_n3A_1791 = arith.select %gt3A_1787, %get3A_1786, %select_n3A_1782 : vector<16xi1>, vector<16xf32>
    %get3A_1792 = arith.constant 3 : i32
    %get3A_1793 = arith.index_cast %get3A_1792 : i32 to index
    %get3A_1794 = arith.constant 64 : index
    %get3A_1795 = tpu.vector_load %arg14[%get3A_1793, %get3A_1794] {strides = array<i32>} : memref<32x128xf32, #tpu.memory_space<vmem>>, vector<16xf32>,
    %gt3A_1796 = arith.cmpf ogt, %get3A_1795, %select_n3A_1791 : vector<16xf32>
    %jit3A_1797 = arith.constant 3 : i32
    %broadcast_in_dim3A_1798 = vector.broadcast %jit3A_1797 : i32 to vector<16xi32>
    %select_n3A_1799 = arith.select %gt3A_1796, %broadcast_in_dim3A_1798, %select_n3A_1790 : vector<16xi1>, vector<16xi32>
    %select_n3A_1800 = arith.select %gt3A_1796, %get3A_1795, %select_n3A_1791 : vector<16xi1>, vector<16xf32>
    %get3A_1801 = arith.constant 4 : i32
    %get3A_1802 = arith.index_cast %get3A_1801 : i32 to index
    %get3A_1803 = arith.constant 64 : index
    %get3A_1804 = tpu.vector_load %arg14[%get3A_1802, %get3A_1803] {strides = array<i32>} : memref<32x128xf32, #tpu.memory_space<vmem>>, vector<16xf32>,
    %gt3A_1805 = arith.cmpf ogt, %get3A_1804, %select_n3A_1800 : vector<16xf32>
    %jit3A_1806 = arith.constant 4 : i32
    %broadcast_in_dim3A_1807 = vector.broadcast %jit3A_1806 : i32 to vector<16xi32>
    %select_n3A_1808 = arith.select %gt3A_1805, %broadcast_in_dim3A_1807, %select_n3A_1799 : vector<16xi1>, vector<16xi32>
    %select_n3A_1809 = arith.select %gt3A_1805, %get3A_1804, %select_n3A_1800 : vector<16xi1>, vector<16xf32>
    %get3A_1810 = arith.constant 5 : i32
    %get3A_1811 = arith.index_cast %get3A_1810 : i32 to index
    %get3A_1812 = arith.constant 64 : index
    %get3A_1813 = tpu.vector_load %arg14[%get3A_1811, %get3A_1812] {strides = array<i32>} : memref<32x128xf32, #tpu.memory_space<vmem>>, vector<16xf32>,
    %gt3A_1814 = arith.cmpf ogt, %get3A_1813, %select_n3A_1809 : vector<16xf32>
    %jit3A_1815 = arith.constant 5 : i32
    %broadcast_in_dim3A_1816 = vector.broadcast %jit3A_1815 : i32 to vector<16xi32>
    %select_n3A_1817 = arith.select %gt3A_1814, %broadcast_in_dim3A_1816, %select_n3A_1808 : vector<16xi1>, vector<16xi32>
    %select_n3A_1818 = arith.select %gt3A_1814, %get3A_1813, %select_n3A_1809 : vector<16xi1>, vector<16xf32>
    %get3A_1819 = arith.constant 6 : i32
    %get3A_1820 = arith.index_cast %get3A_1819 : i32 to index
    %get3A_1821 = arith.constant 64 : index
    %get3A_1822 = tpu.vector_load %arg14[%get3A_1820, %get3A_1821] {strides = array<i32>} : memref<32x128xf32, #tpu.memory_space<vmem>>, vector<16xf32>,
    %gt3A_1823 = arith.cmpf ogt, %get3A_1822, %select_n3A_1818 : vector<16xf32>
    %jit3A_1824 = arith.constant 6 : i32
    %broadcast_in_dim3A_1825 = vector.broadcast %jit3A_1824 : i32 to vector<16xi32>
    %select_n3A_1826 = arith.select %gt3A_1823, %broadcast_in_dim3A_1825, %select_n3A_1817 : vector<16xi1>, vector<16xi32>
    %select_n3A_1827 = arith.select %gt3A_1823, %get3A_1822, %select_n3A_1818 : vector<16xi1>, vector<16xf32>
    %get3A_1828 = arith.constant 7 : i32
    %get3A_1829 = arith.index_cast %get3A_1828 : i32 to index
    %get3A_1830 = arith.constant 64 : index
    %get3A_1831 = tpu.vector_load %arg14[%get3A_1829, %get3A_1830] {strides = array<i32>} : memref<32x128xf32, #tpu.memory_space<vmem>>, vector<16xf32>,
    %gt3A_1832 = arith.cmpf ogt, %get3A_1831, %select_n3A_1827 : vector<16xf32>
    %jit3A_1833 = arith.constant 7 : i32
    %broadcast_in_dim3A_1834 = vector.broadcast %jit3A_1833 : i32 to vector<16xi32>
    %select_n3A_1835 = arith.select %gt3A_1832, %broadcast_in_dim3A_1834, %select_n3A_1826 : vector<16xi1>, vector<16xi32>
    %select_n3A_1836 = arith.select %gt3A_1832, %get3A_1831, %select_n3A_1827 : vector<16xi1>, vector<16xf32>
    %broadcast_in_dim3A_1837 = arith.constant 0.000000e+00 : f32
    %broadcast_in_dim3A_1838 = vector.broadcast %broadcast_in_dim3A_1837 : f32 to vector<16xf32>
    %sub3A_1839 = arith.subf %get3A_1771, %select_n3A_1836 : vector<16xf32>
    %exp3A_1840 = math.exp %sub3A_1839 : vector<16xf32>
    %add3A_1841 = arith.addf %broadcast_in_dim3A_1838, %exp3A_1840 : vector<16xf32>
    %sub3A_1842 = arith.subf %get3A_1777, %select_n3A_1836 : vector<16xf32>
    %exp3A_1843 = math.exp %sub3A_1842 : vector<16xf32>
    %add3A_1844 = arith.addf %add3A_1841, %exp3A_1843 : vector<16xf32>
    %sub3A_1845 = arith.subf %get3A_1786, %select_n3A_1836 : vector<16xf32>
    %exp3A_1846 = math.exp %sub3A_1845 : vector<16xf32>
    %add3A_1847 = arith.addf %add3A_1844, %exp3A_1846 : vector<16xf32>
    %sub3A_1848 = arith.subf %get3A_1795, %select_n3A_1836 : vector<16xf32>
    %exp3A_1849 = math.exp %sub3A_1848 : vector<16xf32>
    %add3A_1850 = arith.addf %add3A_1847, %exp3A_1849 : vector<16xf32>
    %sub3A_1851 = arith.subf %get3A_1804, %select_n3A_1836 : vector<16xf32>
    %exp3A_1852 = math.exp %sub3A_1851 : vector<16xf32>
    %add3A_1853 = arith.addf %add3A_1850, %exp3A_1852 : vector<16xf32>
    %sub3A_1854 = arith.subf %get3A_1813, %select_n3A_1836 : vector<16xf32>
    %exp3A_1855 = math.exp %sub3A_1854 : vector<16xf32>
    %add3A_1856 = arith.addf %add3A_1853, %exp3A_1855 : vector<16xf32>
    %sub3A_1857 = arith.subf %get3A_1822, %select_n3A_1836 : vector<16xf32>
    %exp3A_1858 = math.exp %sub3A_1857 : vector<16xf32>
    %add3A_1859 = arith.addf %add3A_1856, %exp3A_1858 : vector<16xf32>
    %sub3A_1860 = arith.subf %get3A_1831, %select_n3A_1836 : vector<16xf32>
    %exp3A_1861 = math.exp %sub3A_1860 : vector<16xf32>
    %add3A_1862 = arith.addf %add3A_1859, %exp3A_1861 : vector<16xf32>
    %bitcast_convert_type3A_1863 = tpu.bitcast %add3A_1862 : vector<16xf32> -> vector<16xi32>
    %shift_right_arithmetic3A_1864 = arith.constant 23 : i32
    %shift_right_arithmetic3A_1865 = vector.broadcast %shift_right_arithmetic3A_1864 : i32 to vector<16xi32>
    %shift_right_arithmetic3A_1866 = arith.shrsi %bitcast_convert_type3A_1863, %shift_right_arithmetic3A_1865 : vector<16xi32>
    %sub3A_1867 = arith.constant 127 : i32
    %sub3A_1868 = vector.broadcast %sub3A_1867 : i32 to vector<16xi32>
    %sub3A_1869 = arith.subi %shift_right_arithmetic3A_1866, %sub3A_1868 : vector<16xi32>
    %and3A_1870 = arith.constant 8388607 : i32
    %and3A_1871 = vector.broadcast %and3A_1870 : i32 to vector<16xi32>
    %and3A_1872 = arith.andi %bitcast_convert_type3A_1863, %and3A_1871 : vector<16xi32>
    %or3A_1873 = arith.constant 1065353216 : i32
    %or3A_1874 = vector.broadcast %or3A_1873 : i32 to vector<16xi32>
    %or3A_1875 = arith.ori %and3A_1872, %or3A_1874 : vector<16xi32>
    %bitcast_convert_type3A_1876 = tpu.bitcast %or3A_1875 : vector<16xi32> -> vector<16xf32>
    %sub3A_1877 = arith.constant 1.000000e+00 : f32
    %sub3A_1878 = vector.broadcast %sub3A_1877 : f32 to vector<16xf32>
    %sub3A_1879 = arith.subf %bitcast_convert_type3A_1876, %sub3A_1878 : vector<16xf32>
    %add3A_1880 = arith.constant 1.000000e+00 : f32
    %add3A_1881 = vector.broadcast %add3A_1880 : f32 to vector<16xf32>
    %add3A_1882 = arith.addf %bitcast_convert_type3A_1876, %add3A_1881 : vector<16xf32>
    %div3A_1883 = arith.divf %sub3A_1879, %add3A_1882 : vector<16xf32>
    %mul3A_1884 = arith.mulf %div3A_1883, %div3A_1883 : vector<16xf32>
    %mul3A_1885 = arith.constant 2.000000e+00 : f32
    %mul3A_1886 = vector.broadcast %mul3A_1885 : f32 to vector<16xf32>
    %mul3A_1887 = arith.mulf %mul3A_1886, %div3A_1883 : vector<16xf32>
    %mul3A_1888 = arith.constant 0.142857149 : f32
    %mul3A_1889 = vector.broadcast %mul3A_1888 : f32 to vector<16xf32>
    %mul3A_1890 = arith.mulf %mul3A_1884, %mul3A_1889 : vector<16xf32>
    %add3A_1891 = arith.constant 2.000000e-01 : f32
    %add3A_1892 = vector.broadcast %add3A_1891 : f32 to vector<16xf32>
    %add3A_1893 = arith.addf %add3A_1892, %mul3A_1890 : vector<16xf32>
    %mul3A_1894 = arith.mulf %mul3A_1884, %add3A_1893 : vector<16xf32>
    %add3A_1895 = arith.constant 0.333333343 : f32
    %add3A_1896 = vector.broadcast %add3A_1895 : f32 to vector<16xf32>
    %add3A_1897 = arith.addf %add3A_1896, %mul3A_1894 : vector<16xf32>
    %mul3A_1898 = arith.mulf %mul3A_1884, %add3A_1897 : vector<16xf32>
    %add3A_1899 = arith.constant 1.000000e+00 : f32
    %add3A_1900 = vector.broadcast %add3A_1899 : f32 to vector<16xf32>
    %add3A_1901 = arith.addf %add3A_1900, %mul3A_1898 : vector<16xf32>
    %mul3A_1902 = arith.mulf %mul3A_1887, %add3A_1901 : vector<16xf32>
    %convert_element_type3A_1903 = arith.sitofp %sub3A_1869 : vector<16xi32> to vector<16xf32>
    %mul3A_1904 = arith.constant 0.693147182 : f32
    %mul3A_1905 = vector.broadcast %mul3A_1904 : f32 to vector<16xf32>
    %mul3A_1906 = arith.mulf %convert_element_type3A_1903, %mul3A_1905 : vector<16xf32>
    %add3A_1907 = arith.addf %mul3A_1906, %mul3A_1902 : vector<16xf32>
    %neg3A_1908 = arith.constant 0.000000e+00 : f32
    %neg3A_1909 = vector.broadcast %neg3A_1908 : f32 to vector<16xf32>
    %neg3A_1910 = arith.subf %neg3A_1909, %add3A_1907 : vector<16xf32>
    %get3A_1911 = arith.constant 8 : i32
    %get3A_1912 = arith.index_cast %get3A_1911 : i32 to index
    %get3A_1913 = arith.constant 64 : index
    %get3A_1914 = tpu.vector_load %arg14[%get3A_1912, %get3A_1913] {strides = array<i32>} : memref<32x128xf32, #tpu.memory_space<vmem>>, vector<16xf32>,
    %get3A_1915 = arith.constant 64 : index
    %get3A_1916 = tpu.vector_load %arg15[%get3A_1915] {strides = array<i32>} : memref<128xi32, #tpu.memory_space<vmem>>, vector<16xi32>,
    %get3A_1917 = arith.constant 64 : index
    %get3A_1918 = tpu.vector_load %arg16[%get3A_1917] {strides = array<i32>} : memref<128xi32, #tpu.memory_space<vmem>>, vector<16xi32>,
    %add3A_1919 = arith.constant 9 : i32
    %add3A_1920 = vector.broadcast %add3A_1919 : i32 to vector<16xi32>
    %add3A_1921 = arith.addi %get3A_1916, %add3A_1920 : vector<16xi32>
    %gather3A_1922 = tpu.vector_load_idx %arg14[%add3A_1921, %add3A_1767] : memref<32x128xf32, #tpu.memory_space<vmem>>[vector<16xi32>, vector<16xi32>], vector<16xf32>,
    %neg3A_1923 = arith.constant 0.000000e+00 : f32
    %neg3A_1924 = vector.broadcast %neg3A_1923 : f32 to vector<16xf32>
    %neg3A_1925 = arith.subf %neg3A_1924, %gather3A_1922 : vector<16xf32>
    %exp3A_1926 = math.exp %neg3A_1925 : vector<16xf32>
    %add3A_1927 = arith.constant 1.000000e+00 : f32
    %add3A_1928 = vector.broadcast %add3A_1927 : f32 to vector<16xf32>
    %add3A_1929 = arith.addf %add3A_1928, %exp3A_1926 : vector<16xf32>
    %div3A_1930 = arith.constant 1.000000e+00 : f32
    %div3A_1931 = vector.broadcast %div3A_1930 : f32 to vector<16xf32>
    %div3A_1932 = arith.divf %div3A_1931, %add3A_1929 : vector<16xf32>
    %gt3A_1933 = arith.constant 5.000000e-01 : f32
    %gt3A_1934 = vector.broadcast %gt3A_1933 : f32 to vector<16xf32>
    %gt3A_1935 = arith.cmpf ogt, %div3A_1932, %gt3A_1934 : vector<16xf32>
    %gt3A_1936 = arith.constant 0 : i32
    %gt3A_1937 = vector.broadcast %gt3A_1936 : i32 to vector<16xi32>
    %gt3A_1938 = arith.cmpi sgt, %get3A_1918, %gt3A_1937 : vector<16xi32>
    %or3A_1939 = arith.ori %gt3A_1935, %gt3A_1938 : vector<16xi1>
    %select_n3A_1940 = arith.select %or3A_1939, %select_n3A_1835, %get3A_1916 : vector<16xi1>, vector<16xi32>
    %gt3A_1941 = arith.constant 0 : i32
    %gt3A_1942 = vector.broadcast %gt3A_1941 : i32 to vector<16xi32>
    %gt3A_1943 = arith.cmpi sgt, %get3A_1918, %gt3A_1942 : vector<16xi32>
    %jit3A_1944 = arith.constant 0.000000e+00 : f32
    %broadcast_in_dim3A_1945 = vector.broadcast %jit3A_1944 : f32 to vector<16xf32>
    %select_n3A_1946 = arith.select %gt3A_1943, %broadcast_in_dim3A_1945, %div3A_1932 : vector<16xi1>, vector<16xf32>
    %add3A_1947 = arith.constant 17 : i32
    %add3A_1948 = vector.broadcast %add3A_1947 : i32 to vector<16xi32>
    %add3A_1949 = arith.addi %select_n3A_1940, %add3A_1948 : vector<16xi32>
    %gather3A_1950 = tpu.vector_load_idx %arg14[%add3A_1949, %add3A_1767] : memref<32x128xf32, #tpu.memory_space<vmem>>[vector<16xi32>, vector<16xi32>], vector<16xf32>,
    %mul3A_1951 = arith.constant 16 : i32
    %mul3A_1952 = vector.broadcast %mul3A_1951 : i32 to vector<16xi32>
    %mul3A_1953 = arith.muli %select_n3A_1940, %mul3A_1952 : vector<16xi32>
    %gather3A_1954 = tpu.vector_load_idx %arg13[%add3A_1767, %mul3A_1953] : memref<128x128xf32, #tpu.memory_space<vmem>>[vector<16xi32>, vector<16xi32>], vector<16xf32>,
    %broadcast_in_dim3A_1955 = arith.constant 0 : i32
    %broadcast_in_dim3A_1956 = vector.broadcast %broadcast_in_dim3A_1955 : i32 to vector<16xi32>
    %add3A_1957 = arith.constant 1 : i32
    %add3A_1958 = vector.broadcast %add3A_1957 : i32 to vector<16xi32>
    %add3A_1959 = arith.addi %mul3A_1953, %add3A_1958 : vector<16xi32>
    %gather3A_1960 = tpu.vector_load_idx %arg13[%add3A_1767, %add3A_1959] : memref<128x128xf32, #tpu.memory_space<vmem>>[vector<16xi32>, vector<16xi32>], vector<16xf32>,
    %gt3A_1961 = arith.cmpf ogt, %gather3A_1960, %gather3A_1954 : vector<16xf32>
    %jit3A_1962 = arith.constant 1 : i32
    %broadcast_in_dim3A_1963 = vector.broadcast %jit3A_1962 : i32 to vector<16xi32>
    %select_n3A_1964 = arith.select %gt3A_1961, %broadcast_in_dim3A_1963, %broadcast_in_dim3A_1956 : vector<16xi1>, vector<16xi32>
    %select_n3A_1965 = arith.select %gt3A_1961, %gather3A_1960, %gather3A_1954 : vector<16xi1>, vector<16xf32>
    %add3A_1966 = arith.constant 2 : i32
    %add3A_1967 = vector.broadcast %add3A_1966 : i32 to vector<16xi32>
    %add3A_1968 = arith.addi %mul3A_1953, %add3A_1967 : vector<16xi32>
    %gather3A_1969 = tpu.vector_load_idx %arg13[%add3A_1767, %add3A_1968] : memref<128x128xf32, #tpu.memory_space<vmem>>[vector<16xi32>, vector<16xi32>], vector<16xf32>,
    %gt3A_1970 = arith.cmpf ogt, %gather3A_1969, %select_n3A_1965 : vector<16xf32>
    %jit3A_1971 = arith.constant 2 : i32
    %broadcast_in_dim3A_1972 = vector.broadcast %jit3A_1971 : i32 to vector<16xi32>
    %select_n3A_1973 = arith.select %gt3A_1970, %broadcast_in_dim3A_1972, %select_n3A_1964 : vector<16xi1>, vector<16xi32>
    %select_n3A_1974 = arith.select %gt3A_1970, %gather3A_1969, %select_n3A_1965 : vector<16xi1>, vector<16xf32>
    %add3A_1975 = arith.constant 3 : i32
    %add3A_1976 = vector.broadcast %add3A_1975 : i32 to vector<16xi32>
    %add3A_1977 = arith.addi %mul3A_1953, %add3A_1976 : vector<16xi32>
    %gather3A_1978 = tpu.vector_load_idx %arg13[%add3A_1767, %add3A_1977] : memref<128x128xf32, #tpu.memory_space<vmem>>[vector<16xi32>, vector<16xi32>], vector<16xf32>,
    %gt3A_1979 = arith.cmpf ogt, %gather3A_1978, %select_n3A_1974 : vector<16xf32>
    %jit3A_1980 = arith.constant 3 : i32
    %broadcast_in_dim3A_1981 = vector.broadcast %jit3A_1980 : i32 to vector<16xi32>
    %select_n3A_1982 = arith.select %gt3A_1979, %broadcast_in_dim3A_1981, %select_n3A_1973 : vector<16xi1>, vector<16xi32>
    %select_n3A_1983 = arith.select %gt3A_1979, %gather3A_1978, %select_n3A_1974 : vector<16xi1>, vector<16xf32>
    %add3A_1984 = arith.constant 4 : i32
    %add3A_1985 = vector.broadcast %add3A_1984 : i32 to vector<16xi32>
    %add3A_1986 = arith.addi %mul3A_1953, %add3A_1985 : vector<16xi32>
    %gather3A_1987 = tpu.vector_load_idx %arg13[%add3A_1767, %add3A_1986] : memref<128x128xf32, #tpu.memory_space<vmem>>[vector<16xi32>, vector<16xi32>], vector<16xf32>,
    %gt3A_1988 = arith.cmpf ogt, %gather3A_1987, %select_n3A_1983 : vector<16xf32>
    %jit3A_1989 = arith.constant 4 : i32
    %broadcast_in_dim3A_1990 = vector.broadcast %jit3A_1989 : i32 to vector<16xi32>
    %select_n3A_1991 = arith.select %gt3A_1988, %broadcast_in_dim3A_1990, %select_n3A_1982 : vector<16xi1>, vector<16xi32>
    %select_n3A_1992 = arith.select %gt3A_1988, %gather3A_1987, %select_n3A_1983 : vector<16xi1>, vector<16xf32>
    %add3A_1993 = arith.constant 5 : i32
    %add3A_1994 = vector.broadcast %add3A_1993 : i32 to vector<16xi32>
    %add3A_1995 = arith.addi %mul3A_1953, %add3A_1994 : vector<16xi32>
    %gather3A_1996 = tpu.vector_load_idx %arg13[%add3A_1767, %add3A_1995] : memref<128x128xf32, #tpu.memory_space<vmem>>[vector<16xi32>, vector<16xi32>], vector<16xf32>,
    %gt3A_1997 = arith.cmpf ogt, %gather3A_1996, %select_n3A_1992 : vector<16xf32>
    %jit3A_1998 = arith.constant 5 : i32
    %broadcast_in_dim3A_1999 = vector.broadcast %jit3A_1998 : i32 to vector<16xi32>
    %select_n3A_2000 = arith.select %gt3A_1997, %broadcast_in_dim3A_1999, %select_n3A_1991 : vector<16xi1>, vector<16xi32>
    %select_n3A_2001 = arith.select %gt3A_1997, %gather3A_1996, %select_n3A_1992 : vector<16xi1>, vector<16xf32>
    %add3A_2002 = arith.constant 6 : i32
    %add3A_2003 = vector.broadcast %add3A_2002 : i32 to vector<16xi32>
    %add3A_2004 = arith.addi %mul3A_1953, %add3A_2003 : vector<16xi32>
    %gather3A_2005 = tpu.vector_load_idx %arg13[%add3A_1767, %add3A_2004] : memref<128x128xf32, #tpu.memory_space<vmem>>[vector<16xi32>, vector<16xi32>], vector<16xf32>,
    %gt3A_2006 = arith.cmpf ogt, %gather3A_2005, %select_n3A_2001 : vector<16xf32>
    %jit3A_2007 = arith.constant 6 : i32
    %broadcast_in_dim3A_2008 = vector.broadcast %jit3A_2007 : i32 to vector<16xi32>
    %select_n3A_2009 = arith.select %gt3A_2006, %broadcast_in_dim3A_2008, %select_n3A_2000 : vector<16xi1>, vector<16xi32>
    %select_n3A_2010 = arith.select %gt3A_2006, %gather3A_2005, %select_n3A_2001 : vector<16xi1>, vector<16xf32>
    %add3A_2011 = arith.constant 7 : i32
    %add3A_2012 = vector.broadcast %add3A_2011 : i32 to vector<16xi32>
    %add3A_2013 = arith.addi %mul3A_1953, %add3A_2012 : vector<16xi32>
    %gather3A_2014 = tpu.vector_load_idx %arg13[%add3A_1767, %add3A_2013] : memref<128x128xf32, #tpu.memory_space<vmem>>[vector<16xi32>, vector<16xi32>], vector<16xf32>,
    %gt3A_2015 = arith.cmpf ogt, %gather3A_2014, %select_n3A_2010 : vector<16xf32>
    %jit3A_2016 = arith.constant 7 : i32
    %broadcast_in_dim3A_2017 = vector.broadcast %jit3A_2016 : i32 to vector<16xi32>
    %select_n3A_2018 = arith.select %gt3A_2015, %broadcast_in_dim3A_2017, %select_n3A_2009 : vector<16xi1>, vector<16xi32>
    %select_n3A_2019 = arith.select %gt3A_2015, %gather3A_2014, %select_n3A_2010 : vector<16xi1>, vector<16xf32>
    %add3A_2020 = arith.constant 8 : i32
    %add3A_2021 = vector.broadcast %add3A_2020 : i32 to vector<16xi32>
    %add3A_2022 = arith.addi %mul3A_1953, %add3A_2021 : vector<16xi32>
    %gather3A_2023 = tpu.vector_load_idx %arg13[%add3A_1767, %add3A_2022] : memref<128x128xf32, #tpu.memory_space<vmem>>[vector<16xi32>, vector<16xi32>], vector<16xf32>,
    %gt3A_2024 = arith.cmpf ogt, %gather3A_2023, %select_n3A_2019 : vector<16xf32>
    %jit3A_2025 = arith.constant 8 : i32
    %broadcast_in_dim3A_2026 = vector.broadcast %jit3A_2025 : i32 to vector<16xi32>
    %select_n3A_2027 = arith.select %gt3A_2024, %broadcast_in_dim3A_2026, %select_n3A_2018 : vector<16xi1>, vector<16xi32>
    %select_n3A_2028 = arith.select %gt3A_2024, %gather3A_2023, %select_n3A_2019 : vector<16xi1>, vector<16xf32>
    %add3A_2029 = arith.constant 9 : i32
    %add3A_2030 = vector.broadcast %add3A_2029 : i32 to vector<16xi32>
    %add3A_2031 = arith.addi %mul3A_1953, %add3A_2030 : vector<16xi32>
    %gather3A_2032 = tpu.vector_load_idx %arg13[%add3A_1767, %add3A_2031] : memref<128x128xf32, #tpu.memory_space<vmem>>[vector<16xi32>, vector<16xi32>], vector<16xf32>,
    %gt3A_2033 = arith.cmpf ogt, %gather3A_2032, %select_n3A_2028 : vector<16xf32>
    %jit3A_2034 = arith.constant 9 : i32
    %broadcast_in_dim3A_2035 = vector.broadcast %jit3A_2034 : i32 to vector<16xi32>
    %select_n3A_2036 = arith.select %gt3A_2033, %broadcast_in_dim3A_2035, %select_n3A_2027 : vector<16xi1>, vector<16xi32>
    %select_n3A_2037 = arith.select %gt3A_2033, %gather3A_2032, %select_n3A_2028 : vector<16xi1>, vector<16xf32>
    %add3A_2038 = arith.constant 10 : i32
    %add3A_2039 = vector.broadcast %add3A_2038 : i32 to vector<16xi32>
    %add3A_2040 = arith.addi %mul3A_1953, %add3A_2039 : vector<16xi32>
    %gather3A_2041 = tpu.vector_load_idx %arg13[%add3A_1767, %add3A_2040] : memref<128x128xf32, #tpu.memory_space<vmem>>[vector<16xi32>, vector<16xi32>], vector<16xf32>,
    %gt3A_2042 = arith.cmpf ogt, %gather3A_2041, %select_n3A_2037 : vector<16xf32>
    %jit3A_2043 = arith.constant 10 : i32
    %broadcast_in_dim3A_2044 = vector.broadcast %jit3A_2043 : i32 to vector<16xi32>
    %select_n3A_2045 = arith.select %gt3A_2042, %broadcast_in_dim3A_2044, %select_n3A_2036 : vector<16xi1>, vector<16xi32>
    %select_n3A_2046 = arith.select %gt3A_2042, %gather3A_2041, %select_n3A_2037 : vector<16xi1>, vector<16xf32>
    %add3A_2047 = arith.constant 11 : i32
    %add3A_2048 = vector.broadcast %add3A_2047 : i32 to vector<16xi32>
    %add3A_2049 = arith.addi %mul3A_1953, %add3A_2048 : vector<16xi32>
    %gather3A_2050 = tpu.vector_load_idx %arg13[%add3A_1767, %add3A_2049] : memref<128x128xf32, #tpu.memory_space<vmem>>[vector<16xi32>, vector<16xi32>], vector<16xf32>,
    %gt3A_2051 = arith.cmpf ogt, %gather3A_2050, %select_n3A_2046 : vector<16xf32>
    %jit3A_2052 = arith.constant 11 : i32
    %broadcast_in_dim3A_2053 = vector.broadcast %jit3A_2052 : i32 to vector<16xi32>
    %select_n3A_2054 = arith.select %gt3A_2051, %broadcast_in_dim3A_2053, %select_n3A_2045 : vector<16xi1>, vector<16xi32>
    %select_n3A_2055 = arith.select %gt3A_2051, %gather3A_2050, %select_n3A_2046 : vector<16xi1>, vector<16xf32>
    %add3A_2056 = arith.constant 12 : i32
    %add3A_2057 = vector.broadcast %add3A_2056 : i32 to vector<16xi32>
    %add3A_2058 = arith.addi %mul3A_1953, %add3A_2057 : vector<16xi32>
    %gather3A_2059 = tpu.vector_load_idx %arg13[%add3A_1767, %add3A_2058] : memref<128x128xf32, #tpu.memory_space<vmem>>[vector<16xi32>, vector<16xi32>], vector<16xf32>,
    %gt3A_2060 = arith.cmpf ogt, %gather3A_2059, %select_n3A_2055 : vector<16xf32>
    %jit3A_2061 = arith.constant 12 : i32
    %broadcast_in_dim3A_2062 = vector.broadcast %jit3A_2061 : i32 to vector<16xi32>
    %select_n3A_2063 = arith.select %gt3A_2060, %broadcast_in_dim3A_2062, %select_n3A_2054 : vector<16xi1>, vector<16xi32>
    %select_n3A_2064 = arith.select %gt3A_2060, %gather3A_2059, %select_n3A_2055 : vector<16xi1>, vector<16xf32>
    %add3A_2065 = arith.constant 13 : i32
    %add3A_2066 = vector.broadcast %add3A_2065 : i32 to vector<16xi32>
    %add3A_2067 = arith.addi %mul3A_1953, %add3A_2066 : vector<16xi32>
    %gather3A_2068 = tpu.vector_load_idx %arg13[%add3A_1767, %add3A_2067] : memref<128x128xf32, #tpu.memory_space<vmem>>[vector<16xi32>, vector<16xi32>], vector<16xf32>,
    %gt3A_2069 = arith.cmpf ogt, %gather3A_2068, %select_n3A_2064 : vector<16xf32>
    %jit3A_2070 = arith.constant 13 : i32
    %broadcast_in_dim3A_2071 = vector.broadcast %jit3A_2070 : i32 to vector<16xi32>
    %select_n3A_2072 = arith.select %gt3A_2069, %broadcast_in_dim3A_2071, %select_n3A_2063 : vector<16xi1>, vector<16xi32>
    %select_n3A_2073 = arith.select %gt3A_2069, %gather3A_2068, %select_n3A_2064 : vector<16xi1>, vector<16xf32>
    %add3A_2074 = arith.constant 14 : i32
    %add3A_2075 = vector.broadcast %add3A_2074 : i32 to vector<16xi32>
    %add3A_2076 = arith.addi %mul3A_1953, %add3A_2075 : vector<16xi32>
    %gather3A_2077 = tpu.vector_load_idx %arg13[%add3A_1767, %add3A_2076] : memref<128x128xf32, #tpu.memory_space<vmem>>[vector<16xi32>, vector<16xi32>], vector<16xf32>,
    %gt3A_2078 = arith.cmpf ogt, %gather3A_2077, %select_n3A_2073 : vector<16xf32>
    %jit3A_2079 = arith.constant 14 : i32
    %broadcast_in_dim3A_2080 = vector.broadcast %jit3A_2079 : i32 to vector<16xi32>
    %select_n3A_2081 = arith.select %gt3A_2078, %broadcast_in_dim3A_2080, %select_n3A_2072 : vector<16xi1>, vector<16xi32>
    %select_n3A_2082 = arith.select %gt3A_2078, %gather3A_2077, %select_n3A_2073 : vector<16xi1>, vector<16xf32>
    %add3A_2083 = arith.constant 15 : i32
    %add3A_2084 = vector.broadcast %add3A_2083 : i32 to vector<16xi32>
    %add3A_2085 = arith.addi %mul3A_1953, %add3A_2084 : vector<16xi32>
    %gather3A_2086 = tpu.vector_load_idx %arg13[%add3A_1767, %add3A_2085] : memref<128x128xf32, #tpu.memory_space<vmem>>[vector<16xi32>, vector<16xi32>], vector<16xf32>,
    %gt3A_2087 = arith.cmpf ogt, %gather3A_2086, %select_n3A_2082 : vector<16xf32>
    %jit3A_2088 = arith.constant 15 : i32
    %broadcast_in_dim3A_2089 = vector.broadcast %jit3A_2088 : i32 to vector<16xi32>
    %select_n3A_2090 = arith.select %gt3A_2087, %broadcast_in_dim3A_2089, %select_n3A_2081 : vector<16xi1>, vector<16xi32>
    %select_n3A_2091 = arith.select %gt3A_2087, %gather3A_2086, %select_n3A_2082 : vector<16xi1>, vector<16xf32>
    %broadcast_in_dim3A_2092 = arith.constant 0.000000e+00 : f32
    %broadcast_in_dim3A_2093 = vector.broadcast %broadcast_in_dim3A_2092 : f32 to vector<16xf32>
    %sub3A_2094 = arith.subf %gather3A_1954, %select_n3A_2091 : vector<16xf32>
    %exp3A_2095 = math.exp %sub3A_2094 : vector<16xf32>
    %add3A_2096 = arith.addf %broadcast_in_dim3A_2093, %exp3A_2095 : vector<16xf32>
    %sub3A_2097 = arith.subf %gather3A_1960, %select_n3A_2091 : vector<16xf32>
    %exp3A_2098 = math.exp %sub3A_2097 : vector<16xf32>
    %add3A_2099 = arith.addf %add3A_2096, %exp3A_2098 : vector<16xf32>
    %sub3A_2100 = arith.subf %gather3A_1969, %select_n3A_2091 : vector<16xf32>
    %exp3A_2101 = math.exp %sub3A_2100 : vector<16xf32>
    %add3A_2102 = arith.addf %add3A_2099, %exp3A_2101 : vector<16xf32>
    %sub3A_2103 = arith.subf %gather3A_1978, %select_n3A_2091 : vector<16xf32>
    %exp3A_2104 = math.exp %sub3A_2103 : vector<16xf32>
    %add3A_2105 = arith.addf %add3A_2102, %exp3A_2104 : vector<16xf32>
    %sub3A_2106 = arith.subf %gather3A_1987, %select_n3A_2091 : vector<16xf32>
    %exp3A_2107 = math.exp %sub3A_2106 : vector<16xf32>
    %add3A_2108 = arith.addf %add3A_2105, %exp3A_2107 : vector<16xf32>
    %sub3A_2109 = arith.subf %gather3A_1996, %select_n3A_2091 : vector<16xf32>
    %exp3A_2110 = math.exp %sub3A_2109 : vector<16xf32>
    %add3A_2111 = arith.addf %add3A_2108, %exp3A_2110 : vector<16xf32>
    %sub3A_2112 = arith.subf %gather3A_2005, %select_n3A_2091 : vector<16xf32>
    %exp3A_2113 = math.exp %sub3A_2112 : vector<16xf32>
    %add3A_2114 = arith.addf %add3A_2111, %exp3A_2113 : vector<16xf32>
    %sub3A_2115 = arith.subf %gather3A_2014, %select_n3A_2091 : vector<16xf32>
    %exp3A_2116 = math.exp %sub3A_2115 : vector<16xf32>
    %add3A_2117 = arith.addf %add3A_2114, %exp3A_2116 : vector<16xf32>
    %sub3A_2118 = arith.subf %gather3A_2023, %select_n3A_2091 : vector<16xf32>
    %exp3A_2119 = math.exp %sub3A_2118 : vector<16xf32>
    %add3A_2120 = arith.addf %add3A_2117, %exp3A_2119 : vector<16xf32>
    %sub3A_2121 = arith.subf %gather3A_2032, %select_n3A_2091 : vector<16xf32>
    %exp3A_2122 = math.exp %sub3A_2121 : vector<16xf32>
    %add3A_2123 = arith.addf %add3A_2120, %exp3A_2122 : vector<16xf32>
    %sub3A_2124 = arith.subf %gather3A_2041, %select_n3A_2091 : vector<16xf32>
    %exp3A_2125 = math.exp %sub3A_2124 : vector<16xf32>
    %add3A_2126 = arith.addf %add3A_2123, %exp3A_2125 : vector<16xf32>
    %sub3A_2127 = arith.subf %gather3A_2050, %select_n3A_2091 : vector<16xf32>
    %exp3A_2128 = math.exp %sub3A_2127 : vector<16xf32>
    %add3A_2129 = arith.addf %add3A_2126, %exp3A_2128 : vector<16xf32>
    %sub3A_2130 = arith.subf %gather3A_2059, %select_n3A_2091 : vector<16xf32>
    %exp3A_2131 = math.exp %sub3A_2130 : vector<16xf32>
    %add3A_2132 = arith.addf %add3A_2129, %exp3A_2131 : vector<16xf32>
    %sub3A_2133 = arith.subf %gather3A_2068, %select_n3A_2091 : vector<16xf32>
    %exp3A_2134 = math.exp %sub3A_2133 : vector<16xf32>
    %add3A_2135 = arith.addf %add3A_2132, %exp3A_2134 : vector<16xf32>
    %sub3A_2136 = arith.subf %gather3A_2077, %select_n3A_2091 : vector<16xf32>
    %exp3A_2137 = math.exp %sub3A_2136 : vector<16xf32>
    %add3A_2138 = arith.addf %add3A_2135, %exp3A_2137 : vector<16xf32>
    %sub3A_2139 = arith.subf %gather3A_2086, %select_n3A_2091 : vector<16xf32>
    %exp3A_2140 = math.exp %sub3A_2139 : vector<16xf32>
    %add3A_2141 = arith.addf %add3A_2138, %exp3A_2140 : vector<16xf32>
    %bitcast_convert_type3A_2142 = tpu.bitcast %add3A_2141 : vector<16xf32> -> vector<16xi32>
    %shift_right_arithmetic3A_2143 = arith.constant 23 : i32
    %shift_right_arithmetic3A_2144 = vector.broadcast %shift_right_arithmetic3A_2143 : i32 to vector<16xi32>
    %shift_right_arithmetic3A_2145 = arith.shrsi %bitcast_convert_type3A_2142, %shift_right_arithmetic3A_2144 : vector<16xi32>
    %sub3A_2146 = arith.constant 127 : i32
    %sub3A_2147 = vector.broadcast %sub3A_2146 : i32 to vector<16xi32>
    %sub3A_2148 = arith.subi %shift_right_arithmetic3A_2145, %sub3A_2147 : vector<16xi32>
    %and3A_2149 = arith.constant 8388607 : i32
    %and3A_2150 = vector.broadcast %and3A_2149 : i32 to vector<16xi32>
    %and3A_2151 = arith.andi %bitcast_convert_type3A_2142, %and3A_2150 : vector<16xi32>
    %or3A_2152 = arith.constant 1065353216 : i32
    %or3A_2153 = vector.broadcast %or3A_2152 : i32 to vector<16xi32>
    %or3A_2154 = arith.ori %and3A_2151, %or3A_2153 : vector<16xi32>
    %bitcast_convert_type3A_2155 = tpu.bitcast %or3A_2154 : vector<16xi32> -> vector<16xf32>
    %sub3A_2156 = arith.constant 1.000000e+00 : f32
    %sub3A_2157 = vector.broadcast %sub3A_2156 : f32 to vector<16xf32>
    %sub3A_2158 = arith.subf %bitcast_convert_type3A_2155, %sub3A_2157 : vector<16xf32>
    %add3A_2159 = arith.constant 1.000000e+00 : f32
    %add3A_2160 = vector.broadcast %add3A_2159 : f32 to vector<16xf32>
    %add3A_2161 = arith.addf %bitcast_convert_type3A_2155, %add3A_2160 : vector<16xf32>
    %div3A_2162 = arith.divf %sub3A_2158, %add3A_2161 : vector<16xf32>
    %mul3A_2163 = arith.mulf %div3A_2162, %div3A_2162 : vector<16xf32>
    %mul3A_2164 = arith.constant 2.000000e+00 : f32
    %mul3A_2165 = vector.broadcast %mul3A_2164 : f32 to vector<16xf32>
    %mul3A_2166 = arith.mulf %mul3A_2165, %div3A_2162 : vector<16xf32>
    %mul3A_2167 = arith.constant 0.142857149 : f32
    %mul3A_2168 = vector.broadcast %mul3A_2167 : f32 to vector<16xf32>
    %mul3A_2169 = arith.mulf %mul3A_2163, %mul3A_2168 : vector<16xf32>
    %add3A_2170 = arith.constant 2.000000e-01 : f32
    %add3A_2171 = vector.broadcast %add3A_2170 : f32 to vector<16xf32>
    %add3A_2172 = arith.addf %add3A_2171, %mul3A_2169 : vector<16xf32>
    %mul3A_2173 = arith.mulf %mul3A_2163, %add3A_2172 : vector<16xf32>
    %add3A_2174 = arith.constant 0.333333343 : f32
    %add3A_2175 = vector.broadcast %add3A_2174 : f32 to vector<16xf32>
    %add3A_2176 = arith.addf %add3A_2175, %mul3A_2173 : vector<16xf32>
    %mul3A_2177 = arith.mulf %mul3A_2163, %add3A_2176 : vector<16xf32>
    %add3A_2178 = arith.constant 1.000000e+00 : f32
    %add3A_2179 = vector.broadcast %add3A_2178 : f32 to vector<16xf32>
    %add3A_2180 = arith.addf %add3A_2179, %mul3A_2177 : vector<16xf32>
    %mul3A_2181 = arith.mulf %mul3A_2166, %add3A_2180 : vector<16xf32>
    %convert_element_type3A_2182 = arith.sitofp %sub3A_2148 : vector<16xi32> to vector<16xf32>
    %mul3A_2183 = arith.constant 0.693147182 : f32
    %mul3A_2184 = vector.broadcast %mul3A_2183 : f32 to vector<16xf32>
    %mul3A_2185 = arith.mulf %convert_element_type3A_2182, %mul3A_2184 : vector<16xf32>
    %add3A_2186 = arith.addf %mul3A_2185, %mul3A_2181 : vector<16xf32>
    %neg3A_2187 = arith.constant 0.000000e+00 : f32
    %neg3A_2188 = vector.broadcast %neg3A_2187 : f32 to vector<16xf32>
    %neg3A_2189 = arith.subf %neg3A_2188, %add3A_2186 : vector<16xf32>
    %swap3A_2190 = arith.constant 64 : index
    %swap3A_2191 = tpu.vector_load %arg17[%swap3A_2190] {strides = array<i32>} : memref<128xi32, #tpu.memory_space<vmem>>, vector<16xi32>,
    tpu.vector_store %arg17[%swap3A_2190], %select_n3A_2090 {strides = array<i32>} : memref<128xi32, #tpu.memory_space<vmem>>, vector<16xi32>,
    %swap3A_2192 = arith.constant 64 : index
    %swap3A_2193 = tpu.vector_load %arg18[%swap3A_2192] {strides = array<i32>} : memref<128xf32, #tpu.memory_space<vmem>>, vector<16xf32>,
    tpu.vector_store %arg18[%swap3A_2192], %gather3A_1950 {strides = array<i32>} : memref<128xf32, #tpu.memory_space<vmem>>, vector<16xf32>,
    %swap3A_2194 = arith.constant 64 : index
    %swap3A_2195 = tpu.vector_load %arg19[%swap3A_2194] {strides = array<i32>} : memref<128xf32, #tpu.memory_space<vmem>>, vector<16xf32>,
    tpu.vector_store %arg19[%swap3A_2194], %neg3A_2189 {strides = array<i32>} : memref<128xf32, #tpu.memory_space<vmem>>, vector<16xf32>,
    %swap3A_2196 = arith.constant 64 : index
    %swap3A_2197 = tpu.vector_load %arg20[%swap3A_2196] {strides = array<i32>} : memref<128xi32, #tpu.memory_space<vmem>>, vector<16xi32>,
    tpu.vector_store %arg20[%swap3A_2196], %select_n3A_1940 {strides = array<i32>} : memref<128xi32, #tpu.memory_space<vmem>>, vector<16xi32>,
    %swap3A_2198 = arith.constant 64 : index
    %swap3A_2199 = tpu.vector_load %arg21[%swap3A_2198] {strides = array<i32>} : memref<128xf32, #tpu.memory_space<vmem>>, vector<16xf32>,
    tpu.vector_store %arg21[%swap3A_2198], %get3A_1914 {strides = array<i32>} : memref<128xf32, #tpu.memory_space<vmem>>, vector<16xf32>,
    %swap3A_2200 = arith.constant 64 : index
    %swap3A_2201 = tpu.vector_load %arg22[%swap3A_2200] {strides = array<i32>} : memref<128xf32, #tpu.memory_space<vmem>>, vector<16xf32>,
    tpu.vector_store %arg22[%swap3A_2200], %neg3A_1910 {strides = array<i32>} : memref<128xf32, #tpu.memory_space<vmem>>, vector<16xf32>,
    %swap3A_2202 = arith.constant 64 : index
    %swap3A_2203 = tpu.vector_load %arg23[%swap3A_2202] {strides = array<i32>} : memref<128xf32, #tpu.memory_space<vmem>>, vector<16xf32>,
    tpu.vector_store %arg23[%swap3A_2202], %select_n3A_1946 {strides = array<i32>} : memref<128xf32, #tpu.memory_space<vmem>>, vector<16xf32>,
    %add3A_2204 = arith.constant 80 : i32
    %add3A_2205 = vector.broadcast %add3A_2204 : i32 to vector<16xi32>
    %add3A_2206 = arith.addi %iota3A, %add3A_2205 : vector<16xi32>
    %get3A_2207 = arith.constant 0 : i32
    %get3A_2208 = arith.index_cast %get3A_2207 : i32 to index
    %get3A_2209 = arith.constant 80 : index
    %get3A_2210 = tpu.vector_load %arg14[%get3A_2208, %get3A_2209] {strides = array<i32>} : memref<32x128xf32, #tpu.memory_space<vmem>>, vector<16xf32>,
    %broadcast_in_dim3A_2211 = arith.constant 0 : i32
    %broadcast_in_dim3A_2212 = vector.broadcast %broadcast_in_dim3A_2211 : i32 to vector<16xi32>
    %get3A_2213 = arith.constant 1 : i32
    %get3A_2214 = arith.index_cast %get3A_2213 : i32 to index
    %get3A_2215 = arith.constant 80 : index
    %get3A_2216 = tpu.vector_load %arg14[%get3A_2214, %get3A_2215] {strides = array<i32>} : memref<32x128xf32, #tpu.memory_space<vmem>>, vector<16xf32>,
    %gt3A_2217 = arith.cmpf ogt, %get3A_2216, %get3A_2210 : vector<16xf32>
    %jit3A_2218 = arith.constant 1 : i32
    %broadcast_in_dim3A_2219 = vector.broadcast %jit3A_2218 : i32 to vector<16xi32>
    %select_n3A_2220 = arith.select %gt3A_2217, %broadcast_in_dim3A_2219, %broadcast_in_dim3A_2212 : vector<16xi1>, vector<16xi32>
    %select_n3A_2221 = arith.select %gt3A_2217, %get3A_2216, %get3A_2210 : vector<16xi1>, vector<16xf32>
    %get3A_2222 = arith.constant 2 : i32
    %get3A_2223 = arith.index_cast %get3A_2222 : i32 to index
    %get3A_2224 = arith.constant 80 : index
    %get3A_2225 = tpu.vector_load %arg14[%get3A_2223, %get3A_2224] {strides = array<i32>} : memref<32x128xf32, #tpu.memory_space<vmem>>, vector<16xf32>,
    %gt3A_2226 = arith.cmpf ogt, %get3A_2225, %select_n3A_2221 : vector<16xf32>
    %jit3A_2227 = arith.constant 2 : i32
    %broadcast_in_dim3A_2228 = vector.broadcast %jit3A_2227 : i32 to vector<16xi32>
    %select_n3A_2229 = arith.select %gt3A_2226, %broadcast_in_dim3A_2228, %select_n3A_2220 : vector<16xi1>, vector<16xi32>
    %select_n3A_2230 = arith.select %gt3A_2226, %get3A_2225, %select_n3A_2221 : vector<16xi1>, vector<16xf32>
    %get3A_2231 = arith.constant 3 : i32
    %get3A_2232 = arith.index_cast %get3A_2231 : i32 to index
    %get3A_2233 = arith.constant 80 : index
    %get3A_2234 = tpu.vector_load %arg14[%get3A_2232, %get3A_2233] {strides = array<i32>} : memref<32x128xf32, #tpu.memory_space<vmem>>, vector<16xf32>,
    %gt3A_2235 = arith.cmpf ogt, %get3A_2234, %select_n3A_2230 : vector<16xf32>
    %jit3A_2236 = arith.constant 3 : i32
    %broadcast_in_dim3A_2237 = vector.broadcast %jit3A_2236 : i32 to vector<16xi32>
    %select_n3A_2238 = arith.select %gt3A_2235, %broadcast_in_dim3A_2237, %select_n3A_2229 : vector<16xi1>, vector<16xi32>
    %select_n3A_2239 = arith.select %gt3A_2235, %get3A_2234, %select_n3A_2230 : vector<16xi1>, vector<16xf32>
    %get3A_2240 = arith.constant 4 : i32
    %get3A_2241 = arith.index_cast %get3A_2240 : i32 to index
    %get3A_2242 = arith.constant 80 : index
    %get3A_2243 = tpu.vector_load %arg14[%get3A_2241, %get3A_2242] {strides = array<i32>} : memref<32x128xf32, #tpu.memory_space<vmem>>, vector<16xf32>,
    %gt3A_2244 = arith.cmpf ogt, %get3A_2243, %select_n3A_2239 : vector<16xf32>
    %jit3A_2245 = arith.constant 4 : i32
    %broadcast_in_dim3A_2246 = vector.broadcast %jit3A_2245 : i32 to vector<16xi32>
    %select_n3A_2247 = arith.select %gt3A_2244, %broadcast_in_dim3A_2246, %select_n3A_2238 : vector<16xi1>, vector<16xi32>
    %select_n3A_2248 = arith.select %gt3A_2244, %get3A_2243, %select_n3A_2239 : vector<16xi1>, vector<16xf32>
    %get3A_2249 = arith.constant 5 : i32
    %get3A_2250 = arith.index_cast %get3A_2249 : i32 to index
    %get3A_2251 = arith.constant 80 : index
    %get3A_2252 = tpu.vector_load %arg14[%get3A_2250, %get3A_2251] {strides = array<i32>} : memref<32x128xf32, #tpu.memory_space<vmem>>, vector<16xf32>,
    %gt3A_2253 = arith.cmpf ogt, %get3A_2252, %select_n3A_2248 : vector<16xf32>
    %jit3A_2254 = arith.constant 5 : i32
    %broadcast_in_dim3A_2255 = vector.broadcast %jit3A_2254 : i32 to vector<16xi32>
    %select_n3A_2256 = arith.select %gt3A_2253, %broadcast_in_dim3A_2255, %select_n3A_2247 : vector<16xi1>, vector<16xi32>
    %select_n3A_2257 = arith.select %gt3A_2253, %get3A_2252, %select_n3A_2248 : vector<16xi1>, vector<16xf32>
    %get3A_2258 = arith.constant 6 : i32
    %get3A_2259 = arith.index_cast %get3A_2258 : i32 to index
    %get3A_2260 = arith.constant 80 : index
    %get3A_2261 = tpu.vector_load %arg14[%get3A_2259, %get3A_2260] {strides = array<i32>} : memref<32x128xf32, #tpu.memory_space<vmem>>, vector<16xf32>,
    %gt3A_2262 = arith.cmpf ogt, %get3A_2261, %select_n3A_2257 : vector<16xf32>
    %jit3A_2263 = arith.constant 6 : i32
    %broadcast_in_dim3A_2264 = vector.broadcast %jit3A_2263 : i32 to vector<16xi32>
    %select_n3A_2265 = arith.select %gt3A_2262, %broadcast_in_dim3A_2264, %select_n3A_2256 : vector<16xi1>, vector<16xi32>
    %select_n3A_2266 = arith.select %gt3A_2262, %get3A_2261, %select_n3A_2257 : vector<16xi1>, vector<16xf32>
    %get3A_2267 = arith.constant 7 : i32
    %get3A_2268 = arith.index_cast %get3A_2267 : i32 to index
    %get3A_2269 = arith.constant 80 : index
    %get3A_2270 = tpu.vector_load %arg14[%get3A_2268, %get3A_2269] {strides = array<i32>} : memref<32x128xf32, #tpu.memory_space<vmem>>, vector<16xf32>,
    %gt3A_2271 = arith.cmpf ogt, %get3A_2270, %select_n3A_2266 : vector<16xf32>
    %jit3A_2272 = arith.constant 7 : i32
    %broadcast_in_dim3A_2273 = vector.broadcast %jit3A_2272 : i32 to vector<16xi32>
    %select_n3A_2274 = arith.select %gt3A_2271, %broadcast_in_dim3A_2273, %select_n3A_2265 : vector<16xi1>, vector<16xi32>
    %select_n3A_2275 = arith.select %gt3A_2271, %get3A_2270, %select_n3A_2266 : vector<16xi1>, vector<16xf32>
    %broadcast_in_dim3A_2276 = arith.constant 0.000000e+00 : f32
    %broadcast_in_dim3A_2277 = vector.broadcast %broadcast_in_dim3A_2276 : f32 to vector<16xf32>
    %sub3A_2278 = arith.subf %get3A_2210, %select_n3A_2275 : vector<16xf32>
    %exp3A_2279 = math.exp %sub3A_2278 : vector<16xf32>
    %add3A_2280 = arith.addf %broadcast_in_dim3A_2277, %exp3A_2279 : vector<16xf32>
    %sub3A_2281 = arith.subf %get3A_2216, %select_n3A_2275 : vector<16xf32>
    %exp3A_2282 = math.exp %sub3A_2281 : vector<16xf32>
    %add3A_2283 = arith.addf %add3A_2280, %exp3A_2282 : vector<16xf32>
    %sub3A_2284 = arith.subf %get3A_2225, %select_n3A_2275 : vector<16xf32>
    %exp3A_2285 = math.exp %sub3A_2284 : vector<16xf32>
    %add3A_2286 = arith.addf %add3A_2283, %exp3A_2285 : vector<16xf32>
    %sub3A_2287 = arith.subf %get3A_2234, %select_n3A_2275 : vector<16xf32>
    %exp3A_2288 = math.exp %sub3A_2287 : vector<16xf32>
    %add3A_2289 = arith.addf %add3A_2286, %exp3A_2288 : vector<16xf32>
    %sub3A_2290 = arith.subf %get3A_2243, %select_n3A_2275 : vector<16xf32>
    %exp3A_2291 = math.exp %sub3A_2290 : vector<16xf32>
    %add3A_2292 = arith.addf %add3A_2289, %exp3A_2291 : vector<16xf32>
    %sub3A_2293 = arith.subf %get3A_2252, %select_n3A_2275 : vector<16xf32>
    %exp3A_2294 = math.exp %sub3A_2293 : vector<16xf32>
    %add3A_2295 = arith.addf %add3A_2292, %exp3A_2294 : vector<16xf32>
    %sub3A_2296 = arith.subf %get3A_2261, %select_n3A_2275 : vector<16xf32>
    %exp3A_2297 = math.exp %sub3A_2296 : vector<16xf32>
    %add3A_2298 = arith.addf %add3A_2295, %exp3A_2297 : vector<16xf32>
    %sub3A_2299 = arith.subf %get3A_2270, %select_n3A_2275 : vector<16xf32>
    %exp3A_2300 = math.exp %sub3A_2299 : vector<16xf32>
    %add3A_2301 = arith.addf %add3A_2298, %exp3A_2300 : vector<16xf32>
    %bitcast_convert_type3A_2302 = tpu.bitcast %add3A_2301 : vector<16xf32> -> vector<16xi32>
    %shift_right_arithmetic3A_2303 = arith.constant 23 : i32
    %shift_right_arithmetic3A_2304 = vector.broadcast %shift_right_arithmetic3A_2303 : i32 to vector<16xi32>
    %shift_right_arithmetic3A_2305 = arith.shrsi %bitcast_convert_type3A_2302, %shift_right_arithmetic3A_2304 : vector<16xi32>
    %sub3A_2306 = arith.constant 127 : i32
    %sub3A_2307 = vector.broadcast %sub3A_2306 : i32 to vector<16xi32>
    %sub3A_2308 = arith.subi %shift_right_arithmetic3A_2305, %sub3A_2307 : vector<16xi32>
    %and3A_2309 = arith.constant 8388607 : i32
    %and3A_2310 = vector.broadcast %and3A_2309 : i32 to vector<16xi32>
    %and3A_2311 = arith.andi %bitcast_convert_type3A_2302, %and3A_2310 : vector<16xi32>
    %or3A_2312 = arith.constant 1065353216 : i32
    %or3A_2313 = vector.broadcast %or3A_2312 : i32 to vector<16xi32>
    %or3A_2314 = arith.ori %and3A_2311, %or3A_2313 : vector<16xi32>
    %bitcast_convert_type3A_2315 = tpu.bitcast %or3A_2314 : vector<16xi32> -> vector<16xf32>
    %sub3A_2316 = arith.constant 1.000000e+00 : f32
    %sub3A_2317 = vector.broadcast %sub3A_2316 : f32 to vector<16xf32>
    %sub3A_2318 = arith.subf %bitcast_convert_type3A_2315, %sub3A_2317 : vector<16xf32>
    %add3A_2319 = arith.constant 1.000000e+00 : f32
    %add3A_2320 = vector.broadcast %add3A_2319 : f32 to vector<16xf32>
    %add3A_2321 = arith.addf %bitcast_convert_type3A_2315, %add3A_2320 : vector<16xf32>
    %div3A_2322 = arith.divf %sub3A_2318, %add3A_2321 : vector<16xf32>
    %mul3A_2323 = arith.mulf %div3A_2322, %div3A_2322 : vector<16xf32>
    %mul3A_2324 = arith.constant 2.000000e+00 : f32
    %mul3A_2325 = vector.broadcast %mul3A_2324 : f32 to vector<16xf32>
    %mul3A_2326 = arith.mulf %mul3A_2325, %div3A_2322 : vector<16xf32>
    %mul3A_2327 = arith.constant 0.142857149 : f32
    %mul3A_2328 = vector.broadcast %mul3A_2327 : f32 to vector<16xf32>
    %mul3A_2329 = arith.mulf %mul3A_2323, %mul3A_2328 : vector<16xf32>
    %add3A_2330 = arith.constant 2.000000e-01 : f32
    %add3A_2331 = vector.broadcast %add3A_2330 : f32 to vector<16xf32>
    %add3A_2332 = arith.addf %add3A_2331, %mul3A_2329 : vector<16xf32>
    %mul3A_2333 = arith.mulf %mul3A_2323, %add3A_2332 : vector<16xf32>
    %add3A_2334 = arith.constant 0.333333343 : f32
    %add3A_2335 = vector.broadcast %add3A_2334 : f32 to vector<16xf32>
    %add3A_2336 = arith.addf %add3A_2335, %mul3A_2333 : vector<16xf32>
    %mul3A_2337 = arith.mulf %mul3A_2323, %add3A_2336 : vector<16xf32>
    %add3A_2338 = arith.constant 1.000000e+00 : f32
    %add3A_2339 = vector.broadcast %add3A_2338 : f32 to vector<16xf32>
    %add3A_2340 = arith.addf %add3A_2339, %mul3A_2337 : vector<16xf32>
    %mul3A_2341 = arith.mulf %mul3A_2326, %add3A_2340 : vector<16xf32>
    %convert_element_type3A_2342 = arith.sitofp %sub3A_2308 : vector<16xi32> to vector<16xf32>
    %mul3A_2343 = arith.constant 0.693147182 : f32
    %mul3A_2344 = vector.broadcast %mul3A_2343 : f32 to vector<16xf32>
    %mul3A_2345 = arith.mulf %convert_element_type3A_2342, %mul3A_2344 : vector<16xf32>
    %add3A_2346 = arith.addf %mul3A_2345, %mul3A_2341 : vector<16xf32>
    %neg3A_2347 = arith.constant 0.000000e+00 : f32
    %neg3A_2348 = vector.broadcast %neg3A_2347 : f32 to vector<16xf32>
    %neg3A_2349 = arith.subf %neg3A_2348, %add3A_2346 : vector<16xf32>
    %get3A_2350 = arith.constant 8 : i32
    %get3A_2351 = arith.index_cast %get3A_2350 : i32 to index
    %get3A_2352 = arith.constant 80 : index
    %get3A_2353 = tpu.vector_load %arg14[%get3A_2351, %get3A_2352] {strides = array<i32>} : memref<32x128xf32, #tpu.memory_space<vmem>>, vector<16xf32>,
    %get3A_2354 = arith.constant 80 : index
    %get3A_2355 = tpu.vector_load %arg15[%get3A_2354] {strides = array<i32>} : memref<128xi32, #tpu.memory_space<vmem>>, vector<16xi32>,
    %get3A_2356 = arith.constant 80 : index
    %get3A_2357 = tpu.vector_load %arg16[%get3A_2356] {strides = array<i32>} : memref<128xi32, #tpu.memory_space<vmem>>, vector<16xi32>,
    %add3A_2358 = arith.constant 9 : i32
    %add3A_2359 = vector.broadcast %add3A_2358 : i32 to vector<16xi32>
    %add3A_2360 = arith.addi %get3A_2355, %add3A_2359 : vector<16xi32>
    %gather3A_2361 = tpu.vector_load_idx %arg14[%add3A_2360, %add3A_2206] : memref<32x128xf32, #tpu.memory_space<vmem>>[vector<16xi32>, vector<16xi32>], vector<16xf32>,
    %neg3A_2362 = arith.constant 0.000000e+00 : f32
    %neg3A_2363 = vector.broadcast %neg3A_2362 : f32 to vector<16xf32>
    %neg3A_2364 = arith.subf %neg3A_2363, %gather3A_2361 : vector<16xf32>
    %exp3A_2365 = math.exp %neg3A_2364 : vector<16xf32>
    %add3A_2366 = arith.constant 1.000000e+00 : f32
    %add3A_2367 = vector.broadcast %add3A_2366 : f32 to vector<16xf32>
    %add3A_2368 = arith.addf %add3A_2367, %exp3A_2365 : vector<16xf32>
    %div3A_2369 = arith.constant 1.000000e+00 : f32
    %div3A_2370 = vector.broadcast %div3A_2369 : f32 to vector<16xf32>
    %div3A_2371 = arith.divf %div3A_2370, %add3A_2368 : vector<16xf32>
    %gt3A_2372 = arith.constant 5.000000e-01 : f32
    %gt3A_2373 = vector.broadcast %gt3A_2372 : f32 to vector<16xf32>
    %gt3A_2374 = arith.cmpf ogt, %div3A_2371, %gt3A_2373 : vector<16xf32>
    %gt3A_2375 = arith.constant 0 : i32
    %gt3A_2376 = vector.broadcast %gt3A_2375 : i32 to vector<16xi32>
    %gt3A_2377 = arith.cmpi sgt, %get3A_2357, %gt3A_2376 : vector<16xi32>
    %or3A_2378 = arith.ori %gt3A_2374, %gt3A_2377 : vector<16xi1>
    %select_n3A_2379 = arith.select %or3A_2378, %select_n3A_2274, %get3A_2355 : vector<16xi1>, vector<16xi32>
    %gt3A_2380 = arith.constant 0 : i32
    %gt3A_2381 = vector.broadcast %gt3A_2380 : i32 to vector<16xi32>
    %gt3A_2382 = arith.cmpi sgt, %get3A_2357, %gt3A_2381 : vector<16xi32>
    %jit3A_2383 = arith.constant 0.000000e+00 : f32
    %broadcast_in_dim3A_2384 = vector.broadcast %jit3A_2383 : f32 to vector<16xf32>
    %select_n3A_2385 = arith.select %gt3A_2382, %broadcast_in_dim3A_2384, %div3A_2371 : vector<16xi1>, vector<16xf32>
    %add3A_2386 = arith.constant 17 : i32
    %add3A_2387 = vector.broadcast %add3A_2386 : i32 to vector<16xi32>
    %add3A_2388 = arith.addi %select_n3A_2379, %add3A_2387 : vector<16xi32>
    %gather3A_2389 = tpu.vector_load_idx %arg14[%add3A_2388, %add3A_2206] : memref<32x128xf32, #tpu.memory_space<vmem>>[vector<16xi32>, vector<16xi32>], vector<16xf32>,
    %mul3A_2390 = arith.constant 16 : i32
    %mul3A_2391 = vector.broadcast %mul3A_2390 : i32 to vector<16xi32>
    %mul3A_2392 = arith.muli %select_n3A_2379, %mul3A_2391 : vector<16xi32>
    %gather3A_2393 = tpu.vector_load_idx %arg13[%add3A_2206, %mul3A_2392] : memref<128x128xf32, #tpu.memory_space<vmem>>[vector<16xi32>, vector<16xi32>], vector<16xf32>,
    %broadcast_in_dim3A_2394 = arith.constant 0 : i32
    %broadcast_in_dim3A_2395 = vector.broadcast %broadcast_in_dim3A_2394 : i32 to vector<16xi32>
    %add3A_2396 = arith.constant 1 : i32
    %add3A_2397 = vector.broadcast %add3A_2396 : i32 to vector<16xi32>
    %add3A_2398 = arith.addi %mul3A_2392, %add3A_2397 : vector<16xi32>
    %gather3A_2399 = tpu.vector_load_idx %arg13[%add3A_2206, %add3A_2398] : memref<128x128xf32, #tpu.memory_space<vmem>>[vector<16xi32>, vector<16xi32>], vector<16xf32>,
    %gt3A_2400 = arith.cmpf ogt, %gather3A_2399, %gather3A_2393 : vector<16xf32>
    %jit3A_2401 = arith.constant 1 : i32
    %broadcast_in_dim3A_2402 = vector.broadcast %jit3A_2401 : i32 to vector<16xi32>
    %select_n3A_2403 = arith.select %gt3A_2400, %broadcast_in_dim3A_2402, %broadcast_in_dim3A_2395 : vector<16xi1>, vector<16xi32>
    %select_n3A_2404 = arith.select %gt3A_2400, %gather3A_2399, %gather3A_2393 : vector<16xi1>, vector<16xf32>
    %add3A_2405 = arith.constant 2 : i32
    %add3A_2406 = vector.broadcast %add3A_2405 : i32 to vector<16xi32>
    %add3A_2407 = arith.addi %mul3A_2392, %add3A_2406 : vector<16xi32>
    %gather3A_2408 = tpu.vector_load_idx %arg13[%add3A_2206, %add3A_2407] : memref<128x128xf32, #tpu.memory_space<vmem>>[vector<16xi32>, vector<16xi32>], vector<16xf32>,
    %gt3A_2409 = arith.cmpf ogt, %gather3A_2408, %select_n3A_2404 : vector<16xf32>
    %jit3A_2410 = arith.constant 2 : i32
    %broadcast_in_dim3A_2411 = vector.broadcast %jit3A_2410 : i32 to vector<16xi32>
    %select_n3A_2412 = arith.select %gt3A_2409, %broadcast_in_dim3A_2411, %select_n3A_2403 : vector<16xi1>, vector<16xi32>
    %select_n3A_2413 = arith.select %gt3A_2409, %gather3A_2408, %select_n3A_2404 : vector<16xi1>, vector<16xf32>
    %add3A_2414 = arith.constant 3 : i32
    %add3A_2415 = vector.broadcast %add3A_2414 : i32 to vector<16xi32>
    %add3A_2416 = arith.addi %mul3A_2392, %add3A_2415 : vector<16xi32>
    %gather3A_2417 = tpu.vector_load_idx %arg13[%add3A_2206, %add3A_2416] : memref<128x128xf32, #tpu.memory_space<vmem>>[vector<16xi32>, vector<16xi32>], vector<16xf32>,
    %gt3A_2418 = arith.cmpf ogt, %gather3A_2417, %select_n3A_2413 : vector<16xf32>
    %jit3A_2419 = arith.constant 3 : i32
    %broadcast_in_dim3A_2420 = vector.broadcast %jit3A_2419 : i32 to vector<16xi32>
    %select_n3A_2421 = arith.select %gt3A_2418, %broadcast_in_dim3A_2420, %select_n3A_2412 : vector<16xi1>, vector<16xi32>
    %select_n3A_2422 = arith.select %gt3A_2418, %gather3A_2417, %select_n3A_2413 : vector<16xi1>, vector<16xf32>
    %add3A_2423 = arith.constant 4 : i32
    %add3A_2424 = vector.broadcast %add3A_2423 : i32 to vector<16xi32>
    %add3A_2425 = arith.addi %mul3A_2392, %add3A_2424 : vector<16xi32>
    %gather3A_2426 = tpu.vector_load_idx %arg13[%add3A_2206, %add3A_2425] : memref<128x128xf32, #tpu.memory_space<vmem>>[vector<16xi32>, vector<16xi32>], vector<16xf32>,
    %gt3A_2427 = arith.cmpf ogt, %gather3A_2426, %select_n3A_2422 : vector<16xf32>
    %jit3A_2428 = arith.constant 4 : i32
    %broadcast_in_dim3A_2429 = vector.broadcast %jit3A_2428 : i32 to vector<16xi32>
    %select_n3A_2430 = arith.select %gt3A_2427, %broadcast_in_dim3A_2429, %select_n3A_2421 : vector<16xi1>, vector<16xi32>
    %select_n3A_2431 = arith.select %gt3A_2427, %gather3A_2426, %select_n3A_2422 : vector<16xi1>, vector<16xf32>
    %add3A_2432 = arith.constant 5 : i32
    %add3A_2433 = vector.broadcast %add3A_2432 : i32 to vector<16xi32>
    %add3A_2434 = arith.addi %mul3A_2392, %add3A_2433 : vector<16xi32>
    %gather3A_2435 = tpu.vector_load_idx %arg13[%add3A_2206, %add3A_2434] : memref<128x128xf32, #tpu.memory_space<vmem>>[vector<16xi32>, vector<16xi32>], vector<16xf32>,
    %gt3A_2436 = arith.cmpf ogt, %gather3A_2435, %select_n3A_2431 : vector<16xf32>
    %jit3A_2437 = arith.constant 5 : i32
    %broadcast_in_dim3A_2438 = vector.broadcast %jit3A_2437 : i32 to vector<16xi32>
    %select_n3A_2439 = arith.select %gt3A_2436, %broadcast_in_dim3A_2438, %select_n3A_2430 : vector<16xi1>, vector<16xi32>
    %select_n3A_2440 = arith.select %gt3A_2436, %gather3A_2435, %select_n3A_2431 : vector<16xi1>, vector<16xf32>
    %add3A_2441 = arith.constant 6 : i32
    %add3A_2442 = vector.broadcast %add3A_2441 : i32 to vector<16xi32>
    %add3A_2443 = arith.addi %mul3A_2392, %add3A_2442 : vector<16xi32>
    %gather3A_2444 = tpu.vector_load_idx %arg13[%add3A_2206, %add3A_2443] : memref<128x128xf32, #tpu.memory_space<vmem>>[vector<16xi32>, vector<16xi32>], vector<16xf32>,
    %gt3A_2445 = arith.cmpf ogt, %gather3A_2444, %select_n3A_2440 : vector<16xf32>
    %jit3A_2446 = arith.constant 6 : i32
    %broadcast_in_dim3A_2447 = vector.broadcast %jit3A_2446 : i32 to vector<16xi32>
    %select_n3A_2448 = arith.select %gt3A_2445, %broadcast_in_dim3A_2447, %select_n3A_2439 : vector<16xi1>, vector<16xi32>
    %select_n3A_2449 = arith.select %gt3A_2445, %gather3A_2444, %select_n3A_2440 : vector<16xi1>, vector<16xf32>
    %add3A_2450 = arith.constant 7 : i32
    %add3A_2451 = vector.broadcast %add3A_2450 : i32 to vector<16xi32>
    %add3A_2452 = arith.addi %mul3A_2392, %add3A_2451 : vector<16xi32>
    %gather3A_2453 = tpu.vector_load_idx %arg13[%add3A_2206, %add3A_2452] : memref<128x128xf32, #tpu.memory_space<vmem>>[vector<16xi32>, vector<16xi32>], vector<16xf32>,
    %gt3A_2454 = arith.cmpf ogt, %gather3A_2453, %select_n3A_2449 : vector<16xf32>
    %jit3A_2455 = arith.constant 7 : i32
    %broadcast_in_dim3A_2456 = vector.broadcast %jit3A_2455 : i32 to vector<16xi32>
    %select_n3A_2457 = arith.select %gt3A_2454, %broadcast_in_dim3A_2456, %select_n3A_2448 : vector<16xi1>, vector<16xi32>
    %select_n3A_2458 = arith.select %gt3A_2454, %gather3A_2453, %select_n3A_2449 : vector<16xi1>, vector<16xf32>
    %add3A_2459 = arith.constant 8 : i32
    %add3A_2460 = vector.broadcast %add3A_2459 : i32 to vector<16xi32>
    %add3A_2461 = arith.addi %mul3A_2392, %add3A_2460 : vector<16xi32>
    %gather3A_2462 = tpu.vector_load_idx %arg13[%add3A_2206, %add3A_2461] : memref<128x128xf32, #tpu.memory_space<vmem>>[vector<16xi32>, vector<16xi32>], vector<16xf32>,
    %gt3A_2463 = arith.cmpf ogt, %gather3A_2462, %select_n3A_2458 : vector<16xf32>
    %jit3A_2464 = arith.constant 8 : i32
    %broadcast_in_dim3A_2465 = vector.broadcast %jit3A_2464 : i32 to vector<16xi32>
    %select_n3A_2466 = arith.select %gt3A_2463, %broadcast_in_dim3A_2465, %select_n3A_2457 : vector<16xi1>, vector<16xi32>
    %select_n3A_2467 = arith.select %gt3A_2463, %gather3A_2462, %select_n3A_2458 : vector<16xi1>, vector<16xf32>
    %add3A_2468 = arith.constant 9 : i32
    %add3A_2469 = vector.broadcast %add3A_2468 : i32 to vector<16xi32>
    %add3A_2470 = arith.addi %mul3A_2392, %add3A_2469 : vector<16xi32>
    %gather3A_2471 = tpu.vector_load_idx %arg13[%add3A_2206, %add3A_2470] : memref<128x128xf32, #tpu.memory_space<vmem>>[vector<16xi32>, vector<16xi32>], vector<16xf32>,
    %gt3A_2472 = arith.cmpf ogt, %gather3A_2471, %select_n3A_2467 : vector<16xf32>
    %jit3A_2473 = arith.constant 9 : i32
    %broadcast_in_dim3A_2474 = vector.broadcast %jit3A_2473 : i32 to vector<16xi32>
    %select_n3A_2475 = arith.select %gt3A_2472, %broadcast_in_dim3A_2474, %select_n3A_2466 : vector<16xi1>, vector<16xi32>
    %select_n3A_2476 = arith.select %gt3A_2472, %gather3A_2471, %select_n3A_2467 : vector<16xi1>, vector<16xf32>
    %add3A_2477 = arith.constant 10 : i32
    %add3A_2478 = vector.broadcast %add3A_2477 : i32 to vector<16xi32>
    %add3A_2479 = arith.addi %mul3A_2392, %add3A_2478 : vector<16xi32>
    %gather3A_2480 = tpu.vector_load_idx %arg13[%add3A_2206, %add3A_2479] : memref<128x128xf32, #tpu.memory_space<vmem>>[vector<16xi32>, vector<16xi32>], vector<16xf32>,
    %gt3A_2481 = arith.cmpf ogt, %gather3A_2480, %select_n3A_2476 : vector<16xf32>
    %jit3A_2482 = arith.constant 10 : i32
    %broadcast_in_dim3A_2483 = vector.broadcast %jit3A_2482 : i32 to vector<16xi32>
    %select_n3A_2484 = arith.select %gt3A_2481, %broadcast_in_dim3A_2483, %select_n3A_2475 : vector<16xi1>, vector<16xi32>
    %select_n3A_2485 = arith.select %gt3A_2481, %gather3A_2480, %select_n3A_2476 : vector<16xi1>, vector<16xf32>
    %add3A_2486 = arith.constant 11 : i32
    %add3A_2487 = vector.broadcast %add3A_2486 : i32 to vector<16xi32>
    %add3A_2488 = arith.addi %mul3A_2392, %add3A_2487 : vector<16xi32>
    %gather3A_2489 = tpu.vector_load_idx %arg13[%add3A_2206, %add3A_2488] : memref<128x128xf32, #tpu.memory_space<vmem>>[vector<16xi32>, vector<16xi32>], vector<16xf32>,
    %gt3A_2490 = arith.cmpf ogt, %gather3A_2489, %select_n3A_2485 : vector<16xf32>
    %jit3A_2491 = arith.constant 11 : i32
    %broadcast_in_dim3A_2492 = vector.broadcast %jit3A_2491 : i32 to vector<16xi32>
    %select_n3A_2493 = arith.select %gt3A_2490, %broadcast_in_dim3A_2492, %select_n3A_2484 : vector<16xi1>, vector<16xi32>
    %select_n3A_2494 = arith.select %gt3A_2490, %gather3A_2489, %select_n3A_2485 : vector<16xi1>, vector<16xf32>
    %add3A_2495 = arith.constant 12 : i32
    %add3A_2496 = vector.broadcast %add3A_2495 : i32 to vector<16xi32>
    %add3A_2497 = arith.addi %mul3A_2392, %add3A_2496 : vector<16xi32>
    %gather3A_2498 = tpu.vector_load_idx %arg13[%add3A_2206, %add3A_2497] : memref<128x128xf32, #tpu.memory_space<vmem>>[vector<16xi32>, vector<16xi32>], vector<16xf32>,
    %gt3A_2499 = arith.cmpf ogt, %gather3A_2498, %select_n3A_2494 : vector<16xf32>
    %jit3A_2500 = arith.constant 12 : i32
    %broadcast_in_dim3A_2501 = vector.broadcast %jit3A_2500 : i32 to vector<16xi32>
    %select_n3A_2502 = arith.select %gt3A_2499, %broadcast_in_dim3A_2501, %select_n3A_2493 : vector<16xi1>, vector<16xi32>
    %select_n3A_2503 = arith.select %gt3A_2499, %gather3A_2498, %select_n3A_2494 : vector<16xi1>, vector<16xf32>
    %add3A_2504 = arith.constant 13 : i32
    %add3A_2505 = vector.broadcast %add3A_2504 : i32 to vector<16xi32>
    %add3A_2506 = arith.addi %mul3A_2392, %add3A_2505 : vector<16xi32>
    %gather3A_2507 = tpu.vector_load_idx %arg13[%add3A_2206, %add3A_2506] : memref<128x128xf32, #tpu.memory_space<vmem>>[vector<16xi32>, vector<16xi32>], vector<16xf32>,
    %gt3A_2508 = arith.cmpf ogt, %gather3A_2507, %select_n3A_2503 : vector<16xf32>
    %jit3A_2509 = arith.constant 13 : i32
    %broadcast_in_dim3A_2510 = vector.broadcast %jit3A_2509 : i32 to vector<16xi32>
    %select_n3A_2511 = arith.select %gt3A_2508, %broadcast_in_dim3A_2510, %select_n3A_2502 : vector<16xi1>, vector<16xi32>
    %select_n3A_2512 = arith.select %gt3A_2508, %gather3A_2507, %select_n3A_2503 : vector<16xi1>, vector<16xf32>
    %add3A_2513 = arith.constant 14 : i32
    %add3A_2514 = vector.broadcast %add3A_2513 : i32 to vector<16xi32>
    %add3A_2515 = arith.addi %mul3A_2392, %add3A_2514 : vector<16xi32>
    %gather3A_2516 = tpu.vector_load_idx %arg13[%add3A_2206, %add3A_2515] : memref<128x128xf32, #tpu.memory_space<vmem>>[vector<16xi32>, vector<16xi32>], vector<16xf32>,
    %gt3A_2517 = arith.cmpf ogt, %gather3A_2516, %select_n3A_2512 : vector<16xf32>
    %jit3A_2518 = arith.constant 14 : i32
    %broadcast_in_dim3A_2519 = vector.broadcast %jit3A_2518 : i32 to vector<16xi32>
    %select_n3A_2520 = arith.select %gt3A_2517, %broadcast_in_dim3A_2519, %select_n3A_2511 : vector<16xi1>, vector<16xi32>
    %select_n3A_2521 = arith.select %gt3A_2517, %gather3A_2516, %select_n3A_2512 : vector<16xi1>, vector<16xf32>
    %add3A_2522 = arith.constant 15 : i32
    %add3A_2523 = vector.broadcast %add3A_2522 : i32 to vector<16xi32>
    %add3A_2524 = arith.addi %mul3A_2392, %add3A_2523 : vector<16xi32>
    %gather3A_2525 = tpu.vector_load_idx %arg13[%add3A_2206, %add3A_2524] : memref<128x128xf32, #tpu.memory_space<vmem>>[vector<16xi32>, vector<16xi32>], vector<16xf32>,
    %gt3A_2526 = arith.cmpf ogt, %gather3A_2525, %select_n3A_2521 : vector<16xf32>
    %jit3A_2527 = arith.constant 15 : i32
    %broadcast_in_dim3A_2528 = vector.broadcast %jit3A_2527 : i32 to vector<16xi32>
    %select_n3A_2529 = arith.select %gt3A_2526, %broadcast_in_dim3A_2528, %select_n3A_2520 : vector<16xi1>, vector<16xi32>
    %select_n3A_2530 = arith.select %gt3A_2526, %gather3A_2525, %select_n3A_2521 : vector<16xi1>, vector<16xf32>
    %broadcast_in_dim3A_2531 = arith.constant 0.000000e+00 : f32
    %broadcast_in_dim3A_2532 = vector.broadcast %broadcast_in_dim3A_2531 : f32 to vector<16xf32>
    %sub3A_2533 = arith.subf %gather3A_2393, %select_n3A_2530 : vector<16xf32>
    %exp3A_2534 = math.exp %sub3A_2533 : vector<16xf32>
    %add3A_2535 = arith.addf %broadcast_in_dim3A_2532, %exp3A_2534 : vector<16xf32>
    %sub3A_2536 = arith.subf %gather3A_2399, %select_n3A_2530 : vector<16xf32>
    %exp3A_2537 = math.exp %sub3A_2536 : vector<16xf32>
    %add3A_2538 = arith.addf %add3A_2535, %exp3A_2537 : vector<16xf32>
    %sub3A_2539 = arith.subf %gather3A_2408, %select_n3A_2530 : vector<16xf32>
    %exp3A_2540 = math.exp %sub3A_2539 : vector<16xf32>
    %add3A_2541 = arith.addf %add3A_2538, %exp3A_2540 : vector<16xf32>
    %sub3A_2542 = arith.subf %gather3A_2417, %select_n3A_2530 : vector<16xf32>
    %exp3A_2543 = math.exp %sub3A_2542 : vector<16xf32>
    %add3A_2544 = arith.addf %add3A_2541, %exp3A_2543 : vector<16xf32>
    %sub3A_2545 = arith.subf %gather3A_2426, %select_n3A_2530 : vector<16xf32>
    %exp3A_2546 = math.exp %sub3A_2545 : vector<16xf32>
    %add3A_2547 = arith.addf %add3A_2544, %exp3A_2546 : vector<16xf32>
    %sub3A_2548 = arith.subf %gather3A_2435, %select_n3A_2530 : vector<16xf32>
    %exp3A_2549 = math.exp %sub3A_2548 : vector<16xf32>
    %add3A_2550 = arith.addf %add3A_2547, %exp3A_2549 : vector<16xf32>
    %sub3A_2551 = arith.subf %gather3A_2444, %select_n3A_2530 : vector<16xf32>
    %exp3A_2552 = math.exp %sub3A_2551 : vector<16xf32>
    %add3A_2553 = arith.addf %add3A_2550, %exp3A_2552 : vector<16xf32>
    %sub3A_2554 = arith.subf %gather3A_2453, %select_n3A_2530 : vector<16xf32>
    %exp3A_2555 = math.exp %sub3A_2554 : vector<16xf32>
    %add3A_2556 = arith.addf %add3A_2553, %exp3A_2555 : vector<16xf32>
    %sub3A_2557 = arith.subf %gather3A_2462, %select_n3A_2530 : vector<16xf32>
    %exp3A_2558 = math.exp %sub3A_2557 : vector<16xf32>
    %add3A_2559 = arith.addf %add3A_2556, %exp3A_2558 : vector<16xf32>
    %sub3A_2560 = arith.subf %gather3A_2471, %select_n3A_2530 : vector<16xf32>
    %exp3A_2561 = math.exp %sub3A_2560 : vector<16xf32>
    %add3A_2562 = arith.addf %add3A_2559, %exp3A_2561 : vector<16xf32>
    %sub3A_2563 = arith.subf %gather3A_2480, %select_n3A_2530 : vector<16xf32>
    %exp3A_2564 = math.exp %sub3A_2563 : vector<16xf32>
    %add3A_2565 = arith.addf %add3A_2562, %exp3A_2564 : vector<16xf32>
    %sub3A_2566 = arith.subf %gather3A_2489, %select_n3A_2530 : vector<16xf32>
    %exp3A_2567 = math.exp %sub3A_2566 : vector<16xf32>
    %add3A_2568 = arith.addf %add3A_2565, %exp3A_2567 : vector<16xf32>
    %sub3A_2569 = arith.subf %gather3A_2498, %select_n3A_2530 : vector<16xf32>
    %exp3A_2570 = math.exp %sub3A_2569 : vector<16xf32>
    %add3A_2571 = arith.addf %add3A_2568, %exp3A_2570 : vector<16xf32>
    %sub3A_2572 = arith.subf %gather3A_2507, %select_n3A_2530 : vector<16xf32>
    %exp3A_2573 = math.exp %sub3A_2572 : vector<16xf32>
    %add3A_2574 = arith.addf %add3A_2571, %exp3A_2573 : vector<16xf32>
    %sub3A_2575 = arith.subf %gather3A_2516, %select_n3A_2530 : vector<16xf32>
    %exp3A_2576 = math.exp %sub3A_2575 : vector<16xf32>
    %add3A_2577 = arith.addf %add3A_2574, %exp3A_2576 : vector<16xf32>
    %sub3A_2578 = arith.subf %gather3A_2525, %select_n3A_2530 : vector<16xf32>
    %exp3A_2579 = math.exp %sub3A_2578 : vector<16xf32>
    %add3A_2580 = arith.addf %add3A_2577, %exp3A_2579 : vector<16xf32>
    %bitcast_convert_type3A_2581 = tpu.bitcast %add3A_2580 : vector<16xf32> -> vector<16xi32>
    %shift_right_arithmetic3A_2582 = arith.constant 23 : i32
    %shift_right_arithmetic3A_2583 = vector.broadcast %shift_right_arithmetic3A_2582 : i32 to vector<16xi32>
    %shift_right_arithmetic3A_2584 = arith.shrsi %bitcast_convert_type3A_2581, %shift_right_arithmetic3A_2583 : vector<16xi32>
    %sub3A_2585 = arith.constant 127 : i32
    %sub3A_2586 = vector.broadcast %sub3A_2585 : i32 to vector<16xi32>
    %sub3A_2587 = arith.subi %shift_right_arithmetic3A_2584, %sub3A_2586 : vector<16xi32>
    %and3A_2588 = arith.constant 8388607 : i32
    %and3A_2589 = vector.broadcast %and3A_2588 : i32 to vector<16xi32>
    %and3A_2590 = arith.andi %bitcast_convert_type3A_2581, %and3A_2589 : vector<16xi32>
    %or3A_2591 = arith.constant 1065353216 : i32
    %or3A_2592 = vector.broadcast %or3A_2591 : i32 to vector<16xi32>
    %or3A_2593 = arith.ori %and3A_2590, %or3A_2592 : vector<16xi32>
    %bitcast_convert_type3A_2594 = tpu.bitcast %or3A_2593 : vector<16xi32> -> vector<16xf32>
    %sub3A_2595 = arith.constant 1.000000e+00 : f32
    %sub3A_2596 = vector.broadcast %sub3A_2595 : f32 to vector<16xf32>
    %sub3A_2597 = arith.subf %bitcast_convert_type3A_2594, %sub3A_2596 : vector<16xf32>
    %add3A_2598 = arith.constant 1.000000e+00 : f32
    %add3A_2599 = vector.broadcast %add3A_2598 : f32 to vector<16xf32>
    %add3A_2600 = arith.addf %bitcast_convert_type3A_2594, %add3A_2599 : vector<16xf32>
    %div3A_2601 = arith.divf %sub3A_2597, %add3A_2600 : vector<16xf32>
    %mul3A_2602 = arith.mulf %div3A_2601, %div3A_2601 : vector<16xf32>
    %mul3A_2603 = arith.constant 2.000000e+00 : f32
    %mul3A_2604 = vector.broadcast %mul3A_2603 : f32 to vector<16xf32>
    %mul3A_2605 = arith.mulf %mul3A_2604, %div3A_2601 : vector<16xf32>
    %mul3A_2606 = arith.constant 0.142857149 : f32
    %mul3A_2607 = vector.broadcast %mul3A_2606 : f32 to vector<16xf32>
    %mul3A_2608 = arith.mulf %mul3A_2602, %mul3A_2607 : vector<16xf32>
    %add3A_2609 = arith.constant 2.000000e-01 : f32
    %add3A_2610 = vector.broadcast %add3A_2609 : f32 to vector<16xf32>
    %add3A_2611 = arith.addf %add3A_2610, %mul3A_2608 : vector<16xf32>
    %mul3A_2612 = arith.mulf %mul3A_2602, %add3A_2611 : vector<16xf32>
    %add3A_2613 = arith.constant 0.333333343 : f32
    %add3A_2614 = vector.broadcast %add3A_2613 : f32 to vector<16xf32>
    %add3A_2615 = arith.addf %add3A_2614, %mul3A_2612 : vector<16xf32>
    %mul3A_2616 = arith.mulf %mul3A_2602, %add3A_2615 : vector<16xf32>
    %add3A_2617 = arith.constant 1.000000e+00 : f32
    %add3A_2618 = vector.broadcast %add3A_2617 : f32 to vector<16xf32>
    %add3A_2619 = arith.addf %add3A_2618, %mul3A_2616 : vector<16xf32>
    %mul3A_2620 = arith.mulf %mul3A_2605, %add3A_2619 : vector<16xf32>
    %convert_element_type3A_2621 = arith.sitofp %sub3A_2587 : vector<16xi32> to vector<16xf32>
    %mul3A_2622 = arith.constant 0.693147182 : f32
    %mul3A_2623 = vector.broadcast %mul3A_2622 : f32 to vector<16xf32>
    %mul3A_2624 = arith.mulf %convert_element_type3A_2621, %mul3A_2623 : vector<16xf32>
    %add3A_2625 = arith.addf %mul3A_2624, %mul3A_2620 : vector<16xf32>
    %neg3A_2626 = arith.constant 0.000000e+00 : f32
    %neg3A_2627 = vector.broadcast %neg3A_2626 : f32 to vector<16xf32>
    %neg3A_2628 = arith.subf %neg3A_2627, %add3A_2625 : vector<16xf32>
    %swap3A_2629 = arith.constant 80 : index
    %swap3A_2630 = tpu.vector_load %arg17[%swap3A_2629] {strides = array<i32>} : memref<128xi32, #tpu.memory_space<vmem>>, vector<16xi32>,
    tpu.vector_store %arg17[%swap3A_2629], %select_n3A_2529 {strides = array<i32>} : memref<128xi32, #tpu.memory_space<vmem>>, vector<16xi32>,
    %swap3A_2631 = arith.constant 80 : index
    %swap3A_2632 = tpu.vector_load %arg18[%swap3A_2631] {strides = array<i32>} : memref<128xf32, #tpu.memory_space<vmem>>, vector<16xf32>,
    tpu.vector_store %arg18[%swap3A_2631], %gather3A_2389 {strides = array<i32>} : memref<128xf32, #tpu.memory_space<vmem>>, vector<16xf32>,
    %swap3A_2633 = arith.constant 80 : index
    %swap3A_2634 = tpu.vector_load %arg19[%swap3A_2633] {strides = array<i32>} : memref<128xf32, #tpu.memory_space<vmem>>, vector<16xf32>,
    tpu.vector_store %arg19[%swap3A_2633], %neg3A_2628 {strides = array<i32>} : memref<128xf32, #tpu.memory_space<vmem>>, vector<16xf32>,
    %swap3A_2635 = arith.constant 80 : index
    %swap3A_2636 = tpu.vector_load %arg20[%swap3A_2635] {strides = array<i32>} : memref<128xi32, #tpu.memory_space<vmem>>, vector<16xi32>,
    tpu.vector_store %arg20[%swap3A_2635], %select_n3A_2379 {strides = array<i32>} : memref<128xi32, #tpu.memory_space<vmem>>, vector<16xi32>,
    %swap3A_2637 = arith.constant 80 : index
    %swap3A_2638 = tpu.vector_load %arg21[%swap3A_2637] {strides = array<i32>} : memref<128xf32, #tpu.memory_space<vmem>>, vector<16xf32>,
    tpu.vector_store %arg21[%swap3A_2637], %get3A_2353 {strides = array<i32>} : memref<128xf32, #tpu.memory_space<vmem>>, vector<16xf32>,
    %swap3A_2639 = arith.constant 80 : index
    %swap3A_2640 = tpu.vector_load %arg22[%swap3A_2639] {strides = array<i32>} : memref<128xf32, #tpu.memory_space<vmem>>, vector<16xf32>,
    tpu.vector_store %arg22[%swap3A_2639], %neg3A_2349 {strides = array<i32>} : memref<128xf32, #tpu.memory_space<vmem>>, vector<16xf32>,
    %swap3A_2641 = arith.constant 80 : index
    %swap3A_2642 = tpu.vector_load %arg23[%swap3A_2641] {strides = array<i32>} : memref<128xf32, #tpu.memory_space<vmem>>, vector<16xf32>,
    tpu.vector_store %arg23[%swap3A_2641], %select_n3A_2385 {strides = array<i32>} : memref<128xf32, #tpu.memory_space<vmem>>, vector<16xf32>,
    %add3A_2643 = arith.constant 96 : i32
    %add3A_2644 = vector.broadcast %add3A_2643 : i32 to vector<16xi32>
    %add3A_2645 = arith.addi %iota3A, %add3A_2644 : vector<16xi32>
    %get3A_2646 = arith.constant 0 : i32
    %get3A_2647 = arith.index_cast %get3A_2646 : i32 to index
    %get3A_2648 = arith.constant 96 : index
    %get3A_2649 = tpu.vector_load %arg14[%get3A_2647, %get3A_2648] {strides = array<i32>} : memref<32x128xf32, #tpu.memory_space<vmem>>, vector<16xf32>,
    %broadcast_in_dim3A_2650 = arith.constant 0 : i32
    %broadcast_in_dim3A_2651 = vector.broadcast %broadcast_in_dim3A_2650 : i32 to vector<16xi32>
    %get3A_2652 = arith.constant 1 : i32
    %get3A_2653 = arith.index_cast %get3A_2652 : i32 to index
    %get3A_2654 = arith.constant 96 : index
    %get3A_2655 = tpu.vector_load %arg14[%get3A_2653, %get3A_2654] {strides = array<i32>} : memref<32x128xf32, #tpu.memory_space<vmem>>, vector<16xf32>,
    %gt3A_2656 = arith.cmpf ogt, %get3A_2655, %get3A_2649 : vector<16xf32>
    %jit3A_2657 = arith.constant 1 : i32
    %broadcast_in_dim3A_2658 = vector.broadcast %jit3A_2657 : i32 to vector<16xi32>
    %select_n3A_2659 = arith.select %gt3A_2656, %broadcast_in_dim3A_2658, %broadcast_in_dim3A_2651 : vector<16xi1>, vector<16xi32>
    %select_n3A_2660 = arith.select %gt3A_2656, %get3A_2655, %get3A_2649 : vector<16xi1>, vector<16xf32>
    %get3A_2661 = arith.constant 2 : i32
    %get3A_2662 = arith.index_cast %get3A_2661 : i32 to index
    %get3A_2663 = arith.constant 96 : index
    %get3A_2664 = tpu.vector_load %arg14[%get3A_2662, %get3A_2663] {strides = array<i32>} : memref<32x128xf32, #tpu.memory_space<vmem>>, vector<16xf32>,
    %gt3A_2665 = arith.cmpf ogt, %get3A_2664, %select_n3A_2660 : vector<16xf32>
    %jit3A_2666 = arith.constant 2 : i32
    %broadcast_in_dim3A_2667 = vector.broadcast %jit3A_2666 : i32 to vector<16xi32>
    %select_n3A_2668 = arith.select %gt3A_2665, %broadcast_in_dim3A_2667, %select_n3A_2659 : vector<16xi1>, vector<16xi32>
    %select_n3A_2669 = arith.select %gt3A_2665, %get3A_2664, %select_n3A_2660 : vector<16xi1>, vector<16xf32>
    %get3A_2670 = arith.constant 3 : i32
    %get3A_2671 = arith.index_cast %get3A_2670 : i32 to index
    %get3A_2672 = arith.constant 96 : index
    %get3A_2673 = tpu.vector_load %arg14[%get3A_2671, %get3A_2672] {strides = array<i32>} : memref<32x128xf32, #tpu.memory_space<vmem>>, vector<16xf32>,
    %gt3A_2674 = arith.cmpf ogt, %get3A_2673, %select_n3A_2669 : vector<16xf32>
    %jit3A_2675 = arith.constant 3 : i32
    %broadcast_in_dim3A_2676 = vector.broadcast %jit3A_2675 : i32 to vector<16xi32>
    %select_n3A_2677 = arith.select %gt3A_2674, %broadcast_in_dim3A_2676, %select_n3A_2668 : vector<16xi1>, vector<16xi32>
    %select_n3A_2678 = arith.select %gt3A_2674, %get3A_2673, %select_n3A_2669 : vector<16xi1>, vector<16xf32>
    %get3A_2679 = arith.constant 4 : i32
    %get3A_2680 = arith.index_cast %get3A_2679 : i32 to index
    %get3A_2681 = arith.constant 96 : index
    %get3A_2682 = tpu.vector_load %arg14[%get3A_2680, %get3A_2681] {strides = array<i32>} : memref<32x128xf32, #tpu.memory_space<vmem>>, vector<16xf32>,
    %gt3A_2683 = arith.cmpf ogt, %get3A_2682, %select_n3A_2678 : vector<16xf32>
    %jit3A_2684 = arith.constant 4 : i32
    %broadcast_in_dim3A_2685 = vector.broadcast %jit3A_2684 : i32 to vector<16xi32>
    %select_n3A_2686 = arith.select %gt3A_2683, %broadcast_in_dim3A_2685, %select_n3A_2677 : vector<16xi1>, vector<16xi32>
    %select_n3A_2687 = arith.select %gt3A_2683, %get3A_2682, %select_n3A_2678 : vector<16xi1>, vector<16xf32>
    %get3A_2688 = arith.constant 5 : i32
    %get3A_2689 = arith.index_cast %get3A_2688 : i32 to index
    %get3A_2690 = arith.constant 96 : index
    %get3A_2691 = tpu.vector_load %arg14[%get3A_2689, %get3A_2690] {strides = array<i32>} : memref<32x128xf32, #tpu.memory_space<vmem>>, vector<16xf32>,
    %gt3A_2692 = arith.cmpf ogt, %get3A_2691, %select_n3A_2687 : vector<16xf32>
    %jit3A_2693 = arith.constant 5 : i32
    %broadcast_in_dim3A_2694 = vector.broadcast %jit3A_2693 : i32 to vector<16xi32>
    %select_n3A_2695 = arith.select %gt3A_2692, %broadcast_in_dim3A_2694, %select_n3A_2686 : vector<16xi1>, vector<16xi32>
    %select_n3A_2696 = arith.select %gt3A_2692, %get3A_2691, %select_n3A_2687 : vector<16xi1>, vector<16xf32>
    %get3A_2697 = arith.constant 6 : i32
    %get3A_2698 = arith.index_cast %get3A_2697 : i32 to index
    %get3A_2699 = arith.constant 96 : index
    %get3A_2700 = tpu.vector_load %arg14[%get3A_2698, %get3A_2699] {strides = array<i32>} : memref<32x128xf32, #tpu.memory_space<vmem>>, vector<16xf32>,
    %gt3A_2701 = arith.cmpf ogt, %get3A_2700, %select_n3A_2696 : vector<16xf32>
    %jit3A_2702 = arith.constant 6 : i32
    %broadcast_in_dim3A_2703 = vector.broadcast %jit3A_2702 : i32 to vector<16xi32>
    %select_n3A_2704 = arith.select %gt3A_2701, %broadcast_in_dim3A_2703, %select_n3A_2695 : vector<16xi1>, vector<16xi32>
    %select_n3A_2705 = arith.select %gt3A_2701, %get3A_2700, %select_n3A_2696 : vector<16xi1>, vector<16xf32>
    %get3A_2706 = arith.constant 7 : i32
    %get3A_2707 = arith.index_cast %get3A_2706 : i32 to index
    %get3A_2708 = arith.constant 96 : index
    %get3A_2709 = tpu.vector_load %arg14[%get3A_2707, %get3A_2708] {strides = array<i32>} : memref<32x128xf32, #tpu.memory_space<vmem>>, vector<16xf32>,
    %gt3A_2710 = arith.cmpf ogt, %get3A_2709, %select_n3A_2705 : vector<16xf32>
    %jit3A_2711 = arith.constant 7 : i32
    %broadcast_in_dim3A_2712 = vector.broadcast %jit3A_2711 : i32 to vector<16xi32>
    %select_n3A_2713 = arith.select %gt3A_2710, %broadcast_in_dim3A_2712, %select_n3A_2704 : vector<16xi1>, vector<16xi32>
    %select_n3A_2714 = arith.select %gt3A_2710, %get3A_2709, %select_n3A_2705 : vector<16xi1>, vector<16xf32>
    %broadcast_in_dim3A_2715 = arith.constant 0.000000e+00 : f32
    %broadcast_in_dim3A_2716 = vector.broadcast %broadcast_in_dim3A_2715 : f32 to vector<16xf32>
    %sub3A_2717 = arith.subf %get3A_2649, %select_n3A_2714 : vector<16xf32>
    %exp3A_2718 = math.exp %sub3A_2717 : vector<16xf32>
    %add3A_2719 = arith.addf %broadcast_in_dim3A_2716, %exp3A_2718 : vector<16xf32>
    %sub3A_2720 = arith.subf %get3A_2655, %select_n3A_2714 : vector<16xf32>
    %exp3A_2721 = math.exp %sub3A_2720 : vector<16xf32>
    %add3A_2722 = arith.addf %add3A_2719, %exp3A_2721 : vector<16xf32>
    %sub3A_2723 = arith.subf %get3A_2664, %select_n3A_2714 : vector<16xf32>
    %exp3A_2724 = math.exp %sub3A_2723 : vector<16xf32>
    %add3A_2725 = arith.addf %add3A_2722, %exp3A_2724 : vector<16xf32>
    %sub3A_2726 = arith.subf %get3A_2673, %select_n3A_2714 : vector<16xf32>
    %exp3A_2727 = math.exp %sub3A_2726 : vector<16xf32>
    %add3A_2728 = arith.addf %add3A_2725, %exp3A_2727 : vector<16xf32>
    %sub3A_2729 = arith.subf %get3A_2682, %select_n3A_2714 : vector<16xf32>
    %exp3A_2730 = math.exp %sub3A_2729 : vector<16xf32>
    %add3A_2731 = arith.addf %add3A_2728, %exp3A_2730 : vector<16xf32>
    %sub3A_2732 = arith.subf %get3A_2691, %select_n3A_2714 : vector<16xf32>
    %exp3A_2733 = math.exp %sub3A_2732 : vector<16xf32>
    %add3A_2734 = arith.addf %add3A_2731, %exp3A_2733 : vector<16xf32>
    %sub3A_2735 = arith.subf %get3A_2700, %select_n3A_2714 : vector<16xf32>
    %exp3A_2736 = math.exp %sub3A_2735 : vector<16xf32>
    %add3A_2737 = arith.addf %add3A_2734, %exp3A_2736 : vector<16xf32>
    %sub3A_2738 = arith.subf %get3A_2709, %select_n3A_2714 : vector<16xf32>
    %exp3A_2739 = math.exp %sub3A_2738 : vector<16xf32>
    %add3A_2740 = arith.addf %add3A_2737, %exp3A_2739 : vector<16xf32>
    %bitcast_convert_type3A_2741 = tpu.bitcast %add3A_2740 : vector<16xf32> -> vector<16xi32>
    %shift_right_arithmetic3A_2742 = arith.constant 23 : i32
    %shift_right_arithmetic3A_2743 = vector.broadcast %shift_right_arithmetic3A_2742 : i32 to vector<16xi32>
    %shift_right_arithmetic3A_2744 = arith.shrsi %bitcast_convert_type3A_2741, %shift_right_arithmetic3A_2743 : vector<16xi32>
    %sub3A_2745 = arith.constant 127 : i32
    %sub3A_2746 = vector.broadcast %sub3A_2745 : i32 to vector<16xi32>
    %sub3A_2747 = arith.subi %shift_right_arithmetic3A_2744, %sub3A_2746 : vector<16xi32>
    %and3A_2748 = arith.constant 8388607 : i32
    %and3A_2749 = vector.broadcast %and3A_2748 : i32 to vector<16xi32>
    %and3A_2750 = arith.andi %bitcast_convert_type3A_2741, %and3A_2749 : vector<16xi32>
    %or3A_2751 = arith.constant 1065353216 : i32
    %or3A_2752 = vector.broadcast %or3A_2751 : i32 to vector<16xi32>
    %or3A_2753 = arith.ori %and3A_2750, %or3A_2752 : vector<16xi32>
    %bitcast_convert_type3A_2754 = tpu.bitcast %or3A_2753 : vector<16xi32> -> vector<16xf32>
    %sub3A_2755 = arith.constant 1.000000e+00 : f32
    %sub3A_2756 = vector.broadcast %sub3A_2755 : f32 to vector<16xf32>
    %sub3A_2757 = arith.subf %bitcast_convert_type3A_2754, %sub3A_2756 : vector<16xf32>
    %add3A_2758 = arith.constant 1.000000e+00 : f32
    %add3A_2759 = vector.broadcast %add3A_2758 : f32 to vector<16xf32>
    %add3A_2760 = arith.addf %bitcast_convert_type3A_2754, %add3A_2759 : vector<16xf32>
    %div3A_2761 = arith.divf %sub3A_2757, %add3A_2760 : vector<16xf32>
    %mul3A_2762 = arith.mulf %div3A_2761, %div3A_2761 : vector<16xf32>
    %mul3A_2763 = arith.constant 2.000000e+00 : f32
    %mul3A_2764 = vector.broadcast %mul3A_2763 : f32 to vector<16xf32>
    %mul3A_2765 = arith.mulf %mul3A_2764, %div3A_2761 : vector<16xf32>
    %mul3A_2766 = arith.constant 0.142857149 : f32
    %mul3A_2767 = vector.broadcast %mul3A_2766 : f32 to vector<16xf32>
    %mul3A_2768 = arith.mulf %mul3A_2762, %mul3A_2767 : vector<16xf32>
    %add3A_2769 = arith.constant 2.000000e-01 : f32
    %add3A_2770 = vector.broadcast %add3A_2769 : f32 to vector<16xf32>
    %add3A_2771 = arith.addf %add3A_2770, %mul3A_2768 : vector<16xf32>
    %mul3A_2772 = arith.mulf %mul3A_2762, %add3A_2771 : vector<16xf32>
    %add3A_2773 = arith.constant 0.333333343 : f32
    %add3A_2774 = vector.broadcast %add3A_2773 : f32 to vector<16xf32>
    %add3A_2775 = arith.addf %add3A_2774, %mul3A_2772 : vector<16xf32>
    %mul3A_2776 = arith.mulf %mul3A_2762, %add3A_2775 : vector<16xf32>
    %add3A_2777 = arith.constant 1.000000e+00 : f32
    %add3A_2778 = vector.broadcast %add3A_2777 : f32 to vector<16xf32>
    %add3A_2779 = arith.addf %add3A_2778, %mul3A_2776 : vector<16xf32>
    %mul3A_2780 = arith.mulf %mul3A_2765, %add3A_2779 : vector<16xf32>
    %convert_element_type3A_2781 = arith.sitofp %sub3A_2747 : vector<16xi32> to vector<16xf32>
    %mul3A_2782 = arith.constant 0.693147182 : f32
    %mul3A_2783 = vector.broadcast %mul3A_2782 : f32 to vector<16xf32>
    %mul3A_2784 = arith.mulf %convert_element_type3A_2781, %mul3A_2783 : vector<16xf32>
    %add3A_2785 = arith.addf %mul3A_2784, %mul3A_2780 : vector<16xf32>
    %neg3A_2786 = arith.constant 0.000000e+00 : f32
    %neg3A_2787 = vector.broadcast %neg3A_2786 : f32 to vector<16xf32>
    %neg3A_2788 = arith.subf %neg3A_2787, %add3A_2785 : vector<16xf32>
    %get3A_2789 = arith.constant 8 : i32
    %get3A_2790 = arith.index_cast %get3A_2789 : i32 to index
    %get3A_2791 = arith.constant 96 : index
    %get3A_2792 = tpu.vector_load %arg14[%get3A_2790, %get3A_2791] {strides = array<i32>} : memref<32x128xf32, #tpu.memory_space<vmem>>, vector<16xf32>,
    %get3A_2793 = arith.constant 96 : index
    %get3A_2794 = tpu.vector_load %arg15[%get3A_2793] {strides = array<i32>} : memref<128xi32, #tpu.memory_space<vmem>>, vector<16xi32>,
    %get3A_2795 = arith.constant 96 : index
    %get3A_2796 = tpu.vector_load %arg16[%get3A_2795] {strides = array<i32>} : memref<128xi32, #tpu.memory_space<vmem>>, vector<16xi32>,
    %add3A_2797 = arith.constant 9 : i32
    %add3A_2798 = vector.broadcast %add3A_2797 : i32 to vector<16xi32>
    %add3A_2799 = arith.addi %get3A_2794, %add3A_2798 : vector<16xi32>
    %gather3A_2800 = tpu.vector_load_idx %arg14[%add3A_2799, %add3A_2645] : memref<32x128xf32, #tpu.memory_space<vmem>>[vector<16xi32>, vector<16xi32>], vector<16xf32>,
    %neg3A_2801 = arith.constant 0.000000e+00 : f32
    %neg3A_2802 = vector.broadcast %neg3A_2801 : f32 to vector<16xf32>
    %neg3A_2803 = arith.subf %neg3A_2802, %gather3A_2800 : vector<16xf32>
    %exp3A_2804 = math.exp %neg3A_2803 : vector<16xf32>
    %add3A_2805 = arith.constant 1.000000e+00 : f32
    %add3A_2806 = vector.broadcast %add3A_2805 : f32 to vector<16xf32>
    %add3A_2807 = arith.addf %add3A_2806, %exp3A_2804 : vector<16xf32>
    %div3A_2808 = arith.constant 1.000000e+00 : f32
    %div3A_2809 = vector.broadcast %div3A_2808 : f32 to vector<16xf32>
    %div3A_2810 = arith.divf %div3A_2809, %add3A_2807 : vector<16xf32>
    %gt3A_2811 = arith.constant 5.000000e-01 : f32
    %gt3A_2812 = vector.broadcast %gt3A_2811 : f32 to vector<16xf32>
    %gt3A_2813 = arith.cmpf ogt, %div3A_2810, %gt3A_2812 : vector<16xf32>
    %gt3A_2814 = arith.constant 0 : i32
    %gt3A_2815 = vector.broadcast %gt3A_2814 : i32 to vector<16xi32>
    %gt3A_2816 = arith.cmpi sgt, %get3A_2796, %gt3A_2815 : vector<16xi32>
    %or3A_2817 = arith.ori %gt3A_2813, %gt3A_2816 : vector<16xi1>
    %select_n3A_2818 = arith.select %or3A_2817, %select_n3A_2713, %get3A_2794 : vector<16xi1>, vector<16xi32>
    %gt3A_2819 = arith.constant 0 : i32
    %gt3A_2820 = vector.broadcast %gt3A_2819 : i32 to vector<16xi32>
    %gt3A_2821 = arith.cmpi sgt, %get3A_2796, %gt3A_2820 : vector<16xi32>
    %jit3A_2822 = arith.constant 0.000000e+00 : f32
    %broadcast_in_dim3A_2823 = vector.broadcast %jit3A_2822 : f32 to vector<16xf32>
    %select_n3A_2824 = arith.select %gt3A_2821, %broadcast_in_dim3A_2823, %div3A_2810 : vector<16xi1>, vector<16xf32>
    %add3A_2825 = arith.constant 17 : i32
    %add3A_2826 = vector.broadcast %add3A_2825 : i32 to vector<16xi32>
    %add3A_2827 = arith.addi %select_n3A_2818, %add3A_2826 : vector<16xi32>
    %gather3A_2828 = tpu.vector_load_idx %arg14[%add3A_2827, %add3A_2645] : memref<32x128xf32, #tpu.memory_space<vmem>>[vector<16xi32>, vector<16xi32>], vector<16xf32>,
    %mul3A_2829 = arith.constant 16 : i32
    %mul3A_2830 = vector.broadcast %mul3A_2829 : i32 to vector<16xi32>
    %mul3A_2831 = arith.muli %select_n3A_2818, %mul3A_2830 : vector<16xi32>
    %gather3A_2832 = tpu.vector_load_idx %arg13[%add3A_2645, %mul3A_2831] : memref<128x128xf32, #tpu.memory_space<vmem>>[vector<16xi32>, vector<16xi32>], vector<16xf32>,
    %broadcast_in_dim3A_2833 = arith.constant 0 : i32
    %broadcast_in_dim3A_2834 = vector.broadcast %broadcast_in_dim3A_2833 : i32 to vector<16xi32>
    %add3A_2835 = arith.constant 1 : i32
    %add3A_2836 = vector.broadcast %add3A_2835 : i32 to vector<16xi32>
    %add3A_2837 = arith.addi %mul3A_2831, %add3A_2836 : vector<16xi32>
    %gather3A_2838 = tpu.vector_load_idx %arg13[%add3A_2645, %add3A_2837] : memref<128x128xf32, #tpu.memory_space<vmem>>[vector<16xi32>, vector<16xi32>], vector<16xf32>,
    %gt3A_2839 = arith.cmpf ogt, %gather3A_2838, %gather3A_2832 : vector<16xf32>
    %jit3A_2840 = arith.constant 1 : i32
    %broadcast_in_dim3A_2841 = vector.broadcast %jit3A_2840 : i32 to vector<16xi32>
    %select_n3A_2842 = arith.select %gt3A_2839, %broadcast_in_dim3A_2841, %broadcast_in_dim3A_2834 : vector<16xi1>, vector<16xi32>
    %select_n3A_2843 = arith.select %gt3A_2839, %gather3A_2838, %gather3A_2832 : vector<16xi1>, vector<16xf32>
    %add3A_2844 = arith.constant 2 : i32
    %add3A_2845 = vector.broadcast %add3A_2844 : i32 to vector<16xi32>
    %add3A_2846 = arith.addi %mul3A_2831, %add3A_2845 : vector<16xi32>
    %gather3A_2847 = tpu.vector_load_idx %arg13[%add3A_2645, %add3A_2846] : memref<128x128xf32, #tpu.memory_space<vmem>>[vector<16xi32>, vector<16xi32>], vector<16xf32>,
    %gt3A_2848 = arith.cmpf ogt, %gather3A_2847, %select_n3A_2843 : vector<16xf32>
    %jit3A_2849 = arith.constant 2 : i32
    %broadcast_in_dim3A_2850 = vector.broadcast %jit3A_2849 : i32 to vector<16xi32>
    %select_n3A_2851 = arith.select %gt3A_2848, %broadcast_in_dim3A_2850, %select_n3A_2842 : vector<16xi1>, vector<16xi32>
    %select_n3A_2852 = arith.select %gt3A_2848, %gather3A_2847, %select_n3A_2843 : vector<16xi1>, vector<16xf32>
    %add3A_2853 = arith.constant 3 : i32
    %add3A_2854 = vector.broadcast %add3A_2853 : i32 to vector<16xi32>
    %add3A_2855 = arith.addi %mul3A_2831, %add3A_2854 : vector<16xi32>
    %gather3A_2856 = tpu.vector_load_idx %arg13[%add3A_2645, %add3A_2855] : memref<128x128xf32, #tpu.memory_space<vmem>>[vector<16xi32>, vector<16xi32>], vector<16xf32>,
    %gt3A_2857 = arith.cmpf ogt, %gather3A_2856, %select_n3A_2852 : vector<16xf32>
    %jit3A_2858 = arith.constant 3 : i32
    %broadcast_in_dim3A_2859 = vector.broadcast %jit3A_2858 : i32 to vector<16xi32>
    %select_n3A_2860 = arith.select %gt3A_2857, %broadcast_in_dim3A_2859, %select_n3A_2851 : vector<16xi1>, vector<16xi32>
    %select_n3A_2861 = arith.select %gt3A_2857, %gather3A_2856, %select_n3A_2852 : vector<16xi1>, vector<16xf32>
    %add3A_2862 = arith.constant 4 : i32
    %add3A_2863 = vector.broadcast %add3A_2862 : i32 to vector<16xi32>
    %add3A_2864 = arith.addi %mul3A_2831, %add3A_2863 : vector<16xi32>
    %gather3A_2865 = tpu.vector_load_idx %arg13[%add3A_2645, %add3A_2864] : memref<128x128xf32, #tpu.memory_space<vmem>>[vector<16xi32>, vector<16xi32>], vector<16xf32>,
    %gt3A_2866 = arith.cmpf ogt, %gather3A_2865, %select_n3A_2861 : vector<16xf32>
    %jit3A_2867 = arith.constant 4 : i32
    %broadcast_in_dim3A_2868 = vector.broadcast %jit3A_2867 : i32 to vector<16xi32>
    %select_n3A_2869 = arith.select %gt3A_2866, %broadcast_in_dim3A_2868, %select_n3A_2860 : vector<16xi1>, vector<16xi32>
    %select_n3A_2870 = arith.select %gt3A_2866, %gather3A_2865, %select_n3A_2861 : vector<16xi1>, vector<16xf32>
    %add3A_2871 = arith.constant 5 : i32
    %add3A_2872 = vector.broadcast %add3A_2871 : i32 to vector<16xi32>
    %add3A_2873 = arith.addi %mul3A_2831, %add3A_2872 : vector<16xi32>
    %gather3A_2874 = tpu.vector_load_idx %arg13[%add3A_2645, %add3A_2873] : memref<128x128xf32, #tpu.memory_space<vmem>>[vector<16xi32>, vector<16xi32>], vector<16xf32>,
    %gt3A_2875 = arith.cmpf ogt, %gather3A_2874, %select_n3A_2870 : vector<16xf32>
    %jit3A_2876 = arith.constant 5 : i32
    %broadcast_in_dim3A_2877 = vector.broadcast %jit3A_2876 : i32 to vector<16xi32>
    %select_n3A_2878 = arith.select %gt3A_2875, %broadcast_in_dim3A_2877, %select_n3A_2869 : vector<16xi1>, vector<16xi32>
    %select_n3A_2879 = arith.select %gt3A_2875, %gather3A_2874, %select_n3A_2870 : vector<16xi1>, vector<16xf32>
    %add3A_2880 = arith.constant 6 : i32
    %add3A_2881 = vector.broadcast %add3A_2880 : i32 to vector<16xi32>
    %add3A_2882 = arith.addi %mul3A_2831, %add3A_2881 : vector<16xi32>
    %gather3A_2883 = tpu.vector_load_idx %arg13[%add3A_2645, %add3A_2882] : memref<128x128xf32, #tpu.memory_space<vmem>>[vector<16xi32>, vector<16xi32>], vector<16xf32>,
    %gt3A_2884 = arith.cmpf ogt, %gather3A_2883, %select_n3A_2879 : vector<16xf32>
    %jit3A_2885 = arith.constant 6 : i32
    %broadcast_in_dim3A_2886 = vector.broadcast %jit3A_2885 : i32 to vector<16xi32>
    %select_n3A_2887 = arith.select %gt3A_2884, %broadcast_in_dim3A_2886, %select_n3A_2878 : vector<16xi1>, vector<16xi32>
    %select_n3A_2888 = arith.select %gt3A_2884, %gather3A_2883, %select_n3A_2879 : vector<16xi1>, vector<16xf32>
    %add3A_2889 = arith.constant 7 : i32
    %add3A_2890 = vector.broadcast %add3A_2889 : i32 to vector<16xi32>
    %add3A_2891 = arith.addi %mul3A_2831, %add3A_2890 : vector<16xi32>
    %gather3A_2892 = tpu.vector_load_idx %arg13[%add3A_2645, %add3A_2891] : memref<128x128xf32, #tpu.memory_space<vmem>>[vector<16xi32>, vector<16xi32>], vector<16xf32>,
    %gt3A_2893 = arith.cmpf ogt, %gather3A_2892, %select_n3A_2888 : vector<16xf32>
    %jit3A_2894 = arith.constant 7 : i32
    %broadcast_in_dim3A_2895 = vector.broadcast %jit3A_2894 : i32 to vector<16xi32>
    %select_n3A_2896 = arith.select %gt3A_2893, %broadcast_in_dim3A_2895, %select_n3A_2887 : vector<16xi1>, vector<16xi32>
    %select_n3A_2897 = arith.select %gt3A_2893, %gather3A_2892, %select_n3A_2888 : vector<16xi1>, vector<16xf32>
    %add3A_2898 = arith.constant 8 : i32
    %add3A_2899 = vector.broadcast %add3A_2898 : i32 to vector<16xi32>
    %add3A_2900 = arith.addi %mul3A_2831, %add3A_2899 : vector<16xi32>
    %gather3A_2901 = tpu.vector_load_idx %arg13[%add3A_2645, %add3A_2900] : memref<128x128xf32, #tpu.memory_space<vmem>>[vector<16xi32>, vector<16xi32>], vector<16xf32>,
    %gt3A_2902 = arith.cmpf ogt, %gather3A_2901, %select_n3A_2897 : vector<16xf32>
    %jit3A_2903 = arith.constant 8 : i32
    %broadcast_in_dim3A_2904 = vector.broadcast %jit3A_2903 : i32 to vector<16xi32>
    %select_n3A_2905 = arith.select %gt3A_2902, %broadcast_in_dim3A_2904, %select_n3A_2896 : vector<16xi1>, vector<16xi32>
    %select_n3A_2906 = arith.select %gt3A_2902, %gather3A_2901, %select_n3A_2897 : vector<16xi1>, vector<16xf32>
    %add3A_2907 = arith.constant 9 : i32
    %add3A_2908 = vector.broadcast %add3A_2907 : i32 to vector<16xi32>
    %add3A_2909 = arith.addi %mul3A_2831, %add3A_2908 : vector<16xi32>
    %gather3A_2910 = tpu.vector_load_idx %arg13[%add3A_2645, %add3A_2909] : memref<128x128xf32, #tpu.memory_space<vmem>>[vector<16xi32>, vector<16xi32>], vector<16xf32>,
    %gt3A_2911 = arith.cmpf ogt, %gather3A_2910, %select_n3A_2906 : vector<16xf32>
    %jit3A_2912 = arith.constant 9 : i32
    %broadcast_in_dim3A_2913 = vector.broadcast %jit3A_2912 : i32 to vector<16xi32>
    %select_n3A_2914 = arith.select %gt3A_2911, %broadcast_in_dim3A_2913, %select_n3A_2905 : vector<16xi1>, vector<16xi32>
    %select_n3A_2915 = arith.select %gt3A_2911, %gather3A_2910, %select_n3A_2906 : vector<16xi1>, vector<16xf32>
    %add3A_2916 = arith.constant 10 : i32
    %add3A_2917 = vector.broadcast %add3A_2916 : i32 to vector<16xi32>
    %add3A_2918 = arith.addi %mul3A_2831, %add3A_2917 : vector<16xi32>
    %gather3A_2919 = tpu.vector_load_idx %arg13[%add3A_2645, %add3A_2918] : memref<128x128xf32, #tpu.memory_space<vmem>>[vector<16xi32>, vector<16xi32>], vector<16xf32>,
    %gt3A_2920 = arith.cmpf ogt, %gather3A_2919, %select_n3A_2915 : vector<16xf32>
    %jit3A_2921 = arith.constant 10 : i32
    %broadcast_in_dim3A_2922 = vector.broadcast %jit3A_2921 : i32 to vector<16xi32>
    %select_n3A_2923 = arith.select %gt3A_2920, %broadcast_in_dim3A_2922, %select_n3A_2914 : vector<16xi1>, vector<16xi32>
    %select_n3A_2924 = arith.select %gt3A_2920, %gather3A_2919, %select_n3A_2915 : vector<16xi1>, vector<16xf32>
    %add3A_2925 = arith.constant 11 : i32
    %add3A_2926 = vector.broadcast %add3A_2925 : i32 to vector<16xi32>
    %add3A_2927 = arith.addi %mul3A_2831, %add3A_2926 : vector<16xi32>
    %gather3A_2928 = tpu.vector_load_idx %arg13[%add3A_2645, %add3A_2927] : memref<128x128xf32, #tpu.memory_space<vmem>>[vector<16xi32>, vector<16xi32>], vector<16xf32>,
    %gt3A_2929 = arith.cmpf ogt, %gather3A_2928, %select_n3A_2924 : vector<16xf32>
    %jit3A_2930 = arith.constant 11 : i32
    %broadcast_in_dim3A_2931 = vector.broadcast %jit3A_2930 : i32 to vector<16xi32>
    %select_n3A_2932 = arith.select %gt3A_2929, %broadcast_in_dim3A_2931, %select_n3A_2923 : vector<16xi1>, vector<16xi32>
    %select_n3A_2933 = arith.select %gt3A_2929, %gather3A_2928, %select_n3A_2924 : vector<16xi1>, vector<16xf32>
    %add3A_2934 = arith.constant 12 : i32
    %add3A_2935 = vector.broadcast %add3A_2934 : i32 to vector<16xi32>
    %add3A_2936 = arith.addi %mul3A_2831, %add3A_2935 : vector<16xi32>
    %gather3A_2937 = tpu.vector_load_idx %arg13[%add3A_2645, %add3A_2936] : memref<128x128xf32, #tpu.memory_space<vmem>>[vector<16xi32>, vector<16xi32>], vector<16xf32>,
    %gt3A_2938 = arith.cmpf ogt, %gather3A_2937, %select_n3A_2933 : vector<16xf32>
    %jit3A_2939 = arith.constant 12 : i32
    %broadcast_in_dim3A_2940 = vector.broadcast %jit3A_2939 : i32 to vector<16xi32>
    %select_n3A_2941 = arith.select %gt3A_2938, %broadcast_in_dim3A_2940, %select_n3A_2932 : vector<16xi1>, vector<16xi32>
    %select_n3A_2942 = arith.select %gt3A_2938, %gather3A_2937, %select_n3A_2933 : vector<16xi1>, vector<16xf32>
    %add3A_2943 = arith.constant 13 : i32
    %add3A_2944 = vector.broadcast %add3A_2943 : i32 to vector<16xi32>
    %add3A_2945 = arith.addi %mul3A_2831, %add3A_2944 : vector<16xi32>
    %gather3A_2946 = tpu.vector_load_idx %arg13[%add3A_2645, %add3A_2945] : memref<128x128xf32, #tpu.memory_space<vmem>>[vector<16xi32>, vector<16xi32>], vector<16xf32>,
    %gt3A_2947 = arith.cmpf ogt, %gather3A_2946, %select_n3A_2942 : vector<16xf32>
    %jit3A_2948 = arith.constant 13 : i32
    %broadcast_in_dim3A_2949 = vector.broadcast %jit3A_2948 : i32 to vector<16xi32>
    %select_n3A_2950 = arith.select %gt3A_2947, %broadcast_in_dim3A_2949, %select_n3A_2941 : vector<16xi1>, vector<16xi32>
    %select_n3A_2951 = arith.select %gt3A_2947, %gather3A_2946, %select_n3A_2942 : vector<16xi1>, vector<16xf32>
    %add3A_2952 = arith.constant 14 : i32
    %add3A_2953 = vector.broadcast %add3A_2952 : i32 to vector<16xi32>
    %add3A_2954 = arith.addi %mul3A_2831, %add3A_2953 : vector<16xi32>
    %gather3A_2955 = tpu.vector_load_idx %arg13[%add3A_2645, %add3A_2954] : memref<128x128xf32, #tpu.memory_space<vmem>>[vector<16xi32>, vector<16xi32>], vector<16xf32>,
    %gt3A_2956 = arith.cmpf ogt, %gather3A_2955, %select_n3A_2951 : vector<16xf32>
    %jit3A_2957 = arith.constant 14 : i32
    %broadcast_in_dim3A_2958 = vector.broadcast %jit3A_2957 : i32 to vector<16xi32>
    %select_n3A_2959 = arith.select %gt3A_2956, %broadcast_in_dim3A_2958, %select_n3A_2950 : vector<16xi1>, vector<16xi32>
    %select_n3A_2960 = arith.select %gt3A_2956, %gather3A_2955, %select_n3A_2951 : vector<16xi1>, vector<16xf32>
    %add3A_2961 = arith.constant 15 : i32
    %add3A_2962 = vector.broadcast %add3A_2961 : i32 to vector<16xi32>
    %add3A_2963 = arith.addi %mul3A_2831, %add3A_2962 : vector<16xi32>
    %gather3A_2964 = tpu.vector_load_idx %arg13[%add3A_2645, %add3A_2963] : memref<128x128xf32, #tpu.memory_space<vmem>>[vector<16xi32>, vector<16xi32>], vector<16xf32>,
    %gt3A_2965 = arith.cmpf ogt, %gather3A_2964, %select_n3A_2960 : vector<16xf32>
    %jit3A_2966 = arith.constant 15 : i32
    %broadcast_in_dim3A_2967 = vector.broadcast %jit3A_2966 : i32 to vector<16xi32>
    %select_n3A_2968 = arith.select %gt3A_2965, %broadcast_in_dim3A_2967, %select_n3A_2959 : vector<16xi1>, vector<16xi32>
    %select_n3A_2969 = arith.select %gt3A_2965, %gather3A_2964, %select_n3A_2960 : vector<16xi1>, vector<16xf32>
    %broadcast_in_dim3A_2970 = arith.constant 0.000000e+00 : f32
    %broadcast_in_dim3A_2971 = vector.broadcast %broadcast_in_dim3A_2970 : f32 to vector<16xf32>
    %sub3A_2972 = arith.subf %gather3A_2832, %select_n3A_2969 : vector<16xf32>
    %exp3A_2973 = math.exp %sub3A_2972 : vector<16xf32>
    %add3A_2974 = arith.addf %broadcast_in_dim3A_2971, %exp3A_2973 : vector<16xf32>
    %sub3A_2975 = arith.subf %gather3A_2838, %select_n3A_2969 : vector<16xf32>
    %exp3A_2976 = math.exp %sub3A_2975 : vector<16xf32>
    %add3A_2977 = arith.addf %add3A_2974, %exp3A_2976 : vector<16xf32>
    %sub3A_2978 = arith.subf %gather3A_2847, %select_n3A_2969 : vector<16xf32>
    %exp3A_2979 = math.exp %sub3A_2978 : vector<16xf32>
    %add3A_2980 = arith.addf %add3A_2977, %exp3A_2979 : vector<16xf32>
    %sub3A_2981 = arith.subf %gather3A_2856, %select_n3A_2969 : vector<16xf32>
    %exp3A_2982 = math.exp %sub3A_2981 : vector<16xf32>
    %add3A_2983 = arith.addf %add3A_2980, %exp3A_2982 : vector<16xf32>
    %sub3A_2984 = arith.subf %gather3A_2865, %select_n3A_2969 : vector<16xf32>
    %exp3A_2985 = math.exp %sub3A_2984 : vector<16xf32>
    %add3A_2986 = arith.addf %add3A_2983, %exp3A_2985 : vector<16xf32>
    %sub3A_2987 = arith.subf %gather3A_2874, %select_n3A_2969 : vector<16xf32>
    %exp3A_2988 = math.exp %sub3A_2987 : vector<16xf32>
    %add3A_2989 = arith.addf %add3A_2986, %exp3A_2988 : vector<16xf32>
    %sub3A_2990 = arith.subf %gather3A_2883, %select_n3A_2969 : vector<16xf32>
    %exp3A_2991 = math.exp %sub3A_2990 : vector<16xf32>
    %add3A_2992 = arith.addf %add3A_2989, %exp3A_2991 : vector<16xf32>
    %sub3A_2993 = arith.subf %gather3A_2892, %select_n3A_2969 : vector<16xf32>
    %exp3A_2994 = math.exp %sub3A_2993 : vector<16xf32>
    %add3A_2995 = arith.addf %add3A_2992, %exp3A_2994 : vector<16xf32>
    %sub3A_2996 = arith.subf %gather3A_2901, %select_n3A_2969 : vector<16xf32>
    %exp3A_2997 = math.exp %sub3A_2996 : vector<16xf32>
    %add3A_2998 = arith.addf %add3A_2995, %exp3A_2997 : vector<16xf32>
    %sub3A_2999 = arith.subf %gather3A_2910, %select_n3A_2969 : vector<16xf32>
    %exp3A_3000 = math.exp %sub3A_2999 : vector<16xf32>
    %add3A_3001 = arith.addf %add3A_2998, %exp3A_3000 : vector<16xf32>
    %sub3A_3002 = arith.subf %gather3A_2919, %select_n3A_2969 : vector<16xf32>
    %exp3A_3003 = math.exp %sub3A_3002 : vector<16xf32>
    %add3A_3004 = arith.addf %add3A_3001, %exp3A_3003 : vector<16xf32>
    %sub3A_3005 = arith.subf %gather3A_2928, %select_n3A_2969 : vector<16xf32>
    %exp3A_3006 = math.exp %sub3A_3005 : vector<16xf32>
    %add3A_3007 = arith.addf %add3A_3004, %exp3A_3006 : vector<16xf32>
    %sub3A_3008 = arith.subf %gather3A_2937, %select_n3A_2969 : vector<16xf32>
    %exp3A_3009 = math.exp %sub3A_3008 : vector<16xf32>
    %add3A_3010 = arith.addf %add3A_3007, %exp3A_3009 : vector<16xf32>
    %sub3A_3011 = arith.subf %gather3A_2946, %select_n3A_2969 : vector<16xf32>
    %exp3A_3012 = math.exp %sub3A_3011 : vector<16xf32>
    %add3A_3013 = arith.addf %add3A_3010, %exp3A_3012 : vector<16xf32>
    %sub3A_3014 = arith.subf %gather3A_2955, %select_n3A_2969 : vector<16xf32>
    %exp3A_3015 = math.exp %sub3A_3014 : vector<16xf32>
    %add3A_3016 = arith.addf %add3A_3013, %exp3A_3015 : vector<16xf32>
    %sub3A_3017 = arith.subf %gather3A_2964, %select_n3A_2969 : vector<16xf32>
    %exp3A_3018 = math.exp %sub3A_3017 : vector<16xf32>
    %add3A_3019 = arith.addf %add3A_3016, %exp3A_3018 : vector<16xf32>
    %bitcast_convert_type3A_3020 = tpu.bitcast %add3A_3019 : vector<16xf32> -> vector<16xi32>
    %shift_right_arithmetic3A_3021 = arith.constant 23 : i32
    %shift_right_arithmetic3A_3022 = vector.broadcast %shift_right_arithmetic3A_3021 : i32 to vector<16xi32>
    %shift_right_arithmetic3A_3023 = arith.shrsi %bitcast_convert_type3A_3020, %shift_right_arithmetic3A_3022 : vector<16xi32>
    %sub3A_3024 = arith.constant 127 : i32
    %sub3A_3025 = vector.broadcast %sub3A_3024 : i32 to vector<16xi32>
    %sub3A_3026 = arith.subi %shift_right_arithmetic3A_3023, %sub3A_3025 : vector<16xi32>
    %and3A_3027 = arith.constant 8388607 : i32
    %and3A_3028 = vector.broadcast %and3A_3027 : i32 to vector<16xi32>
    %and3A_3029 = arith.andi %bitcast_convert_type3A_3020, %and3A_3028 : vector<16xi32>
    %or3A_3030 = arith.constant 1065353216 : i32
    %or3A_3031 = vector.broadcast %or3A_3030 : i32 to vector<16xi32>
    %or3A_3032 = arith.ori %and3A_3029, %or3A_3031 : vector<16xi32>
    %bitcast_convert_type3A_3033 = tpu.bitcast %or3A_3032 : vector<16xi32> -> vector<16xf32>
    %sub3A_3034 = arith.constant 1.000000e+00 : f32
    %sub3A_3035 = vector.broadcast %sub3A_3034 : f32 to vector<16xf32>
    %sub3A_3036 = arith.subf %bitcast_convert_type3A_3033, %sub3A_3035 : vector<16xf32>
    %add3A_3037 = arith.constant 1.000000e+00 : f32
    %add3A_3038 = vector.broadcast %add3A_3037 : f32 to vector<16xf32>
    %add3A_3039 = arith.addf %bitcast_convert_type3A_3033, %add3A_3038 : vector<16xf32>
    %div3A_3040 = arith.divf %sub3A_3036, %add3A_3039 : vector<16xf32>
    %mul3A_3041 = arith.mulf %div3A_3040, %div3A_3040 : vector<16xf32>
    %mul3A_3042 = arith.constant 2.000000e+00 : f32
    %mul3A_3043 = vector.broadcast %mul3A_3042 : f32 to vector<16xf32>
    %mul3A_3044 = arith.mulf %mul3A_3043, %div3A_3040 : vector<16xf32>
    %mul3A_3045 = arith.constant 0.142857149 : f32
    %mul3A_3046 = vector.broadcast %mul3A_3045 : f32 to vector<16xf32>
    %mul3A_3047 = arith.mulf %mul3A_3041, %mul3A_3046 : vector<16xf32>
    %add3A_3048 = arith.constant 2.000000e-01 : f32
    %add3A_3049 = vector.broadcast %add3A_3048 : f32 to vector<16xf32>
    %add3A_3050 = arith.addf %add3A_3049, %mul3A_3047 : vector<16xf32>
    %mul3A_3051 = arith.mulf %mul3A_3041, %add3A_3050 : vector<16xf32>
    %add3A_3052 = arith.constant 0.333333343 : f32
    %add3A_3053 = vector.broadcast %add3A_3052 : f32 to vector<16xf32>
    %add3A_3054 = arith.addf %add3A_3053, %mul3A_3051 : vector<16xf32>
    %mul3A_3055 = arith.mulf %mul3A_3041, %add3A_3054 : vector<16xf32>
    %add3A_3056 = arith.constant 1.000000e+00 : f32
    %add3A_3057 = vector.broadcast %add3A_3056 : f32 to vector<16xf32>
    %add3A_3058 = arith.addf %add3A_3057, %mul3A_3055 : vector<16xf32>
    %mul3A_3059 = arith.mulf %mul3A_3044, %add3A_3058 : vector<16xf32>
    %convert_element_type3A_3060 = arith.sitofp %sub3A_3026 : vector<16xi32> to vector<16xf32>
    %mul3A_3061 = arith.constant 0.693147182 : f32
    %mul3A_3062 = vector.broadcast %mul3A_3061 : f32 to vector<16xf32>
    %mul3A_3063 = arith.mulf %convert_element_type3A_3060, %mul3A_3062 : vector<16xf32>
    %add3A_3064 = arith.addf %mul3A_3063, %mul3A_3059 : vector<16xf32>
    %neg3A_3065 = arith.constant 0.000000e+00 : f32
    %neg3A_3066 = vector.broadcast %neg3A_3065 : f32 to vector<16xf32>
    %neg3A_3067 = arith.subf %neg3A_3066, %add3A_3064 : vector<16xf32>
    %swap3A_3068 = arith.constant 96 : index
    %swap3A_3069 = tpu.vector_load %arg17[%swap3A_3068] {strides = array<i32>} : memref<128xi32, #tpu.memory_space<vmem>>, vector<16xi32>,
    tpu.vector_store %arg17[%swap3A_3068], %select_n3A_2968 {strides = array<i32>} : memref<128xi32, #tpu.memory_space<vmem>>, vector<16xi32>,
    %swap3A_3070 = arith.constant 96 : index
    %swap3A_3071 = tpu.vector_load %arg18[%swap3A_3070] {strides = array<i32>} : memref<128xf32, #tpu.memory_space<vmem>>, vector<16xf32>,
    tpu.vector_store %arg18[%swap3A_3070], %gather3A_2828 {strides = array<i32>} : memref<128xf32, #tpu.memory_space<vmem>>, vector<16xf32>,
    %swap3A_3072 = arith.constant 96 : index
    %swap3A_3073 = tpu.vector_load %arg19[%swap3A_3072] {strides = array<i32>} : memref<128xf32, #tpu.memory_space<vmem>>, vector<16xf32>,
    tpu.vector_store %arg19[%swap3A_3072], %neg3A_3067 {strides = array<i32>} : memref<128xf32, #tpu.memory_space<vmem>>, vector<16xf32>,
    %swap3A_3074 = arith.constant 96 : index
    %swap3A_3075 = tpu.vector_load %arg20[%swap3A_3074] {strides = array<i32>} : memref<128xi32, #tpu.memory_space<vmem>>, vector<16xi32>,
    tpu.vector_store %arg20[%swap3A_3074], %select_n3A_2818 {strides = array<i32>} : memref<128xi32, #tpu.memory_space<vmem>>, vector<16xi32>,
    %swap3A_3076 = arith.constant 96 : index
    %swap3A_3077 = tpu.vector_load %arg21[%swap3A_3076] {strides = array<i32>} : memref<128xf32, #tpu.memory_space<vmem>>, vector<16xf32>,
    tpu.vector_store %arg21[%swap3A_3076], %get3A_2792 {strides = array<i32>} : memref<128xf32, #tpu.memory_space<vmem>>, vector<16xf32>,
    %swap3A_3078 = arith.constant 96 : index
    %swap3A_3079 = tpu.vector_load %arg22[%swap3A_3078] {strides = array<i32>} : memref<128xf32, #tpu.memory_space<vmem>>, vector<16xf32>,
    tpu.vector_store %arg22[%swap3A_3078], %neg3A_2788 {strides = array<i32>} : memref<128xf32, #tpu.memory_space<vmem>>, vector<16xf32>,
    %swap3A_3080 = arith.constant 96 : index
    %swap3A_3081 = tpu.vector_load %arg23[%swap3A_3080] {strides = array<i32>} : memref<128xf32, #tpu.memory_space<vmem>>, vector<16xf32>,
    tpu.vector_store %arg23[%swap3A_3080], %select_n3A_2824 {strides = array<i32>} : memref<128xf32, #tpu.memory_space<vmem>>, vector<16xf32>,
    %add3A_3082 = arith.constant 112 : i32
    %add3A_3083 = vector.broadcast %add3A_3082 : i32 to vector<16xi32>
    %add3A_3084 = arith.addi %iota3A, %add3A_3083 : vector<16xi32>
    %get3A_3085 = arith.constant 0 : i32
    %get3A_3086 = arith.index_cast %get3A_3085 : i32 to index
    %get3A_3087 = arith.constant 112 : index
    %get3A_3088 = tpu.vector_load %arg14[%get3A_3086, %get3A_3087] {strides = array<i32>} : memref<32x128xf32, #tpu.memory_space<vmem>>, vector<16xf32>,
    %broadcast_in_dim3A_3089 = arith.constant 0 : i32
    %broadcast_in_dim3A_3090 = vector.broadcast %broadcast_in_dim3A_3089 : i32 to vector<16xi32>
    %get3A_3091 = arith.constant 1 : i32
    %get3A_3092 = arith.index_cast %get3A_3091 : i32 to index
    %get3A_3093 = arith.constant 112 : index
    %get3A_3094 = tpu.vector_load %arg14[%get3A_3092, %get3A_3093] {strides = array<i32>} : memref<32x128xf32, #tpu.memory_space<vmem>>, vector<16xf32>,
    %gt3A_3095 = arith.cmpf ogt, %get3A_3094, %get3A_3088 : vector<16xf32>
    %jit3A_3096 = arith.constant 1 : i32
    %broadcast_in_dim3A_3097 = vector.broadcast %jit3A_3096 : i32 to vector<16xi32>
    %select_n3A_3098 = arith.select %gt3A_3095, %broadcast_in_dim3A_3097, %broadcast_in_dim3A_3090 : vector<16xi1>, vector<16xi32>
    %select_n3A_3099 = arith.select %gt3A_3095, %get3A_3094, %get3A_3088 : vector<16xi1>, vector<16xf32>
    %get3A_3100 = arith.constant 2 : i32
    %get3A_3101 = arith.index_cast %get3A_3100 : i32 to index
    %get3A_3102 = arith.constant 112 : index
    %get3A_3103 = tpu.vector_load %arg14[%get3A_3101, %get3A_3102] {strides = array<i32>} : memref<32x128xf32, #tpu.memory_space<vmem>>, vector<16xf32>,
    %gt3A_3104 = arith.cmpf ogt, %get3A_3103, %select_n3A_3099 : vector<16xf32>
    %jit3A_3105 = arith.constant 2 : i32
    %broadcast_in_dim3A_3106 = vector.broadcast %jit3A_3105 : i32 to vector<16xi32>
    %select_n3A_3107 = arith.select %gt3A_3104, %broadcast_in_dim3A_3106, %select_n3A_3098 : vector<16xi1>, vector<16xi32>
    %select_n3A_3108 = arith.select %gt3A_3104, %get3A_3103, %select_n3A_3099 : vector<16xi1>, vector<16xf32>
    %get3A_3109 = arith.constant 3 : i32
    %get3A_3110 = arith.index_cast %get3A_3109 : i32 to index
    %get3A_3111 = arith.constant 112 : index
    %get3A_3112 = tpu.vector_load %arg14[%get3A_3110, %get3A_3111] {strides = array<i32>} : memref<32x128xf32, #tpu.memory_space<vmem>>, vector<16xf32>,
    %gt3A_3113 = arith.cmpf ogt, %get3A_3112, %select_n3A_3108 : vector<16xf32>
    %jit3A_3114 = arith.constant 3 : i32
    %broadcast_in_dim3A_3115 = vector.broadcast %jit3A_3114 : i32 to vector<16xi32>
    %select_n3A_3116 = arith.select %gt3A_3113, %broadcast_in_dim3A_3115, %select_n3A_3107 : vector<16xi1>, vector<16xi32>
    %select_n3A_3117 = arith.select %gt3A_3113, %get3A_3112, %select_n3A_3108 : vector<16xi1>, vector<16xf32>
    %get3A_3118 = arith.constant 4 : i32
    %get3A_3119 = arith.index_cast %get3A_3118 : i32 to index
    %get3A_3120 = arith.constant 112 : index
    %get3A_3121 = tpu.vector_load %arg14[%get3A_3119, %get3A_3120] {strides = array<i32>} : memref<32x128xf32, #tpu.memory_space<vmem>>, vector<16xf32>,
    %gt3A_3122 = arith.cmpf ogt, %get3A_3121, %select_n3A_3117 : vector<16xf32>
    %jit3A_3123 = arith.constant 4 : i32
    %broadcast_in_dim3A_3124 = vector.broadcast %jit3A_3123 : i32 to vector<16xi32>
    %select_n3A_3125 = arith.select %gt3A_3122, %broadcast_in_dim3A_3124, %select_n3A_3116 : vector<16xi1>, vector<16xi32>
    %select_n3A_3126 = arith.select %gt3A_3122, %get3A_3121, %select_n3A_3117 : vector<16xi1>, vector<16xf32>
    %get3A_3127 = arith.constant 5 : i32
    %get3A_3128 = arith.index_cast %get3A_3127 : i32 to index
    %get3A_3129 = arith.constant 112 : index
    %get3A_3130 = tpu.vector_load %arg14[%get3A_3128, %get3A_3129] {strides = array<i32>} : memref<32x128xf32, #tpu.memory_space<vmem>>, vector<16xf32>,
    %gt3A_3131 = arith.cmpf ogt, %get3A_3130, %select_n3A_3126 : vector<16xf32>
    %jit3A_3132 = arith.constant 5 : i32
    %broadcast_in_dim3A_3133 = vector.broadcast %jit3A_3132 : i32 to vector<16xi32>
    %select_n3A_3134 = arith.select %gt3A_3131, %broadcast_in_dim3A_3133, %select_n3A_3125 : vector<16xi1>, vector<16xi32>
    %select_n3A_3135 = arith.select %gt3A_3131, %get3A_3130, %select_n3A_3126 : vector<16xi1>, vector<16xf32>
    %get3A_3136 = arith.constant 6 : i32
    %get3A_3137 = arith.index_cast %get3A_3136 : i32 to index
    %get3A_3138 = arith.constant 112 : index
    %get3A_3139 = tpu.vector_load %arg14[%get3A_3137, %get3A_3138] {strides = array<i32>} : memref<32x128xf32, #tpu.memory_space<vmem>>, vector<16xf32>,
    %gt3A_3140 = arith.cmpf ogt, %get3A_3139, %select_n3A_3135 : vector<16xf32>
    %jit3A_3141 = arith.constant 6 : i32
    %broadcast_in_dim3A_3142 = vector.broadcast %jit3A_3141 : i32 to vector<16xi32>
    %select_n3A_3143 = arith.select %gt3A_3140, %broadcast_in_dim3A_3142, %select_n3A_3134 : vector<16xi1>, vector<16xi32>
    %select_n3A_3144 = arith.select %gt3A_3140, %get3A_3139, %select_n3A_3135 : vector<16xi1>, vector<16xf32>
    %get3A_3145 = arith.constant 7 : i32
    %get3A_3146 = arith.index_cast %get3A_3145 : i32 to index
    %get3A_3147 = arith.constant 112 : index
    %get3A_3148 = tpu.vector_load %arg14[%get3A_3146, %get3A_3147] {strides = array<i32>} : memref<32x128xf32, #tpu.memory_space<vmem>>, vector<16xf32>,
    %gt3A_3149 = arith.cmpf ogt, %get3A_3148, %select_n3A_3144 : vector<16xf32>
    %jit3A_3150 = arith.constant 7 : i32
    %broadcast_in_dim3A_3151 = vector.broadcast %jit3A_3150 : i32 to vector<16xi32>
    %select_n3A_3152 = arith.select %gt3A_3149, %broadcast_in_dim3A_3151, %select_n3A_3143 : vector<16xi1>, vector<16xi32>
    %select_n3A_3153 = arith.select %gt3A_3149, %get3A_3148, %select_n3A_3144 : vector<16xi1>, vector<16xf32>
    %broadcast_in_dim3A_3154 = arith.constant 0.000000e+00 : f32
    %broadcast_in_dim3A_3155 = vector.broadcast %broadcast_in_dim3A_3154 : f32 to vector<16xf32>
    %sub3A_3156 = arith.subf %get3A_3088, %select_n3A_3153 : vector<16xf32>
    %exp3A_3157 = math.exp %sub3A_3156 : vector<16xf32>
    %add3A_3158 = arith.addf %broadcast_in_dim3A_3155, %exp3A_3157 : vector<16xf32>
    %sub3A_3159 = arith.subf %get3A_3094, %select_n3A_3153 : vector<16xf32>
    %exp3A_3160 = math.exp %sub3A_3159 : vector<16xf32>
    %add3A_3161 = arith.addf %add3A_3158, %exp3A_3160 : vector<16xf32>
    %sub3A_3162 = arith.subf %get3A_3103, %select_n3A_3153 : vector<16xf32>
    %exp3A_3163 = math.exp %sub3A_3162 : vector<16xf32>
    %add3A_3164 = arith.addf %add3A_3161, %exp3A_3163 : vector<16xf32>
    %sub3A_3165 = arith.subf %get3A_3112, %select_n3A_3153 : vector<16xf32>
    %exp3A_3166 = math.exp %sub3A_3165 : vector<16xf32>
    %add3A_3167 = arith.addf %add3A_3164, %exp3A_3166 : vector<16xf32>
    %sub3A_3168 = arith.subf %get3A_3121, %select_n3A_3153 : vector<16xf32>
    %exp3A_3169 = math.exp %sub3A_3168 : vector<16xf32>
    %add3A_3170 = arith.addf %add3A_3167, %exp3A_3169 : vector<16xf32>
    %sub3A_3171 = arith.subf %get3A_3130, %select_n3A_3153 : vector<16xf32>
    %exp3A_3172 = math.exp %sub3A_3171 : vector<16xf32>
    %add3A_3173 = arith.addf %add3A_3170, %exp3A_3172 : vector<16xf32>
    %sub3A_3174 = arith.subf %get3A_3139, %select_n3A_3153 : vector<16xf32>
    %exp3A_3175 = math.exp %sub3A_3174 : vector<16xf32>
    %add3A_3176 = arith.addf %add3A_3173, %exp3A_3175 : vector<16xf32>
    %sub3A_3177 = arith.subf %get3A_3148, %select_n3A_3153 : vector<16xf32>
    %exp3A_3178 = math.exp %sub3A_3177 : vector<16xf32>
    %add3A_3179 = arith.addf %add3A_3176, %exp3A_3178 : vector<16xf32>
    %bitcast_convert_type3A_3180 = tpu.bitcast %add3A_3179 : vector<16xf32> -> vector<16xi32>
    %shift_right_arithmetic3A_3181 = arith.constant 23 : i32
    %shift_right_arithmetic3A_3182 = vector.broadcast %shift_right_arithmetic3A_3181 : i32 to vector<16xi32>
    %shift_right_arithmetic3A_3183 = arith.shrsi %bitcast_convert_type3A_3180, %shift_right_arithmetic3A_3182 : vector<16xi32>
    %sub3A_3184 = arith.constant 127 : i32
    %sub3A_3185 = vector.broadcast %sub3A_3184 : i32 to vector<16xi32>
    %sub3A_3186 = arith.subi %shift_right_arithmetic3A_3183, %sub3A_3185 : vector<16xi32>
    %and3A_3187 = arith.constant 8388607 : i32
    %and3A_3188 = vector.broadcast %and3A_3187 : i32 to vector<16xi32>
    %and3A_3189 = arith.andi %bitcast_convert_type3A_3180, %and3A_3188 : vector<16xi32>
    %or3A_3190 = arith.constant 1065353216 : i32
    %or3A_3191 = vector.broadcast %or3A_3190 : i32 to vector<16xi32>
    %or3A_3192 = arith.ori %and3A_3189, %or3A_3191 : vector<16xi32>
    %bitcast_convert_type3A_3193 = tpu.bitcast %or3A_3192 : vector<16xi32> -> vector<16xf32>
    %sub3A_3194 = arith.constant 1.000000e+00 : f32
    %sub3A_3195 = vector.broadcast %sub3A_3194 : f32 to vector<16xf32>
    %sub3A_3196 = arith.subf %bitcast_convert_type3A_3193, %sub3A_3195 : vector<16xf32>
    %add3A_3197 = arith.constant 1.000000e+00 : f32
    %add3A_3198 = vector.broadcast %add3A_3197 : f32 to vector<16xf32>
    %add3A_3199 = arith.addf %bitcast_convert_type3A_3193, %add3A_3198 : vector<16xf32>
    %div3A_3200 = arith.divf %sub3A_3196, %add3A_3199 : vector<16xf32>
    %mul3A_3201 = arith.mulf %div3A_3200, %div3A_3200 : vector<16xf32>
    %mul3A_3202 = arith.constant 2.000000e+00 : f32
    %mul3A_3203 = vector.broadcast %mul3A_3202 : f32 to vector<16xf32>
    %mul3A_3204 = arith.mulf %mul3A_3203, %div3A_3200 : vector<16xf32>
    %mul3A_3205 = arith.constant 0.142857149 : f32
    %mul3A_3206 = vector.broadcast %mul3A_3205 : f32 to vector<16xf32>
    %mul3A_3207 = arith.mulf %mul3A_3201, %mul3A_3206 : vector<16xf32>
    %add3A_3208 = arith.constant 2.000000e-01 : f32
    %add3A_3209 = vector.broadcast %add3A_3208 : f32 to vector<16xf32>
    %add3A_3210 = arith.addf %add3A_3209, %mul3A_3207 : vector<16xf32>
    %mul3A_3211 = arith.mulf %mul3A_3201, %add3A_3210 : vector<16xf32>
    %add3A_3212 = arith.constant 0.333333343 : f32
    %add3A_3213 = vector.broadcast %add3A_3212 : f32 to vector<16xf32>
    %add3A_3214 = arith.addf %add3A_3213, %mul3A_3211 : vector<16xf32>
    %mul3A_3215 = arith.mulf %mul3A_3201, %add3A_3214 : vector<16xf32>
    %add3A_3216 = arith.constant 1.000000e+00 : f32
    %add3A_3217 = vector.broadcast %add3A_3216 : f32 to vector<16xf32>
    %add3A_3218 = arith.addf %add3A_3217, %mul3A_3215 : vector<16xf32>
    %mul3A_3219 = arith.mulf %mul3A_3204, %add3A_3218 : vector<16xf32>
    %convert_element_type3A_3220 = arith.sitofp %sub3A_3186 : vector<16xi32> to vector<16xf32>
    %mul3A_3221 = arith.constant 0.693147182 : f32
    %mul3A_3222 = vector.broadcast %mul3A_3221 : f32 to vector<16xf32>
    %mul3A_3223 = arith.mulf %convert_element_type3A_3220, %mul3A_3222 : vector<16xf32>
    %add3A_3224 = arith.addf %mul3A_3223, %mul3A_3219 : vector<16xf32>
    %neg3A_3225 = arith.constant 0.000000e+00 : f32
    %neg3A_3226 = vector.broadcast %neg3A_3225 : f32 to vector<16xf32>
    %neg3A_3227 = arith.subf %neg3A_3226, %add3A_3224 : vector<16xf32>
    %get3A_3228 = arith.constant 8 : i32
    %get3A_3229 = arith.index_cast %get3A_3228 : i32 to index
    %get3A_3230 = arith.constant 112 : index
    %get3A_3231 = tpu.vector_load %arg14[%get3A_3229, %get3A_3230] {strides = array<i32>} : memref<32x128xf32, #tpu.memory_space<vmem>>, vector<16xf32>,
    %get3A_3232 = arith.constant 112 : index
    %get3A_3233 = tpu.vector_load %arg15[%get3A_3232] {strides = array<i32>} : memref<128xi32, #tpu.memory_space<vmem>>, vector<16xi32>,
    %get3A_3234 = arith.constant 112 : index
    %get3A_3235 = tpu.vector_load %arg16[%get3A_3234] {strides = array<i32>} : memref<128xi32, #tpu.memory_space<vmem>>, vector<16xi32>,
    %add3A_3236 = arith.constant 9 : i32
    %add3A_3237 = vector.broadcast %add3A_3236 : i32 to vector<16xi32>
    %add3A_3238 = arith.addi %get3A_3233, %add3A_3237 : vector<16xi32>
    %gather3A_3239 = tpu.vector_load_idx %arg14[%add3A_3238, %add3A_3084] : memref<32x128xf32, #tpu.memory_space<vmem>>[vector<16xi32>, vector<16xi32>], vector<16xf32>,
    %neg3A_3240 = arith.constant 0.000000e+00 : f32
    %neg3A_3241 = vector.broadcast %neg3A_3240 : f32 to vector<16xf32>
    %neg3A_3242 = arith.subf %neg3A_3241, %gather3A_3239 : vector<16xf32>
    %exp3A_3243 = math.exp %neg3A_3242 : vector<16xf32>
    %add3A_3244 = arith.constant 1.000000e+00 : f32
    %add3A_3245 = vector.broadcast %add3A_3244 : f32 to vector<16xf32>
    %add3A_3246 = arith.addf %add3A_3245, %exp3A_3243 : vector<16xf32>
    %div3A_3247 = arith.constant 1.000000e+00 : f32
    %div3A_3248 = vector.broadcast %div3A_3247 : f32 to vector<16xf32>
    %div3A_3249 = arith.divf %div3A_3248, %add3A_3246 : vector<16xf32>
    %gt3A_3250 = arith.constant 5.000000e-01 : f32
    %gt3A_3251 = vector.broadcast %gt3A_3250 : f32 to vector<16xf32>
    %gt3A_3252 = arith.cmpf ogt, %div3A_3249, %gt3A_3251 : vector<16xf32>
    %gt3A_3253 = arith.constant 0 : i32
    %gt3A_3254 = vector.broadcast %gt3A_3253 : i32 to vector<16xi32>
    %gt3A_3255 = arith.cmpi sgt, %get3A_3235, %gt3A_3254 : vector<16xi32>
    %or3A_3256 = arith.ori %gt3A_3252, %gt3A_3255 : vector<16xi1>
    %select_n3A_3257 = arith.select %or3A_3256, %select_n3A_3152, %get3A_3233 : vector<16xi1>, vector<16xi32>
    %gt3A_3258 = arith.constant 0 : i32
    %gt3A_3259 = vector.broadcast %gt3A_3258 : i32 to vector<16xi32>
    %gt3A_3260 = arith.cmpi sgt, %get3A_3235, %gt3A_3259 : vector<16xi32>
    %jit3A_3261 = arith.constant 0.000000e+00 : f32
    %broadcast_in_dim3A_3262 = vector.broadcast %jit3A_3261 : f32 to vector<16xf32>
    %select_n3A_3263 = arith.select %gt3A_3260, %broadcast_in_dim3A_3262, %div3A_3249 : vector<16xi1>, vector<16xf32>
    %add3A_3264 = arith.constant 17 : i32
    %add3A_3265 = vector.broadcast %add3A_3264 : i32 to vector<16xi32>
    %add3A_3266 = arith.addi %select_n3A_3257, %add3A_3265 : vector<16xi32>
    %gather3A_3267 = tpu.vector_load_idx %arg14[%add3A_3266, %add3A_3084] : memref<32x128xf32, #tpu.memory_space<vmem>>[vector<16xi32>, vector<16xi32>], vector<16xf32>,
    %mul3A_3268 = arith.constant 16 : i32
    %mul3A_3269 = vector.broadcast %mul3A_3268 : i32 to vector<16xi32>
    %mul3A_3270 = arith.muli %select_n3A_3257, %mul3A_3269 : vector<16xi32>
    %gather3A_3271 = tpu.vector_load_idx %arg13[%add3A_3084, %mul3A_3270] : memref<128x128xf32, #tpu.memory_space<vmem>>[vector<16xi32>, vector<16xi32>], vector<16xf32>,
    %broadcast_in_dim3A_3272 = arith.constant 0 : i32
    %broadcast_in_dim3A_3273 = vector.broadcast %broadcast_in_dim3A_3272 : i32 to vector<16xi32>
    %add3A_3274 = arith.constant 1 : i32
    %add3A_3275 = vector.broadcast %add3A_3274 : i32 to vector<16xi32>
    %add3A_3276 = arith.addi %mul3A_3270, %add3A_3275 : vector<16xi32>
    %gather3A_3277 = tpu.vector_load_idx %arg13[%add3A_3084, %add3A_3276] : memref<128x128xf32, #tpu.memory_space<vmem>>[vector<16xi32>, vector<16xi32>], vector<16xf32>,
    %gt3A_3278 = arith.cmpf ogt, %gather3A_3277, %gather3A_3271 : vector<16xf32>
    %jit3A_3279 = arith.constant 1 : i32
    %broadcast_in_dim3A_3280 = vector.broadcast %jit3A_3279 : i32 to vector<16xi32>
    %select_n3A_3281 = arith.select %gt3A_3278, %broadcast_in_dim3A_3280, %broadcast_in_dim3A_3273 : vector<16xi1>, vector<16xi32>
    %select_n3A_3282 = arith.select %gt3A_3278, %gather3A_3277, %gather3A_3271 : vector<16xi1>, vector<16xf32>
    %add3A_3283 = arith.constant 2 : i32
    %add3A_3284 = vector.broadcast %add3A_3283 : i32 to vector<16xi32>
    %add3A_3285 = arith.addi %mul3A_3270, %add3A_3284 : vector<16xi32>
    %gather3A_3286 = tpu.vector_load_idx %arg13[%add3A_3084, %add3A_3285] : memref<128x128xf32, #tpu.memory_space<vmem>>[vector<16xi32>, vector<16xi32>], vector<16xf32>,
    %gt3A_3287 = arith.cmpf ogt, %gather3A_3286, %select_n3A_3282 : vector<16xf32>
    %jit3A_3288 = arith.constant 2 : i32
    %broadcast_in_dim3A_3289 = vector.broadcast %jit3A_3288 : i32 to vector<16xi32>
    %select_n3A_3290 = arith.select %gt3A_3287, %broadcast_in_dim3A_3289, %select_n3A_3281 : vector<16xi1>, vector<16xi32>
    %select_n3A_3291 = arith.select %gt3A_3287, %gather3A_3286, %select_n3A_3282 : vector<16xi1>, vector<16xf32>
    %add3A_3292 = arith.constant 3 : i32
    %add3A_3293 = vector.broadcast %add3A_3292 : i32 to vector<16xi32>
    %add3A_3294 = arith.addi %mul3A_3270, %add3A_3293 : vector<16xi32>
    %gather3A_3295 = tpu.vector_load_idx %arg13[%add3A_3084, %add3A_3294] : memref<128x128xf32, #tpu.memory_space<vmem>>[vector<16xi32>, vector<16xi32>], vector<16xf32>,
    %gt3A_3296 = arith.cmpf ogt, %gather3A_3295, %select_n3A_3291 : vector<16xf32>
    %jit3A_3297 = arith.constant 3 : i32
    %broadcast_in_dim3A_3298 = vector.broadcast %jit3A_3297 : i32 to vector<16xi32>
    %select_n3A_3299 = arith.select %gt3A_3296, %broadcast_in_dim3A_3298, %select_n3A_3290 : vector<16xi1>, vector<16xi32>
    %select_n3A_3300 = arith.select %gt3A_3296, %gather3A_3295, %select_n3A_3291 : vector<16xi1>, vector<16xf32>
    %add3A_3301 = arith.constant 4 : i32
    %add3A_3302 = vector.broadcast %add3A_3301 : i32 to vector<16xi32>
    %add3A_3303 = arith.addi %mul3A_3270, %add3A_3302 : vector<16xi32>
    %gather3A_3304 = tpu.vector_load_idx %arg13[%add3A_3084, %add3A_3303] : memref<128x128xf32, #tpu.memory_space<vmem>>[vector<16xi32>, vector<16xi32>], vector<16xf32>,
    %gt3A_3305 = arith.cmpf ogt, %gather3A_3304, %select_n3A_3300 : vector<16xf32>
    %jit3A_3306 = arith.constant 4 : i32
    %broadcast_in_dim3A_3307 = vector.broadcast %jit3A_3306 : i32 to vector<16xi32>
    %select_n3A_3308 = arith.select %gt3A_3305, %broadcast_in_dim3A_3307, %select_n3A_3299 : vector<16xi1>, vector<16xi32>
    %select_n3A_3309 = arith.select %gt3A_3305, %gather3A_3304, %select_n3A_3300 : vector<16xi1>, vector<16xf32>
    %add3A_3310 = arith.constant 5 : i32
    %add3A_3311 = vector.broadcast %add3A_3310 : i32 to vector<16xi32>
    %add3A_3312 = arith.addi %mul3A_3270, %add3A_3311 : vector<16xi32>
    %gather3A_3313 = tpu.vector_load_idx %arg13[%add3A_3084, %add3A_3312] : memref<128x128xf32, #tpu.memory_space<vmem>>[vector<16xi32>, vector<16xi32>], vector<16xf32>,
    %gt3A_3314 = arith.cmpf ogt, %gather3A_3313, %select_n3A_3309 : vector<16xf32>
    %jit3A_3315 = arith.constant 5 : i32
    %broadcast_in_dim3A_3316 = vector.broadcast %jit3A_3315 : i32 to vector<16xi32>
    %select_n3A_3317 = arith.select %gt3A_3314, %broadcast_in_dim3A_3316, %select_n3A_3308 : vector<16xi1>, vector<16xi32>
    %select_n3A_3318 = arith.select %gt3A_3314, %gather3A_3313, %select_n3A_3309 : vector<16xi1>, vector<16xf32>
    %add3A_3319 = arith.constant 6 : i32
    %add3A_3320 = vector.broadcast %add3A_3319 : i32 to vector<16xi32>
    %add3A_3321 = arith.addi %mul3A_3270, %add3A_3320 : vector<16xi32>
    %gather3A_3322 = tpu.vector_load_idx %arg13[%add3A_3084, %add3A_3321] : memref<128x128xf32, #tpu.memory_space<vmem>>[vector<16xi32>, vector<16xi32>], vector<16xf32>,
    %gt3A_3323 = arith.cmpf ogt, %gather3A_3322, %select_n3A_3318 : vector<16xf32>
    %jit3A_3324 = arith.constant 6 : i32
    %broadcast_in_dim3A_3325 = vector.broadcast %jit3A_3324 : i32 to vector<16xi32>
    %select_n3A_3326 = arith.select %gt3A_3323, %broadcast_in_dim3A_3325, %select_n3A_3317 : vector<16xi1>, vector<16xi32>
    %select_n3A_3327 = arith.select %gt3A_3323, %gather3A_3322, %select_n3A_3318 : vector<16xi1>, vector<16xf32>
    %add3A_3328 = arith.constant 7 : i32
    %add3A_3329 = vector.broadcast %add3A_3328 : i32 to vector<16xi32>
    %add3A_3330 = arith.addi %mul3A_3270, %add3A_3329 : vector<16xi32>
    %gather3A_3331 = tpu.vector_load_idx %arg13[%add3A_3084, %add3A_3330] : memref<128x128xf32, #tpu.memory_space<vmem>>[vector<16xi32>, vector<16xi32>], vector<16xf32>,
    %gt3A_3332 = arith.cmpf ogt, %gather3A_3331, %select_n3A_3327 : vector<16xf32>
    %jit3A_3333 = arith.constant 7 : i32
    %broadcast_in_dim3A_3334 = vector.broadcast %jit3A_3333 : i32 to vector<16xi32>
    %select_n3A_3335 = arith.select %gt3A_3332, %broadcast_in_dim3A_3334, %select_n3A_3326 : vector<16xi1>, vector<16xi32>
    %select_n3A_3336 = arith.select %gt3A_3332, %gather3A_3331, %select_n3A_3327 : vector<16xi1>, vector<16xf32>
    %add3A_3337 = arith.constant 8 : i32
    %add3A_3338 = vector.broadcast %add3A_3337 : i32 to vector<16xi32>
    %add3A_3339 = arith.addi %mul3A_3270, %add3A_3338 : vector<16xi32>
    %gather3A_3340 = tpu.vector_load_idx %arg13[%add3A_3084, %add3A_3339] : memref<128x128xf32, #tpu.memory_space<vmem>>[vector<16xi32>, vector<16xi32>], vector<16xf32>,
    %gt3A_3341 = arith.cmpf ogt, %gather3A_3340, %select_n3A_3336 : vector<16xf32>
    %jit3A_3342 = arith.constant 8 : i32
    %broadcast_in_dim3A_3343 = vector.broadcast %jit3A_3342 : i32 to vector<16xi32>
    %select_n3A_3344 = arith.select %gt3A_3341, %broadcast_in_dim3A_3343, %select_n3A_3335 : vector<16xi1>, vector<16xi32>
    %select_n3A_3345 = arith.select %gt3A_3341, %gather3A_3340, %select_n3A_3336 : vector<16xi1>, vector<16xf32>
    %add3A_3346 = arith.constant 9 : i32
    %add3A_3347 = vector.broadcast %add3A_3346 : i32 to vector<16xi32>
    %add3A_3348 = arith.addi %mul3A_3270, %add3A_3347 : vector<16xi32>
    %gather3A_3349 = tpu.vector_load_idx %arg13[%add3A_3084, %add3A_3348] : memref<128x128xf32, #tpu.memory_space<vmem>>[vector<16xi32>, vector<16xi32>], vector<16xf32>,
    %gt3A_3350 = arith.cmpf ogt, %gather3A_3349, %select_n3A_3345 : vector<16xf32>
    %jit3A_3351 = arith.constant 9 : i32
    %broadcast_in_dim3A_3352 = vector.broadcast %jit3A_3351 : i32 to vector<16xi32>
    %select_n3A_3353 = arith.select %gt3A_3350, %broadcast_in_dim3A_3352, %select_n3A_3344 : vector<16xi1>, vector<16xi32>
    %select_n3A_3354 = arith.select %gt3A_3350, %gather3A_3349, %select_n3A_3345 : vector<16xi1>, vector<16xf32>
    %add3A_3355 = arith.constant 10 : i32
    %add3A_3356 = vector.broadcast %add3A_3355 : i32 to vector<16xi32>
    %add3A_3357 = arith.addi %mul3A_3270, %add3A_3356 : vector<16xi32>
    %gather3A_3358 = tpu.vector_load_idx %arg13[%add3A_3084, %add3A_3357] : memref<128x128xf32, #tpu.memory_space<vmem>>[vector<16xi32>, vector<16xi32>], vector<16xf32>,
    %gt3A_3359 = arith.cmpf ogt, %gather3A_3358, %select_n3A_3354 : vector<16xf32>
    %jit3A_3360 = arith.constant 10 : i32
    %broadcast_in_dim3A_3361 = vector.broadcast %jit3A_3360 : i32 to vector<16xi32>
    %select_n3A_3362 = arith.select %gt3A_3359, %broadcast_in_dim3A_3361, %select_n3A_3353 : vector<16xi1>, vector<16xi32>
    %select_n3A_3363 = arith.select %gt3A_3359, %gather3A_3358, %select_n3A_3354 : vector<16xi1>, vector<16xf32>
    %add3A_3364 = arith.constant 11 : i32
    %add3A_3365 = vector.broadcast %add3A_3364 : i32 to vector<16xi32>
    %add3A_3366 = arith.addi %mul3A_3270, %add3A_3365 : vector<16xi32>
    %gather3A_3367 = tpu.vector_load_idx %arg13[%add3A_3084, %add3A_3366] : memref<128x128xf32, #tpu.memory_space<vmem>>[vector<16xi32>, vector<16xi32>], vector<16xf32>,
    %gt3A_3368 = arith.cmpf ogt, %gather3A_3367, %select_n3A_3363 : vector<16xf32>
    %jit3A_3369 = arith.constant 11 : i32
    %broadcast_in_dim3A_3370 = vector.broadcast %jit3A_3369 : i32 to vector<16xi32>
    %select_n3A_3371 = arith.select %gt3A_3368, %broadcast_in_dim3A_3370, %select_n3A_3362 : vector<16xi1>, vector<16xi32>
    %select_n3A_3372 = arith.select %gt3A_3368, %gather3A_3367, %select_n3A_3363 : vector<16xi1>, vector<16xf32>
    %add3A_3373 = arith.constant 12 : i32
    %add3A_3374 = vector.broadcast %add3A_3373 : i32 to vector<16xi32>
    %add3A_3375 = arith.addi %mul3A_3270, %add3A_3374 : vector<16xi32>
    %gather3A_3376 = tpu.vector_load_idx %arg13[%add3A_3084, %add3A_3375] : memref<128x128xf32, #tpu.memory_space<vmem>>[vector<16xi32>, vector<16xi32>], vector<16xf32>,
    %gt3A_3377 = arith.cmpf ogt, %gather3A_3376, %select_n3A_3372 : vector<16xf32>
    %jit3A_3378 = arith.constant 12 : i32
    %broadcast_in_dim3A_3379 = vector.broadcast %jit3A_3378 : i32 to vector<16xi32>
    %select_n3A_3380 = arith.select %gt3A_3377, %broadcast_in_dim3A_3379, %select_n3A_3371 : vector<16xi1>, vector<16xi32>
    %select_n3A_3381 = arith.select %gt3A_3377, %gather3A_3376, %select_n3A_3372 : vector<16xi1>, vector<16xf32>
    %add3A_3382 = arith.constant 13 : i32
    %add3A_3383 = vector.broadcast %add3A_3382 : i32 to vector<16xi32>
    %add3A_3384 = arith.addi %mul3A_3270, %add3A_3383 : vector<16xi32>
    %gather3A_3385 = tpu.vector_load_idx %arg13[%add3A_3084, %add3A_3384] : memref<128x128xf32, #tpu.memory_space<vmem>>[vector<16xi32>, vector<16xi32>], vector<16xf32>,
    %gt3A_3386 = arith.cmpf ogt, %gather3A_3385, %select_n3A_3381 : vector<16xf32>
    %jit3A_3387 = arith.constant 13 : i32
    %broadcast_in_dim3A_3388 = vector.broadcast %jit3A_3387 : i32 to vector<16xi32>
    %select_n3A_3389 = arith.select %gt3A_3386, %broadcast_in_dim3A_3388, %select_n3A_3380 : vector<16xi1>, vector<16xi32>
    %select_n3A_3390 = arith.select %gt3A_3386, %gather3A_3385, %select_n3A_3381 : vector<16xi1>, vector<16xf32>
    %add3A_3391 = arith.constant 14 : i32
    %add3A_3392 = vector.broadcast %add3A_3391 : i32 to vector<16xi32>
    %add3A_3393 = arith.addi %mul3A_3270, %add3A_3392 : vector<16xi32>
    %gather3A_3394 = tpu.vector_load_idx %arg13[%add3A_3084, %add3A_3393] : memref<128x128xf32, #tpu.memory_space<vmem>>[vector<16xi32>, vector<16xi32>], vector<16xf32>,
    %gt3A_3395 = arith.cmpf ogt, %gather3A_3394, %select_n3A_3390 : vector<16xf32>
    %jit3A_3396 = arith.constant 14 : i32
    %broadcast_in_dim3A_3397 = vector.broadcast %jit3A_3396 : i32 to vector<16xi32>
    %select_n3A_3398 = arith.select %gt3A_3395, %broadcast_in_dim3A_3397, %select_n3A_3389 : vector<16xi1>, vector<16xi32>
    %select_n3A_3399 = arith.select %gt3A_3395, %gather3A_3394, %select_n3A_3390 : vector<16xi1>, vector<16xf32>
    %add3A_3400 = arith.constant 15 : i32
    %add3A_3401 = vector.broadcast %add3A_3400 : i32 to vector<16xi32>
    %add3A_3402 = arith.addi %mul3A_3270, %add3A_3401 : vector<16xi32>
    %gather3A_3403 = tpu.vector_load_idx %arg13[%add3A_3084, %add3A_3402] : memref<128x128xf32, #tpu.memory_space<vmem>>[vector<16xi32>, vector<16xi32>], vector<16xf32>,
    %gt3A_3404 = arith.cmpf ogt, %gather3A_3403, %select_n3A_3399 : vector<16xf32>
    %jit3A_3405 = arith.constant 15 : i32
    %broadcast_in_dim3A_3406 = vector.broadcast %jit3A_3405 : i32 to vector<16xi32>
    %select_n3A_3407 = arith.select %gt3A_3404, %broadcast_in_dim3A_3406, %select_n3A_3398 : vector<16xi1>, vector<16xi32>
    %select_n3A_3408 = arith.select %gt3A_3404, %gather3A_3403, %select_n3A_3399 : vector<16xi1>, vector<16xf32>
    %broadcast_in_dim3A_3409 = arith.constant 0.000000e+00 : f32
    %broadcast_in_dim3A_3410 = vector.broadcast %broadcast_in_dim3A_3409 : f32 to vector<16xf32>
    %sub3A_3411 = arith.subf %gather3A_3271, %select_n3A_3408 : vector<16xf32>
    %exp3A_3412 = math.exp %sub3A_3411 : vector<16xf32>
    %add3A_3413 = arith.addf %broadcast_in_dim3A_3410, %exp3A_3412 : vector<16xf32>
    %sub3A_3414 = arith.subf %gather3A_3277, %select_n3A_3408 : vector<16xf32>
    %exp3A_3415 = math.exp %sub3A_3414 : vector<16xf32>
    %add3A_3416 = arith.addf %add3A_3413, %exp3A_3415 : vector<16xf32>
    %sub3A_3417 = arith.subf %gather3A_3286, %select_n3A_3408 : vector<16xf32>
    %exp3A_3418 = math.exp %sub3A_3417 : vector<16xf32>
    %add3A_3419 = arith.addf %add3A_3416, %exp3A_3418 : vector<16xf32>
    %sub3A_3420 = arith.subf %gather3A_3295, %select_n3A_3408 : vector<16xf32>
    %exp3A_3421 = math.exp %sub3A_3420 : vector<16xf32>
    %add3A_3422 = arith.addf %add3A_3419, %exp3A_3421 : vector<16xf32>
    %sub3A_3423 = arith.subf %gather3A_3304, %select_n3A_3408 : vector<16xf32>
    %exp3A_3424 = math.exp %sub3A_3423 : vector<16xf32>
    %add3A_3425 = arith.addf %add3A_3422, %exp3A_3424 : vector<16xf32>
    %sub3A_3426 = arith.subf %gather3A_3313, %select_n3A_3408 : vector<16xf32>
    %exp3A_3427 = math.exp %sub3A_3426 : vector<16xf32>
    %add3A_3428 = arith.addf %add3A_3425, %exp3A_3427 : vector<16xf32>
    %sub3A_3429 = arith.subf %gather3A_3322, %select_n3A_3408 : vector<16xf32>
    %exp3A_3430 = math.exp %sub3A_3429 : vector<16xf32>
    %add3A_3431 = arith.addf %add3A_3428, %exp3A_3430 : vector<16xf32>
    %sub3A_3432 = arith.subf %gather3A_3331, %select_n3A_3408 : vector<16xf32>
    %exp3A_3433 = math.exp %sub3A_3432 : vector<16xf32>
    %add3A_3434 = arith.addf %add3A_3431, %exp3A_3433 : vector<16xf32>
    %sub3A_3435 = arith.subf %gather3A_3340, %select_n3A_3408 : vector<16xf32>
    %exp3A_3436 = math.exp %sub3A_3435 : vector<16xf32>
    %add3A_3437 = arith.addf %add3A_3434, %exp3A_3436 : vector<16xf32>
    %sub3A_3438 = arith.subf %gather3A_3349, %select_n3A_3408 : vector<16xf32>
    %exp3A_3439 = math.exp %sub3A_3438 : vector<16xf32>
    %add3A_3440 = arith.addf %add3A_3437, %exp3A_3439 : vector<16xf32>
    %sub3A_3441 = arith.subf %gather3A_3358, %select_n3A_3408 : vector<16xf32>
    %exp3A_3442 = math.exp %sub3A_3441 : vector<16xf32>
    %add3A_3443 = arith.addf %add3A_3440, %exp3A_3442 : vector<16xf32>
    %sub3A_3444 = arith.subf %gather3A_3367, %select_n3A_3408 : vector<16xf32>
    %exp3A_3445 = math.exp %sub3A_3444 : vector<16xf32>
    %add3A_3446 = arith.addf %add3A_3443, %exp3A_3445 : vector<16xf32>
    %sub3A_3447 = arith.subf %gather3A_3376, %select_n3A_3408 : vector<16xf32>
    %exp3A_3448 = math.exp %sub3A_3447 : vector<16xf32>
    %add3A_3449 = arith.addf %add3A_3446, %exp3A_3448 : vector<16xf32>
    %sub3A_3450 = arith.subf %gather3A_3385, %select_n3A_3408 : vector<16xf32>
    %exp3A_3451 = math.exp %sub3A_3450 : vector<16xf32>
    %add3A_3452 = arith.addf %add3A_3449, %exp3A_3451 : vector<16xf32>
    %sub3A_3453 = arith.subf %gather3A_3394, %select_n3A_3408 : vector<16xf32>
    %exp3A_3454 = math.exp %sub3A_3453 : vector<16xf32>
    %add3A_3455 = arith.addf %add3A_3452, %exp3A_3454 : vector<16xf32>
    %sub3A_3456 = arith.subf %gather3A_3403, %select_n3A_3408 : vector<16xf32>
    %exp3A_3457 = math.exp %sub3A_3456 : vector<16xf32>
    %add3A_3458 = arith.addf %add3A_3455, %exp3A_3457 : vector<16xf32>
    %bitcast_convert_type3A_3459 = tpu.bitcast %add3A_3458 : vector<16xf32> -> vector<16xi32>
    %shift_right_arithmetic3A_3460 = arith.constant 23 : i32
    %shift_right_arithmetic3A_3461 = vector.broadcast %shift_right_arithmetic3A_3460 : i32 to vector<16xi32>
    %shift_right_arithmetic3A_3462 = arith.shrsi %bitcast_convert_type3A_3459, %shift_right_arithmetic3A_3461 : vector<16xi32>
    %sub3A_3463 = arith.constant 127 : i32
    %sub3A_3464 = vector.broadcast %sub3A_3463 : i32 to vector<16xi32>
    %sub3A_3465 = arith.subi %shift_right_arithmetic3A_3462, %sub3A_3464 : vector<16xi32>
    %and3A_3466 = arith.constant 8388607 : i32
    %and3A_3467 = vector.broadcast %and3A_3466 : i32 to vector<16xi32>
    %and3A_3468 = arith.andi %bitcast_convert_type3A_3459, %and3A_3467 : vector<16xi32>
    %or3A_3469 = arith.constant 1065353216 : i32
    %or3A_3470 = vector.broadcast %or3A_3469 : i32 to vector<16xi32>
    %or3A_3471 = arith.ori %and3A_3468, %or3A_3470 : vector<16xi32>
    %bitcast_convert_type3A_3472 = tpu.bitcast %or3A_3471 : vector<16xi32> -> vector<16xf32>
    %sub3A_3473 = arith.constant 1.000000e+00 : f32
    %sub3A_3474 = vector.broadcast %sub3A_3473 : f32 to vector<16xf32>
    %sub3A_3475 = arith.subf %bitcast_convert_type3A_3472, %sub3A_3474 : vector<16xf32>
    %add3A_3476 = arith.constant 1.000000e+00 : f32
    %add3A_3477 = vector.broadcast %add3A_3476 : f32 to vector<16xf32>
    %add3A_3478 = arith.addf %bitcast_convert_type3A_3472, %add3A_3477 : vector<16xf32>
    %div3A_3479 = arith.divf %sub3A_3475, %add3A_3478 : vector<16xf32>
    %mul3A_3480 = arith.mulf %div3A_3479, %div3A_3479 : vector<16xf32>
    %mul3A_3481 = arith.constant 2.000000e+00 : f32
    %mul3A_3482 = vector.broadcast %mul3A_3481 : f32 to vector<16xf32>
    %mul3A_3483 = arith.mulf %mul3A_3482, %div3A_3479 : vector<16xf32>
    %mul3A_3484 = arith.constant 0.142857149 : f32
    %mul3A_3485 = vector.broadcast %mul3A_3484 : f32 to vector<16xf32>
    %mul3A_3486 = arith.mulf %mul3A_3480, %mul3A_3485 : vector<16xf32>
    %add3A_3487 = arith.constant 2.000000e-01 : f32
    %add3A_3488 = vector.broadcast %add3A_3487 : f32 to vector<16xf32>
    %add3A_3489 = arith.addf %add3A_3488, %mul3A_3486 : vector<16xf32>
    %mul3A_3490 = arith.mulf %mul3A_3480, %add3A_3489 : vector<16xf32>
    %add3A_3491 = arith.constant 0.333333343 : f32
    %add3A_3492 = vector.broadcast %add3A_3491 : f32 to vector<16xf32>
    %add3A_3493 = arith.addf %add3A_3492, %mul3A_3490 : vector<16xf32>
    %mul3A_3494 = arith.mulf %mul3A_3480, %add3A_3493 : vector<16xf32>
    %add3A_3495 = arith.constant 1.000000e+00 : f32
    %add3A_3496 = vector.broadcast %add3A_3495 : f32 to vector<16xf32>
    %add3A_3497 = arith.addf %add3A_3496, %mul3A_3494 : vector<16xf32>
    %mul3A_3498 = arith.mulf %mul3A_3483, %add3A_3497 : vector<16xf32>
    %convert_element_type3A_3499 = arith.sitofp %sub3A_3465 : vector<16xi32> to vector<16xf32>
    %mul3A_3500 = arith.constant 0.693147182 : f32
    %mul3A_3501 = vector.broadcast %mul3A_3500 : f32 to vector<16xf32>
    %mul3A_3502 = arith.mulf %convert_element_type3A_3499, %mul3A_3501 : vector<16xf32>
    %add3A_3503 = arith.addf %mul3A_3502, %mul3A_3498 : vector<16xf32>
    %neg3A_3504 = arith.constant 0.000000e+00 : f32
    %neg3A_3505 = vector.broadcast %neg3A_3504 : f32 to vector<16xf32>
    %neg3A_3506 = arith.subf %neg3A_3505, %add3A_3503 : vector<16xf32>
    %swap3A_3507 = arith.constant 112 : index
    %swap3A_3508 = tpu.vector_load %arg17[%swap3A_3507] {strides = array<i32>} : memref<128xi32, #tpu.memory_space<vmem>>, vector<16xi32>,
    tpu.vector_store %arg17[%swap3A_3507], %select_n3A_3407 {strides = array<i32>} : memref<128xi32, #tpu.memory_space<vmem>>, vector<16xi32>,
    %swap3A_3509 = arith.constant 112 : index
    %swap3A_3510 = tpu.vector_load %arg18[%swap3A_3509] {strides = array<i32>} : memref<128xf32, #tpu.memory_space<vmem>>, vector<16xf32>,
    tpu.vector_store %arg18[%swap3A_3509], %gather3A_3267 {strides = array<i32>} : memref<128xf32, #tpu.memory_space<vmem>>, vector<16xf32>,
    %swap3A_3511 = arith.constant 112 : index
    %swap3A_3512 = tpu.vector_load %arg19[%swap3A_3511] {strides = array<i32>} : memref<128xf32, #tpu.memory_space<vmem>>, vector<16xf32>,
    tpu.vector_store %arg19[%swap3A_3511], %neg3A_3506 {strides = array<i32>} : memref<128xf32, #tpu.memory_space<vmem>>, vector<16xf32>,
    %swap3A_3513 = arith.constant 112 : index
    %swap3A_3514 = tpu.vector_load %arg20[%swap3A_3513] {strides = array<i32>} : memref<128xi32, #tpu.memory_space<vmem>>, vector<16xi32>,
    tpu.vector_store %arg20[%swap3A_3513], %select_n3A_3257 {strides = array<i32>} : memref<128xi32, #tpu.memory_space<vmem>>, vector<16xi32>,
    %swap3A_3515 = arith.constant 112 : index
    %swap3A_3516 = tpu.vector_load %arg21[%swap3A_3515] {strides = array<i32>} : memref<128xf32, #tpu.memory_space<vmem>>, vector<16xf32>,
    tpu.vector_store %arg21[%swap3A_3515], %get3A_3231 {strides = array<i32>} : memref<128xf32, #tpu.memory_space<vmem>>, vector<16xf32>,
    %swap3A_3517 = arith.constant 112 : index
    %swap3A_3518 = tpu.vector_load %arg22[%swap3A_3517] {strides = array<i32>} : memref<128xf32, #tpu.memory_space<vmem>>, vector<16xf32>,
    tpu.vector_store %arg22[%swap3A_3517], %neg3A_3227 {strides = array<i32>} : memref<128xf32, #tpu.memory_space<vmem>>, vector<16xf32>,
    %swap3A_3519 = arith.constant 112 : index
    %swap3A_3520 = tpu.vector_load %arg23[%swap3A_3519] {strides = array<i32>} : memref<128xf32, #tpu.memory_space<vmem>>, vector<16xf32>,
    tpu.vector_store %arg23[%swap3A_3519], %select_n3A_3263 {strides = array<i32>} : memref<128xf32, #tpu.memory_space<vmem>>, vector<16xf32>,
    %dma_start3A_3521 = tpu.memref_slice %arg6[%mul3A_2] : memref<4096xi32, #tpu.memory_space<hbm>> -> memref<128xi32, #tpu.memory_space<hbm>>
    %dma_start3A_3522 = tpu.memref_slice %arg6[%mul3A_2] : memref<4096xi32, #tpu.memory_space<hbm>> -> memref<128xi32, #tpu.memory_space<hbm>>
    tpu.enqueue_dma source(%arg17 : memref<128xi32, #tpu.memory_space<vmem>>) target(%dma_start3A_3522 : memref<128xi32, #tpu.memory_space<hbm>>) target_semaphore(%arg24 : memref<!tpu.dma_semaphore, #tpu.memory_space<semaphore_mem>>)
    %dma_start3A_3523 = tpu.memref_slice %arg7[%mul3A_2] : memref<4096xf32, #tpu.memory_space<hbm>> -> memref<128xf32, #tpu.memory_space<hbm>>
    %dma_start3A_3524 = tpu.memref_slice %arg7[%mul3A_2] : memref<4096xf32, #tpu.memory_space<hbm>> -> memref<128xf32, #tpu.memory_space<hbm>>
    tpu.enqueue_dma source(%arg18 : memref<128xf32, #tpu.memory_space<vmem>>) target(%dma_start3A_3524 : memref<128xf32, #tpu.memory_space<hbm>>) target_semaphore(%arg24 : memref<!tpu.dma_semaphore, #tpu.memory_space<semaphore_mem>>)
    %dma_start3A_3525 = tpu.memref_slice %arg8[%mul3A_2] : memref<4096xf32, #tpu.memory_space<hbm>> -> memref<128xf32, #tpu.memory_space<hbm>>
    %dma_start3A_3526 = tpu.memref_slice %arg8[%mul3A_2] : memref<4096xf32, #tpu.memory_space<hbm>> -> memref<128xf32, #tpu.memory_space<hbm>>
    tpu.enqueue_dma source(%arg19 : memref<128xf32, #tpu.memory_space<vmem>>) target(%dma_start3A_3526 : memref<128xf32, #tpu.memory_space<hbm>>) target_semaphore(%arg24 : memref<!tpu.dma_semaphore, #tpu.memory_space<semaphore_mem>>)
    %dma_start3A_3527 = tpu.memref_slice %arg9[%mul3A_2] : memref<4096xi32, #tpu.memory_space<hbm>> -> memref<128xi32, #tpu.memory_space<hbm>>
    %dma_start3A_3528 = tpu.memref_slice %arg9[%mul3A_2] : memref<4096xi32, #tpu.memory_space<hbm>> -> memref<128xi32, #tpu.memory_space<hbm>>
    tpu.enqueue_dma source(%arg20 : memref<128xi32, #tpu.memory_space<vmem>>) target(%dma_start3A_3528 : memref<128xi32, #tpu.memory_space<hbm>>) target_semaphore(%arg24 : memref<!tpu.dma_semaphore, #tpu.memory_space<semaphore_mem>>)
    %dma_start3A_3529 = tpu.memref_slice %arg10[%mul3A_2] : memref<4096xf32, #tpu.memory_space<hbm>> -> memref<128xf32, #tpu.memory_space<hbm>>
    %dma_start3A_3530 = tpu.memref_slice %arg10[%mul3A_2] : memref<4096xf32, #tpu.memory_space<hbm>> -> memref<128xf32, #tpu.memory_space<hbm>>
    tpu.enqueue_dma source(%arg21 : memref<128xf32, #tpu.memory_space<vmem>>) target(%dma_start3A_3530 : memref<128xf32, #tpu.memory_space<hbm>>) target_semaphore(%arg24 : memref<!tpu.dma_semaphore, #tpu.memory_space<semaphore_mem>>)
    %dma_start3A_3531 = tpu.memref_slice %arg11[%mul3A_2] : memref<4096xf32, #tpu.memory_space<hbm>> -> memref<128xf32, #tpu.memory_space<hbm>>
    %dma_start3A_3532 = tpu.memref_slice %arg11[%mul3A_2] : memref<4096xf32, #tpu.memory_space<hbm>> -> memref<128xf32, #tpu.memory_space<hbm>>
    tpu.enqueue_dma source(%arg22 : memref<128xf32, #tpu.memory_space<vmem>>) target(%dma_start3A_3532 : memref<128xf32, #tpu.memory_space<hbm>>) target_semaphore(%arg24 : memref<!tpu.dma_semaphore, #tpu.memory_space<semaphore_mem>>)
    %dma_start3A_3533 = tpu.memref_slice %arg12[%mul3A_2] : memref<4096xf32, #tpu.memory_space<hbm>> -> memref<128xf32, #tpu.memory_space<hbm>>
    %dma_start3A_3534 = tpu.memref_slice %arg12[%mul3A_2] : memref<4096xf32, #tpu.memory_space<hbm>> -> memref<128xf32, #tpu.memory_space<hbm>>
    tpu.enqueue_dma source(%arg23 : memref<128xf32, #tpu.memory_space<vmem>>) target(%dma_start3A_3534 : memref<128xf32, #tpu.memory_space<hbm>>) target_semaphore(%arg24 : memref<!tpu.dma_semaphore, #tpu.memory_space<semaphore_mem>>)
    %dma_wait3A_3535 = tpu.memref_slice %arg6[%mul3A_2] : memref<4096xi32, #tpu.memory_space<hbm>> -> memref<128xi32, #tpu.memory_space<hbm>>
    %dma_wait3A_3536 = tpu.memref_slice %arg6[%mul3A_2] : memref<4096xi32, #tpu.memory_space<hbm>> -> memref<128xi32, #tpu.memory_space<hbm>>
    tpu.wait_dma2 semaphore(%arg24 : memref<!tpu.dma_semaphore, #tpu.memory_space<semaphore_mem>>) src(%arg17 : memref<128xi32, #tpu.memory_space<vmem>>) dst(%dma_wait3A_3536 : memref<128xi32, #tpu.memory_space<hbm>>)
    %dma_wait3A_3537 = tpu.memref_slice %arg7[%mul3A_2] : memref<4096xf32, #tpu.memory_space<hbm>> -> memref<128xf32, #tpu.memory_space<hbm>>
    %dma_wait3A_3538 = tpu.memref_slice %arg7[%mul3A_2] : memref<4096xf32, #tpu.memory_space<hbm>> -> memref<128xf32, #tpu.memory_space<hbm>>
    tpu.wait_dma2 semaphore(%arg24 : memref<!tpu.dma_semaphore, #tpu.memory_space<semaphore_mem>>) src(%arg18 : memref<128xf32, #tpu.memory_space<vmem>>) dst(%dma_wait3A_3538 : memref<128xf32, #tpu.memory_space<hbm>>)
    %dma_wait3A_3539 = tpu.memref_slice %arg8[%mul3A_2] : memref<4096xf32, #tpu.memory_space<hbm>> -> memref<128xf32, #tpu.memory_space<hbm>>
    %dma_wait3A_3540 = tpu.memref_slice %arg8[%mul3A_2] : memref<4096xf32, #tpu.memory_space<hbm>> -> memref<128xf32, #tpu.memory_space<hbm>>
    tpu.wait_dma2 semaphore(%arg24 : memref<!tpu.dma_semaphore, #tpu.memory_space<semaphore_mem>>) src(%arg19 : memref<128xf32, #tpu.memory_space<vmem>>) dst(%dma_wait3A_3540 : memref<128xf32, #tpu.memory_space<hbm>>)
    %dma_wait3A_3541 = tpu.memref_slice %arg9[%mul3A_2] : memref<4096xi32, #tpu.memory_space<hbm>> -> memref<128xi32, #tpu.memory_space<hbm>>
    %dma_wait3A_3542 = tpu.memref_slice %arg9[%mul3A_2] : memref<4096xi32, #tpu.memory_space<hbm>> -> memref<128xi32, #tpu.memory_space<hbm>>
    tpu.wait_dma2 semaphore(%arg24 : memref<!tpu.dma_semaphore, #tpu.memory_space<semaphore_mem>>) src(%arg20 : memref<128xi32, #tpu.memory_space<vmem>>) dst(%dma_wait3A_3542 : memref<128xi32, #tpu.memory_space<hbm>>)
    %dma_wait3A_3543 = tpu.memref_slice %arg10[%mul3A_2] : memref<4096xf32, #tpu.memory_space<hbm>> -> memref<128xf32, #tpu.memory_space<hbm>>
    %dma_wait3A_3544 = tpu.memref_slice %arg10[%mul3A_2] : memref<4096xf32, #tpu.memory_space<hbm>> -> memref<128xf32, #tpu.memory_space<hbm>>
    tpu.wait_dma2 semaphore(%arg24 : memref<!tpu.dma_semaphore, #tpu.memory_space<semaphore_mem>>) src(%arg21 : memref<128xf32, #tpu.memory_space<vmem>>) dst(%dma_wait3A_3544 : memref<128xf32, #tpu.memory_space<hbm>>)
    %dma_wait3A_3545 = tpu.memref_slice %arg11[%mul3A_2] : memref<4096xf32, #tpu.memory_space<hbm>> -> memref<128xf32, #tpu.memory_space<hbm>>
    %dma_wait3A_3546 = tpu.memref_slice %arg11[%mul3A_2] : memref<4096xf32, #tpu.memory_space<hbm>> -> memref<128xf32, #tpu.memory_space<hbm>>
    tpu.wait_dma2 semaphore(%arg24 : memref<!tpu.dma_semaphore, #tpu.memory_space<semaphore_mem>>) src(%arg22 : memref<128xf32, #tpu.memory_space<vmem>>) dst(%dma_wait3A_3546 : memref<128xf32, #tpu.memory_space<hbm>>)
    %dma_wait3A_3547 = tpu.memref_slice %arg12[%mul3A_2] : memref<4096xf32, #tpu.memory_space<hbm>> -> memref<128xf32, #tpu.memory_space<hbm>>
    %dma_wait3A_3548 = tpu.memref_slice %arg12[%mul3A_2] : memref<4096xf32, #tpu.memory_space<hbm>> -> memref<128xf32, #tpu.memory_space<hbm>>
    tpu.wait_dma2 semaphore(%arg24 : memref<!tpu.dma_semaphore, #tpu.memory_space<semaphore_mem>>) src(%arg23 : memref<128xf32, #tpu.memory_space<vmem>>) dst(%dma_wait3A_3548 : memref<128xf32, #tpu.memory_space<hbm>>)
    return
  }
}

module attributes {stable_mosaic.version = 14 : i64} {
  func.func @_tc_body(%arg0: i32, %arg1: memref<1024x256xf32, #tpu.memory_space<vmem>>, %arg2: memref<1024x256xf32, #tpu.memory_space<vmem>>, %arg3: memref<1024x256xf32, #tpu.memory_space<vmem>>, %arg4: memref<1024x256xf32, #tpu.memory_space<vmem>>, %arg5: memref<1024x128xf32, #tpu.memory_space<vmem>>, %arg6: memref<1024x25xf32, #tpu.memory_space<vmem>>, %arg7: memref<1024x128xf32, #tpu.memory_space<vmem>>, %arg8: memref<32x1024xf32, #tpu.memory_space<vmem>>) attributes {dimension_semantics = [#tpu.dimension_semantics<arbitrary>], iteration_bounds = array<i64: 4>, scalar_prefetch = 0 : i64, scratch_operands = 0 : i64, tpu.core_type = #tpu.core_type<tc>, window_params = [{transform_indices = @transform_0, window_bounds = array<i64: 1024, 256>}, {transform_indices = @transform_1, window_bounds = array<i64: 1024, 256>}, {transform_indices = @transform_2, window_bounds = array<i64: 1024, 256>}, {transform_indices = @transform_3, window_bounds = array<i64: 1024, 256>}, {pipeline_mode = #tpu.pipeline_mode<synchronous>, transform_indices = @transform_4, window_bounds = array<i64: 1024, 128>}, {pipeline_mode = #tpu.pipeline_mode<synchronous>, transform_indices = @transform_5, window_bounds = array<i64: 1024, 25>}, {transform_indices = @transform_6, window_bounds = array<i64: 1024, 128>}, {transform_indices = @transform_7, window_bounds = array<i64: 32, 1024>}]} {
    %get3A = arith.constant 0 : index
    %get3A_0 = arith.constant 0 : index
    %get3A_1 = vector.load %arg1[%get3A, %get3A_0] : memref<1024x256xf32, #tpu.memory_space<vmem>>, vector<1024x256xf32>
    %get3A_2 = arith.constant 0 : index
    %get3A_3 = arith.constant 0 : index
    %get3A_4 = vector.load %arg5[%get3A_2, %get3A_3] : memref<1024x128xf32, #tpu.memory_space<vmem>>, vector<256x128xf32>
    %dot_general3A = arith.constant dense<0.000000e+00> : vector<1024x128xf32>
    %dot_general3A_5 = tpu.matmul %get3A_1, %get3A_4, %dot_general3A {dimension_numbers = #tpu.dot_dimension_numbers<[1], [0], [0], [1], [0, 0, 1, 1], [], []>, transpose_lhs_hint = false} : vector<1024x256xf32>, vector<256x128xf32>, vector<1024x128xf32> -> vector<1024x128xf32>
    %get3A_6 = arith.constant 0 : index
    %get3A_7 = arith.constant 0 : index
    %get3A_8 = vector.load %arg6[%get3A_6, %get3A_7] : memref<1024x25xf32, #tpu.memory_space<vmem>>, vector<256x25xf32>
    %dot_general3A_9 = arith.constant dense<0.000000e+00> : vector<1024x25xf32>
    %dot_general3A_10 = tpu.matmul %get3A_1, %get3A_8, %dot_general3A_9 {dimension_numbers = #tpu.dot_dimension_numbers<[1], [0], [0], [1], [0, 0, 1, 1], [], []>, transpose_lhs_hint = false} : vector<1024x256xf32>, vector<256x25xf32>, vector<1024x25xf32> -> vector<1024x25xf32>
    %get3A_11 = arith.constant 0 : index
    %get3A_12 = arith.constant 0 : index
    %get3A_13 = vector.load %arg2[%get3A_11, %get3A_12] : memref<1024x256xf32, #tpu.memory_space<vmem>>, vector<1024x256xf32>
    %get3A_14 = arith.constant 256 : index
    %get3A_15 = arith.constant 0 : index
    %get3A_16 = vector.load %arg5[%get3A_14, %get3A_15] : memref<1024x128xf32, #tpu.memory_space<vmem>>, vector<256x128xf32>
    %dot_general3A_17 = arith.constant dense<0.000000e+00> : vector<1024x128xf32>
    %dot_general3A_18 = tpu.matmul %get3A_13, %get3A_16, %dot_general3A_17 {dimension_numbers = #tpu.dot_dimension_numbers<[1], [0], [0], [1], [0, 0, 1, 1], [], []>, transpose_lhs_hint = false} : vector<1024x256xf32>, vector<256x128xf32>, vector<1024x128xf32> -> vector<1024x128xf32>
    %get3A_19 = arith.constant 256 : index
    %get3A_20 = arith.constant 0 : index
    %get3A_21 = vector.load %arg6[%get3A_19, %get3A_20] : memref<1024x25xf32, #tpu.memory_space<vmem>>, vector<256x25xf32>
    %dot_general3A_22 = arith.constant dense<0.000000e+00> : vector<1024x25xf32>
    %dot_general3A_23 = tpu.matmul %get3A_13, %get3A_21, %dot_general3A_22 {dimension_numbers = #tpu.dot_dimension_numbers<[1], [0], [0], [1], [0, 0, 1, 1], [], []>, transpose_lhs_hint = false} : vector<1024x256xf32>, vector<256x25xf32>, vector<1024x25xf32> -> vector<1024x25xf32>
    %add3A = arith.addf %dot_general3A_5, %dot_general3A_18 : vector<1024x128xf32>
    %add3A_24 = arith.addf %dot_general3A_10, %dot_general3A_23 : vector<1024x25xf32>
    %get3A_25 = arith.constant 0 : index
    %get3A_26 = arith.constant 0 : index
    %get3A_27 = vector.load %arg3[%get3A_25, %get3A_26] : memref<1024x256xf32, #tpu.memory_space<vmem>>, vector<1024x256xf32>
    %get3A_28 = arith.constant 512 : index
    %get3A_29 = arith.constant 0 : index
    %get3A_30 = vector.load %arg5[%get3A_28, %get3A_29] : memref<1024x128xf32, #tpu.memory_space<vmem>>, vector<256x128xf32>
    %dot_general3A_31 = arith.constant dense<0.000000e+00> : vector<1024x128xf32>
    %dot_general3A_32 = tpu.matmul %get3A_27, %get3A_30, %dot_general3A_31 {dimension_numbers = #tpu.dot_dimension_numbers<[1], [0], [0], [1], [0, 0, 1, 1], [], []>, transpose_lhs_hint = false} : vector<1024x256xf32>, vector<256x128xf32>, vector<1024x128xf32> -> vector<1024x128xf32>
    %get3A_33 = arith.constant 512 : index
    %get3A_34 = arith.constant 0 : index
    %get3A_35 = vector.load %arg6[%get3A_33, %get3A_34] : memref<1024x25xf32, #tpu.memory_space<vmem>>, vector<256x25xf32>
    %dot_general3A_36 = arith.constant dense<0.000000e+00> : vector<1024x25xf32>
    %dot_general3A_37 = tpu.matmul %get3A_27, %get3A_35, %dot_general3A_36 {dimension_numbers = #tpu.dot_dimension_numbers<[1], [0], [0], [1], [0, 0, 1, 1], [], []>, transpose_lhs_hint = false} : vector<1024x256xf32>, vector<256x25xf32>, vector<1024x25xf32> -> vector<1024x25xf32>
    %add3A_38 = arith.addf %add3A, %dot_general3A_32 : vector<1024x128xf32>
    %add3A_39 = arith.addf %add3A_24, %dot_general3A_37 : vector<1024x25xf32>
    %get3A_40 = arith.constant 0 : index
    %get3A_41 = arith.constant 0 : index
    %get3A_42 = vector.load %arg4[%get3A_40, %get3A_41] : memref<1024x256xf32, #tpu.memory_space<vmem>>, vector<1024x256xf32>
    %get3A_43 = arith.constant 768 : index
    %get3A_44 = arith.constant 0 : index
    %get3A_45 = vector.load %arg5[%get3A_43, %get3A_44] : memref<1024x128xf32, #tpu.memory_space<vmem>>, vector<256x128xf32>
    %dot_general3A_46 = arith.constant dense<0.000000e+00> : vector<1024x128xf32>
    %dot_general3A_47 = tpu.matmul %get3A_42, %get3A_45, %dot_general3A_46 {dimension_numbers = #tpu.dot_dimension_numbers<[1], [0], [0], [1], [0, 0, 1, 1], [], []>, transpose_lhs_hint = false} : vector<1024x256xf32>, vector<256x128xf32>, vector<1024x128xf32> -> vector<1024x128xf32>
    %get3A_48 = arith.constant 768 : index
    %get3A_49 = arith.constant 0 : index
    %get3A_50 = vector.load %arg6[%get3A_48, %get3A_49] : memref<1024x25xf32, #tpu.memory_space<vmem>>, vector<256x25xf32>
    %dot_general3A_51 = arith.constant dense<0.000000e+00> : vector<1024x25xf32>
    %dot_general3A_52 = tpu.matmul %get3A_42, %get3A_50, %dot_general3A_51 {dimension_numbers = #tpu.dot_dimension_numbers<[1], [0], [0], [1], [0, 0, 1, 1], [], []>, transpose_lhs_hint = false} : vector<1024x256xf32>, vector<256x25xf32>, vector<1024x25xf32> -> vector<1024x25xf32>
    %add3A_53 = arith.addf %add3A_38, %dot_general3A_47 : vector<1024x128xf32>
    %add3A_54 = arith.addf %add3A_39, %dot_general3A_52 : vector<1024x25xf32>
    %swap3A = arith.constant 0 : index
    %swap3A_55 = arith.constant 0 : index
    %swap3A_56 = vector.load %arg7[%swap3A, %swap3A_55] : memref<1024x128xf32, #tpu.memory_space<vmem>>, vector<1024x128xf32>
    tpu.vector_store %arg7[%swap3A, %swap3A_55], %add3A_53 {strides = array<i32>} : memref<1024x128xf32, #tpu.memory_space<vmem>>, vector<1024x128xf32>,
    %transpose3A = tpu.transpose %add3A_54, [1, 0] : vector<1024x25xf32> -> vector<25x1024xf32>
    %swap3A_57 = arith.constant 0 : index
    %swap3A_58 = arith.constant 0 : index
    %swap3A_59 = vector.load %arg8[%swap3A_57, %swap3A_58] : memref<32x1024xf32, #tpu.memory_space<vmem>>, vector<25x1024xf32>
    tpu.vector_store %arg8[%swap3A_57, %swap3A_58], %transpose3A {strides = array<i32>} : memref<32x1024xf32, #tpu.memory_space<vmem>>, vector<25x1024xf32>,
    return
  }
  func.func @transform_0(%arg0: i32) -> (i32, i32) {
    %c0_i32 = arith.constant 0 : i32
    %c0_i32_0 = arith.constant 0 : i32
    return %arg0, %c0_i32 : i32, i32
  }
  func.func @transform_1(%arg0: i32) -> (i32, i32) {
    %c1_i32 = arith.constant 1 : i32
    %c0_i32 = arith.constant 0 : i32
    return %arg0, %c1_i32 : i32, i32
  }
  func.func @transform_2(%arg0: i32) -> (i32, i32) {
    %c2_i32 = arith.constant 2 : i32
    %c0_i32 = arith.constant 0 : i32
    return %arg0, %c2_i32 : i32, i32
  }
  func.func @transform_3(%arg0: i32) -> (i32, i32) {
    %c3_i32 = arith.constant 3 : i32
    %c0_i32 = arith.constant 0 : i32
    return %arg0, %c3_i32 : i32, i32
  }
  func.func @transform_4(%arg0: i32) -> (i32, i32) {
    %c0_i32 = arith.constant 0 : i32
    %c0_i32_0 = arith.constant 0 : i32
    %c0_i32_1 = arith.constant 0 : i32
    return %c0_i32, %c0_i32_0 : i32, i32
  }
  func.func @transform_5(%arg0: i32) -> (i32, i32) {
    %c0_i32 = arith.constant 0 : i32
    %c0_i32_0 = arith.constant 0 : i32
    %c0_i32_1 = arith.constant 0 : i32
    return %c0_i32, %c0_i32_0 : i32, i32
  }
  func.func @transform_6(%arg0: i32) -> (i32, i32) {
    %c0_i32 = arith.constant 0 : i32
    %c0_i32_0 = arith.constant 0 : i32
    return %arg0, %c0_i32 : i32, i32
  }
  func.func @transform_7(%arg0: i32) -> (i32, i32) {
    %c0_i32 = arith.constant 0 : i32
    %c0_i32_0 = arith.constant 0 : i32
    return %c0_i32, %arg0 : i32, i32
  }
}

</mosaic_0001>

<sc_bundles>
// kernel: kernel.4.cloned.1.call-start
scs
__scs_entry_jumppad:
0x0: {  	(pc) =	sbr.rel $0x88, $3  }
0x1: {  	(tag) =	ssettag $0x0;
	lr =	simm.s32 $0x1  }
0x2: {  	[smem:$0x3F99] =	sst lr;
	_ =	strace $0xD0000000  }
0x3: {  	_ = 	snop  }
0x4: {  	_ = 	snop  }
0x5: {  	_ = 	snop  }
0x6: {  	_ = 	snop  }
0x7: {  	_ = 	snop  }
__scs_overlays_trampoline_lowered:
0x8: {  	[smem:$0x3FA8] =	sst s0  }
0x9: {  	[smem:$0x3FA9] =	sst s1  }
0xa: {  	[smem:$0x3FAA] =	sst s2  }
0xb: {  	[smem:$0x3FAB] =	sst s3  }
0xc: {  	[smem:$0x3FAC] =	sst s4  }
0xd: {  	[smem:$0x3FAD] =	sst s5  }
0xe: {  	[smem:$0x3FAE] =	sst s6  }
0xf: {  	[smem:$0x3FAF] =	sst s7  }
0x10: {  	[smem:$0x3FB0] =	sst s8  }
0x11: {  	[smem:$0x3FB1] =	sst s9;
	s0 =	simm.s32 @!p0 $0x0  }
0x12: {  	s1 =	sld [smem:$0x3F97];
	s0 =	simm.s32 @p0 $0x1  }
0x13: {  	[smem:$0x3FB2] =	sst s0;
	s0 =	simm.s32 @!p1 $0x0  }
0x14: {  	s2 =	sld [smem:$0x3F96];
	s0 =	simm.s32 @p1 $0x1  }
0x15: {  	[smem:$0x3FB3] =	sst s0;
	s0 =	simm.s32 @!p2 $0x0  }
0x16: {  	s3 =	sld [smem:$0x3FDB];
	s0 =	simm.s32 @p2 $0x1  }
0x17: {  	s4 =	simm.s32 $0x1BF5;
	[smem:$0x3FB5] =	sst s0  }
0x18: {  	s0 =	sld [smem:$0x3F98];
	_ =	swait.ge [sflag:s4], $0x0  }
0x19: {  	s7 =	sld [smem:$0x3F99]  }
0x1a: {  	s8 =	sadd.s32 $0xFFFFE003, lr  }
0x1b: {  	s9 =	sadd.s32 $0xFFFFFEF7, lr;
	s5 =	simm.s32 $0xFFFFFFFF;
	p2 =	slt.u32 s8, $0xFFFFF086  }
0x1c: {  	p1 =	slt.u32 s9, $0xF7A;
	s5 =	simm.s32 @!p2 $0x0  }
0x1d: {  	s5 =	simm.s32 @p1 $0x1;
	p0 =	seq.s32 s7, s2  }
0x1e: {  	s7 =	smul.u32 @!p0 $0xF7A, s2;
	p2 =	seq.s32 @!p0 s5, $0x0  }
0x1f: {  	s9 =	smul.u32 $0xF7A, s1;
	s8 =	simm.s32 @!p0 $0x1BF5;
	p2 =	por !p2, p0  }
0x20: {  	[sflag:s8] =	ssyncset.s32 @!p0 $0xFFFFF086;
	s6 =	sadd.s32 @!p0 s3, s7;
	s7 =	simm.s32 @!p0 $0x108  }
0x21: {  	s3 =	sadd.s32 s3, s9;
	s6 =	sadd.s32 @!p0 $0x88, s6;
	s7 =	simm.s32 @p2 $0x1082  }
0x22: {  	[simem:s7], [sflag:s8] =	dma.local @!p0 [hbm:s6], $0xF7A  }
0x23: {  	s9 =	sor.u32 $0xD0000000, s2;
	s6 =	simm.s32 $0x108;
	_ =	swait.ge @!p0 [sflag:s8], $0x0  }
0x24: {  	s3 =	sadd.s32 $0x88, s3;
	s6 =	simm.s32 @!p1 $0x1082;
	[sflag:s4] =	ssyncset.s32 $0xFFFFF086  }
0x25: {  	[simem:s6], [sflag:s4] =	dma.local [hbm:s3], $0xF7A  }
0x26: {  	[smem:$0x3F99] =	sst s1;
	(tag) =	ssettag s2;
	_ =	strace s9  }
0x27: {  	s1 =	sld [smem:$0x3FA9]  }
0x28: {  	s2 =	sld [smem:$0x3FAA]  }
0x29: {  	s4 =	sld [smem:$0x3FAC]  }
0x2a: {  	p0 =	seq.s32 s5, $0x0;
	s5 =	sld [smem:$0x3FAD]  }
0x2b: {  	s6 =	sld [smem:$0x3FAE]  }
0x2c: {  	s7 =	sld [smem:$0x3FAF]  }
0x2d: {  	s3 =	simm.s32 $0x108;
	s8 =	sld [smem:$0x3FB0]  }
0x2e: {  	s3 =	simm.s32 @!p0 $0x1082;
	s9 =	sld [smem:$0x3FB1]  }
0x2f: {  	lr =	sadd.s32 s0, s3;
	s0 =	sld [smem:$0x3FA8]  }
0x30: {  	s3 =	sld [smem:$0x3FAB]  }
0x31: {  	[smem:$0x3FB4] =	sst s10  }
0x32: {  	s10 =	sld [smem:$0x3FB2];
	_ =	sdelay $0x3  }
0x33: {  	p0 =	seq.s32 s10, $0x1;
	s10 =	sld [smem:$0x3FB4];
	_ =	sdelay $0x3  }
0x34: {  	[smem:$0x3FB4] =	sst s10  }
0x35: {  	s10 =	sld [smem:$0x3FB3];
	_ =	sdelay $0x3  }
0x36: {  	p1 =	seq.s32 s10, $0x1;
	s10 =	sld [smem:$0x3FB4];
	_ =	sdelay $0x3  }
0x37: {  	[smem:$0x3FB4] =	sst s10  }
0x38: {  	s10 =	sld [smem:$0x3FB5]  }
0x39: {  	_ = 	snop;
	(pc) =	sbr.ind lr, $3  }
0x3a: {  	_ = 	snop  }
0x3b: {  	_ = 	snop  }
0x3c: {  	p2 =	seq.s32 s10, $0x1;
	s10 =	sld [smem:$0x3FB4]  }
0x3d: {  	_ =	shalt  }
0x3e: {  	_ =	shalt  }
0x3f: {  	_ =	shalt  }
0x40: {  	_ =	shalt  }
0x41: {  	_ =	shalt  }
0x42: {  	_ =	shalt  }
0x43: {  	_ =	shalt  }
0x44: {  	_ =	shalt  }
0x45: {  	_ =	shalt  }
0x46: {  	_ =	shalt  }
0x47: {  	_ =	shalt  }
0x48: {  	_ =	shalt  }
0x49: {  	_ =	shalt  }
0x4a: {  	_ =	shalt  }
0x4b: {  	_ =	shalt  }
0x4c: {  	_ =	shalt  }
0x4d: {  	_ =	shalt  }
0x4e: {  	_ =	shalt  }
0x4f: {  	_ =	shalt  }
0x50: {  	_ =	shalt  }
0x51: {  	_ =	shalt  }
0x52: {  	_ =	shalt  }
0x53: {  	_ =	shalt  }
0x54: {  	_ =	shalt  }
0x55: {  	_ =	shalt  }
0x56: {  	_ =	shalt  }
0x57: {  	_ =	shalt  }
0x58: {  	_ =	shalt  }
0x59: {  	_ =	shalt  }
0x5a: {  	_ =	shalt  }
0x5b: {  	_ =	shalt  }
0x5c: {  	_ =	shalt  }
0x5d: {  	_ =	shalt  }
0x5e: {  	_ =	shalt  }
0x5f: {  	_ =	shalt  }
0x60: {  	_ =	shalt  }
0x61: {  	_ =	shalt  }
0x62: {  	_ =	shalt  }
0x63: {  	_ =	shalt  }
0x64: {  	_ =	shalt  }
0x65: {  	_ =	shalt  }
0x66: {  	_ =	shalt  }
0x67: {  	_ =	shalt  }
0x68: {  	_ =	shalt  }
0x69: {  	_ =	shalt  }
0x6a: {  	_ =	shalt  }
0x6b: {  	_ =	shalt  }
0x6c: {  	_ =	shalt  }
0x6d: {  	_ =	shalt  }
0x6e: {  	_ =	shalt  }
0x6f: {  	_ =	shalt  }
0x70: {  	_ =	shalt  }
0x71: {  	_ =	shalt  }
0x72: {  	_ =	shalt  }
0x73: {  	_ =	shalt  }
0x74: {  	_ =	shalt  }
0x75: {  	_ =	shalt  }
0x76: {  	_ =	shalt  }
0x77: {  	_ =	shalt  }
0x78: {  	_ =	shalt  }
0x79: {  	_ =	shalt  }
0x7a: {  	_ =	shalt  }
0x7b: {  	_ =	shalt  }
0x7c: {  	_ =	shalt  }
0x7d: {  	_ =	shalt  }
0x7e: {  	_ =	shalt  }
0x7f: {  	_ =	shalt  }
0x80: {  	_ =	shalt  }
0x81: {  	_ =	shalt  }
0x82: {  	_ =	shalt  }
0x83: {  	_ =	shalt  }
0x84: {  	_ =	shalt  }
0x85: {  	_ =	shalt  }
0x86: {  	_ =	shalt  }
0x87: {  	_ =	shalt  }
.Lfunc_end0:
.L_simem_size_0:
called_computation_lowered:
.L_overlay_start_0:
0x88: {  	s2 =	sld [smem:$0x3FD9]  }
0x89: {  	s3 =	sld [smem:$0x3FFE];
	_ =	sdelay $0x1  }
0x8a: {  	s1 =	srdreg.scid  }
0x8b: {  	s0 =	sand.u32 $0x1, s1  }
0x8c: {  	s14 =	sshll.u32 s0, $0xA;
	s2 =	sadd.s32 s3, s2  }
0x8d: {  	s2 =	sadd.s32 s2, s14  }
0x8e: {  	[smem:$0x3FC0] =	sst s2  }
0x8f: {  	_ = 	snop  }
0x90: {  	s2 =	sld [smem:$0x3FD0];
	_ =	sdelay $0x2  }
0x91: {  	s4 =	simm.s32 $0xA;
	s5 =	simm.s32 $0x10;
	s15 =	sld [smem:$0x3FC7]  }
0x92: {  	[smem:s5], [sflag:s4] =	dma.local [hbm:s2], $0x1  }
0x93: {  	_ =	swait.eq [sflag:s4], $0x1  }
0x94: {  	s16 =	sld [smem:$0x10]  }
0x95: {  	s17 =	sld [smem:$0x11]  }
0x96: {  	s6 =	sld [smem:$0x12]  }
0x97: {  	s7 =	sld [smem:$0x13]  }
0x98: {  	s8 =	sld [smem:$0x14];
	[sflag:s4] =	ssyncset.done $0x0  }
0x99: {  	s9 =	sld [smem:$0x15];
	[sflag:s4] =	ssyncadd.s32 $0xFFFFFFFF  }
0x9a: {  	s18 =	sld [smem:$0x16];
	(tm) =	ssettm $0x1  }
0x9b: {  	s10 =	sld [smem:$0x3FFB];
	_ =	sdelay $0x3  }
0x9c: {  	_ =	strace s10  }
0x9d: {  	s10 =	sld [smem:$0x3FFC];
	_ =	sdelay $0x3  }
0x9e: {  	_ =	strace s10  }
0x9f: {  	s10 =	sld [smem:$0x3FFD];
	_ =	sdelay $0x3  }
0xa0: {  	_ =	strace s10  }
0xa1: {  	_ =	strace $0x8FFFFFFF  }
0xa2: {  	s19 =	sld [smem:$0x3FDB];
	_ =	sdelay $0x1  }
0xa3: {  	s11 =	simm.s32 $_scs_section_size  }
0xa4: {  	s12 =	simm.s32 $_size__tile_overlayer_lowered;
	s13 =	simm.s32 $_tile_overlayer_lowered  }
0xa5: {  	s22 =	simm.s32 $0x1BFF;
	s21 =	sshll.u32 s13, $0x1;
	s10 =	sadd.s32 s11, s19  }
0xa6: {  	s20 =	sshll.u32 s12, $0x1;
	s14 =	simm.s32 $0x0;
	s12 =	sadd.s32 s21, s10  }
0xa7: {  	[timem:s14], [sflag:s22] =	dma.local [hbm:s12], s20  }
0xa8: {  	_ =	swait.ge [sflag:s22], s20  }
0xa9: {  	s11 =	ssub.s32 $0x0, s20;
	[sflag:s22] =	ssyncset.done $0x0  }
0xaa: {  	[sflag:s22] =	ssyncadd.s32 s11;
	_ =	sdelay $0x1  }
0xab: {  	s23 =	simm.s32 $0x1B8B  }
0xac: {  	_ =	swait.ge [sflag:s23], $0x1  }
0xad: {  	[sflag:s23] =	ssyncset.done $0x0  }
0xae: {  	s25 =	simm.s32 $0x1B8E;
	s24 =	sld [smem:$0x3FFE];
	[sflag:s23] =	ssyncadd.s32 $0xFFFFFFFF  }
0xaf: {  	s26 =	simm.s32 $execute0_lowered;
	[smem:$0x3FD2] =	sst s25  }
0xb0: {  	s12 =	sshll.u32 s26, $0x1;
	_ =	strace $0x80000046;
	[dreg:$0x1] =	wrdreg $0xFFFFFFFF  }
0xb1: {  	s28 =	simm.s32 $_size_execute0_lowered;
	s10 =	sadd.s32 s10, s12;
	[dreg:$0x0] =	wrdreg $0x0  }
0xb2: {  	s12 =	sshll.u32 s28, $0x1;
	[dreg:$0x2] =	wrdreg s10  }
0xb3: {  	[dreg:$0x3] =	wrdreg s12  }
0xb4: {  	[dreg:$0x4] =	wrdreg $0xC0  }
0xb5: {  	_ =	task [dreg:s14], $0x5FFFF  }
0xb6: {  	[dreg:$0x1] =	wrdreg $0xFFFFFFFF  }
0xb7: {  	[dreg:$0x0] =	wrdreg $0x60  }
0xb8: {  	[dreg:$0x2] =	wrdreg s24  }
0xb9: {  	[dreg:$0x3] =	wrdreg s15  }
0xba: {  	[dreg:$0x4] =	wrdreg s16  }
0xbb: {  	[dreg:$0x5] =	wrdreg s17  }
0xbc: {  	[dreg:$0x6] =	wrdreg s6  }
0xbd: {  	[dreg:$0x7] =	wrdreg s7  }
0xbe: {  	[dreg:$0x8] =	wrdreg s8  }
0xbf: {  	[dreg:$0x9] =	wrdreg s9  }
0xc0: {  	[dreg:$0xa] =	wrdreg s18  }
0xc1: {  	[dreg:$0xb] =	wrdreg $0x9  }
0xc2: {  	_ =	task.clear_ibuf [dreg:s14], $0xCFFFF;
	_ =	strace $0x90000046  }
0xc3: {  	s29 =	simm.s32 $0x9;
	_ =	strace $0x80000048  }
0xc4: {  	_ =	swait.ge [sflag:s29], $0x1  }
0xc5: {  	[sflag:s29] =	ssyncadd.s32 $0xFFFFFFFF  }
0xc6: {  	_ =	strace $0x90000048  }
0xc7: {  	_ =	sfence  }
0xc8: {  	s30 =	sld [smem:$0x0];
	_ =	sdelay $0x2  }
0xc9: {  	s31 =	sshll.u32 s1, $0xD;
	s1 =	sshrl.u32 s1, $0x2  }
0xca: {  	s3 =	sand.u32 $0x4000, s31;
	s1 =	sadd.s32 s1, s30  }
0xcb: {  	s0 =	sor.u32 s3, s0;
	s1 =	sshll.u32 s1, $0x11  }
0xcc: {  	s0 =	sor.u32 s1, s0  }
0xcd: {  	s0 =	sadd.s32 $0x8F2B, s0  }
0xce: {  	[sflag:s0] =	ssyncadd.remote.s32 $0x1  }
0xcf: {  	_ =	sfence.sel $0xFFFF  }
0xd0: {  	[dreg:$0x0] =	wrdreg $0xFFFFFFFF;
	(pc) =	sbr.abs _section_cstart, $3  }
0xd1: {  	[dreg:$0x1] =	wrdreg $0xFFFFFFFF  }
0xd2: {  	_ =	task.clear_ibuf [dreg:s14], $0x2FFFF;
	_ =	strace $0x9FFFFFFF  }
0xd3: {  	(tm) =	ssettm $0x7FFFFFFF  }
tec
execute0_lowered:
.L_overlay_start_1:
0x0: {  	(tag) =	ssettag $0x1  }
0x1: {  	v0 =	vlaneseq.u32  }
0x2: {  	v1 =	vmul.u32 $0x80, v0;
	v3 =	vor.u32 $0x480, v0  }
0x3: {  	[tilespmem:$0x1FE90] =	vst v3;
	v3 =	vor.u32 $0x880, v0  }
0x4: {  	[tilespmem:$0x1FEA0] =	vst v3;
	v3 =	vor.u32 $0x2, v1  }
0x5: {  	s3 =	rddreg [dreg:$0x0];
	[tilespmem:$0x1FEB0] =	vst v3;
	v3 =	vor.u32 $0x3, v1  }
0x6: {  	s5 =	rddreg [dreg:$0x1];
	[tilespmem:$0x1FEC0] =	vst v3;
	v3 =	vor.u32 $0x4, v1  }
0x7: {  	s7 =	rddreg [dreg:$0x2];
	[tilespmem:$0x1FED0] =	vst v3;
	v3 =	vor.u32 $0x5, v1  }
0x8: {  	s8 =	rddreg [dreg:$0x3];
	v29 =	vor.u32 $0x4A0, v0;
	[tilespmem:$0x1FEE0] =	vst v3;
	v3 =	vor.u32 $0x6, v1  }
0x9: {  	s9 =	rddreg [dreg:$0x4];
	v30 =	vor.u32 $0x8A0, v0;
	v47 =	vor.u32 $0x4B0, v0;
	[tilespmem:$0x1FEF0] =	vst v3;
	v3 =	vor.u32 $0x7, v1  }
0xa: {  	s10 =	rddreg [dreg:$0x5];
	v48 =	vor.u32 $0x8B0, v0;
	v26 =	vor.u32 $0x80D, v1;
	[tilespmem:$0x1FF00] =	vst v3;
	v3 =	vor.u32 $0x490, v0  }
0xb: {  	s11 =	rddreg [dreg:$0x6];
	s1 =	srdreg.scid;
	v27 =	vor.u32 $0x80E, v1;
	v28 =	vor.u32 $0x80F, v1;
	[tilespmem:$0x1FF10] =	vst v3;
	v3 =	vor.u32 $0x890, v0  }
0xc: {  	s12 =	rddreg [dreg:$0x7];
	s0 =	stileid.u32;
	v31 =	vor.u32 $0x1000, v1;
	v32 =	vor.u32 $0x1001, v1;
	[tilespmem:$0x1FF20] =	vst v3;
	v3 =	vor.u32 $0x800, v1  }
0xd: {  	s13 =	rddreg [dreg:$0x8];
	s19 =	simm.s32 $0x5080;
	s21 =	simm.s32 $0x5100;
	v33 =	vor.u32 $0x1002, v1;
	v34 =	vor.u32 $0x1003, v1;
	[tilespmem:$0x1FF30] =	vst v3;
	v3 =	vor.u32 $0x801, v1  }
0xe: {  	s2 =	simm.s32 $0x0;
	s22 =	simm.s32 $0x5180;
	s23 =	simm.s32 $0x5200;
	v35 =	vor.u32 $0x1004, v1;
	v36 =	vor.u32 $0x1005, v1;
	[tilespmem:$0x1FF40] =	vst v3;
	v3 =	vor.u32 $0x802, v1  }
0xf: {  	s20 =	simm.s32 $0x1;
	s24 =	simm.s32 $0x5280;
	s25 =	simm.s32 $0x5300;
	v37 =	vor.u32 $0x1006, v1;
	v38 =	vor.u32 $0x1007, v1;
	[tilespmem:$0x1FF50] =	vst v3;
	v3 =	vor.u32 $0x803, v1  }
0x10: {  	s26 =	simm.s32 $0x5380;
	s28 =	simm.s32 $0x5400;
	s4 =	sand.u32 $0x1, s1;
	v39 =	vor.u32 $0x1008, v1;
	v40 =	vor.u32 $0x1009, v1;
	[tilespmem:$0x1FF60] =	vst v3;
	v3 =	vor.u32 $0x804, v1  }
0x11: {  	s6 =	sshll.u32 s0, $0x8;
	s1 =	rddreg [dreg:$0x9];
	s14 =	sshll.u32 s4, $0x7;
	v41 =	vor.u32 $0x100A, v1;
	v42 =	vor.u32 $0x100B, v1;
	[tilespmem:$0x1FF70] =	vst v3;
	v3 =	vor.u32 $0x805, v1  }
0x12: {  	[smem:$0x7FF] =	sst s2;
	s4 =	ssub.s32 $0x2, s4;
	s6 =	sor.u32 s14, s6;
	v43 =	vor.u32 $0x100C, v1;
	v44 =	vor.u32 $0x100D, v1;
	[tilespmem:$0x1FF80] =	vst v3;
	v3 =	vor.u32 $0x806, v1  }
0x13: {  	s31 =	sshrl.u32 s4, $0x1;
	v45 =	vor.u32 $0x100E, v1;
	v46 =	vor.u32 $0x100F, v1;
	s14 =	sshll.u32 s6, $0x4;
	s15 =	sadd.s32 s6, s3;
	[tilespmem:$0x1FF90] =	vst v3;
	v3 =	vor.u32 $0x807, v1  }
0x14: {  	v49 =	vor.u32 $0x1800, v1;
	v50 =	vor.u32 $0x1801, v1;
	s16 =	sshrl.u32 s6, $0x3;
	s18 =	ssub.s32 s4, s31;
	s14 =	sadd.s32 s14, s3;
	[tilespmem:$0x1FFA0] =	vst v3;
	v3 =	vor.u32 $0x808, v1  }
0x15: {  	v51 =	vor.u32 $0x1802, v1;
	v52 =	vor.u32 $0x1803, v1;
	s17 =	sadd.s32 s16, s3;
	s4 =	sadd.s32 $0x11000, s15;
	s5 =	sadd.s32 s5, s16;
	[tilespmem:$0x1FFB0] =	vst v3;
	v3 =	vor.u32 $0x809, v1  }
0x16: {  	v53 =	vor.u32 $0x1804, v1;
	v54 =	vor.u32 $0x1805, v1;
	s7 =	sadd.s32 s7, s16;
	s8 =	sadd.s32 s8, s16;
	s9 =	sadd.s32 s9, s16;
	[tilespmem:$0x1FFC0] =	vst v3;
	v3 =	vor.u32 $0x80A, v1  }
0x17: {  	v55 =	vor.u32 $0x1806, v1;
	v56 =	vor.u32 $0x1807, v1;
	s10 =	sadd.s32 s10, s16;
	s11 =	sadd.s32 s11, s16;
	s12 =	sadd.s32 s12, s16;
	[tilespmem:$0x1FFD0] =	vst v3;
	v3 =	vor.u32 $0x80B, v1  }
0x18: {  	v57 =	vor.u32 $0x1808, v1;
	v58 =	vor.u32 $0x1809, v1;
	s13 =	sadd.s32 s13, s16;
	s15 =	simm.s32 $0x400;
	s16 =	simm.s32 $0x8000;
	[tilespmem:$0x1FFE0] =	vst v3;
	v3 =	vor.u32 $0x80C, v1  }
0x19: {  	v59 =	vor.u32 $0x180A, v1;
	v60 =	vor.u32 $0x180B, v1;
	v61 =	vor.u32 $0x180C, v1;
	s3 =	sadd.s32 $0x1000, s14;
	s6 =	sadd.s32 $0xE00, s17;
	s14 =	smax.u32 s18, $0x1;
	[tilespmem:$0x1FFF0] =	vst v3  }
0x1a: {  	v2 =	vimm.s32 $0x0;
	v62 =	vor.u32 $0x180D, v1;
	v63 =	vor.u32 $0x180E, v1;
	s17 =	simm.s32 $0x4000;
	s18 =	simm.s32 $0x5000;
	_ =	strace $0x80000047  }
.LBB2_1:
0x1b: {  	[tilespmem:s2], [sflag:$0x1] =	stream.linear.gather [hbm4b:s3+s2], $0x4000, $0x38;
	[tilespmem:$0x5480] =	vst v63  }
0x1c: {  	_ = 	snop  }
0x1d: {  	[tilespmem:s17], [sflag:$0x1] =	stream.strided.gather [hbm4b:s4+s15], $0x1000, s16, s15, $0x38;
	[tilespmem:$0x5480] =	vst v63  }
0x1e: {  	_ = 	snop  }
0x1f: {  	[tilespmem:s18], [sflag:$0x1] =	stream.linear.gather [hbm4b:s5+s2], $0x80, $0x38;
	[tilespmem:$0x5480] =	vst v63  }
0x20: {  	_ = 	snop  }
0x21: {  	[tilespmem:s19], [sflag:$0x1] =	stream.linear.gather [hbm4b:s6+s2], $0x80, $0x38;
	[tilespmem:$0x5480] =	vst v63  }
0x22: {  	_ =	swait.ge [sflag:s20], $0x4000  }
0x23: {  	[sflag:s20] =	ssyncset.done $0x0  }
0x24: {  	[sflag:s20] =	ssyncadd.s32 $0xFFFFC000  }
0x25: {  	_ =	swait.ge [sflag:s20], $0x1000  }
0x26: {  	[sflag:s20] =	ssyncset.done $0x0  }
0x27: {  	[sflag:s20] =	ssyncadd.s32 $0xFFFFF000  }
0x28: {  	_ =	swait.ge [sflag:s20], $0x80  }
0x29: {  	[sflag:s20] =	ssyncset.done $0x0  }
0x2a: {  	[sflag:s20] =	ssyncadd.s32 $0xFFFFFF80  }
0x2b: {  	_ =	swait.ge [sflag:s20], $0x80  }
0x2c: {  	[sflag:s20] =	ssyncset.done $0x0  }
0x2d: {  	[sflag:s20] =	ssyncadd.s32 $0xFFFFFF80  }
0x2e: {  	v3 =	vld [tilespmem:$0x4000]  }
0x2f: {  	v4 =	vld [tilespmem:$0x4080];
	_ =	sdelay $0x1  }
0x30: {  	v5 =	vld [tilespmem:$0x4100];
	_ =	sdelay $0x1  }
0x31: {  	v6 =	vld [tilespmem:$0x4180]  }
0x32: {  	vm0 =	vgt.f32 v4, v3  }
0x33: {  	v8 =	vld [tilespmem:$0x4200];
	v7 =	vsel vm0, v4, v3  }
0x34: {  	vm1 =	vgt.f32 v5, v7  }
0x35: {  	v9 =	vld [tilespmem:$0x4280];
	v7 =	vsel vm1, v5, v7  }
0x36: {  	vm2 =	vgt.f32 v6, v7  }
0x37: {  	v10 =	vld [tilespmem:$0x4300];
	v7 =	vsel vm2, v6, v7  }
0x38: {  	vm3 =	vgt.f32 v8, v7  }
0x39: {  	v11 =	vld [tilespmem:$0x4380];
	v7 =	vsel vm3, v8, v7  }
0x3a: {  	vm5 =	vgt.f32 v9, v7  }
0x3b: {  	v7 =	vsel vm5, v9, v7  }
0x3c: {  	vm6 =	vgt.f32 v10, v7  }
0x3d: {  	v7 =	vsel vm6, v10, v7  }
0x3e: {  	vm4 =	vgt.f32 v11, v7  }
0x3f: {  	v7 =	vsel vm4, v11, v7  }
0x40: {  	v3 =	vsub.f32 v3, v7;
	_ =	sdelay $0x1  }
0x41: {  	v4 =	vsub.f32 v4, v7;
	v3 =	vmul.f32 $1.442695020e+00, v3;
	_ =	sdelay $0x1  }
0x42: {  	v15 =	vsub.f32 v5, v7;
	(erf) = vpow2.f32 v3;
	v3 =	vmul.f32 $1.442695020e+00, v4;
	_ =	sdelay $0x1  }
0x43: {  	v16 =	vsub.f32 v6, v7;
	(erf) = vpow2.f32 v3;
	v3 =	vmul.f32 $1.442695020e+00, v15;
	_ =	sdelay $0x1  }
0x44: {  	v17 =	vsub.f32 v8, v7;
	(erf) = vpow2.f32 v3;
	v3 =	vmul.f32 $1.442695020e+00, v16;
	_ =	sdelay $0x1  }
0x45: {  	v18 =	vsub.f32 v9, v7;
	(erf) = vpow2.f32 v3;
	v3 =	vmul.f32 $1.442695020e+00, v17;
	_ =	sdelay $0x1  }
0x46: {  	v20 =	vsub.f32 v10, v7;
	(erf) = vpow2.f32 v3;
	v3 =	vmul.f32 $1.442695020e+00, v18;
	_ =	sdelay $0x1  }
0x47: {  	v21 =	vsub.f32 v11, v7;
	v19 =	vpop (erf);
	(erf) = vpow2.f32 v3;
	v3 =	vmul.f32 $1.442695020e+00, v20  }
0x48: {  	v5 =	vadd.f32 $0.0e+00, v19  }
0x49: {  	v23 =	vld [tilespmem:$0x5000];
	v22 =	vpop (erf);
	(erf) = vpow2.f32 v3;
	v3 =	vmul.f32 $1.442695020e+00, v21  }
0x4a: {  	v13 =	vld [tilespmem:$0x1FE90];
	v5 =	vadd.f32 v5, v22  }
0x4b: {  	v10 =	vpop (erf)  }
0x4c: {  	v4 =	vadd.f32 v5, v10;
	(erf) = vpow2.f32 v3  }
0x4d: {  	v3 =	vpop (erf)  }
0x4e: {  	v11 =	vshll.u32 v23, $0x7;
	v3 =	vadd.f32 v4, v3  }
0x4f: {  	v12 =	vpop (erf);
	v4 =	vadd.s32 v13, v11  }
0x50: {  	v3 =	vadd.f32 v3, v12  }
0x51: {  	v14 =	vpop (erf)  }
0x52: {  	v3 =	vadd.f32 v3, v14  }
0x53: {  	v15 =	vpop (erf)  }
0x54: {  	v4 =	vld.idx.msk [tilespmem:v4+s17+$0x0], $0xffff;
	v3 =	vadd.f32 v3, v15  }
0x55: {  	v16 =	vpop (erf)  }
0x56: {  	v5 =	vadd.f32 v3, v16;
	_ =	sdelay $0x1  }
0x57: {  	v3 =	vand.u32 $0x7FFFFF, v5  }
0x58: {  	v6 =	vor.u32 $0x3F800000, v3;
	v3 =	vsub.f32 $0.0e+00, v4  }
0x59: {  	v17 =	vadd.f32 $1.000000000e+00, v6  }
0x5a: {  	v3 =	vmul.f32 $1.442695020e+00, v3  }
0x5b: {  	(erf) = vrcp.f32 v17  }
0x5c: {  	(erf) = vpow2.f32 v3;
	_ =	sdelay $0x7  }
0x5d: {  	v7 =	vpop (erf)  }
0x5e: {  	v3 =	vpop (erf)  }
0x5f: {  	v3 =	vadd.f32 $1.000000000e+00, v3;
	_ =	sdelay $0x1  }
0x60: {  	(erf) = vrcp.f32 v3;
	_ =	sdelay $0x2  }
0x61: {  	v3 =	vsel vm0, $0x1, v2  }
0x62: {  	v3 =	vsel vm1, $0x2, v3  }
0x63: {  	v18 =	vld [tilespmem:$0x5080];
	v3 =	vsel vm2, $0x3, v3  }
0x64: {  	v3 =	vsel vm3, $0x4, v3;
	_ =	sdelay $0x2  }
0x65: {  	v20 =	vimm.s32 $0x0;
	v19 =	vsel vm5, $0x5, v3;
	v3 =	vpop (erf)  }
0x66: {  	vm11 =	vgt.s32 v18, $0x0;
	v9 =	vsel vm6, $0x6, v19;
	vm10 =	vgt.f32 v3, $5.000000000e-01  }
0x67: {  	v4 =	vsel vm11, $0xFFFFFFFF, v20;
	v21 =	vsel vm4, $0x7, v9;
	vm0 =	vmor vm11, vm10  }
0x68: {  	[tilespmem:$0x1FCF0] =	vst v4;
	v4 =	vsel vm0, v21, v23;
	v23 =	vld [tilespmem:$0x1FEB0]  }
0x69: {  	v8 =	vshll.u32 v4, $0x4  }
0x6a: {  	v13 =	vld [tilespmem:$0x1FEC0];
	v9 =	vadd.s32 v1, v8  }
0x6b: {  	v22 =	vor.u32 $0x1, v9  }
0x6c: {  	v14 =	vld [tilespmem:$0x1FED0]  }
0x6d: {  	v15 =	vld [tilespmem:$0x1FEE0];
	v11 =	vadd.s32 v23, v8  }
0x6e: {  	v16 =	vld [tilespmem:$0x1FEF0]  }
0x6f: {  	v13 =	vadd.s32 v13, v8;
	v12 =	vld.idx.msk [tilespmem:v9+s2+$0x0], $0xffff  }
0x70: {  	v10 =	vld.idx.msk [tilespmem:v22+s2+$0x0], $0xffff  }
0x71: {  	v18 =	vld [tilespmem:$0x1FF00];
	v14 =	vadd.s32 v14, v8  }
0x72: {  	v11 =	vld.idx.msk [tilespmem:v11+s2+$0x0], $0xffff  }
0x73: {  	v15 =	vadd.s32 v15, v8  }
0x74: {  	v13 =	vld.idx.msk [tilespmem:v13+s2+$0x0], $0xffff  }
0x75: {  	v16 =	vadd.s32 v16, v8;
	vm7 =	vgt.f32 v10, v12  }
0x76: {  	v14 =	vld.idx.msk [tilespmem:v14+s2+$0x0], $0xffff;
	v17 =	vsel vm7, v10, v12  }
0x77: {  	v8 =	vadd.s32 v18, v8;
	vm10 =	vgt.f32 v11, v17  }
0x78: {  	v15 =	vld.idx.msk [tilespmem:v15+s2+$0x0], $0xffff;
	v17 =	vsel vm10, v11, v17  }
0x79: {  	v18 =	vor.u32 $0x8, v9;
	vm11 =	vgt.f32 v13, v17  }
0x7a: {  	v16 =	vld.idx.msk [tilespmem:v16+s2+$0x0], $0xffff;
	v17 =	vsel vm11, v13, v17  }
0x7b: {  	v19 =	vor.u32 $0x9, v9;
	vm12 =	vgt.f32 v14, v17  }
0x7c: {  	v8 =	vld.idx.msk [tilespmem:v8+s2+$0x0], $0xffff;
	v17 =	vsel vm12, v14, v17  }
0x7d: {  	v20 =	vor.u32 $0xA, v9;
	vm13 =	vgt.f32 v15, v17  }
0x7e: {  	v18 =	vld.idx.msk [tilespmem:v18+s2+$0x0], $0xffff;
	v17 =	vsel vm13, v15, v17  }
0x7f: {  	v21 =	vor.u32 $0xB, v9;
	vm14 =	vgt.f32 v16, v17  }
0x80: {  	v19 =	vld.idx.msk [tilespmem:v19+s2+$0x0], $0xffff;
	v17 =	vsel vm14, v16, v17  }
0x81: {  	v22 =	vor.u32 $0xC, v9;
	vm15 =	vgt.f32 v8, v17  }
0x82: {  	v20 =	vld.idx.msk [tilespmem:v20+s2+$0x0], $0xffff;
	v17 =	vsel vm15, v8, v17  }
0x83: {  	v23 =	vor.u32 $0xD, v9;
	vm6 =	vgt.f32 v18, v17  }
0x84: {  	v21 =	vld.idx.msk [tilespmem:v21+s2+$0x0], $0xffff;
	v17 =	vsel vm6, v18, v17  }
0x85: {  	v24 =	vor.u32 $0xE, v9;
	vm8 =	vgt.f32 v19, v17  }
0x86: {  	v22 =	vld.idx.msk [tilespmem:v22+s2+$0x0], $0xffff;
	v17 =	vsel vm8, v19, v17  }
0x87: {  	v9 =	vor.u32 $0xF, v9;
	vm9 =	vgt.f32 v20, v17  }
0x88: {  	v23 =	vld.idx.msk [tilespmem:v23+s2+$0x0], $0xffff;
	v17 =	vsel vm9, v20, v17  }
0x89: {  	vm5 =	vgt.f32 v21, v17  }
0x8a: {  	v24 =	vld.idx.msk [tilespmem:v24+s2+$0x0], $0xffff;
	v17 =	vsel vm5, v21, v17  }
0x8b: {  	vm4 =	vgt.f32 v22, v17  }
0x8c: {  	v9 =	vld.idx.msk [tilespmem:v9+s2+$0x0], $0xffff;
	v17 =	vsel vm4, v22, v17  }
0x8d: {  	vm0 =	vgt.f32 v23, v17  }
0x8e: {  	v25 =	vimm.s32 $0x0;
	v17 =	vsel vm0, v23, v17  }
0x8f: {  	v25 =	vsel vm0, $0xFFFFFFFF, v25;
	vm0 =	vgt.f32 v24, v17  }
0x90: {  	[tilespmem:$0x1FCC0] =	vst v25;
	v25 =	vimm.s32 $0x0;
	v17 =	vsel vm0, v24, v17  }
0x91: {  	v25 =	vsel vm0, $0xFFFFFFFF, v25;
	vm0 =	vgt.f32 v9, v17  }
0x92: {  	v17 =	vsel vm0, v9, v17  }
0x93: {  	v12 =	vsub.f32 v12, v17;
	_ =	sdelay $0x1  }
0x94: {  	v10 =	vsub.f32 v10, v17;
	v12 =	vmul.f32 $1.442695020e+00, v12;
	_ =	sdelay $0x1  }
0x95: {  	v11 =	vsub.f32 v11, v17;
	v10 =	vmul.f32 $1.442695020e+00, v10;
	(erf) = vpow2.f32 v12;
	_ =	sdelay $0x1  }
0x96: {  	v12 =	vsub.f32 v13, v17;
	(erf) = vpow2.f32 v10;
	v10 =	vmul.f32 $1.442695020e+00, v11;
	_ =	sdelay $0x1  }
0x97: {  	v14 =	vsub.f32 v14, v17;
	v13 =	vmul.f32 $1.442695020e+00, v12;
	(erf) = vpow2.f32 v10;
	_ =	sdelay $0x1  }
0x98: {  	v11 =	vsub.f32 v15, v17;
	v10 =	vmul.f32 $1.442695020e+00, v14;
	(erf) = vpow2.f32 v13  }
0x99: {  	v16 =	vsub.f32 v16, v17  }
0x9a: {  	(erf) = vpow2.f32 v10;
	v10 =	vmul.f32 $1.442695020e+00, v11  }
0x9b: {  	v16 =	vmul.f32 $1.442695020e+00, v16;
	v12 =	vpop (erf)  }
0x9c: {  	v8 =	vsub.f32 v8, v17;
	(erf) = vpow2.f32 v10;
	v12 =	vadd.f32 $0.0e+00, v12  }
0x9d: {  	v18 =	vsub.f32 v18, v17;
	v13 =	vpop (erf)  }
0x9e: {  	v8 =	vmul.f32 $1.442695020e+00, v8;
	(erf) = vpow2.f32 v16;
	v11 =	vadd.f32 v12, v13  }
0x9f: {  	v16 =	vpop (erf)  }
0xa0: {  	(erf) = vpow2.f32 v8;
	v11 =	vadd.f32 v11, v16  }
0xa1: {  	v8 =	vmul.f32 $1.442695020e+00, v18;
	v18 =	vpop (erf);
	v16 =	vsub.f32 v19, v17  }
0xa2: {  	v10 =	vadd.f32 v11, v18  }
0xa3: {  	v20 =	vsub.f32 v20, v17;
	(erf) = vpow2.f32 v8;
	v18 =	vpop (erf);
	v19 =	vmul.f32 $1.442695020e+00, v16  }
0xa4: {  	v8 =	vadd.f32 v10, v18  }
0xa5: {  	v16 =	vpop (erf);
	(erf) = vpow2.f32 v19;
	v18 =	vmul.f32 $1.442695020e+00, v20;
	v19 =	vsub.f32 v21, v17  }
0xa6: {  	v8 =	vadd.f32 v8, v16  }
0xa7: {  	v20 =	vpop (erf);
	(erf) = vpow2.f32 v18;
	v21 =	vmul.f32 $1.442695020e+00, v19;
	v16 =	vsub.f32 v22, v17  }
0xa8: {  	v8 =	vadd.f32 v8, v20  }
0xa9: {  	v18 =	vpop (erf);
	(erf) = vpow2.f32 v21;
	v19 =	vmul.f32 $1.442695020e+00, v16;
	v20 =	vsub.f32 v23, v17  }
0xaa: {  	v23 =	vsub.f32 v24, v17  }
0xab: {  	v8 =	vadd.f32 v8, v18;
	(erf) = vpow2.f32 v19;
	v22 =	vmul.f32 $1.442695020e+00, v20  }
0xac: {  	v9 =	vsub.f32 v9, v17;
	v21 =	vpop (erf)  }
0xad: {  	v12 =	vmul.f32 $1.442695020e+00, v23;
	v8 =	vadd.f32 v8, v21;
	(erf) = vpow2.f32 v22  }
0xae: {  	v13 =	vpop (erf)  }
0xaf: {  	v9 =	vmul.f32 $1.442695020e+00, v9;
	(erf) = vpow2.f32 v12;
	v8 =	vadd.f32 v8, v13  }
0xb0: {  	v14 =	vpop (erf)  }
0xb1: {  	(erf) = vpow2.f32 v9;
	v8 =	vadd.f32 v8, v14  }
0xb2: {  	v15 =	vpop (erf)  }
0xb3: {  	v8 =	vadd.f32 v8, v15  }
0xb4: {  	v16 =	vpop (erf)  }
0xb5: {  	v8 =	vadd.f32 v8, v16  }
0xb6: {  	v11 =	vld [tilespmem:$0x4090];
	v17 =	vpop (erf)  }
0xb7: {  	v9 =	vld [tilespmem:$0x4010];
	v8 =	vadd.f32 v8, v17  }
0xb8: {  	v18 =	vpop (erf)  }
0xb9: {  	v12 =	vld [tilespmem:$0x4110];
	v8 =	vadd.f32 v8, v18  }
0xba: {  	v19 =	vpop (erf)  }
0xbb: {  	v6 =	vadd.f32 $-1.000000000e+00, v6;
	v10 =	vld [tilespmem:$0x4190];
	v8 =	vadd.f32 v8, v19  }
0xbc: {  	vm3 =	vgt.f32 v11, v9  }
0xbd: {  	v6 =	vmul.f32 v7, v6;
	v14 =	vld [tilespmem:$0x4210];
	v21 =	vsel vm3, v11, v9;
	v20 =	vand.u32 $0x7FFFFF, v8  }
0xbe: {  	vm2 =	vgt.f32 v12, v21;
	v7 =	vor.u32 $0x3F800000, v20  }
0xbf: {  	v16 =	vmul.f32 v6, v6;
	v17 =	vld [tilespmem:$0x4290];
	v13 =	vsel vm2, v12, v21;
	v22 =	vadd.f32 $1.000000000e+00, v7  }
0xc0: {  	[tilespmem:$0x1FCD0] =	vst v25;
	v25 =	vimm.s32 $0x0;
	vm1 =	vgt.f32 v10, v13  }
0xc1: {  	v23 =	vmul.f32 $1.428571490e-01, v16;
	v18 =	vld [tilespmem:$0x4310];
	v13 =	vsel vm1, v10, v13;
	(erf) = vrcp.f32 v22  }
0xc2: {  	v25 =	vsel vm0, $0xFFFFFFFF, v25;
	vm0 =	vgt.f32 v14, v13  }
0xc3: {  	v15 =	vadd.f32 $2.000000030e-01, v23;
	v19 =	vld [tilespmem:$0x4390];
	v13 =	vsel vm0, v14, v13  }
0xc4: {  	v20 =	vsel vm7, $0x1, v2;
	vm7 =	vgt.f32 v17, v13  }
0xc5: {  	v15 =	vmul.f32 v15, v16;
	v13 =	vsel vm7, v17, v13  }
0xc6: {  	v20 =	vsel vm10, $0x2, v20;
	vm10 =	vgt.f32 v18, v13  }
0xc7: {  	v15 =	vadd.f32 $3.333333430e-01, v15;
	v13 =	vsel vm10, v18, v13  }
0xc8: {  	v20 =	vsel vm11, $0x3, v20;
	vm11 =	vgt.f32 v19, v13  }
0xc9: {  	v7 =	vadd.f32 $-1.000000000e+00, v7;
	v15 =	vmul.f32 v15, v16;
	v13 =	vsel vm11, v19, v13  }
0xca: {  	v6 =	vadd.f32 v6, v6;
	v9 =	vsub.f32 v9, v13;
	v16 =	vpop (erf)  }
0xcb: {  	v20 =	vsel vm12, $0x4, v20;
	v15 =	vadd.f32 $1.000000000e+00, v15;
	v7 =	vmul.f32 v16, v7  }
0xcc: {  	v20 =	vsel vm13, $0x5, v20;
	v9 =	vmul.f32 $1.442695020e+00, v9  }
0xcd: {  	v20 =	vsel vm14, $0x6, v20;
	v6 =	vmul.f32 v15, v6;
	v16 =	vmul.f32 v7, v7  }
0xce: {  	v20 =	vsel vm15, $0x7, v20;
	v11 =	vsub.f32 v11, v13;
	(erf) = vpow2.f32 v9  }
0xcf: {  	v23 =	vld [tilespmem:$0x1FEA0];
	v12 =	vsub.f32 v12, v13;
	v15 =	vsel vm6, $0x8, v20;
	v20 =	vmul.f32 $1.428571490e-01, v16  }
0xd0: {  	v10 =	vsub.f32 v10, v13;
	v11 =	vmul.f32 $1.442695020e+00, v11  }
0xd1: {  	v21 =	vsel vm8, $0x9, v15;
	v22 =	vmul.f32 $1.442695020e+00, v12;
	v20 =	vadd.f32 $2.000000030e-01, v20  }
0xd2: {  	v9 =	vsel vm9, $0xA, v21;
	v21 =	vsub.f32 v14, v13;
	(erf) = vpow2.f32 v11  }
0xd3: {  	v15 =	vshll.u32 v4, $0x7;
	v10 =	vmul.f32 $1.442695020e+00, v10;
	v20 =	vmul.f32 v20, v16  }
0xd4: {  	v12 =	vadd.s32 v23, v15;
	(erf) = vpow2.f32 v22;
	v23 =	vmul.f32 $1.442695020e+00, v21  }
0xd5: {  	(erf) = vpow2.f32 v10;
	v22 =	vadd.f32 $3.333333430e-01, v20;
	v20 =	vsub.f32 v17, v13  }
0xd6: {  	(erf) = vpow2.f32 v23  }
0xd7: {  	v23 =	vsub.f32 v18, v13;
	v21 =	vpop (erf);
	v14 =	vmul.f32 v22, v16;
	v22 =	vmul.f32 $1.442695020e+00, v20  }
0xd8: {  	v15 =	vadd.f32 $0.0e+00, v21;
	v21 =	vld [tilespmem:$0x1FCC0]  }
0xd9: {  	v18 =	vmul.f32 $1.442695020e+00, v23  }
0xda: {  	v5 =	vshra.s32 v5, $0x17;
	(erf) = vpow2.f32 v22  }
0xdb: {  	v5 =	vadd.s32 $0xFFFFFF81, v5;
	v8 =	vshra.s32 v8, $0x17;
	v22 =	vpop (erf);
	(erf) = vpow2.f32 v18;
	v18 =	vld [tilespmem:$0x1FCD0]  }
0xdc: {  	[tilespmem:$0x1FCE0] =	vst v25;
	v8 =	vadd.s32 $0xFFFFFF81, v8;
	v12 =	vld.idx.msk [tilespmem:v12+s17+$0x0], $0xffff;
	v7 =	vadd.f32 v7, v7;
	v14 =	vadd.f32 $1.000000000e+00, v14  }
0xdd: {  	v5 =	vcvt.s32.f32 v5;
	v8 =	vcvt.s32.f32 v8;
	vm12 =	vnez.u8 v21;
	v21 =	vld [tilespmem:$0x1FCE0]  }
0xde: {  	v20 =	vsub.f32 v19, v13;
	v7 =	vmul.f32 v14, v7;
	v14 =	vld [tilespmem:$0x5010]  }
0xdf: {  	v5 =	vmul.f32 $6.931471820e-01, v5;
	v8 =	vmul.f32 $6.931471820e-01, v8;
	v13 =	vadd.f32 v15, v22;
	v15 =	vld [tilespmem:$0x1FF10]  }
0xe0: {  	v9 =	vsel vm5, $0xB, v9;
	v23 =	vmul.f32 $1.442695020e+00, v20;
	vm13 =	vnez.u8 v18;
	v18 =	vld [tilespmem:$0x1FCF0]  }
0xe1: {  	v5 =	vadd.f32 v6, v5;
	v9 =	vsel vm4, $0xC, v9;
	v20 =	vld [tilespmem:$0x4400];
	v19 =	vpop (erf)  }
0xe2: {  	(erf) = vpow2.f32 v23;
	v7 =	vadd.f32 v7, v8;
	v8 =	vadd.f32 v13, v19  }
0xe3: {  	v5 =	vsub.f32 $0.0e+00, v5;
	[tilespmem:$0x5280] =	vst v4;
	v9 =	vsel vm12, $0xD, v9;
	v22 =	vpop (erf)  }
0xe4: {  	[tilespmem:$0x5180] =	vst v12;
	vm14 =	vnez.u8 v21;
	v23 =	vadd.f32 v8, v22;
	v12 =	vshll.u32 v14, $0x7  }
0xe5: {  	[tilespmem:$0x5380] =	vst v5;
	v7 =	vsub.f32 $0.0e+00, v7;
	v13 =	vpop (erf);
	v8 =	vadd.s32 v15, v12;
	vm15 =	vnez.u8 v18  }
0xe6: {  	[tilespmem:$0x5300] =	vst v20;
	v9 =	vsel vm13, $0xE, v9;
	v16 =	vadd.f32 v23, v13;
	v3 =	vsel vm15, $0x0, v3  }
0xe7: {  	[tilespmem:$0x5200] =	vst v7;
	v9 =	vsel vm14, $0xF, v9;
	v17 =	vpop (erf)  }
0xe8: {  	[tilespmem:$0x5100] =	vst v9;
	v4 =	vadd.f32 v16, v17  }
0xe9: {  	[tilespmem:$0x5400] =	vst v3;
	v3 =	vpop (erf)  }
0xea: {  	v19 =	vld.idx.msk [tilespmem:v8+s17+$0x0], $0xffff;
	v3 =	vadd.f32 v4, v3  }
0xeb: {  	v20 =	vpop (erf)  }
0xec: {  	v5 =	vadd.f32 v3, v20;
	_ =	sdelay $0x1  }
0xed: {  	v3 =	vand.u32 $0x7FFFFF, v5  }
0xee: {  	v6 =	vor.u32 $0x3F800000, v3;
	v3 =	vsub.f32 $0.0e+00, v19  }
0xef: {  	v21 =	vadd.f32 $1.000000000e+00, v6  }
0xf0: {  	v3 =	vmul.f32 $1.442695020e+00, v3  }
0xf1: {  	(erf) = vrcp.f32 v21  }
0xf2: {  	(erf) = vpow2.f32 v3;
	_ =	sdelay $0x7  }
0xf3: {  	v7 =	vpop (erf)  }
0xf4: {  	v3 =	vpop (erf)  }
0xf5: {  	v3 =	vadd.f32 $1.000000000e+00, v3;
	_ =	sdelay $0x1  }
0xf6: {  	(erf) = vrcp.f32 v3;
	_ =	sdelay $0x2  }
0xf7: {  	v3 =	vsel vm3, $0x1, v2  }
0xf8: {  	v3 =	vsel vm2, $0x2, v3  }
0xf9: {  	v22 =	vld [tilespmem:$0x5090];
	v3 =	vsel vm1, $0x3, v3  }
0xfa: {  	v3 =	vsel vm0, $0x4, v3;
	_ =	sdelay $0x2  }
0xfb: {  	v11 =	vimm.s32 $0x0;
	v23 =	vsel vm7, $0x5, v3;
	v3 =	vpop (erf)  }
0xfc: {  	vm7 =	vgt.s32 v22, $0x0;
	v8 =	vsel vm10, $0x6, v23;
	vm6 =	vgt.f32 v3, $5.000000000e-01  }
0xfd: {  	v13 =	vld [tilespmem:$0x1FF30];
	v4 =	vsel vm7, $0xFFFFFFFF, v11;
	v12 =	vsel vm11, $0x7, v8;
	vm0 =	vmor vm7, vm6  }
0xfe: {  	[tilespmem:$0x1FD30] =	vst v4;
	v4 =	vsel vm0, v12, v14;
	v14 =	vld [tilespmem:$0x1FF40];
	_ =	sdelay $0x1  }
0xff: {  	v15 =	vld [tilespmem:$0x1FF50]  }
0x100: {  	v8 =	vshll.u32 v4, $0x4  }
0x101: {  	v16 =	vld [tilespmem:$0x1FF60];
	v9 =	vadd.s32 v13, v8  }
0x102: {  	v10 =	vadd.s32 v14, v8  }
0x103: {  	v17 =	vld [tilespmem:$0x1FF70]  }
0x104: {  	v18 =	vld [tilespmem:$0x1FF80];
	v11 =	vadd.s32 v15, v8  }
0x105: {  	v19 =	vld [tilespmem:$0x1FF90]  }
0x106: {  	v12 =	vadd.s32 v16, v8;
	v9 =	vld.idx.msk [tilespmem:v9+s2+$0x0], $0xffff  }
0x107: {  	v10 =	vld.idx.msk [tilespmem:v10+s2+$0x0], $0xffff  }
0x108: {  	v21 =	vld [tilespmem:$0x1FFA0];
	v13 =	vadd.s32 v17, v8  }
0x109: {  	v14 =	vadd.s32 v18, v8;
	v11 =	vld.idx.msk [tilespmem:v11+s2+$0x0], $0xffff  }
0x10a: {  	v22 =	vld [tilespmem:$0x1FFB0]  }
0x10b: {  	v12 =	vld.idx.msk [tilespmem:v12+s2+$0x0], $0xffff  }
0x10c: {  	v23 =	vld [tilespmem:$0x1FFC0];
	v15 =	vadd.s32 v19, v8;
	vm7 =	vgt.f32 v10, v9  }
0x10d: {  	v13 =	vld.idx.msk [tilespmem:v13+s2+$0x0], $0xffff;
	v20 =	vsel vm7, v10, v9  }
0x10e: {  	v17 =	vadd.s32 v21, v8;
	v14 =	vld.idx.msk [tilespmem:v14+s2+$0x0], $0xffff;
	vm10 =	vgt.f32 v11, v20  }
0x10f: {  	v16 =	vsel vm10, v11, v20;
	v20 =	vld [tilespmem:$0x1FFD0]  }
0x110: {  	v21 =	vld [tilespmem:$0x1FFE0];
	v18 =	vadd.s32 v22, v8;
	vm11 =	vgt.f32 v12, v16  }
0x111: {  	v15 =	vld.idx.msk [tilespmem:v15+s2+$0x0], $0xffff;
	v16 =	vsel vm11, v12, v16  }
0x112: {  	v19 =	vadd.s32 v23, v8;
	v22 =	vld [tilespmem:$0x1FFF0];
	vm12 =	vgt.f32 v13, v16  }
0x113: {  	v17 =	vld.idx.msk [tilespmem:v17+s2+$0x0], $0xffff;
	v16 =	vsel vm12, v13, v16  }
0x114: {  	vm13 =	vgt.f32 v14, v16;
	v20 =	vadd.s32 v20, v8  }
0x115: {  	v18 =	vld.idx.msk [tilespmem:v18+s2+$0x0], $0xffff;
	v16 =	vsel vm13, v14, v16  }
0x116: {  	v21 =	vadd.s32 v21, v8;
	vm14 =	vgt.f32 v15, v16  }
0x117: {  	v19 =	vld.idx.msk [tilespmem:v19+s2+$0x0], $0xffff;
	v16 =	vsel vm14, v15, v16  }
0x118: {  	v22 =	vadd.s32 v22, v8;
	vm15 =	vgt.f32 v17, v16  }
0x119: {  	v16 =	vsel vm15, v17, v16;
	v20 =	vld.idx.msk [tilespmem:v20+s2+$0x0], $0xffff  }
0x11a: {  	v23 =	vadd.s32 v26, v8;
	vm6 =	vgt.f32 v18, v16  }
0x11b: {  	v21 =	vld.idx.msk [tilespmem:v21+s2+$0x0], $0xffff;
	v16 =	vsel vm6, v18, v16  }
0x11c: {  	v24 =	vadd.s32 v27, v8;
	vm8 =	vgt.f32 v19, v16  }
0x11d: {  	v22 =	vld.idx.msk [tilespmem:v22+s2+$0x0], $0xffff;
	v16 =	vsel vm8, v19, v16  }
0x11e: {  	v8 =	vadd.s32 v28, v8;
	vm9 =	vgt.f32 v20, v16  }
0x11f: {  	v23 =	vld.idx.msk [tilespmem:v23+s2+$0x0], $0xffff;
	v16 =	vsel vm9, v20, v16  }
0x120: {  	vm5 =	vgt.f32 v21, v16  }
0x121: {  	v24 =	vld.idx.msk [tilespmem:v24+s2+$0x0], $0xffff;
	v16 =	vsel vm5, v21, v16  }
0x122: {  	vm4 =	vgt.f32 v22, v16  }
0x123: {  	v8 =	vld.idx.msk [tilespmem:v8+s2+$0x0], $0xffff;
	v16 =	vsel vm4, v22, v16  }
0x124: {  	vm0 =	vgt.f32 v23, v16  }
0x125: {  	v25 =	vimm.s32 $0x0;
	v16 =	vsel vm0, v23, v16  }
0x126: {  	v25 =	vsel vm0, $0xFFFFFFFF, v25;
	vm0 =	vgt.f32 v24, v16  }
0x127: {  	[tilespmem:$0x1FD00] =	vst v25;
	v25 =	vimm.s32 $0x0;
	v16 =	vsel vm0, v24, v16  }
0x128: {  	v25 =	vsel vm0, $0xFFFFFFFF, v25;
	vm0 =	vgt.f32 v8, v16  }
0x129: {  	v16 =	vsel vm0, v8, v16  }
0x12a: {  	v9 =	vsub.f32 v9, v16;
	_ =	sdelay $0x1  }
0x12b: {  	v10 =	vsub.f32 v10, v16;
	v9 =	vmul.f32 $1.442695020e+00, v9;
	_ =	sdelay $0x1  }
0x12c: {  	(erf) = vpow2.f32 v9;
	v9 =	vmul.f32 $1.442695020e+00, v10;
	v10 =	vsub.f32 v11, v16;
	_ =	sdelay $0x1  }
0x12d: {  	v12 =	vsub.f32 v12, v16;
	(erf) = vpow2.f32 v9;
	v9 =	vmul.f32 $1.442695020e+00, v10;
	_ =	sdelay $0x1  }
0x12e: {  	v13 =	vsub.f32 v13, v16;
	v12 =	vmul.f32 $1.442695020e+00, v12;
	(erf) = vpow2.f32 v9;
	_ =	sdelay $0x1  }
0x12f: {  	(erf) = vpow2.f32 v12;
	v12 =	vmul.f32 $1.442695020e+00, v13;
	v13 =	vsub.f32 v14, v16;
	_ =	sdelay $0x1  }
0x130: {  	v10 =	vsub.f32 v15, v16;
	(erf) = vpow2.f32 v12;
	v9 =	vmul.f32 $1.442695020e+00, v13  }
0x131: {  	v17 =	vsub.f32 v17, v16;
	v14 =	vpop (erf)  }
0x132: {  	v15 =	vmul.f32 $1.442695020e+00, v10;
	(erf) = vpow2.f32 v9;
	v11 =	vadd.f32 $0.0e+00, v14  }
0x133: {  	v18 =	vsub.f32 v18, v16;
	v12 =	vpop (erf)  }
0x134: {  	v9 =	vmul.f32 $1.442695020e+00, v17;
	(erf) = vpow2.f32 v15;
	v11 =	vadd.f32 v11, v12  }
0x135: {  	v17 =	vpop (erf)  }
0x136: {  	(erf) = vpow2.f32 v9;
	v11 =	vadd.f32 v11, v17  }
0x137: {  	v9 =	vmul.f32 $1.442695020e+00, v18;
	v18 =	vpop (erf);
	v17 =	vsub.f32 v19, v16  }
0x138: {  	v10 =	vadd.f32 v11, v18  }
0x139: {  	v20 =	vsub.f32 v20, v16;
	(erf) = vpow2.f32 v9;
	v18 =	vpop (erf);
	v19 =	vmul.f32 $1.442695020e+00, v17  }
0x13a: {  	v9 =	vadd.f32 v10, v18  }
0x13b: {  	v17 =	vpop (erf);
	(erf) = vpow2.f32 v19;
	v18 =	vmul.f32 $1.442695020e+00, v20;
	v19 =	vsub.f32 v21, v16  }
0x13c: {  	v9 =	vadd.f32 v9, v17  }
0x13d: {  	v20 =	vpop (erf);
	(erf) = vpow2.f32 v18;
	v21 =	vmul.f32 $1.442695020e+00, v19;
	v17 =	vsub.f32 v22, v16  }
0x13e: {  	v9 =	vadd.f32 v9, v20  }
0x13f: {  	v18 =	vpop (erf);
	(erf) = vpow2.f32 v21;
	v19 =	vmul.f32 $1.442695020e+00, v17;
	v20 =	vsub.f32 v23, v16  }
0x140: {  	v23 =	vsub.f32 v24, v16  }
0x141: {  	v9 =	vadd.f32 v9, v18;
	(erf) = vpow2.f32 v19;
	v22 =	vmul.f32 $1.442695020e+00, v20  }
0x142: {  	v8 =	vsub.f32 v8, v16;
	v21 =	vpop (erf)  }
0x143: {  	v12 =	vmul.f32 $1.442695020e+00, v23;
	v9 =	vadd.f32 v9, v21;
	(erf) = vpow2.f32 v22  }
0x144: {  	v13 =	vpop (erf)  }
0x145: {  	v8 =	vmul.f32 $1.442695020e+00, v8;
	(erf) = vpow2.f32 v12;
	v9 =	vadd.f32 v9, v13  }
0x146: {  	v14 =	vpop (erf)  }
0x147: {  	(erf) = vpow2.f32 v8;
	v9 =	vadd.f32 v9, v14  }
0x148: {  	v15 =	vpop (erf)  }
0x149: {  	v8 =	vadd.f32 v9, v15  }
0x14a: {  	v16 =	vpop (erf)  }
0x14b: {  	v8 =	vadd.f32 v8, v16  }
0x14c: {  	v17 =	vpop (erf)  }
0x14d: {  	v8 =	vadd.f32 v8, v17  }
0x14e: {  	v11 =	vld [tilespmem:$0x40A0];
	v18 =	vpop (erf)  }
0x14f: {  	v9 =	vld [tilespmem:$0x4020];
	v8 =	vadd.f32 v8, v18  }
0x150: {  	v19 =	vpop (erf)  }
0x151: {  	v6 =	vadd.f32 $-1.000000000e+00, v6;
	v12 =	vld [tilespmem:$0x4120];
	v8 =	vadd.f32 v8, v19;
	_ =	sdelay $0x1  }
0x152: {  	v6 =	vmul.f32 v7, v6;
	v10 =	vld [tilespmem:$0x41A0];
	v20 =	vand.u32 $0x7FFFFF, v8  }
0x153: {  	vm3 =	vgt.f32 v11, v9;
	v7 =	vor.u32 $0x3F800000, v20  }
0x154: {  	v14 =	vld [tilespmem:$0x4220];
	v16 =	vmul.f32 v6, v6;
	v21 =	vsel vm3, v11, v9;
	v22 =	vadd.f32 $1.000000000e+00, v7  }
0x155: {  	vm2 =	vgt.f32 v12, v21  }
0x156: {  	v17 =	vld [tilespmem:$0x42A0];
	v23 =	vmul.f32 $1.428571490e-01, v16;
	v13 =	vsel vm2, v12, v21;
	(erf) = vrcp.f32 v22  }
0x157: {  	vm1 =	vgt.f32 v10, v13  }
0x158: {  	[tilespmem:$0x1FD10] =	vst v25;
	v25 =	vimm.s32 $0x0;
	v18 =	vld [tilespmem:$0x4320];
	v15 =	vadd.f32 $2.000000030e-01, v23;
	v13 =	vsel vm1, v10, v13  }
0x159: {  	v5 =	vshra.s32 v5, $0x17;
	v25 =	vsel vm0, $0xFFFFFFFF, v25;
	vm0 =	vgt.f32 v14, v13  }
0x15a: {  	v5 =	vadd.s32 $0xFFFFFF81, v5;
	v19 =	vld [tilespmem:$0x43A0];
	v15 =	vmul.f32 v15, v16;
	v13 =	vsel vm0, v14, v13  }
0x15b: {  	v5 =	vcvt.s32.f32 v5;
	v20 =	vsel vm7, $0x1, v2;
	vm7 =	vgt.f32 v17, v13  }
0x15c: {  	v6 =	vadd.f32 v6, v6;
	v15 =	vadd.f32 $3.333333430e-01, v15;
	v13 =	vsel vm7, v17, v13  }
0x15d: {  	v20 =	vsel vm10, $0x2, v20;
	v7 =	vadd.f32 $-1.000000000e+00, v7;
	vm10 =	vgt.f32 v18, v13  }
0x15e: {  	v15 =	vmul.f32 v15, v16;
	v20 =	vsel vm11, $0x3, v20;
	v13 =	vsel vm10, v18, v13  }
0x15f: {  	v8 =	vshra.s32 v8, $0x17;
	v20 =	vsel vm12, $0x4, v20;
	vm11 =	vgt.f32 v19, v13;
	v16 =	vpop (erf)  }
0x160: {  	v15 =	vadd.f32 $1.000000000e+00, v15;
	v13 =	vsel vm11, v19, v13;
	v7 =	vmul.f32 v16, v7  }
0x161: {  	v8 =	vadd.s32 $0xFFFFFF81, v8;
	v20 =	vsel vm13, $0x5, v20;
	v9 =	vsub.f32 v9, v13  }
0x162: {  	v20 =	vsel vm14, $0x6, v20;
	v6 =	vmul.f32 v15, v6;
	v16 =	vmul.f32 v7, v7  }
0x163: {  	v20 =	vsel vm15, $0x7, v20;
	v11 =	vsub.f32 v11, v13;
	v9 =	vmul.f32 $1.442695020e+00, v9  }
0x164: {  	v23 =	vld [tilespmem:$0x1FF20];
	v15 =	vsel vm6, $0x8, v20;
	v12 =	vsub.f32 v12, v13;
	v20 =	vmul.f32 $1.428571490e-01, v16  }
0x165: {  	v21 =	vsel vm8, $0x9, v15;
	v11 =	vmul.f32 $1.442695020e+00, v11;
	(erf) = vpow2.f32 v9  }
0x166: {  	v10 =	vsub.f32 v10, v13;
	v22 =	vmul.f32 $1.442695020e+00, v12;
	v20 =	vadd.f32 $2.000000030e-01, v20  }
0x167: {  	v9 =	vsel vm9, $0xA, v21;
	v21 =	vsub.f32 v14, v13;
	(erf) = vpow2.f32 v11  }
0x168: {  	v15 =	vshll.u32 v4, $0x7;
	v10 =	vmul.f32 $1.442695020e+00, v10;
	v20 =	vmul.f32 v20, v16  }
0x169: {  	v12 =	vadd.s32 v23, v15;
	(erf) = vpow2.f32 v22;
	v23 =	vmul.f32 $1.442695020e+00, v21  }
0x16a: {  	(erf) = vpow2.f32 v10;
	v22 =	vadd.f32 $3.333333430e-01, v20;
	v20 =	vsub.f32 v17, v13  }
0x16b: {  	v8 =	vcvt.s32.f32 v8;
	(erf) = vpow2.f32 v23;
	v23 =	vsub.f32 v18, v13  }
0x16c: {  	v18 =	vsub.f32 v19, v13;
	v19 =	vld [tilespmem:$0x1FD00];
	v14 =	vmul.f32 v22, v16;
	v22 =	vmul.f32 $1.442695020e+00, v20  }
0x16d: {  	v5 =	vmul.f32 $6.931471820e-01, v5;
	v8 =	vmul.f32 $6.931471820e-01, v8;
	v9 =	vsel vm5, $0xB, v9;
	v11 =	vld [tilespmem:$0x4410]  }
0x16e: {  	[tilespmem:$0x1FD20] =	vst v25;
	v7 =	vadd.f32 v7, v7;
	v21 =	vpop (erf);
	v14 =	vadd.f32 $1.000000000e+00, v14;
	(erf) = vpow2.f32 v22;
	v22 =	vld [tilespmem:$0x1FD10]  }
0x16f: {  	v15 =	vadd.f32 $0.0e+00, v21;
	v21 =	vmul.f32 $1.442695020e+00, v18;
	v18 =	vld [tilespmem:$0x1FD20];
	v17 =	vmul.f32 $1.442695020e+00, v23  }
0x170: {  	v5 =	vadd.f32 v6, v5;
	v9 =	vsel vm4, $0xC, v9;
	v20 =	vpop (erf);
	v7 =	vmul.f32 v14, v7;
	v14 =	vld [tilespmem:$0x5020]  }
0x171: {  	v10 =	vld [tilespmem:$0x1FD30];
	vm8 =	vnez.u8 v19;
	v13 =	vadd.f32 v15, v20;
	(erf) = vpow2.f32 v17  }
0x172: {  	v5 =	vsub.f32 $0.0e+00, v5;
	v12 =	vld.idx.msk [tilespmem:v12+s17+$0x0], $0xffff;
	v9 =	vsel vm8, $0xD, v9;
	v23 =	vpop (erf);
	(erf) = vpow2.f32 v21  }
0x173: {  	v7 =	vadd.f32 v7, v8;
	v8 =	vadd.f32 v13, v23;
	vm9 =	vnez.u8 v22  }
0x174: {  	[tilespmem:$0x5290] =	vst v4;
	vm12 =	vnez.u8 v18;
	v19 =	vpop (erf);
	v9 =	vsel vm9, $0xE, v9  }
0x175: {  	[tilespmem:$0x5390] =	vst v5;
	v20 =	vadd.f32 v8, v19;
	v9 =	vsel vm12, $0xF, v9;
	v21 =	vshll.u32 v14, $0x7  }
0x176: {  	[tilespmem:$0x5310] =	vst v11;
	vm13 =	vnez.u8 v10;
	v22 =	vpop (erf);
	v8 =	vadd.s32 v29, v21  }
0x177: {  	[tilespmem:$0x5190] =	vst v12;
	v3 =	vsel vm13, $0x0, v3;
	v23 =	vadd.f32 v20, v22  }
0x178: {  	v7 =	vsub.f32 $0.0e+00, v7;
	[tilespmem:$0x5110] =	vst v9;
	v9 =	vpop (erf)  }
0x179: {  	[tilespmem:$0x5410] =	vst v3;
	v4 =	vadd.f32 v23, v9  }
0x17a: {  	[tilespmem:$0x5210] =	vst v7;
	v3 =	vpop (erf)  }
0x17b: {  	v3 =	vadd.f32 v4, v3;
	v11 =	vld.idx.msk [tilespmem:v8+s17+$0x0], $0xffff  }
0x17c: {  	v12 =	vpop (erf)  }
0x17d: {  	v5 =	vadd.f32 v3, v12;
	_ =	sdelay $0x1  }
0x17e: {  	v3 =	vand.u32 $0x7FFFFF, v5  }
0x17f: {  	v6 =	vor.u32 $0x3F800000, v3;
	v3 =	vsub.f32 $0.0e+00, v11  }
0x180: {  	v13 =	vadd.f32 $1.000000000e+00, v6  }
0x181: {  	v3 =	vmul.f32 $1.442695020e+00, v3  }
0x182: {  	(erf) = vrcp.f32 v13  }
0x183: {  	(erf) = vpow2.f32 v3;
	_ =	sdelay $0x7  }
0x184: {  	v7 =	vpop (erf)  }
0x185: {  	v3 =	vpop (erf)  }
0x186: {  	v3 =	vadd.f32 $1.000000000e+00, v3;
	_ =	sdelay $0x1  }
0x187: {  	(erf) = vrcp.f32 v3;
	_ =	sdelay $0x2  }
0x188: {  	v3 =	vsel vm3, $0x1, v2  }
0x189: {  	v3 =	vsel vm2, $0x2, v3  }
0x18a: {  	v15 =	vld [tilespmem:$0x50A0];
	v3 =	vsel vm1, $0x3, v3  }
0x18b: {  	v3 =	vsel vm0, $0x4, v3;
	_ =	sdelay $0x2  }
0x18c: {  	v17 =	vimm.s32 $0x0;
	v16 =	vsel vm7, $0x5, v3;
	v3 =	vpop (erf)  }
0x18d: {  	vm15 =	vgt.s32 v15, $0x0;
	v8 =	vsel vm10, $0x6, v16;
	vm14 =	vgt.f32 v3, $5.000000000e-01  }
0x18e: {  	v4 =	vsel vm15, $0xFFFFFFFF, v17;
	v18 =	vsel vm11, $0x7, v8;
	vm0 =	vmor vm15, vm14  }
0x18f: {  	[tilespmem:$0x1FD80] =	vst v4;
	v4 =	vsel vm0, v18, v14  }
0x190: {  	v8 =	vshll.u32 v4, $0x4  }
0x191: {  	v19 =	vadd.s32 v31, v8  }
0x192: {  	v20 =	vadd.s32 v32, v8;
	_ =	sdelay $0x1  }
0x193: {  	v21 =	vadd.s32 v33, v8;
	_ =	sdelay $0x1  }
0x194: {  	v22 =	vadd.s32 v34, v8;
	v9 =	vld.idx.msk [tilespmem:v19+s2+$0x0], $0xffff  }
0x195: {  	v10 =	vld.idx.msk [tilespmem:v20+s2+$0x0], $0xffff  }
0x196: {  	v23 =	vadd.s32 v35, v8  }
0x197: {  	v11 =	vld.idx.msk [tilespmem:v21+s2+$0x0], $0xffff  }
0x198: {  	v20 =	vadd.s32 v36, v8  }
0x199: {  	v12 =	vld.idx.msk [tilespmem:v22+s2+$0x0], $0xffff  }
0x19a: {  	v21 =	vadd.s32 v37, v8;
	vm5 =	vgt.f32 v10, v9  }
0x19b: {  	v13 =	vld.idx.msk [tilespmem:v23+s2+$0x0], $0xffff;
	v22 =	vsel vm5, v10, v9  }
0x19c: {  	v23 =	vadd.s32 v38, v8;
	vm7 =	vgt.f32 v11, v22  }
0x19d: {  	v14 =	vld.idx.msk [tilespmem:v20+s2+$0x0], $0xffff;
	v16 =	vsel vm7, v11, v22  }
0x19e: {  	v18 =	vadd.s32 v39, v8;
	vm11 =	vgt.f32 v12, v16  }
0x19f: {  	v15 =	vld.idx.msk [tilespmem:v21+s2+$0x0], $0xffff;
	v16 =	vsel vm11, v12, v16  }
0x1a0: {  	v19 =	vadd.s32 v40, v8;
	vm12 =	vgt.f32 v13, v16  }
0x1a1: {  	v17 =	vld.idx.msk [tilespmem:v23+s2+$0x0], $0xffff;
	v16 =	vsel vm12, v13, v16  }
0x1a2: {  	v20 =	vadd.s32 v41, v8;
	vm13 =	vgt.f32 v14, v16  }
0x1a3: {  	v18 =	vld.idx.msk [tilespmem:v18+s2+$0x0], $0xffff;
	v16 =	vsel vm13, v14, v16  }
0x1a4: {  	v21 =	vadd.s32 v42, v8;
	vm14 =	vgt.f32 v15, v16  }
0x1a5: {  	v19 =	vld.idx.msk [tilespmem:v19+s2+$0x0], $0xffff;
	v16 =	vsel vm14, v15, v16  }
0x1a6: {  	v22 =	vadd.s32 v43, v8;
	vm15 =	vgt.f32 v17, v16  }
0x1a7: {  	v20 =	vld.idx.msk [tilespmem:v20+s2+$0x0], $0xffff;
	v16 =	vsel vm15, v17, v16  }
0x1a8: {  	v23 =	vadd.s32 v44, v8;
	vm8 =	vgt.f32 v18, v16  }
0x1a9: {  	v21 =	vld.idx.msk [tilespmem:v21+s2+$0x0], $0xffff;
	v16 =	vsel vm8, v18, v16  }
0x1aa: {  	vm9 =	vgt.f32 v19, v16  }
0x1ab: {  	v24 =	vadd.s32 v45, v8;
	v22 =	vld.idx.msk [tilespmem:v22+s2+$0x0], $0xffff;
	v16 =	vsel vm9, v19, v16  }
0x1ac: {  	vm10 =	vgt.f32 v20, v16  }
0x1ad: {  	v8 =	vadd.s32 v46, v8;
	v23 =	vld.idx.msk [tilespmem:v23+s2+$0x0], $0xffff;
	v16 =	vsel vm10, v20, v16  }
0x1ae: {  	vm6 =	vgt.f32 v21, v16  }
0x1af: {  	v16 =	vsel vm6, v21, v16  }
0x1b0: {  	v25 =	vimm.s32 $0x0;
	v24 =	vld.idx.msk [tilespmem:v24+s2+$0x0], $0xffff;
	vm4 =	vgt.f32 v22, v16  }
0x1b1: {  	v25 =	vsel vm4, $0xFFFFFFFF, v25;
	v16 =	vsel vm4, v22, v16  }
0x1b2: {  	[tilespmem:$0x1FD40] =	vst v25;
	v25 =	vld.idx.msk [tilespmem:v8+s2+$0x0], $0xffff;
	vm0 =	vgt.f32 v23, v16;
	v8 =	vimm.s32 $0x0  }
0x1b3: {  	v8 =	vsel vm0, $0xFFFFFFFF, v8  }
0x1b4: {  	[tilespmem:$0x1FD50] =	vst v8;
	v8 =	vsel vm0, v23, v16  }
0x1b5: {  	v16 =	vimm.s32 $0x0;
	vm0 =	vgt.f32 v24, v8  }
0x1b6: {  	v16 =	vsel vm0, $0xFFFFFFFF, v16;
	v8 =	vsel vm0, v24, v8  }
0x1b7: {  	[tilespmem:$0x1FD60] =	vst v16;
	vm0 =	vgt.f32 v25, v8;
	v16 =	vimm.s32 $0x0  }
0x1b8: {  	v16 =	vsel vm0, $0xFFFFFFFF, v16  }
0x1b9: {  	[tilespmem:$0x1FD70] =	vst v16;
	v16 =	vsel vm0, v25, v8  }
0x1ba: {  	v8 =	vsub.f32 v9, v16;
	_ =	sdelay $0x1  }
0x1bb: {  	v9 =	vsub.f32 v10, v16;
	v8 =	vmul.f32 $1.442695020e+00, v8;
	_ =	sdelay $0x1  }
0x1bc: {  	(erf) = vpow2.f32 v8;
	v8 =	vmul.f32 $1.442695020e+00, v9;
	v9 =	vsub.f32 v11, v16;
	_ =	sdelay $0x1  }
0x1bd: {  	v12 =	vsub.f32 v12, v16;
	(erf) = vpow2.f32 v8;
	v8 =	vmul.f32 $1.442695020e+00, v9;
	_ =	sdelay $0x1  }
0x1be: {  	v13 =	vsub.f32 v13, v16;
	(erf) = vpow2.f32 v8;
	v8 =	vmul.f32 $1.442695020e+00, v12;
	_ =	sdelay $0x1  }
0x1bf: {  	v10 =	vmul.f32 $1.442695020e+00, v13;
	v12 =	vsub.f32 v14, v16;
	(erf) = vpow2.f32 v8  }
0x1c0: {  	v13 =	vsub.f32 v15, v16  }
0x1c1: {  	v18 =	vsub.f32 v18, v16;
	v14 =	vmul.f32 $1.442695020e+00, v12;
	(erf) = vpow2.f32 v10  }
0x1c2: {  	v15 =	vsub.f32 v17, v16;
	v17 =	vmul.f32 $1.442695020e+00, v13;
	v9 =	vsub.f32 v19, v16;
	v19 =	vpop (erf)  }
0x1c3: {  	(erf) = vpow2.f32 v14;
	v12 =	vadd.f32 $0.0e+00, v19  }
0x1c4: {  	(erf) = vpow2.f32 v17;
	v17 =	vmul.f32 $1.442695020e+00, v18;
	v18 =	vsub.f32 v20, v16;
	v20 =	vpop (erf)  }
0x1c5: {  	v8 =	vmul.f32 $1.442695020e+00, v15;
	v19 =	vmul.f32 $1.442695020e+00, v9;
	v9 =	vadd.f32 v12, v20  }
0x1c6: {  	v14 =	vpop (erf)  }
0x1c7: {  	(erf) = vpow2.f32 v8;
	v8 =	vadd.f32 v9, v14  }
0x1c8: {  	(erf) = vpow2.f32 v17;
	v13 =	vmul.f32 $1.442695020e+00, v18;
	v15 =	vpop (erf)  }
0x1c9: {  	(erf) = vpow2.f32 v19;
	v8 =	vadd.f32 v8, v15  }
0x1ca: {  	(erf) = vpow2.f32 v13;
	v17 =	vpop (erf)  }
0x1cb: {  	v20 =	vsub.f32 v21, v16;
	v8 =	vadd.f32 v8, v17  }
0x1cc: {  	v18 =	vshll.u32 v4, $0x7;
	v19 =	vpop (erf)  }
0x1cd: {  	v21 =	vsub.f32 v22, v16;
	v13 =	vmul.f32 $1.442695020e+00, v20;
	v14 =	vadd.f32 v8, v19  }
0x1ce: {  	v11 =	vadd.s32 v30, v18;
	v18 =	vsub.f32 v23, v16;
	v10 =	vpop (erf)  }
0x1cf: {  	v22 =	vmul.f32 $1.442695020e+00, v21;
	(erf) = vpow2.f32 v13;
	v10 =	vadd.f32 v14, v10  }
0x1d0: {  	v20 =	vsub.f32 v24, v16;
	v12 =	vpop (erf)  }
0x1d1: {  	v15 =	vpop (erf);
	(erf) = vpow2.f32 v22;
	v19 =	vmul.f32 $1.442695020e+00, v18;
	v10 =	vadd.f32 v10, v12  }
0x1d2: {  	v21 =	vmul.f32 $1.442695020e+00, v20;
	v17 =	vpop (erf)  }
0x1d3: {  	v9 =	vld.idx.msk [tilespmem:v11+s17+$0x0], $0xffff;
	v22 =	vsub.f32 v25, v16;
	v11 =	vpop (erf);
	(erf) = vpow2.f32 v19;
	v10 =	vadd.f32 v10, v15;
	_ =	sdelay $0x1  }
0x1d4: {  	v23 =	vmul.f32 $1.442695020e+00, v22;
	(erf) = vpow2.f32 v21;
	v10 =	vadd.f32 v10, v17;
	_ =	sdelay $0x1  }
0x1d5: {  	(erf) = vpow2.f32 v23;
	v10 =	vadd.f32 v10, v11  }
0x1d6: {  	v16 =	vpop (erf)  }
0x1d7: {  	v10 =	vadd.f32 v10, v16  }
0x1d8: {  	v17 =	vpop (erf)  }
0x1d9: {  	v10 =	vadd.f32 v10, v17  }
0x1da: {  	v18 =	vpop (erf)  }
0x1db: {  	v10 =	vadd.f32 v10, v18  }
0x1dc: {  	v13 =	vld [tilespmem:$0x40B0];
	v19 =	vpop (erf)  }
0x1dd: {  	v11 =	vld [tilespmem:$0x4030];
	v10 =	vadd.f32 v10, v19  }
0x1de: {  	v20 =	vpop (erf)  }
0x1df: {  	v14 =	vld [tilespmem:$0x4130];
	v10 =	vadd.f32 v10, v20;
	_ =	sdelay $0x1  }
0x1e0: {  	v12 =	vld [tilespmem:$0x41B0];
	v21 =	vand.u32 $0x7FFFFF, v10  }
0x1e1: {  	v6 =	vadd.f32 $-1.000000000e+00, v6;
	vm4 =	vgt.f32 v13, v11;
	v15 =	vor.u32 $0x3F800000, v21  }
0x1e2: {  	v17 =	vld [tilespmem:$0x4230];
	v22 =	vsel vm4, v13, v11;
	v23 =	vadd.f32 $1.000000000e+00, v15  }
0x1e3: {  	v6 =	vmul.f32 v7, v6;
	vm3 =	vgt.f32 v14, v22  }
0x1e4: {  	v16 =	vld [tilespmem:$0x42B0];
	v21 =	vsel vm3, v14, v22;
	(erf) = vrcp.f32 v23  }
0x1e5: {  	v18 =	vmul.f32 v6, v6;
	vm2 =	vgt.f32 v12, v21  }
0x1e6: {  	v19 =	vld [tilespmem:$0x4330];
	v7 =	vsel vm2, v12, v21  }
0x1e7: {  	v20 =	vmul.f32 $1.428571490e-01, v18;
	vm1 =	vgt.f32 v17, v7  }
0x1e8: {  	v21 =	vld [tilespmem:$0x43B0];
	v7 =	vsel vm1, v17, v7  }
0x1e9: {  	v20 =	vadd.f32 $2.000000030e-01, v20;
	vm0 =	vgt.f32 v16, v7  }
0x1ea: {  	v22 =	vsel vm5, $0x1, v2;
	v7 =	vsel vm0, v16, v7  }
0x1eb: {  	v22 =	vsel vm7, $0x2, v22;
	v20 =	vmul.f32 v20, v18;
	vm5 =	vgt.f32 v19, v7  }
0x1ec: {  	v15 =	vadd.f32 $-1.000000000e+00, v15;
	v22 =	vsel vm11, $0x3, v22;
	v7 =	vsel vm5, v19, v7  }
0x1ed: {  	v22 =	vsel vm12, $0x4, v22;
	vm7 =	vgt.f32 v21, v7;
	v23 =	vpop (erf)  }
0x1ee: {  	v20 =	vadd.f32 $3.333333430e-01, v20;
	v7 =	vsel vm7, v21, v7;
	v15 =	vmul.f32 v23, v15  }
0x1ef: {  	v22 =	vsel vm13, $0x5, v22;
	v11 =	vsub.f32 v11, v7  }
0x1f0: {  	v22 =	vsel vm14, $0x6, v22;
	v18 =	vmul.f32 v20, v18;
	v20 =	vmul.f32 v15, v15  }
0x1f1: {  	v22 =	vsel vm15, $0x7, v22;
	v13 =	vsub.f32 v13, v7;
	v11 =	vmul.f32 $1.442695020e+00, v11  }
0x1f2: {  	v22 =	vsel vm8, $0x8, v22;
	v14 =	vsub.f32 v14, v7;
	v23 =	vmul.f32 $1.428571490e-01, v20  }
0x1f3: {  	v22 =	vsel vm9, $0x9, v22;
	v13 =	vmul.f32 $1.442695020e+00, v13;
	(erf) = vpow2.f32 v11  }
0x1f4: {  	v11 =	vsel vm10, $0xA, v22;
	v22 =	vadd.f32 $2.000000030e-01, v23;
	v23 =	vmul.f32 $1.442695020e+00, v14  }
0x1f5: {  	(erf) = vpow2.f32 v13  }
0x1f6: {  	(erf) = vpow2.f32 v23;
	v23 =	vld [tilespmem:$0x1FD40];
	_ =	sdelay $0x1  }
0x1f7: {  	v12 =	vsub.f32 v12, v7;
	v14 =	vmul.f32 v22, v20  }
0x1f8: {  	v22 =	vsub.f32 v17, v7  }
0x1f9: {  	v12 =	vmul.f32 $1.442695020e+00, v12;
	v14 =	vadd.f32 $3.333333430e-01, v14  }
0x1fa: {  	v22 =	vmul.f32 $1.442695020e+00, v22;
	vm12 =	vnez.u8 v23;
	v23 =	vsub.f32 v16, v7  }
0x1fb: {  	v15 =	vadd.f32 v15, v15;
	(erf) = vpow2.f32 v12;
	v14 =	vmul.f32 v14, v20;
	v20 =	vpop (erf)  }
0x1fc: {  	(erf) = vpow2.f32 v22;
	v16 =	vadd.f32 $0.0e+00, v20;
	v22 =	vmul.f32 $1.442695020e+00, v23  }
0x1fd: {  	v10 =	vshra.s32 v10, $0x17;
	v14 =	vadd.f32 $1.000000000e+00, v14;
	v23 =	vsub.f32 v19, v7;
	v19 =	vld [tilespmem:$0x1FD50]  }
0x1fe: {  	v10 =	vadd.s32 $0xFFFFFF81, v10;
	v7 =	vsub.f32 v21, v7;
	v21 =	vpop (erf);
	(erf) = vpow2.f32 v22;
	v22 =	vld [tilespmem:$0x1FD60]  }
0x1ff: {  	v10 =	vcvt.s32.f32 v10;
	v20 =	vmul.f32 v14, v15;
	v14 =	vadd.f32 v16, v21;
	v16 =	vld [tilespmem:$0x1FD70]  }
0x200: {  	v6 =	vadd.f32 v6, v6;
	v18 =	vadd.f32 $1.000000000e+00, v18  }
0x201: {  	v10 =	vmul.f32 $6.931471820e-01, v10;
	v11 =	vsel vm6, $0xB, v11  }
0x202: {  	v6 =	vmul.f32 v18, v6;
	v11 =	vsel vm12, $0xC, v11;
	vm13 =	vnez.u8 v19  }
0x203: {  	v18 =	vmul.f32 $1.442695020e+00, v23;
	v11 =	vsel vm13, $0xD, v11;
	vm14 =	vnez.u8 v22  }
0x204: {  	v7 =	vmul.f32 $1.442695020e+00, v7;
	vm15 =	vnez.u8 v16;
	v11 =	vsel vm14, $0xE, v11  }
0x205: {  	(erf) = vpow2.f32 v18;
	v11 =	vsel vm15, $0xF, v11  }
0x206: {  	v5 =	vshra.s32 v5, $0x17;
	v8 =	vld [tilespmem:$0x4420];
	v10 =	vadd.f32 v20, v10;
	v23 =	vpop (erf);
	(erf) = vpow2.f32 v7;
	[tilespmem:$0x5120] =	vst v11  }
0x207: {  	v5 =	vadd.s32 $0xFFFFFF81, v5;
	v15 =	vld [tilespmem:$0x5030];
	v18 =	vpop (erf)  }
0x208: {  	v5 =	vcvt.s32.f32 v5;
	v17 =	vsub.f32 $0.0e+00, v10;
	v10 =	vld [tilespmem:$0x1FD80];
	_ =	sdelay $0x1  }
0x209: {  	v5 =	vmul.f32 $6.931471820e-01, v5;
	v12 =	vadd.f32 v14, v23;
	_ =	sdelay $0x1  }
0x20a: {  	v5 =	vadd.f32 v6, v5;
	v20 =	vshll.u32 v15, $0x7;
	[tilespmem:$0x51A0] =	vst v9;
	v19 =	vadd.f32 v12, v18  }
0x20b: {  	[tilespmem:$0x5220] =	vst v17;
	v9 =	vadd.s32 v47, v20;
	v21 =	vpop (erf);
	vm9 =	vnez.u8 v10  }
0x20c: {  	v5 =	vsub.f32 $0.0e+00, v5;
	[tilespmem:$0x52A0] =	vst v4;
	v22 =	vadd.f32 v19, v21;
	v3 =	vsel vm9, $0x0, v3  }
0x20d: {  	[tilespmem:$0x5320] =	vst v8;
	v23 =	vpop (erf)  }
0x20e: {  	[tilespmem:$0x53A0] =	vst v5;
	v4 =	vadd.f32 v22, v23  }
0x20f: {  	[tilespmem:$0x5420] =	vst v3;
	v3 =	vpop (erf)  }
0x210: {  	v11 =	vld.idx.msk [tilespmem:v9+s17+$0x0], $0xffff;
	v3 =	vadd.f32 v4, v3  }
0x211: {  	v12 =	vpop (erf)  }
0x212: {  	v5 =	vadd.f32 v3, v12;
	_ =	sdelay $0x1  }
0x213: {  	v3 =	vand.u32 $0x7FFFFF, v5  }
0x214: {  	v6 =	vor.u32 $0x3F800000, v3;
	v3 =	vsub.f32 $0.0e+00, v11  }
0x215: {  	v13 =	vadd.f32 $1.000000000e+00, v6  }
0x216: {  	v3 =	vmul.f32 $1.442695020e+00, v3  }
0x217: {  	(erf) = vrcp.f32 v13  }
0x218: {  	(erf) = vpow2.f32 v3;
	_ =	sdelay $0x7  }
0x219: {  	v7 =	vpop (erf)  }
0x21a: {  	v3 =	vpop (erf)  }
0x21b: {  	v3 =	vadd.f32 $1.000000000e+00, v3;
	_ =	sdelay $0x1  }
0x21c: {  	(erf) = vrcp.f32 v3;
	_ =	sdelay $0x2  }
0x21d: {  	v3 =	vsel vm4, $0x1, v2  }
0x21e: {  	v3 =	vsel vm3, $0x2, v3  }
0x21f: {  	v14 =	vld [tilespmem:$0x50B0];
	v3 =	vsel vm2, $0x3, v3  }
0x220: {  	v3 =	vsel vm1, $0x4, v3;
	_ =	sdelay $0x2  }
0x221: {  	v17 =	vimm.s32 $0x0;
	v16 =	vsel vm0, $0x5, v3;
	v3 =	vpop (erf)  }
0x222: {  	vm11 =	vgt.s32 v14, $0x0;
	v8 =	vsel vm5, $0x6, v16;
	vm10 =	vgt.f32 v3, $5.000000000e-01  }
0x223: {  	v4 =	vsel vm11, $0xFFFFFFFF, v17;
	v18 =	vsel vm7, $0x7, v8;
	vm0 =	vmor vm11, vm10  }
0x224: {  	[tilespmem:$0x1FDC0] =	vst v4;
	v4 =	vsel vm0, v18, v15  }
0x225: {  	v8 =	vshll.u32 v4, $0x4  }
0x226: {  	v19 =	vadd.s32 v49, v8  }
0x227: {  	v20 =	vadd.s32 v50, v8;
	_ =	sdelay $0x1  }
0x228: {  	v21 =	vadd.s32 v51, v8;
	_ =	sdelay $0x1  }
0x229: {  	v22 =	vadd.s32 v52, v8;
	v9 =	vld.idx.msk [tilespmem:v19+s2+$0x0], $0xffff  }
0x22a: {  	v10 =	vld.idx.msk [tilespmem:v20+s2+$0x0], $0xffff  }
0x22b: {  	v23 =	vadd.s32 v53, v8  }
0x22c: {  	v11 =	vld.idx.msk [tilespmem:v21+s2+$0x0], $0xffff  }
0x22d: {  	v20 =	vadd.s32 v54, v8  }
0x22e: {  	v12 =	vld.idx.msk [tilespmem:v22+s2+$0x0], $0xffff  }
0x22f: {  	v21 =	vadd.s32 v55, v8;
	vm7 =	vgt.f32 v10, v9  }
0x230: {  	v13 =	vld.idx.msk [tilespmem:v23+s2+$0x0], $0xffff;
	v22 =	vsel vm7, v10, v9  }
0x231: {  	v23 =	vadd.s32 v56, v8;
	vm10 =	vgt.f32 v11, v22  }
0x232: {  	v14 =	vld.idx.msk [tilespmem:v20+s2+$0x0], $0xffff;
	v16 =	vsel vm10, v11, v22  }
0x233: {  	v18 =	vadd.s32 v57, v8;
	vm11 =	vgt.f32 v12, v16  }
0x234: {  	v15 =	vld.idx.msk [tilespmem:v21+s2+$0x0], $0xffff;
	v16 =	vsel vm11, v12, v16  }
0x235: {  	v19 =	vadd.s32 v58, v8;
	vm12 =	vgt.f32 v13, v16  }
0x236: {  	v17 =	vld.idx.msk [tilespmem:v23+s2+$0x0], $0xffff;
	v16 =	vsel vm12, v13, v16  }
0x237: {  	v20 =	vadd.s32 v59, v8;
	vm13 =	vgt.f32 v14, v16  }
0x238: {  	v18 =	vld.idx.msk [tilespmem:v18+s2+$0x0], $0xffff;
	v16 =	vsel vm13, v14, v16  }
0x239: {  	v21 =	vadd.s32 v60, v8;
	vm14 =	vgt.f32 v15, v16  }
0x23a: {  	v19 =	vld.idx.msk [tilespmem:v19+s2+$0x0], $0xffff;
	v16 =	vsel vm14, v15, v16  }
0x23b: {  	v22 =	vadd.s32 v61, v8;
	vm15 =	vgt.f32 v17, v16  }
0x23c: {  	v20 =	vld.idx.msk [tilespmem:v20+s2+$0x0], $0xffff;
	v16 =	vsel vm15, v17, v16  }
0x23d: {  	v23 =	vadd.s32 v62, v8;
	vm5 =	vgt.f32 v18, v16  }
0x23e: {  	v21 =	vld.idx.msk [tilespmem:v21+s2+$0x0], $0xffff;
	v16 =	vsel vm5, v18, v16  }
0x23f: {  	v24 =	vadd.s32 v63, v8;
	vm8 =	vgt.f32 v19, v16  }
0x240: {  	v25 =	vor.u32 $0x180F, v1;
	v22 =	vld.idx.msk [tilespmem:v22+s2+$0x0], $0xffff;
	v16 =	vsel vm8, v19, v16  }
0x241: {  	v8 =	vadd.s32 v25, v8;
	vm9 =	vgt.f32 v20, v16  }
0x242: {  	v23 =	vld.idx.msk [tilespmem:v23+s2+$0x0], $0xffff;
	v16 =	vsel vm9, v20, v16  }
0x243: {  	vm6 =	vgt.f32 v21, v16  }
0x244: {  	v24 =	vld.idx.msk [tilespmem:v24+s2+$0x0], $0xffff;
	v16 =	vsel vm6, v21, v16  }
0x245: {  	vm4 =	vgt.f32 v22, v16  }
0x246: {  	v8 =	vld.idx.msk [tilespmem:v8+s2+$0x0], $0xffff;
	v16 =	vsel vm4, v22, v16  }
0x247: {  	vm0 =	vgt.f32 v23, v16  }
0x248: {  	v25 =	vimm.s32 $0x0;
	v16 =	vsel vm0, v23, v16  }
0x249: {  	v25 =	vsel vm0, $0xFFFFFFFF, v25;
	vm0 =	vgt.f32 v24, v16  }
0x24a: {  	[tilespmem:$0x1FD90] =	vst v25;
	v25 =	vimm.s32 $0x0;
	v16 =	vsel vm0, v24, v16  }
0x24b: {  	v25 =	vsel vm0, $0xFFFFFFFF, v25;
	vm0 =	vgt.f32 v8, v16  }
0x24c: {  	v16 =	vsel vm0, v8, v16  }
0x24d: {  	v9 =	vsub.f32 v9, v16;
	_ =	sdelay $0x1  }
0x24e: {  	v10 =	vsub.f32 v10, v16;
	v9 =	vmul.f32 $1.442695020e+00, v9;
	_ =	sdelay $0x1  }
0x24f: {  	(erf) = vpow2.f32 v9;
	v9 =	vmul.f32 $1.442695020e+00, v10;
	v10 =	vsub.f32 v11, v16;
	_ =	sdelay $0x1  }
0x250: {  	v12 =	vsub.f32 v12, v16;
	(erf) = vpow2.f32 v9;
	v9 =	vmul.f32 $1.442695020e+00, v10;
	_ =	sdelay $0x1  }
0x251: {  	v13 =	vsub.f32 v13, v16;
	v12 =	vmul.f32 $1.442695020e+00, v12;
	(erf) = vpow2.f32 v9;
	_ =	sdelay $0x1  }
0x252: {  	(erf) = vpow2.f32 v12;
	v12 =	vmul.f32 $1.442695020e+00, v13  }
0x253: {  	v13 =	vsub.f32 v14, v16  }
0x254: {  	(erf) = vpow2.f32 v12  }
0x255: {  	v17 =	vsub.f32 v17, v16;
	v10 =	vsub.f32 v15, v16;
	v9 =	vmul.f32 $1.442695020e+00, v13;
	v14 =	vpop (erf)  }
0x256: {  	v11 =	vadd.f32 $0.0e+00, v14  }
0x257: {  	v18 =	vsub.f32 v18, v16;
	v15 =	vmul.f32 $1.442695020e+00, v10;
	(erf) = vpow2.f32 v9;
	v12 =	vpop (erf)  }
0x258: {  	v9 =	vmul.f32 $1.442695020e+00, v17;
	v11 =	vadd.f32 v11, v12  }
0x259: {  	(erf) = vpow2.f32 v15;
	v17 =	vpop (erf)  }
0x25a: {  	(erf) = vpow2.f32 v9;
	v9 =	vmul.f32 $1.442695020e+00, v18;
	v11 =	vadd.f32 v11, v17  }
0x25b: {  	v18 =	vpop (erf);
	v17 =	vsub.f32 v19, v16  }
0x25c: {  	(erf) = vpow2.f32 v9;
	v10 =	vadd.f32 v11, v18  }
0x25d: {  	v20 =	vsub.f32 v20, v16;
	v18 =	vpop (erf);
	v19 =	vmul.f32 $1.442695020e+00, v17  }
0x25e: {  	v9 =	vadd.f32 v10, v18  }
0x25f: {  	(erf) = vpow2.f32 v19;
	v18 =	vmul.f32 $1.442695020e+00, v20;
	v19 =	vsub.f32 v21, v16  }
0x260: {  	v22 =	vsub.f32 v22, v16;
	v17 =	vpop (erf)  }
0x261: {  	v9 =	vadd.f32 v9, v17;
	(erf) = vpow2.f32 v18;
	v21 =	vmul.f32 $1.442695020e+00, v19  }
0x262: {  	v20 =	vpop (erf);
	v18 =	vmul.f32 $1.442695020e+00, v22  }
0x263: {  	v19 =	vsub.f32 v23, v16;
	v9 =	vadd.f32 v9, v20;
	v17 =	vpop (erf);
	(erf) = vpow2.f32 v21  }
0x264: {  	v22 =	vsub.f32 v24, v16  }
0x265: {  	v21 =	vmul.f32 $1.442695020e+00, v19;
	v9 =	vadd.f32 v9, v17;
	v20 =	vpop (erf);
	(erf) = vpow2.f32 v18  }
0x266: {  	v8 =	vsub.f32 v8, v16  }
0x267: {  	v23 =	vmul.f32 $1.442695020e+00, v22;
	(erf) = vpow2.f32 v21;
	v9 =	vadd.f32 v9, v20  }
0x268: {  	v12 =	vpop (erf)  }
0x269: {  	v8 =	vmul.f32 $1.442695020e+00, v8;
	(erf) = vpow2.f32 v23;
	v9 =	vadd.f32 v9, v12  }
0x26a: {  	v13 =	vpop (erf)  }
0x26b: {  	(erf) = vpow2.f32 v8;
	v9 =	vadd.f32 v9, v13  }
0x26c: {  	v14 =	vpop (erf)  }
0x26d: {  	v8 =	vadd.f32 v9, v14  }
0x26e: {  	v11 =	vld [tilespmem:$0x40C0];
	v15 =	vpop (erf)  }
0x26f: {  	v9 =	vld [tilespmem:$0x4040];
	v8 =	vadd.f32 v8, v15  }
0x270: {  	v16 =	vpop (erf)  }
0x271: {  	v12 =	vld [tilespmem:$0x4140];
	v8 =	vadd.f32 v8, v16  }
0x272: {  	v17 =	vpop (erf)  }
0x273: {  	v10 =	vld [tilespmem:$0x41C0];
	v8 =	vadd.f32 v8, v17  }
0x274: {  	vm3 =	vgt.f32 v11, v9;
	v18 =	vpop (erf)  }
0x275: {  	v14 =	vld [tilespmem:$0x4240];
	v20 =	vsel vm3, v11, v9;
	v8 =	vadd.f32 v8, v18  }
0x276: {  	v6 =	vadd.f32 $-1.000000000e+00, v6;
	vm2 =	vgt.f32 v12, v20  }
0x277: {  	v17 =	vld [tilespmem:$0x42C0];
	v13 =	vsel vm2, v12, v20;
	v19 =	vand.u32 $0x7FFFFF, v8  }
0x278: {  	v6 =	vmul.f32 v7, v6;
	vm1 =	vgt.f32 v10, v13;
	v7 =	vor.u32 $0x3F800000, v19  }
0x279: {  	[tilespmem:$0x1FDA0] =	vst v25;
	v25 =	vimm.s32 $0x0;
	v18 =	vld [tilespmem:$0x4340];
	v13 =	vsel vm1, v10, v13;
	v21 =	vadd.f32 $1.000000000e+00, v7  }
0x27a: {  	v25 =	vsel vm0, $0xFFFFFFFF, v25;
	v16 =	vmul.f32 v6, v6;
	vm0 =	vgt.f32 v14, v13  }
0x27b: {  	v19 =	vld [tilespmem:$0x43C0];
	v13 =	vsel vm0, v14, v13;
	(erf) = vrcp.f32 v21  }
0x27c: {  	v22 =	vmul.f32 $1.428571490e-01, v16;
	v20 =	vsel vm7, $0x1, v2;
	vm7 =	vgt.f32 v17, v13  }
0x27d: {  	v13 =	vsel vm7, v17, v13  }
0x27e: {  	v15 =	vadd.f32 $2.000000030e-01, v22;
	v20 =	vsel vm10, $0x2, v20;
	vm10 =	vgt.f32 v18, v13  }
0x27f: {  	v13 =	vsel vm10, v18, v13  }
0x280: {  	v15 =	vmul.f32 v15, v16;
	v20 =	vsel vm11, $0x3, v20;
	vm11 =	vgt.f32 v19, v13  }
0x281: {  	v5 =	vshra.s32 v5, $0x17;
	v13 =	vsel vm11, v19, v13  }
0x282: {  	v5 =	vadd.s32 $0xFFFFFF81, v5;
	v15 =	vadd.f32 $3.333333430e-01, v15;
	v9 =	vsub.f32 v9, v13  }
0x283: {  	v5 =	vcvt.s32.f32 v5;
	v7 =	vadd.f32 $-1.000000000e+00, v7  }
0x284: {  	v20 =	vsel vm12, $0x4, v20;
	v15 =	vmul.f32 v15, v16;
	v9 =	vmul.f32 $1.442695020e+00, v9;
	v16 =	vpop (erf)  }
0x285: {  	v6 =	vadd.f32 v6, v6;
	v20 =	vsel vm13, $0x5, v20;
	v7 =	vmul.f32 v16, v7  }
0x286: {  	v20 =	vsel vm14, $0x6, v20;
	v15 =	vadd.f32 $1.000000000e+00, v15;
	(erf) = vpow2.f32 v9  }
0x287: {  	v20 =	vsel vm15, $0x7, v20;
	v11 =	vsub.f32 v11, v13;
	v16 =	vmul.f32 v7, v7  }
0x288: {  	v6 =	vmul.f32 v15, v6;
	v15 =	vsel vm5, $0x8, v20;
	v12 =	vsub.f32 v12, v13  }
0x289: {  	v23 =	vsel vm8, $0x9, v15;
	v11 =	vmul.f32 $1.442695020e+00, v11;
	v20 =	vmul.f32 $1.428571490e-01, v16  }
0x28a: {  	v10 =	vsub.f32 v10, v13;
	v21 =	vmul.f32 $1.442695020e+00, v12;
	v9 =	vsel vm9, $0xA, v23  }
0x28b: {  	v23 =	vsub.f32 v14, v13;
	(erf) = vpow2.f32 v11;
	v20 =	vadd.f32 $2.000000030e-01, v20  }
0x28c: {  	v5 =	vmul.f32 $6.931471820e-01, v5;
	v8 =	vshra.s32 v8, $0x17;
	v10 =	vmul.f32 $1.442695020e+00, v10  }
0x28d: {  	v15 =	vshll.u32 v4, $0x7;
	(erf) = vpow2.f32 v21;
	v22 =	vmul.f32 v20, v16  }
0x28e: {  	v8 =	vadd.s32 $0xFFFFFF81, v8;
	v12 =	vadd.s32 v48, v15;
	v21 =	vmul.f32 $1.442695020e+00, v23  }
0x28f: {  	(erf) = vpow2.f32 v10;
	v23 =	vpop (erf);
	v20 =	vadd.f32 $3.333333430e-01, v22;
	v22 =	vsub.f32 v17, v13  }
0x290: {  	(erf) = vpow2.f32 v21;
	v21 =	vsub.f32 v18, v13;
	v15 =	vadd.f32 $0.0e+00, v23  }
0x291: {  	v23 =	vsub.f32 v19, v13;
	v19 =	vld [tilespmem:$0x1FDA0];
	v14 =	vmul.f32 v20, v16;
	v20 =	vmul.f32 $1.442695020e+00, v22  }
0x292: {  	v8 =	vcvt.s32.f32 v8;
	v22 =	vmul.f32 $1.442695020e+00, v21;
	v16 =	vld [tilespmem:$0x1FD90]  }
0x293: {  	[tilespmem:$0x1FDB0] =	vst v25;
	v7 =	vadd.f32 v7, v7;
	v12 =	vld.idx.msk [tilespmem:v12+s17+$0x0], $0xffff;
	v14 =	vadd.f32 $1.000000000e+00, v14;
	(erf) = vpow2.f32 v20  }
0x294: {  	v17 =	vpop (erf);
	v18 =	vmul.f32 $1.442695020e+00, v23;
	(erf) = vpow2.f32 v22;
	v22 =	vld [tilespmem:$0x1FDB0]  }
0x295: {  	v8 =	vmul.f32 $6.931471820e-01, v8;
	v5 =	vadd.f32 v6, v5;
	v7 =	vmul.f32 v14, v7;
	v14 =	vld [tilespmem:$0x5040]  }
0x296: {  	v9 =	vsel vm6, $0xB, v9;
	v13 =	vadd.f32 v15, v17;
	v20 =	vpop (erf);
	(erf) = vpow2.f32 v18;
	v18 =	vld [tilespmem:$0x1FDC0]  }
0x297: {  	v9 =	vsel vm4, $0xC, v9;
	v21 =	vld [tilespmem:$0x4430];
	vm13 =	vnez.u8 v19;
	vm12 =	vnez.u8 v16  }
0x298: {  	v9 =	vsel vm12, $0xD, v9;
	v7 =	vadd.f32 v7, v8;
	v8 =	vadd.f32 v13, v20  }
0x299: {  	v5 =	vsub.f32 $0.0e+00, v5;
	[tilespmem:$0x52B0] =	vst v4;
	v10 =	vpop (erf);
	v13 =	vor.u32 $0x4C0, v0;
	v9 =	vsel vm13, $0xE, v9  }
0x29a: {  	[tilespmem:$0x51B0] =	vst v12;
	v23 =	vsub.f32 $0.0e+00, v7;
	v7 =	vadd.f32 v8, v10;
	v12 =	vshll.u32 v14, $0x7  }
0x29b: {  	[tilespmem:$0x53B0] =	vst v5;
	v15 =	vpop (erf);
	vm14 =	vnez.u8 v22;
	vm15 =	vnez.u8 v18;
	v8 =	vadd.s32 v13, v12  }
0x29c: {  	[tilespmem:$0x5330] =	vst v21;
	v9 =	vsel vm14, $0xF, v9;
	v16 =	vadd.f32 v7, v15;
	v3 =	vsel vm15, $0x0, v3  }
0x29d: {  	[tilespmem:$0x5130] =	vst v9;
	v17 =	vpop (erf)  }
0x29e: {  	[tilespmem:$0x5230] =	vst v23;
	v4 =	vadd.f32 v16, v17  }
0x29f: {  	[tilespmem:$0x5430] =	vst v3;
	v3 =	vpop (erf)  }
0x2a0: {  	v3 =	vadd.f32 v4, v3;
	v19 =	vld.idx.msk [tilespmem:v8+s17+$0x0], $0xffff  }
0x2a1: {  	v20 =	vpop (erf)  }
0x2a2: {  	v5 =	vadd.f32 v3, v20;
	_ =	sdelay $0x1  }
0x2a3: {  	v3 =	vand.u32 $0x7FFFFF, v5  }
0x2a4: {  	v6 =	vor.u32 $0x3F800000, v3;
	v3 =	vsub.f32 $0.0e+00, v19  }
0x2a5: {  	v21 =	vadd.f32 $1.000000000e+00, v6  }
0x2a6: {  	v3 =	vmul.f32 $1.442695020e+00, v3  }
0x2a7: {  	(erf) = vrcp.f32 v21  }
0x2a8: {  	(erf) = vpow2.f32 v3;
	_ =	sdelay $0x7  }
0x2a9: {  	v7 =	vpop (erf)  }
0x2aa: {  	v3 =	vpop (erf)  }
0x2ab: {  	v3 =	vadd.f32 $1.000000000e+00, v3;
	_ =	sdelay $0x1  }
0x2ac: {  	(erf) = vrcp.f32 v3;
	_ =	sdelay $0x2  }
0x2ad: {  	v3 =	vsel vm3, $0x1, v2  }
0x2ae: {  	v3 =	vsel vm2, $0x2, v3  }
0x2af: {  	v22 =	vld [tilespmem:$0x50C0];
	v3 =	vsel vm1, $0x3, v3  }
0x2b0: {  	v3 =	vsel vm0, $0x4, v3;
	_ =	sdelay $0x2  }
0x2b1: {  	v11 =	vimm.s32 $0x0;
	v23 =	vsel vm7, $0x5, v3;
	v3 =	vpop (erf)  }
0x2b2: {  	vm9 =	vgt.s32 v22, $0x0;
	v8 =	vsel vm10, $0x6, v23;
	vm8 =	vgt.f32 v3, $5.000000000e-01  }
0x2b3: {  	v4 =	vsel vm9, $0xFFFFFFFF, v11;
	v12 =	vsel vm11, $0x7, v8;
	vm0 =	vmor vm9, vm8  }
0x2b4: {  	[tilespmem:$0x1FE00] =	vst v4;
	v4 =	vsel vm0, v12, v14  }
0x2b5: {  	v13 =	vor.u32 $0x2000, v1;
	v8 =	vshll.u32 v4, $0x4  }
0x2b6: {  	v14 =	vor.u32 $0x2001, v1;
	v9 =	vadd.s32 v13, v8  }
0x2b7: {  	v10 =	vadd.s32 v14, v8  }
0x2b8: {  	v15 =	vor.u32 $0x2002, v1  }
0x2b9: {  	v11 =	vadd.s32 v15, v8  }
0x2ba: {  	v16 =	vor.u32 $0x2003, v1  }
0x2bb: {  	v12 =	vadd.s32 v16, v8;
	v9 =	vld.idx.msk [tilespmem:v9+s2+$0x0], $0xffff  }
0x2bc: {  	v17 =	vor.u32 $0x2004, v1;
	v10 =	vld.idx.msk [tilespmem:v10+s2+$0x0], $0xffff  }
0x2bd: {  	v13 =	vadd.s32 v17, v8  }
0x2be: {  	v18 =	vor.u32 $0x2005, v1;
	v11 =	vld.idx.msk [tilespmem:v11+s2+$0x0], $0xffff  }
0x2bf: {  	v14 =	vadd.s32 v18, v8  }
0x2c0: {  	v19 =	vor.u32 $0x2006, v1;
	v12 =	vld.idx.msk [tilespmem:v12+s2+$0x0], $0xffff  }
0x2c1: {  	v15 =	vadd.s32 v19, v8;
	vm4 =	vgt.f32 v10, v9  }
0x2c2: {  	v21 =	vor.u32 $0x2007, v1;
	v13 =	vld.idx.msk [tilespmem:v13+s2+$0x0], $0xffff;
	v20 =	vsel vm4, v10, v9  }
0x2c3: {  	v17 =	vadd.s32 v21, v8;
	vm5 =	vgt.f32 v11, v20  }
0x2c4: {  	v22 =	vor.u32 $0x2008, v1;
	v14 =	vld.idx.msk [tilespmem:v14+s2+$0x0], $0xffff;
	v16 =	vsel vm5, v11, v20  }
0x2c5: {  	v18 =	vadd.s32 v22, v8;
	vm6 =	vgt.f32 v12, v16  }
0x2c6: {  	v23 =	vor.u32 $0x2009, v1;
	v15 =	vld.idx.msk [tilespmem:v15+s2+$0x0], $0xffff;
	v16 =	vsel vm6, v12, v16  }
0x2c7: {  	v19 =	vadd.s32 v23, v8;
	vm10 =	vgt.f32 v13, v16  }
0x2c8: {  	v17 =	vld.idx.msk [tilespmem:v17+s2+$0x0], $0xffff;
	v20 =	vor.u32 $0x200A, v1;
	v16 =	vsel vm10, v13, v16  }
0x2c9: {  	v20 =	vadd.s32 v20, v8;
	vm14 =	vgt.f32 v14, v16  }
0x2ca: {  	v21 =	vor.u32 $0x200B, v1;
	v18 =	vld.idx.msk [tilespmem:v18+s2+$0x0], $0xffff;
	v16 =	vsel vm14, v14, v16  }
0x2cb: {  	v21 =	vadd.s32 v21, v8;
	vm11 =	vgt.f32 v15, v16  }
0x2cc: {  	v22 =	vor.u32 $0x200C, v1;
	v19 =	vld.idx.msk [tilespmem:v19+s2+$0x0], $0xffff;
	v16 =	vsel vm11, v15, v16  }
0x2cd: {  	v22 =	vadd.s32 v22, v8;
	vm15 =	vgt.f32 v17, v16  }
0x2ce: {  	v23 =	vor.u32 $0x200D, v1;
	v20 =	vld.idx.msk [tilespmem:v20+s2+$0x0], $0xffff;
	v16 =	vsel vm15, v17, v16  }
0x2cf: {  	v23 =	vadd.s32 v23, v8;
	vm8 =	vgt.f32 v18, v16  }
0x2d0: {  	v24 =	vor.u32 $0x200E, v1;
	v21 =	vld.idx.msk [tilespmem:v21+s2+$0x0], $0xffff;
	v16 =	vsel vm8, v18, v16  }
0x2d1: {  	v24 =	vadd.s32 v24, v8;
	vm12 =	vgt.f32 v19, v16  }
0x2d2: {  	v25 =	vor.u32 $0x200F, v1;
	v22 =	vld.idx.msk [tilespmem:v22+s2+$0x0], $0xffff;
	v16 =	vsel vm12, v19, v16  }
0x2d3: {  	v8 =	vadd.s32 v25, v8;
	vm13 =	vgt.f32 v20, v16  }
0x2d4: {  	v23 =	vld.idx.msk [tilespmem:v23+s2+$0x0], $0xffff;
	v16 =	vsel vm13, v20, v16  }
0x2d5: {  	vm9 =	vgt.f32 v21, v16  }
0x2d6: {  	v24 =	vld.idx.msk [tilespmem:v24+s2+$0x0], $0xffff;
	v16 =	vsel vm9, v21, v16  }
0x2d7: {  	vm7 =	vgt.f32 v22, v16  }
0x2d8: {  	v8 =	vld.idx.msk [tilespmem:v8+s2+$0x0], $0xffff;
	v16 =	vsel vm7, v22, v16  }
0x2d9: {  	vm0 =	vgt.f32 v23, v16  }
0x2da: {  	v25 =	vimm.s32 $0x0;
	v16 =	vsel vm0, v23, v16  }
0x2db: {  	v25 =	vsel vm0, $0xFFFFFFFF, v25;
	vm0 =	vgt.f32 v24, v16  }
0x2dc: {  	[tilespmem:$0x1FDD0] =	vst v25;
	v25 =	vimm.s32 $0x0;
	v16 =	vsel vm0, v24, v16  }
0x2dd: {  	v25 =	vsel vm0, $0xFFFFFFFF, v25;
	vm0 =	vgt.f32 v8, v16  }
0x2de: {  	v16 =	vsel vm0, v8, v16  }
0x2df: {  	v9 =	vsub.f32 v9, v16;
	_ =	sdelay $0x1  }
0x2e0: {  	v10 =	vsub.f32 v10, v16;
	v9 =	vmul.f32 $1.442695020e+00, v9;
	_ =	sdelay $0x1  }
0x2e1: {  	(erf) = vpow2.f32 v9;
	v9 =	vmul.f32 $1.442695020e+00, v10;
	v10 =	vsub.f32 v11, v16;
	_ =	sdelay $0x1  }
0x2e2: {  	v12 =	vsub.f32 v12, v16;
	(erf) = vpow2.f32 v9;
	v9 =	vmul.f32 $1.442695020e+00, v10;
	_ =	sdelay $0x1  }
0x2e3: {  	v13 =	vsub.f32 v13, v16;
	v12 =	vmul.f32 $1.442695020e+00, v12;
	(erf) = vpow2.f32 v9;
	_ =	sdelay $0x1  }
0x2e4: {  	(erf) = vpow2.f32 v12;
	v12 =	vmul.f32 $1.442695020e+00, v13;
	v13 =	vsub.f32 v14, v16;
	_ =	sdelay $0x1  }
0x2e5: {  	v10 =	vsub.f32 v15, v16;
	(erf) = vpow2.f32 v12;
	v9 =	vmul.f32 $1.442695020e+00, v13  }
0x2e6: {  	v17 =	vsub.f32 v17, v16;
	v14 =	vpop (erf)  }
0x2e7: {  	v15 =	vmul.f32 $1.442695020e+00, v10;
	(erf) = vpow2.f32 v9;
	v11 =	vadd.f32 $0.0e+00, v14  }
0x2e8: {  	v18 =	vsub.f32 v18, v16;
	v12 =	vpop (erf)  }
0x2e9: {  	v9 =	vmul.f32 $1.442695020e+00, v17;
	(erf) = vpow2.f32 v15;
	v11 =	vadd.f32 v11, v12  }
0x2ea: {  	v17 =	vpop (erf)  }
0x2eb: {  	(erf) = vpow2.f32 v9;
	v9 =	vmul.f32 $1.442695020e+00, v18;
	v11 =	vadd.f32 v11, v17  }
0x2ec: {  	v18 =	vpop (erf);
	v17 =	vsub.f32 v19, v16  }
0x2ed: {  	(erf) = vpow2.f32 v9;
	v10 =	vadd.f32 v11, v18  }
0x2ee: {  	v20 =	vsub.f32 v20, v16;
	v18 =	vpop (erf);
	v19 =	vmul.f32 $1.442695020e+00, v17  }
0x2ef: {  	v9 =	vadd.f32 v10, v18  }
0x2f0: {  	v17 =	vpop (erf);
	(erf) = vpow2.f32 v19;
	v18 =	vmul.f32 $1.442695020e+00, v20;
	v19 =	vsub.f32 v21, v16  }
0x2f1: {  	v9 =	vadd.f32 v9, v17  }
0x2f2: {  	v20 =	vpop (erf);
	(erf) = vpow2.f32 v18;
	v21 =	vmul.f32 $1.442695020e+00, v19;
	v17 =	vsub.f32 v22, v16  }
0x2f3: {  	v9 =	vadd.f32 v9, v20  }
0x2f4: {  	v18 =	vpop (erf);
	(erf) = vpow2.f32 v21;
	v19 =	vmul.f32 $1.442695020e+00, v17;
	v20 =	vsub.f32 v23, v16  }
0x2f5: {  	v23 =	vsub.f32 v24, v16  }
0x2f6: {  	v9 =	vadd.f32 v9, v18;
	v21 =	vpop (erf);
	(erf) = vpow2.f32 v19;
	v22 =	vmul.f32 $1.442695020e+00, v20  }
0x2f7: {  	v8 =	vsub.f32 v8, v16  }
0x2f8: {  	v14 =	vmul.f32 $1.442695020e+00, v23;
	v9 =	vadd.f32 v9, v21;
	(erf) = vpow2.f32 v22  }
0x2f9: {  	v15 =	vpop (erf)  }
0x2fa: {  	v8 =	vmul.f32 $1.442695020e+00, v8;
	(erf) = vpow2.f32 v14;
	v9 =	vadd.f32 v9, v15  }
0x2fb: {  	v16 =	vpop (erf)  }
0x2fc: {  	(erf) = vpow2.f32 v8;
	v9 =	vadd.f32 v9, v16  }
0x2fd: {  	v17 =	vpop (erf)  }
0x2fe: {  	v8 =	vadd.f32 v9, v17  }
0x2ff: {  	v18 =	vpop (erf)  }
0x300: {  	v8 =	vadd.f32 v8, v18  }
0x301: {  	v19 =	vpop (erf)  }
0x302: {  	v8 =	vadd.f32 v8, v19  }
0x303: {  	v20 =	vpop (erf)  }
0x304: {  	v11 =	vld [tilespmem:$0x40D0];
	v8 =	vadd.f32 v8, v20  }
0x305: {  	v9 =	vld [tilespmem:$0x4050];
	v21 =	vpop (erf)  }
0x306: {  	v6 =	vadd.f32 $-1.000000000e+00, v6;
	v8 =	vadd.f32 v8, v21  }
0x307: {  	v12 =	vld [tilespmem:$0x4150]  }
0x308: {  	v6 =	vmul.f32 v7, v6;
	v10 =	vand.u32 $0x7FFFFF, v8  }
0x309: {  	v7 =	vld [tilespmem:$0x41D0];
	v10 =	vor.u32 $0x3F800000, v10  }
0x30a: {  	v13 =	vmul.f32 v6, v6;
	vm3 =	vgt.f32 v11, v9;
	v23 =	vadd.f32 $1.000000000e+00, v10  }
0x30b: {  	v15 =	vld [tilespmem:$0x4250];
	v22 =	vsel vm3, v11, v9  }
0x30c: {  	vm2 =	vgt.f32 v12, v22;
	v21 =	vmul.f32 $1.428571490e-01, v13;
	(erf) = vrcp.f32 v23  }
0x30d: {  	v18 =	vld [tilespmem:$0x42D0];
	v14 =	vsel vm2, v12, v22  }
0x30e: {  	[tilespmem:$0x1FDE0] =	vst v25;
	v25 =	vimm.s32 $0x0;
	vm1 =	vgt.f32 v7, v14;
	v22 =	vadd.f32 $2.000000030e-01, v21  }
0x30f: {  	v25 =	vsel vm0, $0xFFFFFFFF, v25;
	v17 =	vld [tilespmem:$0x4350];
	v20 =	vsel vm4, $0x1, v2;
	v14 =	vsel vm1, v7, v14  }
0x310: {  	v20 =	vsel vm5, $0x2, v20;
	vm0 =	vgt.f32 v15, v14;
	v16 =	vmul.f32 v22, v13  }
0x311: {  	v19 =	vld [tilespmem:$0x43D0];
	v20 =	vsel vm6, $0x3, v20;
	v14 =	vsel vm0, v15, v14  }
0x312: {  	v20 =	vsel vm10, $0x4, v20;
	vm4 =	vgt.f32 v18, v14;
	v16 =	vadd.f32 $3.333333430e-01, v16  }
0x313: {  	v14 =	vsel vm4, v18, v14  }
0x314: {  	v10 =	vadd.f32 $-1.000000000e+00, v10;
	vm5 =	vgt.f32 v17, v14;
	v13 =	vmul.f32 v16, v13  }
0x315: {  	v6 =	vadd.f32 v6, v6;
	v14 =	vsel vm5, v17, v14;
	v16 =	vsel vm14, $0x5, v20;
	v20 =	vpop (erf)  }
0x316: {  	vm10 =	vgt.f32 v19, v14;
	v13 =	vadd.f32 $1.000000000e+00, v13;
	v10 =	vmul.f32 v20, v10  }
0x317: {  	v5 =	vshra.s32 v5, $0x17;
	v14 =	vsel vm10, v19, v14  }
0x318: {  	v9 =	vsub.f32 v9, v14;
	v6 =	vmul.f32 v13, v6;
	v13 =	vmul.f32 v10, v10  }
0x319: {  	v5 =	vadd.s32 $0xFFFFFF81, v5;
	v11 =	vsub.f32 v11, v14  }
0x31a: {  	v16 =	vsel vm11, $0x6, v16;
	v9 =	vmul.f32 $1.442695020e+00, v9;
	v21 =	vmul.f32 $1.428571490e-01, v13  }
0x31b: {  	v5 =	vcvt.s32.f32 v5;
	v16 =	vsel vm15, $0x7, v16;
	v11 =	vmul.f32 $1.442695020e+00, v11  }
0x31c: {  	v16 =	vsel vm8, $0x8, v16;
	(erf) = vpow2.f32 v9;
	v21 =	vadd.f32 $2.000000030e-01, v21  }
0x31d: {  	v12 =	vsub.f32 v12, v14;
	v23 =	vsel vm12, $0x9, v16;
	(erf) = vpow2.f32 v11  }
0x31e: {  	v7 =	vsub.f32 v7, v14;
	v9 =	vsel vm13, $0xA, v23;
	v23 =	vmul.f32 v21, v13  }
0x31f: {  	v16 =	vor.u32 $0x8C0, v0;
	v22 =	vmul.f32 $1.442695020e+00, v12;
	v20 =	vshll.u32 v4, $0x7  }
0x320: {  	v12 =	vadd.s32 v16, v20;
	v20 =	vsub.f32 v15, v14;
	v21 =	vadd.f32 $3.333333430e-01, v23  }
0x321: {  	v7 =	vmul.f32 $1.442695020e+00, v7;
	(erf) = vpow2.f32 v22;
	v23 =	vsub.f32 v18, v14  }
0x322: {  	v22 =	vmul.f32 $1.442695020e+00, v20;
	v13 =	vmul.f32 v21, v13;
	v21 =	vsub.f32 v17, v14  }
0x323: {  	v16 =	vld [tilespmem:$0x1FDD0];
	(erf) = vpow2.f32 v7;
	v20 =	vmul.f32 $1.442695020e+00, v23  }
0x324: {  	v8 =	vshra.s32 v8, $0x17;
	(erf) = vpow2.f32 v22;
	v22 =	vmul.f32 $1.442695020e+00, v21  }
0x325: {  	[tilespmem:$0x1FDF0] =	vst v25;
	v8 =	vadd.s32 $0xFFFFFF81, v8;
	v18 =	vpop (erf);
	v23 =	vsub.f32 v19, v14;
	v19 =	vld [tilespmem:$0x1FDE0];
	(erf) = vpow2.f32 v20  }
0x326: {  	v8 =	vcvt.s32.f32 v8;
	v17 =	vpop (erf);
	(erf) = vpow2.f32 v22;
	v22 =	vld [tilespmem:$0x1FDF0]  }
0x327: {  	v5 =	vmul.f32 $6.931471820e-01, v5;
	v9 =	vsel vm9, $0xB, v9  }
0x328: {  	v8 =	vmul.f32 $6.931471820e-01, v8;
	v9 =	vsel vm7, $0xC, v9;
	vm12 =	vnez.u8 v16  }
0x329: {  	v10 =	vadd.f32 v10, v10;
	v9 =	vsel vm12, $0xD, v9;
	v13 =	vadd.f32 $1.000000000e+00, v13  }
0x32a: {  	v12 =	vld.idx.msk [tilespmem:v12+s17+$0x0], $0xffff;
	v15 =	vadd.f32 $0.0e+00, v18;
	v18 =	vmul.f32 $1.442695020e+00, v23;
	vm13 =	vnez.u8 v19  }
0x32b: {  	v14 =	vld [tilespmem:$0x5050];
	v10 =	vmul.f32 v13, v10;
	v9 =	vsel vm13, $0xE, v9;
	vm14 =	vnez.u8 v22  }
0x32c: {  	v13 =	vadd.f32 v15, v17;
	v20 =	vpop (erf);
	(erf) = vpow2.f32 v18;
	v18 =	vld [tilespmem:$0x1FE00];
	v9 =	vsel vm14, $0xF, v9  }
0x32d: {  	v5 =	vadd.f32 v6, v5  }
0x32e: {  	v21 =	vld [tilespmem:$0x4440];
	v8 =	vadd.f32 v10, v8;
	v10 =	vadd.f32 v13, v20  }
0x32f: {  	v5 =	vsub.f32 $0.0e+00, v5;
	[tilespmem:$0x5140] =	vst v9;
	v9 =	vpop (erf)  }
0x330: {  	[tilespmem:$0x51C0] =	vst v12;
	v12 =	vshll.u32 v14, $0x7;
	v13 =	vor.u32 $0x4D0, v0;
	v7 =	vadd.f32 v10, v9  }
0x331: {  	[tilespmem:$0x52C0] =	vst v4;
	v23 =	vsub.f32 $0.0e+00, v8;
	v8 =	vadd.s32 v13, v12;
	vm15 =	vnez.u8 v18;
	v15 =	vpop (erf)  }
0x332: {  	[tilespmem:$0x53C0] =	vst v5;
	v3 =	vsel vm15, $0x0, v3;
	v16 =	vadd.f32 v7, v15  }
0x333: {  	[tilespmem:$0x5340] =	vst v21;
	v17 =	vpop (erf)  }
0x334: {  	[tilespmem:$0x5240] =	vst v23;
	v4 =	vadd.f32 v16, v17  }
0x335: {  	[tilespmem:$0x5440] =	vst v3;
	v3 =	vpop (erf)  }
0x336: {  	v19 =	vld.idx.msk [tilespmem:v8+s17+$0x0], $0xffff;
	v3 =	vadd.f32 v4, v3  }
0x337: {  	v20 =	vpop (erf)  }
0x338: {  	v5 =	vadd.f32 v3, v20;
	_ =	sdelay $0x1  }
0x339: {  	v3 =	vand.u32 $0x7FFFFF, v5  }
0x33a: {  	v6 =	vor.u32 $0x3F800000, v3;
	v3 =	vsub.f32 $0.0e+00, v19  }
0x33b: {  	v21 =	vadd.f32 $1.000000000e+00, v6  }
0x33c: {  	v3 =	vmul.f32 $1.442695020e+00, v3  }
0x33d: {  	(erf) = vrcp.f32 v21  }
0x33e: {  	(erf) = vpow2.f32 v3;
	_ =	sdelay $0x7  }
0x33f: {  	v7 =	vpop (erf)  }
0x340: {  	v3 =	vpop (erf)  }
0x341: {  	v3 =	vadd.f32 $1.000000000e+00, v3;
	_ =	sdelay $0x1  }
0x342: {  	(erf) = vrcp.f32 v3;
	_ =	sdelay $0x2  }
0x343: {  	v3 =	vsel vm3, $0x1, v2  }
0x344: {  	v3 =	vsel vm2, $0x2, v3  }
0x345: {  	v22 =	vld [tilespmem:$0x50D0];
	v3 =	vsel vm1, $0x3, v3  }
0x346: {  	v3 =	vsel vm0, $0x4, v3;
	_ =	sdelay $0x2  }
0x347: {  	v11 =	vimm.s32 $0x0;
	v23 =	vsel vm4, $0x5, v3;
	v3 =	vpop (erf)  }
0x348: {  	vm9 =	vgt.s32 v22, $0x0;
	v8 =	vsel vm5, $0x6, v23;
	vm8 =	vgt.f32 v3, $5.000000000e-01  }
0x349: {  	v4 =	vsel vm9, $0xFFFFFFFF, v11;
	v12 =	vsel vm10, $0x7, v8;
	vm0 =	vmor vm9, vm8  }
0x34a: {  	[tilespmem:$0x1FE40] =	vst v4;
	v4 =	vsel vm0, v12, v14  }
0x34b: {  	v13 =	vor.u32 $0x2800, v1;
	v8 =	vshll.u32 v4, $0x4  }
0x34c: {  	v14 =	vor.u32 $0x2801, v1;
	v9 =	vadd.s32 v13, v8  }
0x34d: {  	v10 =	vadd.s32 v14, v8  }
0x34e: {  	v15 =	vor.u32 $0x2802, v1  }
0x34f: {  	v11 =	vadd.s32 v15, v8  }
0x350: {  	v16 =	vor.u32 $0x2803, v1  }
0x351: {  	v12 =	vadd.s32 v16, v8;
	v9 =	vld.idx.msk [tilespmem:v9+s2+$0x0], $0xffff  }
0x352: {  	v17 =	vor.u32 $0x2804, v1;
	v10 =	vld.idx.msk [tilespmem:v10+s2+$0x0], $0xffff  }
0x353: {  	v13 =	vadd.s32 v17, v8  }
0x354: {  	v18 =	vor.u32 $0x2805, v1;
	v11 =	vld.idx.msk [tilespmem:v11+s2+$0x0], $0xffff  }
0x355: {  	v14 =	vadd.s32 v18, v8  }
0x356: {  	v19 =	vor.u32 $0x2806, v1;
	v12 =	vld.idx.msk [tilespmem:v12+s2+$0x0], $0xffff  }
0x357: {  	v15 =	vadd.s32 v19, v8;
	vm4 =	vgt.f32 v10, v9  }
0x358: {  	v21 =	vor.u32 $0x2807, v1;
	v13 =	vld.idx.msk [tilespmem:v13+s2+$0x0], $0xffff;
	v20 =	vsel vm4, v10, v9  }
0x359: {  	v17 =	vadd.s32 v21, v8;
	vm5 =	vgt.f32 v11, v20  }
0x35a: {  	v22 =	vor.u32 $0x2808, v1;
	v14 =	vld.idx.msk [tilespmem:v14+s2+$0x0], $0xffff;
	v16 =	vsel vm5, v11, v20  }
0x35b: {  	v18 =	vadd.s32 v22, v8;
	vm6 =	vgt.f32 v12, v16  }
0x35c: {  	v23 =	vor.u32 $0x2809, v1;
	v15 =	vld.idx.msk [tilespmem:v15+s2+$0x0], $0xffff;
	v16 =	vsel vm6, v12, v16  }
0x35d: {  	v19 =	vadd.s32 v23, v8;
	vm10 =	vgt.f32 v13, v16  }
0x35e: {  	v17 =	vld.idx.msk [tilespmem:v17+s2+$0x0], $0xffff;
	v20 =	vor.u32 $0x280A, v1;
	v16 =	vsel vm10, v13, v16  }
0x35f: {  	v20 =	vadd.s32 v20, v8;
	vm14 =	vgt.f32 v14, v16  }
0x360: {  	v21 =	vor.u32 $0x280B, v1;
	v18 =	vld.idx.msk [tilespmem:v18+s2+$0x0], $0xffff;
	v16 =	vsel vm14, v14, v16  }
0x361: {  	v21 =	vadd.s32 v21, v8;
	vm11 =	vgt.f32 v15, v16  }
0x362: {  	v22 =	vor.u32 $0x280C, v1;
	v19 =	vld.idx.msk [tilespmem:v19+s2+$0x0], $0xffff;
	v16 =	vsel vm11, v15, v16  }
0x363: {  	v22 =	vadd.s32 v22, v8;
	vm15 =	vgt.f32 v17, v16  }
0x364: {  	v23 =	vor.u32 $0x280D, v1;
	v20 =	vld.idx.msk [tilespmem:v20+s2+$0x0], $0xffff;
	v16 =	vsel vm15, v17, v16  }
0x365: {  	v23 =	vadd.s32 v23, v8;
	vm8 =	vgt.f32 v18, v16  }
0x366: {  	v24 =	vor.u32 $0x280E, v1;
	v21 =	vld.idx.msk [tilespmem:v21+s2+$0x0], $0xffff;
	v16 =	vsel vm8, v18, v16  }
0x367: {  	v24 =	vadd.s32 v24, v8;
	vm12 =	vgt.f32 v19, v16  }
0x368: {  	v25 =	vor.u32 $0x280F, v1;
	v22 =	vld.idx.msk [tilespmem:v22+s2+$0x0], $0xffff;
	v16 =	vsel vm12, v19, v16  }
0x369: {  	v8 =	vadd.s32 v25, v8;
	vm13 =	vgt.f32 v20, v16  }
0x36a: {  	v23 =	vld.idx.msk [tilespmem:v23+s2+$0x0], $0xffff;
	v16 =	vsel vm13, v20, v16  }
0x36b: {  	vm9 =	vgt.f32 v21, v16  }
0x36c: {  	v24 =	vld.idx.msk [tilespmem:v24+s2+$0x0], $0xffff;
	v16 =	vsel vm9, v21, v16  }
0x36d: {  	vm7 =	vgt.f32 v22, v16  }
0x36e: {  	v8 =	vld.idx.msk [tilespmem:v8+s2+$0x0], $0xffff;
	v16 =	vsel vm7, v22, v16  }
0x36f: {  	vm0 =	vgt.f32 v23, v16  }
0x370: {  	v25 =	vimm.s32 $0x0;
	v16 =	vsel vm0, v23, v16  }
0x371: {  	v25 =	vsel vm0, $0xFFFFFFFF, v25;
	vm0 =	vgt.f32 v24, v16  }
0x372: {  	[tilespmem:$0x1FE10] =	vst v25;
	v25 =	vimm.s32 $0x0;
	v16 =	vsel vm0, v24, v16  }
0x373: {  	v25 =	vsel vm0, $0xFFFFFFFF, v25;
	vm0 =	vgt.f32 v8, v16  }
0x374: {  	v16 =	vsel vm0, v8, v16  }
0x375: {  	v9 =	vsub.f32 v9, v16;
	_ =	sdelay $0x1  }
0x376: {  	v10 =	vsub.f32 v10, v16;
	v9 =	vmul.f32 $1.442695020e+00, v9;
	_ =	sdelay $0x1  }
0x377: {  	(erf) = vpow2.f32 v9;
	v9 =	vmul.f32 $1.442695020e+00, v10;
	v10 =	vsub.f32 v11, v16;
	_ =	sdelay $0x1  }
0x378: {  	v12 =	vsub.f32 v12, v16;
	(erf) = vpow2.f32 v9;
	v9 =	vmul.f32 $1.442695020e+00, v10;
	_ =	sdelay $0x1  }
0x379: {  	v13 =	vsub.f32 v13, v16;
	v12 =	vmul.f32 $1.442695020e+00, v12;
	(erf) = vpow2.f32 v9;
	_ =	sdelay $0x1  }
0x37a: {  	(erf) = vpow2.f32 v12;
	v12 =	vmul.f32 $1.442695020e+00, v13;
	v13 =	vsub.f32 v14, v16;
	_ =	sdelay $0x1  }
0x37b: {  	v10 =	vsub.f32 v15, v16;
	(erf) = vpow2.f32 v12;
	v9 =	vmul.f32 $1.442695020e+00, v13  }
0x37c: {  	v17 =	vsub.f32 v17, v16;
	v14 =	vpop (erf)  }
0x37d: {  	v15 =	vmul.f32 $1.442695020e+00, v10;
	(erf) = vpow2.f32 v9;
	v11 =	vadd.f32 $0.0e+00, v14  }
0x37e: {  	v18 =	vsub.f32 v18, v16;
	v12 =	vpop (erf)  }
0x37f: {  	v9 =	vmul.f32 $1.442695020e+00, v17;
	(erf) = vpow2.f32 v15;
	v11 =	vadd.f32 v11, v12  }
0x380: {  	v17 =	vpop (erf)  }
0x381: {  	(erf) = vpow2.f32 v9;
	v9 =	vmul.f32 $1.442695020e+00, v18;
	v11 =	vadd.f32 v11, v17  }
0x382: {  	v18 =	vpop (erf);
	v17 =	vsub.f32 v19, v16  }
0x383: {  	(erf) = vpow2.f32 v9;
	v10 =	vadd.f32 v11, v18  }
0x384: {  	v20 =	vsub.f32 v20, v16;
	v18 =	vpop (erf);
	v19 =	vmul.f32 $1.442695020e+00, v17  }
0x385: {  	v9 =	vadd.f32 v10, v18  }
0x386: {  	v17 =	vpop (erf);
	(erf) = vpow2.f32 v19;
	v18 =	vmul.f32 $1.442695020e+00, v20;
	v19 =	vsub.f32 v21, v16  }
0x387: {  	v9 =	vadd.f32 v9, v17  }
0x388: {  	v20 =	vpop (erf);
	(erf) = vpow2.f32 v18;
	v21 =	vmul.f32 $1.442695020e+00, v19;
	v17 =	vsub.f32 v22, v16  }
0x389: {  	v9 =	vadd.f32 v9, v20  }
0x38a: {  	v18 =	vpop (erf);
	(erf) = vpow2.f32 v21;
	v19 =	vmul.f32 $1.442695020e+00, v17;
	v20 =	vsub.f32 v23, v16  }
0x38b: {  	v23 =	vsub.f32 v24, v16  }
0x38c: {  	v9 =	vadd.f32 v9, v18;
	v21 =	vpop (erf);
	(erf) = vpow2.f32 v19;
	v22 =	vmul.f32 $1.442695020e+00, v20  }
0x38d: {  	v8 =	vsub.f32 v8, v16  }
0x38e: {  	v14 =	vmul.f32 $1.442695020e+00, v23;
	v9 =	vadd.f32 v9, v21;
	(erf) = vpow2.f32 v22  }
0x38f: {  	v15 =	vpop (erf)  }
0x390: {  	v8 =	vmul.f32 $1.442695020e+00, v8;
	(erf) = vpow2.f32 v14;
	v9 =	vadd.f32 v9, v15  }
0x391: {  	v16 =	vpop (erf)  }
0x392: {  	(erf) = vpow2.f32 v8;
	v9 =	vadd.f32 v9, v16  }
0x393: {  	v17 =	vpop (erf)  }
0x394: {  	v8 =	vadd.f32 v9, v17  }
0x395: {  	v18 =	vpop (erf)  }
0x396: {  	v8 =	vadd.f32 v8, v18  }
0x397: {  	v19 =	vpop (erf)  }
0x398: {  	v8 =	vadd.f32 v8, v19  }
0x399: {  	v20 =	vpop (erf)  }
0x39a: {  	v11 =	vld [tilespmem:$0x40E0];
	v8 =	vadd.f32 v8, v20  }
0x39b: {  	v9 =	vld [tilespmem:$0x4060];
	v21 =	vpop (erf)  }
0x39c: {  	v6 =	vadd.f32 $-1.000000000e+00, v6;
	v8 =	vadd.f32 v8, v21  }
0x39d: {  	v12 =	vld [tilespmem:$0x4160]  }
0x39e: {  	v6 =	vmul.f32 v7, v6;
	v10 =	vand.u32 $0x7FFFFF, v8  }
0x39f: {  	v7 =	vld [tilespmem:$0x41E0];
	v10 =	vor.u32 $0x3F800000, v10  }
0x3a0: {  	v13 =	vmul.f32 v6, v6;
	vm3 =	vgt.f32 v11, v9;
	v23 =	vadd.f32 $1.000000000e+00, v10  }
0x3a1: {  	v15 =	vld [tilespmem:$0x4260];
	v22 =	vsel vm3, v11, v9  }
0x3a2: {  	vm2 =	vgt.f32 v12, v22;
	v21 =	vmul.f32 $1.428571490e-01, v13;
	(erf) = vrcp.f32 v23  }
0x3a3: {  	v18 =	vld [tilespmem:$0x42E0];
	v14 =	vsel vm2, v12, v22  }
0x3a4: {  	[tilespmem:$0x1FE20] =	vst v25;
	v25 =	vimm.s32 $0x0;
	vm1 =	vgt.f32 v7, v14;
	v22 =	vadd.f32 $2.000000030e-01, v21  }
0x3a5: {  	v25 =	vsel vm0, $0xFFFFFFFF, v25;
	v17 =	vld [tilespmem:$0x4360];
	v20 =	vsel vm4, $0x1, v2;
	v14 =	vsel vm1, v7, v14  }
0x3a6: {  	v20 =	vsel vm5, $0x2, v20;
	vm0 =	vgt.f32 v15, v14;
	v16 =	vmul.f32 v22, v13  }
0x3a7: {  	v19 =	vld [tilespmem:$0x43E0];
	v20 =	vsel vm6, $0x3, v20;
	v14 =	vsel vm0, v15, v14  }
0x3a8: {  	v20 =	vsel vm10, $0x4, v20;
	vm4 =	vgt.f32 v18, v14;
	v16 =	vadd.f32 $3.333333430e-01, v16  }
0x3a9: {  	v14 =	vsel vm4, v18, v14  }
0x3aa: {  	v10 =	vadd.f32 $-1.000000000e+00, v10;
	vm5 =	vgt.f32 v17, v14;
	v13 =	vmul.f32 v16, v13  }
0x3ab: {  	v6 =	vadd.f32 v6, v6;
	v14 =	vsel vm5, v17, v14;
	v16 =	vsel vm14, $0x5, v20;
	v20 =	vpop (erf)  }
0x3ac: {  	vm10 =	vgt.f32 v19, v14;
	v13 =	vadd.f32 $1.000000000e+00, v13;
	v10 =	vmul.f32 v20, v10  }
0x3ad: {  	v5 =	vshra.s32 v5, $0x17;
	v14 =	vsel vm10, v19, v14  }
0x3ae: {  	v9 =	vsub.f32 v9, v14;
	v6 =	vmul.f32 v13, v6;
	v13 =	vmul.f32 v10, v10  }
0x3af: {  	v5 =	vadd.s32 $0xFFFFFF81, v5;
	v11 =	vsub.f32 v11, v14  }
0x3b0: {  	v16 =	vsel vm11, $0x6, v16;
	v9 =	vmul.f32 $1.442695020e+00, v9;
	v21 =	vmul.f32 $1.428571490e-01, v13  }
0x3b1: {  	v5 =	vcvt.s32.f32 v5;
	v16 =	vsel vm15, $0x7, v16;
	v11 =	vmul.f32 $1.442695020e+00, v11  }
0x3b2: {  	v16 =	vsel vm8, $0x8, v16;
	(erf) = vpow2.f32 v9;
	v21 =	vadd.f32 $2.000000030e-01, v21  }
0x3b3: {  	v12 =	vsub.f32 v12, v14;
	v23 =	vsel vm12, $0x9, v16;
	(erf) = vpow2.f32 v11  }
0x3b4: {  	v7 =	vsub.f32 v7, v14;
	v9 =	vsel vm13, $0xA, v23;
	v23 =	vmul.f32 v21, v13  }
0x3b5: {  	v16 =	vor.u32 $0x8D0, v0;
	v22 =	vmul.f32 $1.442695020e+00, v12;
	v20 =	vshll.u32 v4, $0x7  }
0x3b6: {  	v12 =	vadd.s32 v16, v20;
	v20 =	vsub.f32 v15, v14;
	v21 =	vadd.f32 $3.333333430e-01, v23  }
0x3b7: {  	v7 =	vmul.f32 $1.442695020e+00, v7;
	(erf) = vpow2.f32 v22;
	v23 =	vsub.f32 v18, v14  }
0x3b8: {  	v22 =	vmul.f32 $1.442695020e+00, v20;
	v13 =	vmul.f32 v21, v13;
	v21 =	vsub.f32 v17, v14  }
0x3b9: {  	v16 =	vld [tilespmem:$0x1FE10];
	(erf) = vpow2.f32 v7;
	v20 =	vmul.f32 $1.442695020e+00, v23  }
0x3ba: {  	v8 =	vshra.s32 v8, $0x17;
	(erf) = vpow2.f32 v22;
	v22 =	vmul.f32 $1.442695020e+00, v21  }
0x3bb: {  	[tilespmem:$0x1FE30] =	vst v25;
	v8 =	vadd.s32 $0xFFFFFF81, v8;
	v18 =	vpop (erf);
	v23 =	vsub.f32 v19, v14;
	v19 =	vld [tilespmem:$0x1FE20];
	(erf) = vpow2.f32 v20  }
0x3bc: {  	v8 =	vcvt.s32.f32 v8;
	v17 =	vpop (erf);
	(erf) = vpow2.f32 v22;
	v22 =	vld [tilespmem:$0x1FE30]  }
0x3bd: {  	v5 =	vmul.f32 $6.931471820e-01, v5;
	v9 =	vsel vm9, $0xB, v9  }
0x3be: {  	v8 =	vmul.f32 $6.931471820e-01, v8;
	v9 =	vsel vm7, $0xC, v9;
	vm12 =	vnez.u8 v16  }
0x3bf: {  	v10 =	vadd.f32 v10, v10;
	v9 =	vsel vm12, $0xD, v9;
	v13 =	vadd.f32 $1.000000000e+00, v13  }
0x3c0: {  	v12 =	vld.idx.msk [tilespmem:v12+s17+$0x0], $0xffff;
	v15 =	vadd.f32 $0.0e+00, v18;
	v18 =	vmul.f32 $1.442695020e+00, v23;
	vm13 =	vnez.u8 v19  }
0x3c1: {  	v14 =	vld [tilespmem:$0x5060];
	v10 =	vmul.f32 v13, v10;
	v9 =	vsel vm13, $0xE, v9;
	vm14 =	vnez.u8 v22  }
0x3c2: {  	v13 =	vadd.f32 v15, v17;
	v20 =	vpop (erf);
	(erf) = vpow2.f32 v18;
	v18 =	vld [tilespmem:$0x1FE40];
	v9 =	vsel vm14, $0xF, v9  }
0x3c3: {  	v5 =	vadd.f32 v6, v5  }
0x3c4: {  	v21 =	vld [tilespmem:$0x4450];
	v8 =	vadd.f32 v10, v8;
	v10 =	vadd.f32 v13, v20  }
0x3c5: {  	v5 =	vsub.f32 $0.0e+00, v5;
	[tilespmem:$0x5150] =	vst v9;
	v9 =	vpop (erf)  }
0x3c6: {  	[tilespmem:$0x51D0] =	vst v12;
	v12 =	vshll.u32 v14, $0x7;
	v13 =	vor.u32 $0x4E0, v0;
	v7 =	vadd.f32 v10, v9  }
0x3c7: {  	[tilespmem:$0x52D0] =	vst v4;
	v23 =	vsub.f32 $0.0e+00, v8;
	v8 =	vadd.s32 v13, v12;
	vm15 =	vnez.u8 v18;
	v15 =	vpop (erf)  }
0x3c8: {  	[tilespmem:$0x53D0] =	vst v5;
	v3 =	vsel vm15, $0x0, v3;
	v16 =	vadd.f32 v7, v15  }
0x3c9: {  	[tilespmem:$0x5350] =	vst v21;
	v17 =	vpop (erf)  }
0x3ca: {  	[tilespmem:$0x5250] =	vst v23;
	v4 =	vadd.f32 v16, v17  }
0x3cb: {  	[tilespmem:$0x5450] =	vst v3;
	v3 =	vpop (erf)  }
0x3cc: {  	v19 =	vld.idx.msk [tilespmem:v8+s17+$0x0], $0xffff;
	v3 =	vadd.f32 v4, v3  }
0x3cd: {  	v20 =	vpop (erf)  }
0x3ce: {  	v5 =	vadd.f32 v3, v20;
	_ =	sdelay $0x1  }
0x3cf: {  	v3 =	vand.u32 $0x7FFFFF, v5  }
0x3d0: {  	v6 =	vor.u32 $0x3F800000, v3;
	v3 =	vsub.f32 $0.0e+00, v19  }
0x3d1: {  	v21 =	vadd.f32 $1.000000000e+00, v6  }
0x3d2: {  	v3 =	vmul.f32 $1.442695020e+00, v3  }
0x3d3: {  	(erf) = vrcp.f32 v21  }
0x3d4: {  	(erf) = vpow2.f32 v3;
	_ =	sdelay $0x7  }
0x3d5: {  	v7 =	vpop (erf)  }
0x3d6: {  	v3 =	vpop (erf)  }
0x3d7: {  	v3 =	vadd.f32 $1.000000000e+00, v3;
	_ =	sdelay $0x1  }
0x3d8: {  	(erf) = vrcp.f32 v3;
	_ =	sdelay $0x2  }
0x3d9: {  	v3 =	vsel vm3, $0x1, v2  }
0x3da: {  	v3 =	vsel vm2, $0x2, v3  }
0x3db: {  	v22 =	vld [tilespmem:$0x50E0];
	v3 =	vsel vm1, $0x3, v3  }
0x3dc: {  	v3 =	vsel vm0, $0x4, v3;
	_ =	sdelay $0x2  }
0x3dd: {  	v11 =	vimm.s32 $0x0;
	v23 =	vsel vm4, $0x5, v3;
	v3 =	vpop (erf)  }
0x3de: {  	vm9 =	vgt.s32 v22, $0x0;
	v8 =	vsel vm5, $0x6, v23;
	vm8 =	vgt.f32 v3, $5.000000000e-01  }
0x3df: {  	v4 =	vsel vm9, $0xFFFFFFFF, v11;
	v12 =	vsel vm10, $0x7, v8;
	vm0 =	vmor vm9, vm8  }
0x3e0: {  	[tilespmem:$0x1FE80] =	vst v4;
	v4 =	vsel vm0, v12, v14  }
0x3e1: {  	v13 =	vor.u32 $0x3000, v1;
	v8 =	vshll.u32 v4, $0x4  }
0x3e2: {  	v14 =	vor.u32 $0x3001, v1;
	v9 =	vadd.s32 v13, v8  }
0x3e3: {  	v10 =	vadd.s32 v14, v8  }
0x3e4: {  	v15 =	vor.u32 $0x3002, v1  }
0x3e5: {  	v11 =	vadd.s32 v15, v8  }
0x3e6: {  	v16 =	vor.u32 $0x3003, v1  }
0x3e7: {  	v12 =	vadd.s32 v16, v8;
	v9 =	vld.idx.msk [tilespmem:v9+s2+$0x0], $0xffff  }
0x3e8: {  	v17 =	vor.u32 $0x3004, v1;
	v10 =	vld.idx.msk [tilespmem:v10+s2+$0x0], $0xffff  }
0x3e9: {  	v13 =	vadd.s32 v17, v8  }
0x3ea: {  	v18 =	vor.u32 $0x3005, v1;
	v11 =	vld.idx.msk [tilespmem:v11+s2+$0x0], $0xffff  }
0x3eb: {  	v14 =	vadd.s32 v18, v8  }
0x3ec: {  	v19 =	vor.u32 $0x3006, v1;
	v12 =	vld.idx.msk [tilespmem:v12+s2+$0x0], $0xffff  }
0x3ed: {  	v15 =	vadd.s32 v19, v8;
	vm4 =	vgt.f32 v10, v9  }
0x3ee: {  	v21 =	vor.u32 $0x3007, v1;
	v13 =	vld.idx.msk [tilespmem:v13+s2+$0x0], $0xffff;
	v20 =	vsel vm4, v10, v9  }
0x3ef: {  	v17 =	vadd.s32 v21, v8;
	vm5 =	vgt.f32 v11, v20  }
0x3f0: {  	v22 =	vor.u32 $0x3008, v1;
	v14 =	vld.idx.msk [tilespmem:v14+s2+$0x0], $0xffff;
	v16 =	vsel vm5, v11, v20  }
0x3f1: {  	v18 =	vadd.s32 v22, v8;
	vm6 =	vgt.f32 v12, v16  }
0x3f2: {  	v23 =	vor.u32 $0x3009, v1;
	v15 =	vld.idx.msk [tilespmem:v15+s2+$0x0], $0xffff;
	v16 =	vsel vm6, v12, v16  }
0x3f3: {  	v19 =	vadd.s32 v23, v8;
	vm10 =	vgt.f32 v13, v16  }
0x3f4: {  	v17 =	vld.idx.msk [tilespmem:v17+s2+$0x0], $0xffff;
	v20 =	vor.u32 $0x300A, v1;
	v16 =	vsel vm10, v13, v16  }
0x3f5: {  	v20 =	vadd.s32 v20, v8;
	vm14 =	vgt.f32 v14, v16  }
0x3f6: {  	v21 =	vor.u32 $0x300B, v1;
	v18 =	vld.idx.msk [tilespmem:v18+s2+$0x0], $0xffff;
	v16 =	vsel vm14, v14, v16  }
0x3f7: {  	v21 =	vadd.s32 v21, v8;
	vm11 =	vgt.f32 v15, v16  }
0x3f8: {  	v22 =	vor.u32 $0x300C, v1;
	v19 =	vld.idx.msk [tilespmem:v19+s2+$0x0], $0xffff;
	v16 =	vsel vm11, v15, v16  }
0x3f9: {  	v22 =	vadd.s32 v22, v8;
	vm15 =	vgt.f32 v17, v16  }
0x3fa: {  	v23 =	vor.u32 $0x300D, v1;
	v20 =	vld.idx.msk [tilespmem:v20+s2+$0x0], $0xffff;
	v16 =	vsel vm15, v17, v16  }
0x3fb: {  	v23 =	vadd.s32 v23, v8;
	vm8 =	vgt.f32 v18, v16  }
0x3fc: {  	v24 =	vor.u32 $0x300E, v1;
	v21 =	vld.idx.msk [tilespmem:v21+s2+$0x0], $0xffff;
	v16 =	vsel vm8, v18, v16  }
0x3fd: {  	v24 =	vadd.s32 v24, v8;
	vm12 =	vgt.f32 v19, v16  }
0x3fe: {  	v25 =	vor.u32 $0x300F, v1;
	v22 =	vld.idx.msk [tilespmem:v22+s2+$0x0], $0xffff;
	v16 =	vsel vm12, v19, v16  }
0x3ff: {  	v8 =	vadd.s32 v25, v8;
	vm13 =	vgt.f32 v20, v16  }
0x400: {  	v23 =	vld.idx.msk [tilespmem:v23+s2+$0x0], $0xffff;
	v16 =	vsel vm13, v20, v16  }
0x401: {  	vm9 =	vgt.f32 v21, v16  }
0x402: {  	v24 =	vld.idx.msk [tilespmem:v24+s2+$0x0], $0xffff;
	v16 =	vsel vm9, v21, v16  }
0x403: {  	vm7 =	vgt.f32 v22, v16  }
0x404: {  	v8 =	vld.idx.msk [tilespmem:v8+s2+$0x0], $0xffff;
	v16 =	vsel vm7, v22, v16  }
0x405: {  	vm0 =	vgt.f32 v23, v16  }
0x406: {  	v25 =	vimm.s32 $0x0;
	v16 =	vsel vm0, v23, v16  }
0x407: {  	v25 =	vsel vm0, $0xFFFFFFFF, v25;
	vm0 =	vgt.f32 v24, v16  }
0x408: {  	[tilespmem:$0x1FE50] =	vst v25;
	v25 =	vimm.s32 $0x0;
	v16 =	vsel vm0, v24, v16  }
0x409: {  	v25 =	vsel vm0, $0xFFFFFFFF, v25;
	vm0 =	vgt.f32 v8, v16  }
0x40a: {  	v16 =	vsel vm0, v8, v16  }
0x40b: {  	v9 =	vsub.f32 v9, v16;
	_ =	sdelay $0x1  }
0x40c: {  	v10 =	vsub.f32 v10, v16;
	v9 =	vmul.f32 $1.442695020e+00, v9;
	_ =	sdelay $0x1  }
0x40d: {  	(erf) = vpow2.f32 v9;
	v9 =	vmul.f32 $1.442695020e+00, v10;
	v10 =	vsub.f32 v11, v16;
	_ =	sdelay $0x1  }
0x40e: {  	v12 =	vsub.f32 v12, v16;
	(erf) = vpow2.f32 v9;
	v9 =	vmul.f32 $1.442695020e+00, v10;
	_ =	sdelay $0x1  }
0x40f: {  	v13 =	vsub.f32 v13, v16;
	v12 =	vmul.f32 $1.442695020e+00, v12;
	(erf) = vpow2.f32 v9;
	_ =	sdelay $0x1  }
0x410: {  	(erf) = vpow2.f32 v12;
	v12 =	vmul.f32 $1.442695020e+00, v13;
	v13 =	vsub.f32 v14, v16;
	_ =	sdelay $0x1  }
0x411: {  	v10 =	vsub.f32 v15, v16;
	(erf) = vpow2.f32 v12;
	v9 =	vmul.f32 $1.442695020e+00, v13  }
0x412: {  	v17 =	vsub.f32 v17, v16;
	v14 =	vpop (erf)  }
0x413: {  	v15 =	vmul.f32 $1.442695020e+00, v10;
	(erf) = vpow2.f32 v9;
	v11 =	vadd.f32 $0.0e+00, v14  }
0x414: {  	v18 =	vsub.f32 v18, v16;
	v12 =	vpop (erf)  }
0x415: {  	v9 =	vmul.f32 $1.442695020e+00, v17;
	(erf) = vpow2.f32 v15;
	v11 =	vadd.f32 v11, v12  }
0x416: {  	v17 =	vpop (erf)  }
0x417: {  	(erf) = vpow2.f32 v9;
	v9 =	vmul.f32 $1.442695020e+00, v18;
	v11 =	vadd.f32 v11, v17  }
0x418: {  	v18 =	vpop (erf);
	v17 =	vsub.f32 v19, v16  }
0x419: {  	(erf) = vpow2.f32 v9;
	v10 =	vadd.f32 v11, v18  }
0x41a: {  	v20 =	vsub.f32 v20, v16;
	v18 =	vpop (erf);
	v19 =	vmul.f32 $1.442695020e+00, v17  }
0x41b: {  	v9 =	vadd.f32 v10, v18  }
0x41c: {  	v17 =	vpop (erf);
	(erf) = vpow2.f32 v19;
	v18 =	vmul.f32 $1.442695020e+00, v20;
	v19 =	vsub.f32 v21, v16  }
0x41d: {  	v9 =	vadd.f32 v9, v17  }
0x41e: {  	v20 =	vpop (erf);
	(erf) = vpow2.f32 v18;
	v21 =	vmul.f32 $1.442695020e+00, v19;
	v17 =	vsub.f32 v22, v16  }
0x41f: {  	v9 =	vadd.f32 v9, v20  }
0x420: {  	v18 =	vpop (erf);
	(erf) = vpow2.f32 v21;
	v19 =	vmul.f32 $1.442695020e+00, v17;
	v20 =	vsub.f32 v23, v16  }
0x421: {  	v23 =	vsub.f32 v24, v16  }
0x422: {  	v9 =	vadd.f32 v9, v18;
	v21 =	vpop (erf);
	(erf) = vpow2.f32 v19;
	v22 =	vmul.f32 $1.442695020e+00, v20  }
0x423: {  	v8 =	vsub.f32 v8, v16  }
0x424: {  	v14 =	vmul.f32 $1.442695020e+00, v23;
	v9 =	vadd.f32 v9, v21;
	(erf) = vpow2.f32 v22  }
0x425: {  	v15 =	vpop (erf)  }
0x426: {  	v8 =	vmul.f32 $1.442695020e+00, v8;
	(erf) = vpow2.f32 v14;
	v9 =	vadd.f32 v9, v15  }
0x427: {  	v16 =	vpop (erf)  }
0x428: {  	(erf) = vpow2.f32 v8;
	v9 =	vadd.f32 v9, v16  }
0x429: {  	v17 =	vpop (erf)  }
0x42a: {  	v8 =	vadd.f32 v9, v17  }
0x42b: {  	v18 =	vpop (erf)  }
0x42c: {  	v8 =	vadd.f32 v8, v18  }
0x42d: {  	v19 =	vpop (erf)  }
0x42e: {  	v8 =	vadd.f32 v8, v19  }
0x42f: {  	v20 =	vpop (erf)  }
0x430: {  	v11 =	vld [tilespmem:$0x40F0];
	v8 =	vadd.f32 v8, v20  }
0x431: {  	v9 =	vld [tilespmem:$0x4070];
	v21 =	vpop (erf)  }
0x432: {  	v6 =	vadd.f32 $-1.000000000e+00, v6;
	v8 =	vadd.f32 v8, v21  }
0x433: {  	v12 =	vld [tilespmem:$0x4170]  }
0x434: {  	v6 =	vmul.f32 v7, v6;
	v10 =	vand.u32 $0x7FFFFF, v8  }
0x435: {  	v7 =	vld [tilespmem:$0x41F0];
	v10 =	vor.u32 $0x3F800000, v10  }
0x436: {  	v13 =	vmul.f32 v6, v6;
	vm3 =	vgt.f32 v11, v9;
	v23 =	vadd.f32 $1.000000000e+00, v10  }
0x437: {  	v15 =	vld [tilespmem:$0x4270];
	v22 =	vsel vm3, v11, v9  }
0x438: {  	vm2 =	vgt.f32 v12, v22;
	v21 =	vmul.f32 $1.428571490e-01, v13;
	(erf) = vrcp.f32 v23  }
0x439: {  	v18 =	vld [tilespmem:$0x42F0];
	v14 =	vsel vm2, v12, v22  }
0x43a: {  	[tilespmem:$0x1FE60] =	vst v25;
	v25 =	vimm.s32 $0x0;
	vm1 =	vgt.f32 v7, v14;
	v22 =	vadd.f32 $2.000000030e-01, v21  }
0x43b: {  	v25 =	vsel vm0, $0xFFFFFFFF, v25;
	v17 =	vld [tilespmem:$0x4370];
	v20 =	vsel vm4, $0x1, v2;
	v14 =	vsel vm1, v7, v14  }
0x43c: {  	v20 =	vsel vm5, $0x2, v20;
	vm0 =	vgt.f32 v15, v14;
	v16 =	vmul.f32 v22, v13  }
0x43d: {  	v19 =	vld [tilespmem:$0x43F0];
	v20 =	vsel vm6, $0x3, v20;
	v14 =	vsel vm0, v15, v14  }
0x43e: {  	v20 =	vsel vm10, $0x4, v20;
	vm4 =	vgt.f32 v18, v14;
	v16 =	vadd.f32 $3.333333430e-01, v16  }
0x43f: {  	v14 =	vsel vm4, v18, v14  }
0x440: {  	v10 =	vadd.f32 $-1.000000000e+00, v10;
	vm5 =	vgt.f32 v17, v14;
	v13 =	vmul.f32 v16, v13  }
0x441: {  	v6 =	vadd.f32 v6, v6;
	v14 =	vsel vm5, v17, v14;
	v16 =	vsel vm14, $0x5, v20;
	v20 =	vpop (erf)  }
0x442: {  	vm10 =	vgt.f32 v19, v14;
	v13 =	vadd.f32 $1.000000000e+00, v13;
	v10 =	vmul.f32 v20, v10  }
0x443: {  	v14 =	vsel vm10, v19, v14  }
0x444: {  	v9 =	vsub.f32 v9, v14;
	v6 =	vmul.f32 v13, v6;
	v13 =	vmul.f32 v10, v10  }
0x445: {  	v11 =	vsub.f32 v11, v14  }
0x446: {  	v16 =	vsel vm11, $0x6, v16;
	v9 =	vmul.f32 $1.442695020e+00, v9;
	v21 =	vmul.f32 $1.428571490e-01, v13  }
0x447: {  	v16 =	vsel vm15, $0x7, v16;
	v11 =	vmul.f32 $1.442695020e+00, v11  }
0x448: {  	v16 =	vsel vm8, $0x8, v16;
	(erf) = vpow2.f32 v9;
	v21 =	vadd.f32 $2.000000030e-01, v21  }
0x449: {  	v12 =	vsub.f32 v12, v14;
	v23 =	vsel vm12, $0x9, v16;
	(erf) = vpow2.f32 v11  }
0x44a: {  	v7 =	vsub.f32 v7, v14;
	v9 =	vsel vm13, $0xA, v23;
	v23 =	vmul.f32 v21, v13  }
0x44b: {  	v16 =	vor.u32 $0x8E0, v0;
	v22 =	vmul.f32 $1.442695020e+00, v12;
	v20 =	vshll.u32 v4, $0x7  }
0x44c: {  	v12 =	vadd.s32 v16, v20;
	v20 =	vsub.f32 v15, v14;
	v21 =	vadd.f32 $3.333333430e-01, v23  }
0x44d: {  	v7 =	vmul.f32 $1.442695020e+00, v7;
	(erf) = vpow2.f32 v22;
	v23 =	vsub.f32 v18, v14  }
0x44e: {  	v22 =	vmul.f32 $1.442695020e+00, v20;
	v13 =	vmul.f32 v21, v13;
	v21 =	vsub.f32 v17, v14  }
0x44f: {  	v5 =	vshra.s32 v5, $0x17;
	v16 =	vld [tilespmem:$0x1FE50];
	(erf) = vpow2.f32 v7;
	v20 =	vmul.f32 $1.442695020e+00, v23  }
0x450: {  	v5 =	vadd.s32 $0xFFFFFF81, v5;
	(erf) = vpow2.f32 v22;
	v22 =	vmul.f32 $1.442695020e+00, v21  }
0x451: {  	[tilespmem:$0x1FE70] =	vst v25;
	v8 =	vshra.s32 v8, $0x17;
	v18 =	vpop (erf);
	v23 =	vsub.f32 v19, v14;
	v19 =	vld [tilespmem:$0x1FE60];
	(erf) = vpow2.f32 v20  }
0x452: {  	v5 =	vcvt.s32.f32 v5;
	v8 =	vadd.s32 $0xFFFFFF81, v8;
	v17 =	vpop (erf);
	(erf) = vpow2.f32 v22;
	v22 =	vld [tilespmem:$0x1FE70]  }
0x453: {  	v8 =	vcvt.s32.f32 v8;
	v9 =	vsel vm9, $0xB, v9  }
0x454: {  	v5 =	vmul.f32 $6.931471820e-01, v5;
	v9 =	vsel vm7, $0xC, v9;
	vm11 =	vnez.u8 v16  }
0x455: {  	v8 =	vmul.f32 $6.931471820e-01, v8;
	v10 =	vadd.f32 v10, v10;
	v9 =	vsel vm11, $0xD, v9  }
0x456: {  	v15 =	vadd.f32 $0.0e+00, v18;
	v13 =	vadd.f32 $1.000000000e+00, v13;
	vm12 =	vnez.u8 v19  }
0x457: {  	v14 =	vld [tilespmem:$0x5070];
	v18 =	vmul.f32 $1.442695020e+00, v23;
	v9 =	vsel vm12, $0xE, v9;
	vm13 =	vnez.u8 v22  }
0x458: {  	v10 =	vmul.f32 v13, v10;
	v13 =	vadd.f32 v15, v17;
	v19 =	vld [tilespmem:$0x1FE80];
	v9 =	vsel vm13, $0xF, v9  }
0x459: {  	v5 =	vadd.f32 v6, v5;
	v12 =	vld.idx.msk [tilespmem:v12+s17+$0x0], $0xffff;
	v20 =	vpop (erf)  }
0x45a: {  	v21 =	vld [tilespmem:$0x4460];
	(erf) = vpow2.f32 v18;
	v8 =	vadd.f32 v10, v8;
	v10 =	vadd.f32 v13, v20  }
0x45b: {  	v5 =	vsub.f32 $0.0e+00, v5;
	[tilespmem:$0x5160] =	vst v9;
	v9 =	vpop (erf)  }
0x45c: {  	[tilespmem:$0x52E0] =	vst v4;
	v15 =	vor.u32 $0x4F0, v0;
	v13 =	vshll.u32 v14, $0x7;
	v7 =	vadd.f32 v10, v9  }
0x45d: {  	[tilespmem:$0x53E0] =	vst v5;
	v23 =	vsub.f32 $0.0e+00, v8;
	v8 =	vadd.s32 v15, v13;
	vm14 =	vnez.u8 v19;
	v16 =	vpop (erf)  }
0x45e: {  	[tilespmem:$0x51E0] =	vst v12;
	v3 =	vsel vm14, $0x0, v3;
	v17 =	vadd.f32 v7, v16  }
0x45f: {  	[tilespmem:$0x5360] =	vst v21;
	v18 =	vpop (erf)  }
0x460: {  	[tilespmem:$0x5260] =	vst v23;
	v4 =	vadd.f32 v17, v18  }
0x461: {  	[tilespmem:$0x5460] =	vst v3;
	v3 =	vpop (erf)  }
0x462: {  	v5 =	vld.idx.msk [tilespmem:v8+s17+$0x0], $0xffff;
	v3 =	vadd.f32 v4, v3  }
0x463: {  	v20 =	vpop (erf)  }
0x464: {  	v4 =	vadd.f32 v3, v20;
	_ =	sdelay $0x1  }
0x465: {  	v3 =	vand.u32 $0x7FFFFF, v4  }
0x466: {  	v6 =	vor.u32 $0x3F800000, v3;
	v3 =	vsub.f32 $0.0e+00, v5  }
0x467: {  	v21 =	vadd.f32 $1.000000000e+00, v6  }
0x468: {  	v3 =	vmul.f32 $1.442695020e+00, v3  }
0x469: {  	(erf) = vrcp.f32 v21  }
0x46a: {  	(erf) = vpow2.f32 v3;
	_ =	sdelay $0x7  }
0x46b: {  	v7 =	vpop (erf)  }
0x46c: {  	v3 =	vpop (erf)  }
0x46d: {  	v3 =	vadd.f32 $1.000000000e+00, v3;
	_ =	sdelay $0x1  }
0x46e: {  	(erf) = vrcp.f32 v3;
	_ =	sdelay $0x2  }
0x46f: {  	v3 =	vsel vm3, $0x1, v2  }
0x470: {  	v3 =	vsel vm2, $0x2, v3  }
0x471: {  	v22 =	vld [tilespmem:$0x50F0];
	v3 =	vsel vm1, $0x3, v3  }
0x472: {  	v3 =	vsel vm0, $0x4, v3;
	_ =	sdelay $0x2  }
0x473: {  	v23 =	vsel vm4, $0x5, v3;
	v3 =	vpop (erf)  }
0x474: {  	vm0 =	vgt.s32 v22, $0x0;
	v8 =	vsel vm5, $0x6, v23;
	vm15 =	vgt.f32 v3, $5.000000000e-01  }
0x475: {  	v12 =	vsel vm10, $0x7, v8;
	vm1 =	vmor vm0, vm15  }
0x476: {  	v5 =	vsel vm1, v12, v14  }
0x477: {  	v13 =	vor.u32 $0x3800, v1;
	v8 =	vshll.u32 v5, $0x4  }
0x478: {  	v14 =	vor.u32 $0x3801, v1;
	v9 =	vadd.s32 v13, v8  }
0x479: {  	v10 =	vadd.s32 v14, v8  }
0x47a: {  	v15 =	vor.u32 $0x3802, v1  }
0x47b: {  	v11 =	vadd.s32 v15, v8  }
0x47c: {  	v16 =	vor.u32 $0x3803, v1  }
0x47d: {  	v12 =	vadd.s32 v16, v8;
	v9 =	vld.idx.msk [tilespmem:v9+s2+$0x0], $0xffff  }
0x47e: {  	v17 =	vor.u32 $0x3804, v1;
	v10 =	vld.idx.msk [tilespmem:v10+s2+$0x0], $0xffff  }
0x47f: {  	v13 =	vadd.s32 v17, v8  }
0x480: {  	v18 =	vor.u32 $0x3805, v1;
	v11 =	vld.idx.msk [tilespmem:v11+s2+$0x0], $0xffff  }
0x481: {  	v14 =	vadd.s32 v18, v8  }
0x482: {  	v19 =	vor.u32 $0x3806, v1;
	v12 =	vld.idx.msk [tilespmem:v12+s2+$0x0], $0xffff  }
0x483: {  	v15 =	vadd.s32 v19, v8;
	vm1 =	vgt.f32 v10, v9  }
0x484: {  	v21 =	vor.u32 $0x3807, v1;
	v13 =	vld.idx.msk [tilespmem:v13+s2+$0x0], $0xffff;
	v20 =	vsel vm1, v10, v9  }
0x485: {  	v17 =	vadd.s32 v21, v8;
	vm2 =	vgt.f32 v11, v20  }
0x486: {  	v22 =	vor.u32 $0x3808, v1;
	v14 =	vld.idx.msk [tilespmem:v14+s2+$0x0], $0xffff;
	v16 =	vsel vm2, v11, v20  }
0x487: {  	v18 =	vadd.s32 v22, v8;
	vm3 =	vgt.f32 v12, v16  }
0x488: {  	v23 =	vor.u32 $0x3809, v1;
	v15 =	vld.idx.msk [tilespmem:v15+s2+$0x0], $0xffff;
	v16 =	vsel vm3, v12, v16  }
0x489: {  	v19 =	vadd.s32 v23, v8;
	vm4 =	vgt.f32 v13, v16  }
0x48a: {  	v17 =	vld.idx.msk [tilespmem:v17+s2+$0x0], $0xffff;
	v20 =	vor.u32 $0x380A, v1;
	v16 =	vsel vm4, v13, v16  }
0x48b: {  	v20 =	vadd.s32 v20, v8;
	vm5 =	vgt.f32 v14, v16  }
0x48c: {  	v21 =	vor.u32 $0x380B, v1;
	v18 =	vld.idx.msk [tilespmem:v18+s2+$0x0], $0xffff;
	v16 =	vsel vm5, v14, v16  }
0x48d: {  	v21 =	vadd.s32 v21, v8;
	vm7 =	vgt.f32 v15, v16  }
0x48e: {  	v22 =	vor.u32 $0x380C, v1;
	v19 =	vld.idx.msk [tilespmem:v19+s2+$0x0], $0xffff;
	v16 =	vsel vm7, v15, v16  }
0x48f: {  	v22 =	vadd.s32 v22, v8;
	vm9 =	vgt.f32 v17, v16  }
0x490: {  	v23 =	vor.u32 $0x380D, v1;
	v20 =	vld.idx.msk [tilespmem:v20+s2+$0x0], $0xffff;
	v16 =	vsel vm9, v17, v16  }
0x491: {  	v23 =	vadd.s32 v23, v8;
	vm13 =	vgt.f32 v18, v16  }
0x492: {  	v24 =	vor.u32 $0x380E, v1;
	v21 =	vld.idx.msk [tilespmem:v21+s2+$0x0], $0xffff;
	v16 =	vsel vm13, v18, v16  }
0x493: {  	v24 =	vadd.s32 v24, v8;
	vm10 =	vgt.f32 v19, v16  }
0x494: {  	v25 =	vor.u32 $0x380F, v1;
	v22 =	vld.idx.msk [tilespmem:v22+s2+$0x0], $0xffff;
	v16 =	vsel vm10, v19, v16  }
0x495: {  	v8 =	vadd.s32 v25, v8;
	vm15 =	vgt.f32 v20, v16  }
0x496: {  	v23 =	vld.idx.msk [tilespmem:v23+s2+$0x0], $0xffff;
	v16 =	vsel vm15, v20, v16  }
0x497: {  	vm11 =	vgt.f32 v21, v16  }
0x498: {  	v24 =	vld.idx.msk [tilespmem:v24+s2+$0x0], $0xffff;
	v16 =	vsel vm11, v21, v16  }
0x499: {  	vm12 =	vgt.f32 v22, v16  }
0x49a: {  	v8 =	vld.idx.msk [tilespmem:v8+s2+$0x0], $0xffff;
	v16 =	vsel vm12, v22, v16  }
0x49b: {  	vm14 =	vgt.f32 v23, v16  }
0x49c: {  	v16 =	vsel vm14, v23, v16  }
0x49d: {  	vm8 =	vgt.f32 v24, v16  }
0x49e: {  	v16 =	vsel vm8, v24, v16  }
0x49f: {  	vm6 =	vgt.f32 v8, v16  }
0x4a0: {  	v16 =	vsel vm6, v8, v16  }
0x4a1: {  	v9 =	vsub.f32 v9, v16;
	_ =	sdelay $0x1  }
0x4a2: {  	v10 =	vsub.f32 v10, v16;
	v9 =	vmul.f32 $1.442695020e+00, v9;
	_ =	sdelay $0x1  }
0x4a3: {  	(erf) = vpow2.f32 v9;
	v9 =	vmul.f32 $1.442695020e+00, v10;
	v10 =	vsub.f32 v11, v16  }
0x4a4: {  	v12 =	vsub.f32 v12, v16  }
0x4a5: {  	(erf) = vpow2.f32 v9;
	v9 =	vmul.f32 $1.442695020e+00, v10  }
0x4a6: {  	v13 =	vsub.f32 v13, v16;
	v12 =	vmul.f32 $1.442695020e+00, v12  }
0x4a7: {  	(erf) = vpow2.f32 v9  }
0x4a8: {  	(erf) = vpow2.f32 v12;
	v12 =	vmul.f32 $1.442695020e+00, v13;
	v13 =	vsub.f32 v14, v16;
	_ =	sdelay $0x1  }
0x4a9: {  	v10 =	vmul.f32 $1.442695020e+00, v13  }
0x4aa: {  	(erf) = vpow2.f32 v12  }
0x4ab: {  	v15 =	vsub.f32 v15, v16;
	v17 =	vsub.f32 v17, v16;
	v14 =	vpop (erf)  }
0x4ac: {  	v9 =	vadd.f32 $0.0e+00, v14  }
0x4ad: {  	v18 =	vsub.f32 v18, v16;
	v11 =	vmul.f32 $1.442695020e+00, v15;
	(erf) = vpow2.f32 v10;
	v10 =	vpop (erf)  }
0x4ae: {  	v9 =	vadd.f32 v9, v10  }
0x4af: {  	(erf) = vpow2.f32 v11;
	v10 =	vmul.f32 $1.442695020e+00, v17;
	v17 =	vpop (erf)  }
0x4b0: {  	v9 =	vadd.f32 v9, v17  }
0x4b1: {  	(erf) = vpow2.f32 v10;
	v10 =	vmul.f32 $1.442695020e+00, v18;
	v18 =	vpop (erf);
	v17 =	vsub.f32 v19, v16  }
0x4b2: {  	v9 =	vadd.f32 v9, v18  }
0x4b3: {  	v20 =	vsub.f32 v20, v16;
	(erf) = vpow2.f32 v10;
	v18 =	vpop (erf);
	v19 =	vmul.f32 $1.442695020e+00, v17  }
0x4b4: {  	v9 =	vadd.f32 v9, v18  }
0x4b5: {  	(erf) = vpow2.f32 v19;
	v18 =	vmul.f32 $1.442695020e+00, v20;
	v19 =	vsub.f32 v21, v16  }
0x4b6: {  	v22 =	vsub.f32 v22, v16;
	v17 =	vpop (erf)  }
0x4b7: {  	v9 =	vadd.f32 v9, v17;
	(erf) = vpow2.f32 v18;
	v21 =	vmul.f32 $1.442695020e+00, v19  }
0x4b8: {  	v20 =	vpop (erf);
	v18 =	vmul.f32 $1.442695020e+00, v22  }
0x4b9: {  	v19 =	vsub.f32 v23, v16;
	v9 =	vadd.f32 v9, v20;
	(erf) = vpow2.f32 v21  }
0x4ba: {  	v22 =	vsub.f32 v24, v16;
	v17 =	vpop (erf)  }
0x4bb: {  	v21 =	vmul.f32 $1.442695020e+00, v19;
	(erf) = vpow2.f32 v18;
	v9 =	vadd.f32 v9, v17  }
0x4bc: {  	v8 =	vsub.f32 v8, v16;
	v20 =	vpop (erf)  }
0x4bd: {  	v23 =	vmul.f32 $1.442695020e+00, v22;
	(erf) = vpow2.f32 v21;
	v9 =	vadd.f32 v9, v20  }
0x4be: {  	v12 =	vpop (erf)  }
0x4bf: {  	v8 =	vmul.f32 $1.442695020e+00, v8;
	(erf) = vpow2.f32 v23;
	v9 =	vadd.f32 v9, v12  }
0x4c0: {  	v13 =	vpop (erf)  }
0x4c1: {  	(erf) = vpow2.f32 v8;
	v9 =	vadd.f32 v9, v13  }
0x4c2: {  	v14 =	vpop (erf)  }
0x4c3: {  	v8 =	vadd.f32 v9, v14  }
0x4c4: {  	v15 =	vpop (erf)  }
0x4c5: {  	v8 =	vadd.f32 v8, v15  }
0x4c6: {  	v16 =	vpop (erf)  }
0x4c7: {  	v8 =	vadd.f32 v8, v16  }
0x4c8: {  	v17 =	vpop (erf)  }
0x4c9: {  	v8 =	vadd.f32 v8, v17  }
0x4ca: {  	v18 =	vpop (erf)  }
0x4cb: {  	v8 =	vadd.f32 v8, v18;
	_ =	sdelay $0x1  }
0x4cc: {  	v9 =	vand.u32 $0x7FFFFF, v8  }
0x4cd: {  	v9 =	vor.u32 $0x3F800000, v9  }
0x4ce: {  	v19 =	vadd.f32 $1.000000000e+00, v9;
	_ =	sdelay $0x1  }
0x4cf: {  	(erf) = vrcp.f32 v19;
	_ =	sdelay $0x7  }
0x4d0: {  	v9 =	vadd.f32 $-1.000000000e+00, v9  }
0x4d1: {  	v6 =	vadd.f32 $-1.000000000e+00, v6;
	v10 =	vpop (erf)  }
0x4d2: {  	v20 =	vsel vm1, $0x1, v2;
	v9 =	vmul.f32 v10, v9  }
0x4d3: {  	v6 =	vmul.f32 v7, v6;
	v21 =	vsel vm2, $0x2, v20  }
0x4d4: {  	v7 =	vsel vm3, $0x3, v21;
	v10 =	vmul.f32 v9, v9  }
0x4d5: {  	v23 =	vmul.f32 v6, v6;
	v7 =	vsel vm4, $0x4, v7  }
0x4d6: {  	v7 =	vsel vm5, $0x5, v7;
	v22 =	vmul.f32 $1.428571490e-01, v10  }
0x4d7: {  	v7 =	vsel vm7, $0x6, v7;
	v17 =	vmul.f32 $1.428571490e-01, v23  }
0x4d8: {  	v7 =	vsel vm9, $0x7, v7;
	v11 =	vadd.f32 $2.000000030e-01, v22  }
0x4d9: {  	v4 =	vshra.s32 v4, $0x17;
	v7 =	vsel vm13, $0x8, v7;
	v13 =	vadd.f32 $2.000000030e-01, v17  }
0x4da: {  	v4 =	vadd.s32 $0xFFFFFF81, v4;
	v7 =	vsel vm10, $0x9, v7;
	v11 =	vmul.f32 v11, v10  }
0x4db: {  	v18 =	vshll.u32 v5, $0x7;
	v13 =	vmul.f32 v13, v23;
	v19 =	vor.u32 $0x8F0, v0  }
0x4dc: {  	v7 =	vsel vm15, $0xA, v7;
	v14 =	vadd.s32 v19, v18;
	v11 =	vadd.f32 $3.333333430e-01, v11  }
0x4dd: {  	v4 =	vcvt.s32.f32 v4;
	v7 =	vsel vm11, $0xB, v7;
	v20 =	vadd.f32 $3.333333430e-01, v13  }
0x4de: {  	v7 =	vsel vm12, $0xC, v7;
	v8 =	vshra.s32 v8, $0x17;
	v10 =	vmul.f32 v11, v10  }
0x4df: {  	v7 =	vsel vm14, $0xD, v7;
	v8 =	vadd.s32 $0xFFFFFF81, v8;
	v11 =	vmul.f32 v20, v23  }
0x4e0: {  	v8 =	vcvt.s32.f32 v8;
	v9 =	vadd.f32 v9, v9;
	v10 =	vadd.f32 $1.000000000e+00, v10  }
0x4e1: {  	v6 =	vadd.f32 v6, v6;
	v7 =	vsel vm8, $0xE, v7;
	v21 =	vld.idx.msk [tilespmem:v14+s17+$0x0], $0xffff;
	v11 =	vadd.f32 $1.000000000e+00, v11  }
0x4e2: {  	v7 =	vsel vm6, $0xF, v7;
	v8 =	vmul.f32 $6.931471820e-01, v8;
	v22 =	vld [tilespmem:$0x4470];
	v9 =	vmul.f32 v10, v9  }
0x4e3: {  	v4 =	vmul.f32 $6.931471820e-01, v4;
	[tilespmem:$0x5170] =	vst v7;
	v6 =	vmul.f32 v11, v6  }
0x4e4: {  	v3 =	vsel vm0, $0x0, v3;
	[tilespmem:$0x52F0] =	vst v5;
	v8 =	vadd.f32 v9, v8  }
0x4e5: {  	[tilespmem:$0x5470] =	vst v3;
	v4 =	vadd.f32 v6, v4  }
0x4e6: {  	[tilespmem:$0x51F0] =	vst v21;
	v23 =	vsub.f32 $0.0e+00, v8  }
0x4e7: {  	[tilespmem:$0x5370] =	vst v22;
	v4 =	vsub.f32 $0.0e+00, v4  }
0x4e8: {  	[tilespmem:$0x5270] =	vst v23  }
0x4e9: {  	[tilespmem:$0x53F0] =	vst v4  }
0x4ea: {  	[hbm4b:s7+s2] =	stream.linear.scatter [tilespmem:s21], [sflag:$0x1], $0x80, $0x38;
	[tilespmem:$0x5480] =	vst v63  }
0x4eb: {  	_ = 	snop  }
0x4ec: {  	[hbm4b:s8+s2] =	stream.linear.scatter [tilespmem:s22], [sflag:$0x1], $0x80, $0x38;
	[tilespmem:$0x5480] =	vst v63  }
0x4ed: {  	_ = 	snop  }
0x4ee: {  	[hbm4b:s9+s2] =	stream.linear.scatter [tilespmem:s23], [sflag:$0x1], $0x80, $0x38;
	[tilespmem:$0x5480] =	vst v63  }
0x4ef: {  	_ = 	snop  }
0x4f0: {  	[hbm4b:s10+s2] =	stream.linear.scatter [tilespmem:s24], [sflag:$0x1], $0x80, $0x38;
	[tilespmem:$0x5480] =	vst v63  }
0x4f1: {  	_ = 	snop  }
0x4f2: {  	[hbm4b:s11+s2] =	stream.linear.scatter [tilespmem:s25], [sflag:$0x1], $0x80, $0x38;
	[tilespmem:$0x5480] =	vst v63  }
0x4f3: {  	_ = 	snop  }
0x4f4: {  	[hbm4b:s12+s2] =	stream.linear.scatter [tilespmem:s26], [sflag:$0x1], $0x80, $0x38;
	[tilespmem:$0x5480] =	vst v63  }
0x4f5: {  	_ = 	snop  }
0x4f6: {  	[hbm4b:s13+s2] =	stream.linear.scatter [tilespmem:s28], [sflag:$0x1], $0x80, $0x38;
	[tilespmem:$0x5480] =	vst v63  }
0x4f7: {  	_ =	swait.ge [sflag:s20], $0x80  }
0x4f8: {  	[sflag:s20] =	ssyncset.done $0x0  }
0x4f9: {  	[sflag:s20] =	ssyncadd.s32 $0xFFFFFF80  }
0x4fa: {  	_ =	swait.ge [sflag:s20], $0x80  }
0x4fb: {  	[sflag:s20] =	ssyncset.done $0x0  }
0x4fc: {  	[sflag:s20] =	ssyncadd.s32 $0xFFFFFF80  }
0x4fd: {  	_ =	swait.ge [sflag:s20], $0x80  }
0x4fe: {  	[sflag:s20] =	ssyncset.done $0x0  }
0x4ff: {  	[sflag:s20] =	ssyncadd.s32 $0xFFFFFF80  }
0x500: {  	_ =	swait.ge [sflag:s20], $0x80  }
0x501: {  	[sflag:s20] =	ssyncset.done $0x0  }
0x502: {  	[sflag:s20] =	ssyncadd.s32 $0xFFFFFF80  }
0x503: {  	_ =	swait.ge [sflag:s20], $0x80  }
0x504: {  	[sflag:s20] =	ssyncset.done $0x0  }
0x505: {  	[sflag:s20] =	ssyncadd.s32 $0xFFFFFF80  }
0x506: {  	p0 =	sne.s32 s14, $0x1;
	_ =	swait.ge [sflag:s20], $0x80  }
.Ltmp0:
0x507: {  	[sflag:s20] =	ssyncset.done $0x0;
	(pc) =	sbr.rel @p0 .LBB2_1-.Ltmp0, $4  }
0x508: {  	[sflag:s20] =	ssyncadd.s32 $0xFFFFFF80  }
0x509: {  	_ =	swait.ge [sflag:s20], $0x80  }
0x50a: {  	[sflag:s20] =	ssyncset.done $0x0  }
0x50b: {  	s14 =	sadd.s32 $0xFFFFFFFF, s14;
	[sflag:s20] =	ssyncadd.s32 $0xFFFFFF80  }
0x50c: {  	_ =	sfence.sel $0x180000  }
0x50d: {  	[bflag:$0x0] =	sbarrier.arrive $0xFFFF  }
0x50e: {  	p0 =	sne.s32 s0, $0x0;
	_ =	strace $0x90000047  }
0x50f: {  	s0 =	sadd.s32 @!p0 $0x100000, s1;
	[bflag:$0x2] =	sbarrier.arrive $0xFFFF  }
0x510: {  	[sflag:s0] =	ssyncadd.tile.s32 @!p0 $0x1;
	_ =	shalt  }
.Lfunc_end2:
_tile_overlayer_lowered:
.L_overlay_start_2:
0x511: {  	(tag) =	ssettag $0x2  }
0x512: {  	s0 =	rddreg [dreg:$0x0];
	s2 =	stileid.u32  }
0x513: {  	s1 =	rddreg [dreg:$0x1];
	p0 =	sne.s32 s2, $0x0  }
0x514: {  	s3 =	rddreg [dreg:$0x2];
	[bflag:$0x3] =	sbarrier.arrive $0xFFFF;
	s2 =	simm.s32 @!p0 $0x1C02  }
0x515: {  	[timem:s3], [sflag:s2] =	dma.local @!p0 [hbm:s0], s1  }
0x516: {  	s0 =	simm.s32 @!p0 $0x2  }
0x517: {  	_ =	swait.ge @!p0 [sflag:s0], s1  }
0x518: {  	s1 =	ssub.s32 @!p0 $0x0, s1;
	[sflag:s0] =	ssyncset.done @!p0 $0x0  }
0x519: {  	[sflag:s0] =	ssyncadd.s32 @!p0 s1  }
0x51a: {  	[bflag:$0x3] =	sbarrier.arrive $0xFFFF  }
0x51b: {  	_ =	shalt  }

</sc_bundles>
